<compile_context>
chip_gen: v7x
topology: tpu7x:2x2x1
jax: 0.10.2.dev20260603
libtpu: 0.0.44.dev20260713+nightly
codegen_flags: <defaults>
</compile_context>

<pallas_src>
import functools

import jax
import jax.numpy as jnp
from jax import lax
from jax.experimental import pallas as pl
from jax.experimental.pallas import tpu as pltpu
from jax.experimental.pallas import tpu_sc as plsc

_N = 10000
_E = 320000
_F = 128
_H = 32
_G = 64

_NC = 2
_NS = 16
_NW = _NC * _NS
_EPT = _E // _NW
_C = 128
_NCH = 80
_EPTP = _NCH * _C
_NB = 8
_NG = _NCH // _NB
_NP = 10240
_RPS = _NP // _NS
_DUMP = _N + 128
_NPF = _NP // 4
_NF2 = _N // 4

_sc_mesh = plsc.VectorSubcoreMesh(core_axis_name="c", subcore_axis_name="s")
_sc_params = pltpu.CompilerParams(use_tc_tiling_on_sc=False)


@functools.partial(
    pl.kernel,
    out_type=jax.ShapeDtypeStruct((_NC, _NP, _H), jnp.float32),
    mesh=_sc_mesh,
    compiler_params=_sc_params,
    scratch_types=[
        pltpu.VMEM_SHARED((_NP, 16), jnp.float32),
        pltpu.VMEM((_NCH, _C), jnp.int32),
        pltpu.VMEM((_C, 16), jnp.float32),
        pltpu.VMEM((_RPS, 16), jnp.float32),
        pltpu.VMEM((_RPS, _H), jnp.float32),
        pltpu.SemaphoreType.DMA,
    ],
)
def _sc_degree(dst_hbm, ones_hbm, zeros_hbm, out_hbm, deg_sh, dst_v, ones_v,
               st16_v, st32_v, sem):
    c = lax.axis_index("c")
    s = lax.axis_index("s")
    wid = c * _NS + s

    pltpu.sync_copy(zeros_hbm.at[pl.ds(s * _RPS, _RPS)],
                    deg_sh.at[pl.ds(s * _RPS, _RPS)])
    pltpu.sync_copy(dst_hbm.at[wid], dst_v)
    pltpu.sync_copy(ones_hbm, ones_v)
    plsc.subcore_barrier()

    def ebody(j, carry):
        pltpu.async_copy(ones_v, deg_sh.at[dst_v.at[j]], sem, add=True)
        return carry

    lax.fori_loop(0, _NCH, ebody, 0)

    def dbody(j, carry):
        pltpu.make_async_copy(ones_hbm, ones_v, sem).wait()
        return carry

    lax.fori_loop(0, _NCH, dbody, 0)
    plsc.subcore_barrier()

    pltpu.sync_copy(deg_sh.at[pl.ds(s * _RPS, _RPS)], st16_v)

    def xbody(r, carry):
        v = st16_v[r, :]
        st32_v[r, pl.ds(0, 16)] = v
        st32_v[r, pl.ds(16, 16)] = v
        return carry

    lax.fori_loop(0, _RPS, xbody, 0)
    pltpu.sync_copy(st32_v, out_hbm.at[c, pl.ds(s * _RPS, _RPS)])


@functools.partial(
    pl.kernel,
    out_type=jax.ShapeDtypeStruct((_NC, _NP, _H), jnp.float32),
    mesh=_sc_mesh,
    compiler_params=_sc_params,
    scratch_types=[
        pltpu.VMEM_SHARED((_NP, _H), jnp.float32),
        pltpu.VMEM_SHARED((_NP, _H), jnp.float32),
        pltpu.VMEM((_NCH, _C), jnp.int32),
        pltpu.VMEM((_NCH, _C), jnp.int32),
        pltpu.VMEM((_NB, _C, _H), jnp.float32),
        [pltpu.SemaphoreType.DMA] * _NB,
        [pltpu.SemaphoreType.DMA] * _NB,
    ],
)
def _sc_scatter(h_hbm, src_hbm, dst_hbm, zeros_hbm, out_hbm, acc_sh, hp_sh,
                src_v, dst_v, rows_v, gsems, ssems):
    c = lax.axis_index("c")
    s = lax.axis_index("s")
    wid = c * _NS + s

    pltpu.sync_copy(h_hbm.at[pl.ds(s * _RPS, _RPS)],
                    hp_sh.at[pl.ds(s * _RPS, _RPS)])
    pltpu.sync_copy(zeros_hbm.at[pl.ds(s * _RPS, _RPS)],
                    acc_sh.at[pl.ds(s * _RPS, _RPS)])
    pltpu.sync_copy(src_hbm.at[wid], src_v)
    pltpu.sync_copy(dst_hbm.at[wid], dst_v)
    plsc.subcore_barrier()

    _LA = _NB // 2
    for b in range(_LA):
        pltpu.async_copy(hp_sh.at[src_v.at[b]], rows_v.at[b], gsems[b])

    def group(g, carry):
        for b in range(_NB):
            jj = g * _NB + b
            b2 = (b + _LA) % _NB
            pltpu.make_async_copy(h_hbm.at[pl.ds(0, _C)], rows_v.at[b],
                                  gsems[b]).wait()
            pltpu.async_copy(rows_v.at[b], acc_sh.at[dst_v.at[jj]],
                             ssems[b], add=True)

            @pl.when(jj >= _LA)
            def _wait_scat():
                pltpu.make_async_copy(h_hbm.at[pl.ds(0, _C)], rows_v.at[b2],
                                      ssems[b2]).wait()

            @pl.when(jj < _NCH - _LA)
            def _fire_gather():
                pltpu.async_copy(hp_sh.at[src_v.at[jj + _LA]], rows_v.at[b2],
                                 gsems[b2])

        return carry

    lax.fori_loop(0, _NG, group, 0)
    for b in range(_LA):
        pltpu.make_async_copy(h_hbm.at[pl.ds(0, _C)],
                              rows_v.at[(_NCH - _LA + b) % _NB],
                              ssems[(_NCH - _LA + b) % _NB]).wait()
    plsc.subcore_barrier()

    pltpu.sync_copy(acc_sh.at[pl.ds(s * _RPS, _RPS)],
                    out_hbm.at[c, pl.ds(s * _RPS, _RPS)])


def _tc_mm1_body(xf_ref, w1s_ref, hf_ref):
    hf_ref[...] = jnp.dot(xf_ref[...], w1s_ref[...],
                          preferred_element_type=jnp.float32)


def _tc_mm1(xf, W1s):
    return pl.pallas_call(
        _tc_mm1_body,
        grid=(10,),
        in_specs=[pl.BlockSpec((256, 4 * _F), lambda i: (i, 0)),
                  pl.BlockSpec((4 * _F, 128), lambda i: (0, 0))],
        out_specs=pl.BlockSpec((256, 128), lambda i: (i, 0)),
        out_shape=jax.ShapeDtypeStruct((_NPF, 128), jnp.float32),
    )(xf, W1s)


def _tc_scale_body(hf_ref, degf_ref, invf_ref, hpf_ref):
    deg = degf_ref[0] + degf_ref[1] + 1.0
    invf = lax.rsqrt(jnp.maximum(deg, 1.0))
    invf_ref[...] = invf
    hpf_ref[...] = hf_ref[...] * invf


def _tc_scale(h1f, degf):
    return pl.pallas_call(
        _tc_scale_body,
        grid=(8,),
        in_specs=[pl.BlockSpec((320, 128), lambda i: (i, 0)),
                  pl.BlockSpec((_NC, 320, 128), lambda i: (0, i, 0))],
        out_specs=(pl.BlockSpec((320, 128), lambda i: (i, 0)),
                   pl.BlockSpec((320, 128), lambda i: (i, 0))),
        out_shape=(jax.ShapeDtypeStruct((_NPF, 128), jnp.float32),
                   jax.ShapeDtypeStruct((_NPF, 128), jnp.float32)),
    )(h1f, degf)


def _tc_b_body(accf_ref, hpf_ref, invf_ref, bf_ref, ws_ref, outf_ref):
    ssum = accf_ref[0] + accf_ref[1] + hpf_ref[...]
    invf = invf_ref[...]
    a = jnp.maximum(ssum * invf + bf_ref[...], 0.0)
    h = jnp.dot(a, ws_ref[...], preferred_element_type=jnp.float32)
    outf_ref[...] = h * invf


def _tc_b(accf, hpf, invf, bf, Ws):
    return pl.pallas_call(
        _tc_b_body,
        grid=(8,),
        in_specs=[pl.BlockSpec((_NC, 320, 128), lambda i: (0, i, 0)),
                  pl.BlockSpec((320, 128), lambda i: (i, 0)),
                  pl.BlockSpec((320, 128), lambda i: (i, 0)),
                  pl.BlockSpec((1, 128), lambda i: (0, 0)),
                  pl.BlockSpec((128, 128), lambda i: (0, 0))],
        out_specs=pl.BlockSpec((320, 128), lambda i: (i, 0)),
        out_shape=jax.ShapeDtypeStruct((_NPF, 128), jnp.float32),
    )(accf, hpf, invf, bf, Ws)


def _tc_c_body(accf_ref, hpf_ref, invf_ref, bf3_ref, i4_ref, wd1_ref,
               bd1_ref, wd2_ref, bd2_ref, out_ref):
    ssum = accf_ref[0] + accf_ref[1] + hpf_ref[...]
    a = jnp.maximum(ssum * invf_ref[...] + bf3_ref[...], 0.0)
    gid = lax.broadcasted_iota(jnp.int32, (_G, _NF2), 0)
    pooled = jnp.zeros((_G, _H), jnp.float32)
    for m in range(4):
        ohm = jnp.where(i4_ref[m:m + 1, :] == gid, 1.0, 0.0)
        am = a[0:_NF2, 32 * m:32 * m + 32]
        pooled = pooled + jnp.dot(ohm, am,
                                  preferred_element_type=jnp.float32)
    d1 = jnp.maximum(
        jnp.dot(pooled, wd1_ref[...], preferred_element_type=jnp.float32)
        + bd1_ref[...], 0.0)
    o = jnp.dot(d1, wd2_ref[...], preferred_element_type=jnp.float32) \
        + bd2_ref[...]
    out_ref[...] = 1.0 / (1.0 + jnp.exp(-o))


def _tc_c(accf, hpf, invf, bf3, i4, Wd1, bd1, Wd2, bd2):
    return pl.pallas_call(
        _tc_c_body,
        out_shape=jax.ShapeDtypeStruct((_G, 1), jnp.float32),
    )(accf, hpf, invf, bf3, i4, Wd1, bd1, Wd2, bd2)


def kernel(x, edge_index, i, W1, b1, W2, b2, W3, b3, Wd1, bd1, Wd2, bd2):
    pad_src = jnp.zeros((_NW, _EPTP - _EPT), jnp.int32)
    pad_dst = jnp.full((_NW, _EPTP - _EPT), _DUMP, jnp.int32)
    dst3 = jnp.concatenate([edge_index[1].reshape(_NW, _EPT), pad_dst],
                           axis=1).reshape(_NW, _NCH, _C)
    esrc, _ = lax.optimization_barrier((edge_index[0], dst3))
    src3 = jnp.concatenate([esrc.reshape(_NW, _EPT), pad_src],
                           axis=1).reshape(_NW, _NCH, _C)
    ones_c = jnp.ones((_C, 16), jnp.float32)
    z16 = jnp.zeros((_NP, 16), jnp.float32)
    z32 = jnp.zeros((_NP, _H), jnp.float32)
    eye4 = jnp.eye(4, dtype=jnp.float32)
    xf = x.reshape(_NF2, 4 * _F)
    W1s = jnp.kron(eye4, W1)
    W2s = jnp.kron(eye4, W2)
    W3s = jnp.kron(eye4, W3)
    bf1 = jnp.tile(b1, 4).reshape(1, 128)
    bf2 = jnp.tile(b2, 4).reshape(1, 128)
    bf3 = jnp.tile(b3, 4).reshape(1, 128)
    i4 = i.reshape(_NF2, 4).T

    h1f = _tc_mm1(xf, W1s)
    degp = _sc_degree(dst3, ones_c, z16)
    invf, h1pf = _tc_scale(h1f, degp.reshape(_NC, _NPF, 128))
    acc1 = _sc_scatter(h1pf.reshape(_NP, _H), src3, dst3, z32)
    h2pf = _tc_b(acc1.reshape(_NC, _NPF, 128), h1pf, invf, bf1, W2s)
    acc2 = _sc_scatter(h2pf.reshape(_NP, _H), src3, dst3, z32)
    h3pf = _tc_b(acc2.reshape(_NC, _NPF, 128), h2pf, invf, bf2, W3s)
    acc3 = _sc_scatter(h3pf.reshape(_NP, _H), src3, dst3, z32)
    out = _tc_c(acc3.reshape(_NC, _NPF, 128), h3pf, invf, bf3, i4,
                Wd1, bd1.reshape(1, 26), Wd2, bd2.reshape(1, 1))
    return out

# --- scband reference (transcript-rebuilt; emitter-appended) ---
"""Pipeline reference for scband-net-23845658428015 (READ-ONLY COPY).

The authoritative reference and input builder live on the scoring server;
editing this copy changes nothing except your own understanding.
"""

import jax, jax.numpy as jnp
import numpy as np

N = 10000
E = 320000
F = 128
H = 32
G = 64


def setup_inputs(seed: int = 0) -> dict:
    key = jax.random.key(seed)
    ks = jax.random.split(key, 16)
    x = jax.random.normal(ks[0], (N, F), dtype=jnp.float32)
    edge_index = jax.random.randint(ks[1], (2, E), 0, N, dtype=jnp.int32)
    i = jnp.sort(jax.random.randint(ks[2], (N,), 0, G, dtype=jnp.int32))
    W1 = jax.random.normal(ks[3], (F, H), dtype=jnp.float32) / np.sqrt(F)
    b1 = jnp.zeros((H,), dtype=jnp.float32)
    W2 = jax.random.normal(ks[4], (H, H), dtype=jnp.float32) / np.sqrt(H)
    b2 = jnp.zeros((H,), dtype=jnp.float32)
    W3 = jax.random.normal(ks[5], (H, H), dtype=jnp.float32) / np.sqrt(H)
    b3 = jnp.zeros((H,), dtype=jnp.float32)
    Wd1 = jax.random.normal(ks[6], (H, 26), dtype=jnp.float32) / np.sqrt(H)
    bd1 = jnp.zeros((26,), dtype=jnp.float32)
    Wd2 = jax.random.normal(ks[7], (26, 1), dtype=jnp.float32) / np.sqrt(26)
    bd2 = jnp.zeros((1,), dtype=jnp.float32)
    return {"x": x, "edge_index": edge_index, "i": i,
            "W1": W1, "b1": b1, "W2": W2, "b2": b2, "W3": W3, "b3": b3,
            "Wd1": Wd1, "bd1": bd1, "Wd2": Wd2, "bd2": bd2}


def _gcn_norm(edge_index):
    # Spektral gcn_filter: A_hat = D^{-1/2} (A + I) D^{-1/2}
    loop = jnp.arange(N, dtype=edge_index.dtype)
    src = jnp.concatenate([edge_index[0], loop])
    dst = jnp.concatenate([edge_index[1], loop])
    deg = jax.ops.segment_sum(jnp.ones_like(src, dtype=jnp.float32), dst, num_segments=N)
    inv_sqrt = jax.lax.rsqrt(jnp.maximum(deg, 1.0))
    w_edge = inv_sqrt[src] * inv_sqrt[dst]
    return src, dst, w_edge


def _gcn_layer(x, src, dst, w_edge, W, b):
    h = x @ W
    msg = h[src] * w_edge[:, None]
    agg = jax.ops.segment_sum(msg, dst, num_segments=N)
    return jax.nn.relu(agg + b)


def reference(x, edge_index, i, W1, b1, W2, b2, W3, b3, Wd1, bd1, Wd2, bd2):
    src, dst, w_edge = _gcn_norm(edge_index)
    h = _gcn_layer(x, src, dst, w_edge, W1, b1)
    h = _gcn_layer(h, src, dst, w_edge, W2, b2)
    h = _gcn_layer(h, src, dst, w_edge, W3, b3)
    pooled = jax.ops.segment_sum(h, i, num_segments=G)
    out = jax.nn.relu(pooled @ Wd1 + bd1)
    out = jax.nn.sigmoid(out @ Wd2 + bd2)
    return out

if __name__ == "__main__":
    import jax
    _d = setup_inputs()
    print(jax.jit(kernel)(*tuple(_d.values())))

</pallas_src>

<mosaic_0001>
#map = affine_map<(d0, d1) -> (0, 0)>
#map1 = affine_map<(d0, d1) -> (0, 0, 0)>
module attributes {stable_mosaic.version = 14 : i64} {
  func.func @_sc_scatter(%arg0: i32, %arg1: i32, %arg2: memref<10240x32xf32, #tpu.memory_space<hbm>>, %arg3: memref<32x80x128xi32, #tpu.memory_space<hbm>>, %arg4: memref<32x80x128xi32, #tpu.memory_space<hbm>>, %arg5: memref<10240x32xf32, #tpu.memory_space<hbm>>, %arg6: memref<2x10240x32xf32, #tpu.memory_space<hbm>>, %arg7: memref<10240x32xf32, #tpu.memory_space<vmem_shared>>, %arg8: memref<10240x32xf32, #tpu.memory_space<vmem_shared>>, %arg9: memref<80x128xi32, #tpu.memory_space<vmem>>, %arg10: memref<80x128xi32, #tpu.memory_space<vmem>>, %arg11: memref<8x128x32xf32, #tpu.memory_space<vmem>>, %arg12: memref<!tpu.dma_semaphore, #tpu.memory_space<semaphore_mem>>, %arg13: memref<!tpu.dma_semaphore, #tpu.memory_space<semaphore_mem>>, %arg14: memref<!tpu.dma_semaphore, #tpu.memory_space<semaphore_mem>>, %arg15: memref<!tpu.dma_semaphore, #tpu.memory_space<semaphore_mem>>, %arg16: memref<!tpu.dma_semaphore, #tpu.memory_space<semaphore_mem>>, %arg17: memref<!tpu.dma_semaphore, #tpu.memory_space<semaphore_mem>>, %arg18: memref<!tpu.dma_semaphore, #tpu.memory_space<semaphore_mem>>, %arg19: memref<!tpu.dma_semaphore, #tpu.memory_space<semaphore_mem>>, %arg20: memref<!tpu.dma_semaphore, #tpu.memory_space<semaphore_mem>>, %arg21: memref<!tpu.dma_semaphore, #tpu.memory_space<semaphore_mem>>, %arg22: memref<!tpu.dma_semaphore, #tpu.memory_space<semaphore_mem>>, %arg23: memref<!tpu.dma_semaphore, #tpu.memory_space<semaphore_mem>>, %arg24: memref<!tpu.dma_semaphore, #tpu.memory_space<semaphore_mem>>, %arg25: memref<!tpu.dma_semaphore, #tpu.memory_space<semaphore_mem>>, %arg26: memref<!tpu.dma_semaphore, #tpu.memory_space<semaphore_mem>>, %arg27: memref<!tpu.dma_semaphore, #tpu.memory_space<semaphore_mem>>) attributes {dimension_semantics = [#tpu.dimension_semantics<core_parallel>, #tpu.dimension_semantics<subcore_parallel>], iteration_bounds = array<i64: 2, 16>, scalar_prefetch = 0 : i64, scratch_operands = 21 : i64, tpu.core_type = #tpu.core_type<sc_vector_subcore>, window_params = [{transform_indices = #map}, {transform_indices = #map1}, {transform_indices = #map1}, {transform_indices = #map}, {transform_indices = #map1}]} {
    %mul3A = arith.constant 16 : i32
    %mul3A_0 = arith.muli %arg0, %mul3A : i32
    %add3A = arith.addi %mul3A_0, %arg1 : i32
    %mul3A_1 = arith.constant 640 : i32
    %mul3A_2 = arith.muli %arg1, %mul3A_1 : i32
    %mul3A_3 = arith.constant 640 : i32
    %mul3A_4 = arith.muli %arg1, %mul3A_3 : i32
    "tpu.region"() ({
      %run_scoped3A = tpu.sem_alloc : memref<!tpu.dma_semaphore, #tpu.memory_space<semaphore_mem>>
      %dma_start3A_125 = arith.constant 0 : i32
      %dma_start3A_126 = tpu.memref_slice %arg8[%mul3A_4, %dma_start3A_125] : memref<10240x32xf32, #tpu.memory_space<vmem_shared>> -> memref<640x32xf32, #tpu.memory_space<vmem_shared>>
      %dma_start3A_127 = arith.constant 0 : i32
      %dma_start3A_128 = tpu.memref_slice %arg2[%mul3A_2, %dma_start3A_127] : memref<10240x32xf32, #tpu.memory_space<hbm>> -> memref<640x32xf32, #tpu.memory_space<hbm>>
      tpu.enqueue_dma source(%dma_start3A_128 : memref<640x32xf32, #tpu.memory_space<hbm>>) target(%dma_start3A_126 : memref<640x32xf32, #tpu.memory_space<vmem_shared>>) target_semaphore(%run_scoped3A : memref<!tpu.dma_semaphore, #tpu.memory_space<semaphore_mem>>)
      %dma_wait3A_129 = arith.constant 0 : i32
      %dma_wait3A_130 = tpu.memref_slice %arg8[%mul3A_4, %dma_wait3A_129] : memref<10240x32xf32, #tpu.memory_space<vmem_shared>> -> memref<640x32xf32, #tpu.memory_space<vmem_shared>>
      %dma_wait3A_131 = arith.constant 0 : i32
      %dma_wait3A_132 = tpu.memref_slice %arg2[%mul3A_2, %dma_wait3A_131] : memref<10240x32xf32, #tpu.memory_space<hbm>> -> memref<640x32xf32, #tpu.memory_space<hbm>>
      tpu.wait_dma2 semaphore(%run_scoped3A : memref<!tpu.dma_semaphore, #tpu.memory_space<semaphore_mem>>) src(%dma_wait3A_132 : memref<640x32xf32, #tpu.memory_space<hbm>>) dst(%dma_wait3A_130 : memref<640x32xf32, #tpu.memory_space<vmem_shared>>)
      tpu.yield
    }) : () -> ()
    %mul3A_5 = arith.constant 640 : i32
    %mul3A_6 = arith.muli %arg1, %mul3A_5 : i32
    %mul3A_7 = arith.constant 640 : i32
    %mul3A_8 = arith.muli %arg1, %mul3A_7 : i32
    "tpu.region"() ({
      %run_scoped3A = tpu.sem_alloc : memref<!tpu.dma_semaphore, #tpu.memory_space<semaphore_mem>>
      %dma_start3A_125 = arith.constant 0 : i32
      %dma_start3A_126 = tpu.memref_slice %arg7[%mul3A_8, %dma_start3A_125] : memref<10240x32xf32, #tpu.memory_space<vmem_shared>> -> memref<640x32xf32, #tpu.memory_space<vmem_shared>>
      %dma_start3A_127 = arith.constant 0 : i32
      %dma_start3A_128 = tpu.memref_slice %arg5[%mul3A_6, %dma_start3A_127] : memref<10240x32xf32, #tpu.memory_space<hbm>> -> memref<640x32xf32, #tpu.memory_space<hbm>>
      tpu.enqueue_dma source(%dma_start3A_128 : memref<640x32xf32, #tpu.memory_space<hbm>>) target(%dma_start3A_126 : memref<640x32xf32, #tpu.memory_space<vmem_shared>>) target_semaphore(%run_scoped3A : memref<!tpu.dma_semaphore, #tpu.memory_space<semaphore_mem>>)
      %dma_wait3A_129 = arith.constant 0 : i32
      %dma_wait3A_130 = tpu.memref_slice %arg7[%mul3A_8, %dma_wait3A_129] : memref<10240x32xf32, #tpu.memory_space<vmem_shared>> -> memref<640x32xf32, #tpu.memory_space<vmem_shared>>
      %dma_wait3A_131 = arith.constant 0 : i32
      %dma_wait3A_132 = tpu.memref_slice %arg5[%mul3A_6, %dma_wait3A_131] : memref<10240x32xf32, #tpu.memory_space<hbm>> -> memref<640x32xf32, #tpu.memory_space<hbm>>
      tpu.wait_dma2 semaphore(%run_scoped3A : memref<!tpu.dma_semaphore, #tpu.memory_space<semaphore_mem>>) src(%dma_wait3A_132 : memref<640x32xf32, #tpu.memory_space<hbm>>) dst(%dma_wait3A_130 : memref<640x32xf32, #tpu.memory_space<vmem_shared>>)
      tpu.yield
    }) : () -> ()
    "tpu.region"() ({
      %run_scoped3A = tpu.sem_alloc : memref<!tpu.dma_semaphore, #tpu.memory_space<semaphore_mem>>
      %dma_start3A_125 = arith.constant 0 : i32
      %dma_start3A_126 = arith.constant 0 : i32
      %dma_start3A_127 = tpu.memref_slice %arg3[%add3A, %dma_start3A_125, %dma_start3A_126] : memref<32x80x128xi32, #tpu.memory_space<hbm>> -> memref<1x80x128xi32, #tpu.memory_space<hbm>>
      %dma_start3A_128 = tpu.memref_squeeze %dma_start3A_127 : memref<1x80x128xi32, #tpu.memory_space<hbm>> -> memref<80x128xi32, #tpu.memory_space<hbm>>
      %dma_start3A_129 = arith.constant 0 : i32
      %dma_start3A_130 = arith.constant 0 : i32
      %dma_start3A_131 = tpu.memref_slice %arg3[%add3A, %dma_start3A_129, %dma_start3A_130] : memref<32x80x128xi32, #tpu.memory_space<hbm>> -> memref<1x80x128xi32, #tpu.memory_space<hbm>>
      %dma_start3A_132 = tpu.memref_squeeze %dma_start3A_131 : memref<1x80x128xi32, #tpu.memory_space<hbm>> -> memref<80x128xi32, #tpu.memory_space<hbm>>
      tpu.enqueue_dma source(%dma_start3A_132 : memref<80x128xi32, #tpu.memory_space<hbm>>) target(%arg9 : memref<80x128xi32, #tpu.memory_space<vmem>>) target_semaphore(%run_scoped3A : memref<!tpu.dma_semaphore, #tpu.memory_space<semaphore_mem>>)
      %dma_wait3A_133 = arith.constant 0 : i32
      %dma_wait3A_134 = arith.constant 0 : i32
      %dma_wait3A_135 = tpu.memref_slice %arg3[%add3A, %dma_wait3A_133, %dma_wait3A_134] : memref<32x80x128xi32, #tpu.memory_space<hbm>> -> memref<1x80x128xi32, #tpu.memory_space<hbm>>
      %dma_wait3A_136 = tpu.memref_squeeze %dma_wait3A_135 : memref<1x80x128xi32, #tpu.memory_space<hbm>> -> memref<80x128xi32, #tpu.memory_space<hbm>>
      %dma_wait3A_137 = arith.constant 0 : i32
      %dma_wait3A_138 = arith.constant 0 : i32
      %dma_wait3A_139 = tpu.memref_slice %arg3[%add3A, %dma_wait3A_137, %dma_wait3A_138] : memref<32x80x128xi32, #tpu.memory_space<hbm>> -> memref<1x80x128xi32, #tpu.memory_space<hbm>>
      %dma_wait3A_140 = tpu.memref_squeeze %dma_wait3A_139 : memref<1x80x128xi32, #tpu.memory_space<hbm>> -> memref<80x128xi32, #tpu.memory_space<hbm>>
      tpu.wait_dma2 semaphore(%run_scoped3A : memref<!tpu.dma_semaphore, #tpu.memory_space<semaphore_mem>>) src(%dma_wait3A_140 : memref<80x128xi32, #tpu.memory_space<hbm>>) dst(%arg9 : memref<80x128xi32, #tpu.memory_space<vmem>>)
      tpu.yield
    }) : () -> ()
    "tpu.region"() ({
      %run_scoped3A = tpu.sem_alloc : memref<!tpu.dma_semaphore, #tpu.memory_space<semaphore_mem>>
      %dma_start3A_125 = arith.constant 0 : i32
      %dma_start3A_126 = arith.constant 0 : i32
      %dma_start3A_127 = tpu.memref_slice %arg4[%add3A, %dma_start3A_125, %dma_start3A_126] : memref<32x80x128xi32, #tpu.memory_space<hbm>> -> memref<1x80x128xi32, #tpu.memory_space<hbm>>
      %dma_start3A_128 = tpu.memref_squeeze %dma_start3A_127 : memref<1x80x128xi32, #tpu.memory_space<hbm>> -> memref<80x128xi32, #tpu.memory_space<hbm>>
      %dma_start3A_129 = arith.constant 0 : i32
      %dma_start3A_130 = arith.constant 0 : i32
      %dma_start3A_131 = tpu.memref_slice %arg4[%add3A, %dma_start3A_129, %dma_start3A_130] : memref<32x80x128xi32, #tpu.memory_space<hbm>> -> memref<1x80x128xi32, #tpu.memory_space<hbm>>
      %dma_start3A_132 = tpu.memref_squeeze %dma_start3A_131 : memref<1x80x128xi32, #tpu.memory_space<hbm>> -> memref<80x128xi32, #tpu.memory_space<hbm>>
      tpu.enqueue_dma source(%dma_start3A_132 : memref<80x128xi32, #tpu.memory_space<hbm>>) target(%arg10 : memref<80x128xi32, #tpu.memory_space<vmem>>) target_semaphore(%run_scoped3A : memref<!tpu.dma_semaphore, #tpu.memory_space<semaphore_mem>>)
      %dma_wait3A_133 = arith.constant 0 : i32
      %dma_wait3A_134 = arith.constant 0 : i32
      %dma_wait3A_135 = tpu.memref_slice %arg4[%add3A, %dma_wait3A_133, %dma_wait3A_134] : memref<32x80x128xi32, #tpu.memory_space<hbm>> -> memref<1x80x128xi32, #tpu.memory_space<hbm>>
      %dma_wait3A_136 = tpu.memref_squeeze %dma_wait3A_135 : memref<1x80x128xi32, #tpu.memory_space<hbm>> -> memref<80x128xi32, #tpu.memory_space<hbm>>
      %dma_wait3A_137 = arith.constant 0 : i32
      %dma_wait3A_138 = arith.constant 0 : i32
      %dma_wait3A_139 = tpu.memref_slice %arg4[%add3A, %dma_wait3A_137, %dma_wait3A_138] : memref<32x80x128xi32, #tpu.memory_space<hbm>> -> memref<1x80x128xi32, #tpu.memory_space<hbm>>
      %dma_wait3A_140 = tpu.memref_squeeze %dma_wait3A_139 : memref<1x80x128xi32, #tpu.memory_space<hbm>> -> memref<80x128xi32, #tpu.memory_space<hbm>>
      tpu.wait_dma2 semaphore(%run_scoped3A : memref<!tpu.dma_semaphore, #tpu.memory_space<semaphore_mem>>) src(%dma_wait3A_140 : memref<80x128xi32, #tpu.memory_space<hbm>>) dst(%arg10 : memref<80x128xi32, #tpu.memory_space<vmem>>)
      tpu.yield
    }) : () -> ()
    %barrier3A = arith.constant 0 : index
    tpu.barrier barrier_id(%barrier3A)
    %dma_start3A = arith.constant 0 : i32
    %dma_start3A_9 = arith.constant 0 : i32
    %dma_start3A_10 = arith.constant 0 : i32
    %dma_start3A_11 = arith.constant 0 : i32
    %dma_start3A_12 = tpu.memref_slice %arg11[%dma_start3A_9, %dma_start3A_10, %dma_start3A_11] : memref<8x128x32xf32, #tpu.memory_space<vmem>> -> memref<1x128x32xf32, #tpu.memory_space<vmem>>
    %dma_start3A_13 = tpu.memref_squeeze %dma_start3A_12 : memref<1x128x32xf32, #tpu.memory_space<vmem>> -> memref<128x32xf32, #tpu.memory_space<vmem>>
    %dma_start3A_14 = arith.constant 0 : i32
    %dma_start3A_15 = tpu.memref_slice %arg9[%dma_start3A, %dma_start3A_14] : memref<80x128xi32, #tpu.memory_space<vmem>> -> memref<1x128xi32, #tpu.memory_space<vmem>>
    %dma_start3A_16 = tpu.memref_squeeze %dma_start3A_15 : memref<1x128xi32, #tpu.memory_space<vmem>> -> memref<128xi32, #tpu.memory_space<vmem>>
    %dma_start3A_17 = arith.constant 0 : i32
    %dma_start3A_18 = arith.constant 0 : i32
    %dma_start3A_19 = tpu.memref_slice %arg8[%dma_start3A_17, %dma_start3A_18] : memref<10240x32xf32, #tpu.memory_space<vmem_shared>> -> memref<10240x32xf32, #tpu.memory_space<vmem_shared>>
    tpu.enqueue_indirect_dma source(%dma_start3A_19 : memref<10240x32xf32, #tpu.memory_space<vmem_shared>>) target(%dma_start3A_13 : memref<128x32xf32, #tpu.memory_space<vmem>>) offsets(%dma_start3A_16 : memref<128xi32, #tpu.memory_space<vmem>>) semaphore(%arg12 : memref<!tpu.dma_semaphore, #tpu.memory_space<semaphore_mem>>)
    %dma_start3A_20 = arith.constant 1 : i32
    %dma_start3A_21 = arith.constant 1 : i32
    %dma_start3A_22 = arith.constant 0 : i32
    %dma_start3A_23 = arith.constant 0 : i32
    %dma_start3A_24 = tpu.memref_slice %arg11[%dma_start3A_21, %dma_start3A_22, %dma_start3A_23] : memref<8x128x32xf32, #tpu.memory_space<vmem>> -> memref<1x128x32xf32, #tpu.memory_space<vmem>>
    %dma_start3A_25 = tpu.memref_squeeze %dma_start3A_24 : memref<1x128x32xf32, #tpu.memory_space<vmem>> -> memref<128x32xf32, #tpu.memory_space<vmem>>
    %dma_start3A_26 = arith.constant 0 : i32
    %dma_start3A_27 = tpu.memref_slice %arg9[%dma_start3A_20, %dma_start3A_26] : memref<80x128xi32, #tpu.memory_space<vmem>> -> memref<1x128xi32, #tpu.memory_space<vmem>>
    %dma_start3A_28 = tpu.memref_squeeze %dma_start3A_27 : memref<1x128xi32, #tpu.memory_space<vmem>> -> memref<128xi32, #tpu.memory_space<vmem>>
    %dma_start3A_29 = arith.constant 0 : i32
    %dma_start3A_30 = arith.constant 0 : i32
    %dma_start3A_31 = tpu.memref_slice %arg8[%dma_start3A_29, %dma_start3A_30] : memref<10240x32xf32, #tpu.memory_space<vmem_shared>> -> memref<10240x32xf32, #tpu.memory_space<vmem_shared>>
    tpu.enqueue_indirect_dma source(%dma_start3A_31 : memref<10240x32xf32, #tpu.memory_space<vmem_shared>>) target(%dma_start3A_25 : memref<128x32xf32, #tpu.memory_space<vmem>>) offsets(%dma_start3A_28 : memref<128xi32, #tpu.memory_space<vmem>>) semaphore(%arg13 : memref<!tpu.dma_semaphore, #tpu.memory_space<semaphore_mem>>)
    %dma_start3A_32 = arith.constant 2 : i32
    %dma_start3A_33 = arith.constant 2 : i32
    %dma_start3A_34 = arith.constant 0 : i32
    %dma_start3A_35 = arith.constant 0 : i32
    %dma_start3A_36 = tpu.memref_slice %arg11[%dma_start3A_33, %dma_start3A_34, %dma_start3A_35] : memref<8x128x32xf32, #tpu.memory_space<vmem>> -> memref<1x128x32xf32, #tpu.memory_space<vmem>>
    %dma_start3A_37 = tpu.memref_squeeze %dma_start3A_36 : memref<1x128x32xf32, #tpu.memory_space<vmem>> -> memref<128x32xf32, #tpu.memory_space<vmem>>
    %dma_start3A_38 = arith.constant 0 : i32
    %dma_start3A_39 = tpu.memref_slice %arg9[%dma_start3A_32, %dma_start3A_38] : memref<80x128xi32, #tpu.memory_space<vmem>> -> memref<1x128xi32, #tpu.memory_space<vmem>>
    %dma_start3A_40 = tpu.memref_squeeze %dma_start3A_39 : memref<1x128xi32, #tpu.memory_space<vmem>> -> memref<128xi32, #tpu.memory_space<vmem>>
    %dma_start3A_41 = arith.constant 0 : i32
    %dma_start3A_42 = arith.constant 0 : i32
    %dma_start3A_43 = tpu.memref_slice %arg8[%dma_start3A_41, %dma_start3A_42] : memref<10240x32xf32, #tpu.memory_space<vmem_shared>> -> memref<10240x32xf32, #tpu.memory_space<vmem_shared>>
    tpu.enqueue_indirect_dma source(%dma_start3A_43 : memref<10240x32xf32, #tpu.memory_space<vmem_shared>>) target(%dma_start3A_37 : memref<128x32xf32, #tpu.memory_space<vmem>>) offsets(%dma_start3A_40 : memref<128xi32, #tpu.memory_space<vmem>>) semaphore(%arg14 : memref<!tpu.dma_semaphore, #tpu.memory_space<semaphore_mem>>)
    %dma_start3A_44 = arith.constant 3 : i32
    %dma_start3A_45 = arith.constant 3 : i32
    %dma_start3A_46 = arith.constant 0 : i32
    %dma_start3A_47 = arith.constant 0 : i32
    %dma_start3A_48 = tpu.memref_slice %arg11[%dma_start3A_45, %dma_start3A_46, %dma_start3A_47] : memref<8x128x32xf32, #tpu.memory_space<vmem>> -> memref<1x128x32xf32, #tpu.memory_space<vmem>>
    %dma_start3A_49 = tpu.memref_squeeze %dma_start3A_48 : memref<1x128x32xf32, #tpu.memory_space<vmem>> -> memref<128x32xf32, #tpu.memory_space<vmem>>
    %dma_start3A_50 = arith.constant 0 : i32
    %dma_start3A_51 = tpu.memref_slice %arg9[%dma_start3A_44, %dma_start3A_50] : memref<80x128xi32, #tpu.memory_space<vmem>> -> memref<1x128xi32, #tpu.memory_space<vmem>>
    %dma_start3A_52 = tpu.memref_squeeze %dma_start3A_51 : memref<1x128xi32, #tpu.memory_space<vmem>> -> memref<128xi32, #tpu.memory_space<vmem>>
    %dma_start3A_53 = arith.constant 0 : i32
    %dma_start3A_54 = arith.constant 0 : i32
    %dma_start3A_55 = tpu.memref_slice %arg8[%dma_start3A_53, %dma_start3A_54] : memref<10240x32xf32, #tpu.memory_space<vmem_shared>> -> memref<10240x32xf32, #tpu.memory_space<vmem_shared>>
    tpu.enqueue_indirect_dma source(%dma_start3A_55 : memref<10240x32xf32, #tpu.memory_space<vmem_shared>>) target(%dma_start3A_49 : memref<128x32xf32, #tpu.memory_space<vmem>>) offsets(%dma_start3A_52 : memref<128xi32, #tpu.memory_space<vmem>>) semaphore(%arg15 : memref<!tpu.dma_semaphore, #tpu.memory_space<semaphore_mem>>)
    %scan3A = arith.constant 0 : i32
    %scan3A_56 = arith.constant 0 : i32
    %scan3A_57 = arith.constant 10 : i32
    %scan3A_58 = arith.addi %scan3A_56, %scan3A_57 : i32
    %scan3A_59 = arith.constant 1 : i32
    scf.for %scan3A_125 = %scan3A_56 to %scan3A_58 step %scan3A_59  : i32 {
      %mul3A_126 = arith.constant 8 : i32
      %mul3A_127 = arith.muli %scan3A_125, %mul3A_126 : i32
      %add3A_128 = arith.constant 0 : i32
      %add3A_129 = arith.addi %mul3A_127, %add3A_128 : i32
      %dma_wait3A_130 = arith.constant 0 : i32
      %dma_wait3A_131 = arith.constant 0 : i32
      %dma_wait3A_132 = arith.constant 0 : i32
      %dma_wait3A_133 = tpu.memref_slice %arg11[%dma_wait3A_130, %dma_wait3A_131, %dma_wait3A_132] : memref<8x128x32xf32, #tpu.memory_space<vmem>> -> memref<1x128x32xf32, #tpu.memory_space<vmem>>
      %dma_wait3A_134 = tpu.memref_squeeze %dma_wait3A_133 : memref<1x128x32xf32, #tpu.memory_space<vmem>> -> memref<128x32xf32, #tpu.memory_space<vmem>>
      %dma_wait3A_135 = arith.constant 0 : i32
      %dma_wait3A_136 = arith.constant 0 : i32
      %dma_wait3A_137 = tpu.memref_slice %arg2[%dma_wait3A_135, %dma_wait3A_136] : memref<10240x32xf32, #tpu.memory_space<hbm>> -> memref<128x32xf32, #tpu.memory_space<hbm>>
      %dma_wait3A_138 = arith.constant 0 : i32
      %dma_wait3A_139 = arith.constant 0 : i32
      %dma_wait3A_140 = tpu.memref_slice %arg11[%dma_wait3A_130, %dma_wait3A_138, %dma_wait3A_139] : memref<8x128x32xf32, #tpu.memory_space<vmem>> -> memref<1x128x32xf32, #tpu.memory_space<vmem>>
      %dma_wait3A_141 = tpu.memref_squeeze %dma_wait3A_140 : memref<1x128x32xf32, #tpu.memory_space<vmem>> -> memref<128x32xf32, #tpu.memory_space<vmem>>
      %dma_wait3A_142 = arith.constant 0 : i32
      %dma_wait3A_143 = arith.constant 0 : i32
      %dma_wait3A_144 = tpu.memref_slice %arg2[%dma_wait3A_142, %dma_wait3A_143] : memref<10240x32xf32, #tpu.memory_space<hbm>> -> memref<128x32xf32, #tpu.memory_space<hbm>>
      tpu.wait_dma2 semaphore(%arg12 : memref<!tpu.dma_semaphore, #tpu.memory_space<semaphore_mem>>) src(%dma_wait3A_144 : memref<128x32xf32, #tpu.memory_space<hbm>>) dst(%dma_wait3A_141 : memref<128x32xf32, #tpu.memory_space<vmem>>)
      %dma_start3A_145 = arith.constant 0 : i32
      %dma_start3A_146 = arith.constant 0 : i32
      %dma_start3A_147 = arith.constant 0 : i32
      %dma_start3A_148 = tpu.memref_slice %arg11[%dma_start3A_145, %dma_start3A_146, %dma_start3A_147] : memref<8x128x32xf32, #tpu.memory_space<vmem>> -> memref<1x128x32xf32, #tpu.memory_space<vmem>>
      %dma_start3A_149 = tpu.memref_squeeze %dma_start3A_148 : memref<1x128x32xf32, #tpu.memory_space<vmem>> -> memref<128x32xf32, #tpu.memory_space<vmem>>
      %dma_start3A_150 = arith.constant 0 : i32
      %dma_start3A_151 = tpu.memref_slice %arg10[%add3A_129, %dma_start3A_150] : memref<80x128xi32, #tpu.memory_space<vmem>> -> memref<1x128xi32, #tpu.memory_space<vmem>>
      %dma_start3A_152 = tpu.memref_squeeze %dma_start3A_151 : memref<1x128xi32, #tpu.memory_space<vmem>> -> memref<128xi32, #tpu.memory_space<vmem>>
      %dma_start3A_153 = arith.constant 0 : i32
      %dma_start3A_154 = arith.constant 0 : i32
      %dma_start3A_155 = tpu.memref_slice %arg7[%dma_start3A_153, %dma_start3A_154] : memref<10240x32xf32, #tpu.memory_space<vmem_shared>> -> memref<10240x32xf32, #tpu.memory_space<vmem_shared>>
      tpu.enqueue_indirect_dma source(%dma_start3A_149 : memref<128x32xf32, #tpu.memory_space<vmem>>) target(%dma_start3A_155 : memref<10240x32xf32, #tpu.memory_space<vmem_shared>>) offsets(%dma_start3A_152 : memref<128xi32, #tpu.memory_space<vmem>>) semaphore(%arg20 : memref<!tpu.dma_semaphore, #tpu.memory_space<semaphore_mem>>) {add = true}
      %ge3A = arith.constant 4 : i32
      %ge3A_156 = arith.cmpi sge, %add3A_129, %ge3A : i32
      %convert_element_type3A = arith.extui %ge3A_156 : i1 to i32
      %cond3A = arith.constant 0 : i32
      %cond3A_157 = arith.cmpi ne, %convert_element_type3A, %cond3A : i32
      scf.if %cond3A_157 {
        %dma_wait3A_442 = arith.constant 4 : i32
        %dma_wait3A_443 = arith.constant 0 : i32
        %dma_wait3A_444 = arith.constant 0 : i32
        %dma_wait3A_445 = tpu.memref_slice %arg11[%dma_wait3A_442, %dma_wait3A_443, %dma_wait3A_444] : memref<8x128x32xf32, #tpu.memory_space<vmem>> -> memref<1x128x32xf32, #tpu.memory_space<vmem>>
        %dma_wait3A_446 = tpu.memref_squeeze %dma_wait3A_445 : memref<1x128x32xf32, #tpu.memory_space<vmem>> -> memref<128x32xf32, #tpu.memory_space<vmem>>
        %dma_wait3A_447 = arith.constant 0 : i32
        %dma_wait3A_448 = arith.constant 0 : i32
        %dma_wait3A_449 = tpu.memref_slice %arg2[%dma_wait3A_447, %dma_wait3A_448] : memref<10240x32xf32, #tpu.memory_space<hbm>> -> memref<128x32xf32, #tpu.memory_space<hbm>>
        %dma_wait3A_450 = arith.constant 0 : i32
        %dma_wait3A_451 = arith.constant 0 : i32
        %dma_wait3A_452 = tpu.memref_slice %arg11[%dma_wait3A_442, %dma_wait3A_450, %dma_wait3A_451] : memref<8x128x32xf32, #tpu.memory_space<vmem>> -> memref<1x128x32xf32, #tpu.memory_space<vmem>>
        %dma_wait3A_453 = tpu.memref_squeeze %dma_wait3A_452 : memref<1x128x32xf32, #tpu.memory_space<vmem>> -> memref<128x32xf32, #tpu.memory_space<vmem>>
        %dma_wait3A_454 = arith.constant 0 : i32
        %dma_wait3A_455 = arith.constant 0 : i32
        %dma_wait3A_456 = tpu.memref_slice %arg2[%dma_wait3A_454, %dma_wait3A_455] : memref<10240x32xf32, #tpu.memory_space<hbm>> -> memref<128x32xf32, #tpu.memory_space<hbm>>
        tpu.wait_dma2 semaphore(%arg24 : memref<!tpu.dma_semaphore, #tpu.memory_space<semaphore_mem>>) src(%dma_wait3A_456 : memref<128x32xf32, #tpu.memory_space<hbm>>) dst(%dma_wait3A_453 : memref<128x32xf32, #tpu.memory_space<vmem>>)
      } else {
      }
      %lt3A = arith.constant 76 : i32
      %lt3A_158 = arith.cmpi slt, %add3A_129, %lt3A : i32
      %convert_element_type3A_159 = arith.extui %lt3A_158 : i1 to i32
      %cond3A_160 = arith.constant 0 : i32
      %cond3A_161 = arith.cmpi ne, %convert_element_type3A_159, %cond3A_160 : i32
      scf.if %cond3A_161 {
        %add3A_442 = arith.constant 4 : i32
        %add3A_443 = arith.addi %add3A_129, %add3A_442 : i32
        %dma_start3A_444 = arith.constant 4 : i32
        %dma_start3A_445 = arith.constant 0 : i32
        %dma_start3A_446 = arith.constant 0 : i32
        %dma_start3A_447 = tpu.memref_slice %arg11[%dma_start3A_444, %dma_start3A_445, %dma_start3A_446] : memref<8x128x32xf32, #tpu.memory_space<vmem>> -> memref<1x128x32xf32, #tpu.memory_space<vmem>>
        %dma_start3A_448 = tpu.memref_squeeze %dma_start3A_447 : memref<1x128x32xf32, #tpu.memory_space<vmem>> -> memref<128x32xf32, #tpu.memory_space<vmem>>
        %dma_start3A_449 = arith.constant 0 : i32
        %dma_start3A_450 = tpu.memref_slice %arg9[%add3A_443, %dma_start3A_449] : memref<80x128xi32, #tpu.memory_space<vmem>> -> memref<1x128xi32, #tpu.memory_space<vmem>>
        %dma_start3A_451 = tpu.memref_squeeze %dma_start3A_450 : memref<1x128xi32, #tpu.memory_space<vmem>> -> memref<128xi32, #tpu.memory_space<vmem>>
        %dma_start3A_452 = arith.constant 0 : i32
        %dma_start3A_453 = arith.constant 0 : i32
        %dma_start3A_454 = tpu.memref_slice %arg8[%dma_start3A_452, %dma_start3A_453] : memref<10240x32xf32, #tpu.memory_space<vmem_shared>> -> memref<10240x32xf32, #tpu.memory_space<vmem_shared>>
        tpu.enqueue_indirect_dma source(%dma_start3A_454 : memref<10240x32xf32, #tpu.memory_space<vmem_shared>>) target(%dma_start3A_448 : memref<128x32xf32, #tpu.memory_space<vmem>>) offsets(%dma_start3A_451 : memref<128xi32, #tpu.memory_space<vmem>>) semaphore(%arg16 : memref<!tpu.dma_semaphore, #tpu.memory_space<semaphore_mem>>)
      } else {
      }
      %mul3A_162 = arith.constant 8 : i32
      %mul3A_163 = arith.muli %scan3A_125, %mul3A_162 : i32
      %add3A_164 = arith.constant 1 : i32
      %add3A_165 = arith.addi %mul3A_163, %add3A_164 : i32
      %dma_wait3A_166 = arith.constant 1 : i32
      %dma_wait3A_167 = arith.constant 0 : i32
      %dma_wait3A_168 = arith.constant 0 : i32
      %dma_wait3A_169 = tpu.memref_slice %arg11[%dma_wait3A_166, %dma_wait3A_167, %dma_wait3A_168] : memref<8x128x32xf32, #tpu.memory_space<vmem>> -> memref<1x128x32xf32, #tpu.memory_space<vmem>>
      %dma_wait3A_170 = tpu.memref_squeeze %dma_wait3A_169 : memref<1x128x32xf32, #tpu.memory_space<vmem>> -> memref<128x32xf32, #tpu.memory_space<vmem>>
      %dma_wait3A_171 = arith.constant 0 : i32
      %dma_wait3A_172 = arith.constant 0 : i32
      %dma_wait3A_173 = tpu.memref_slice %arg2[%dma_wait3A_171, %dma_wait3A_172] : memref<10240x32xf32, #tpu.memory_space<hbm>> -> memref<128x32xf32, #tpu.memory_space<hbm>>
      %dma_wait3A_174 = arith.constant 0 : i32
      %dma_wait3A_175 = arith.constant 0 : i32
      %dma_wait3A_176 = tpu.memref_slice %arg11[%dma_wait3A_166, %dma_wait3A_174, %dma_wait3A_175] : memref<8x128x32xf32, #tpu.memory_space<vmem>> -> memref<1x128x32xf32, #tpu.memory_space<vmem>>
      %dma_wait3A_177 = tpu.memref_squeeze %dma_wait3A_176 : memref<1x128x32xf32, #tpu.memory_space<vmem>> -> memref<128x32xf32, #tpu.memory_space<vmem>>
      %dma_wait3A_178 = arith.constant 0 : i32
      %dma_wait3A_179 = arith.constant 0 : i32
      %dma_wait3A_180 = tpu.memref_slice %arg2[%dma_wait3A_178, %dma_wait3A_179] : memref<10240x32xf32, #tpu.memory_space<hbm>> -> memref<128x32xf32, #tpu.memory_space<hbm>>
      tpu.wait_dma2 semaphore(%arg13 : memref<!tpu.dma_semaphore, #tpu.memory_space<semaphore_mem>>) src(%dma_wait3A_180 : memref<128x32xf32, #tpu.memory_space<hbm>>) dst(%dma_wait3A_177 : memref<128x32xf32, #tpu.memory_space<vmem>>)
      %dma_start3A_181 = arith.constant 1 : i32
      %dma_start3A_182 = arith.constant 0 : i32
      %dma_start3A_183 = arith.constant 0 : i32
      %dma_start3A_184 = tpu.memref_slice %arg11[%dma_start3A_181, %dma_start3A_182, %dma_start3A_183] : memref<8x128x32xf32, #tpu.memory_space<vmem>> -> memref<1x128x32xf32, #tpu.memory_space<vmem>>
      %dma_start3A_185 = tpu.memref_squeeze %dma_start3A_184 : memref<1x128x32xf32, #tpu.memory_space<vmem>> -> memref<128x32xf32, #tpu.memory_space<vmem>>
      %dma_start3A_186 = arith.constant 0 : i32
      %dma_start3A_187 = tpu.memref_slice %arg10[%add3A_165, %dma_start3A_186] : memref<80x128xi32, #tpu.memory_space<vmem>> -> memref<1x128xi32, #tpu.memory_space<vmem>>
      %dma_start3A_188 = tpu.memref_squeeze %dma_start3A_187 : memref<1x128xi32, #tpu.memory_space<vmem>> -> memref<128xi32, #tpu.memory_space<vmem>>
      %dma_start3A_189 = arith.constant 0 : i32
      %dma_start3A_190 = arith.constant 0 : i32
      %dma_start3A_191 = tpu.memref_slice %arg7[%dma_start3A_189, %dma_start3A_190] : memref<10240x32xf32, #tpu.memory_space<vmem_shared>> -> memref<10240x32xf32, #tpu.memory_space<vmem_shared>>
      tpu.enqueue_indirect_dma source(%dma_start3A_185 : memref<128x32xf32, #tpu.memory_space<vmem>>) target(%dma_start3A_191 : memref<10240x32xf32, #tpu.memory_space<vmem_shared>>) offsets(%dma_start3A_188 : memref<128xi32, #tpu.memory_space<vmem>>) semaphore(%arg21 : memref<!tpu.dma_semaphore, #tpu.memory_space<semaphore_mem>>) {add = true}
      %ge3A_192 = arith.constant 4 : i32
      %ge3A_193 = arith.cmpi sge, %add3A_165, %ge3A_192 : i32
      %convert_element_type3A_194 = arith.extui %ge3A_193 : i1 to i32
      %cond3A_195 = arith.constant 0 : i32
      %cond3A_196 = arith.cmpi ne, %convert_element_type3A_194, %cond3A_195 : i32
      scf.if %cond3A_196 {
        %dma_wait3A_442 = arith.constant 5 : i32
        %dma_wait3A_443 = arith.constant 0 : i32
        %dma_wait3A_444 = arith.constant 0 : i32
        %dma_wait3A_445 = tpu.memref_slice %arg11[%dma_wait3A_442, %dma_wait3A_443, %dma_wait3A_444] : memref<8x128x32xf32, #tpu.memory_space<vmem>> -> memref<1x128x32xf32, #tpu.memory_space<vmem>>
        %dma_wait3A_446 = tpu.memref_squeeze %dma_wait3A_445 : memref<1x128x32xf32, #tpu.memory_space<vmem>> -> memref<128x32xf32, #tpu.memory_space<vmem>>
        %dma_wait3A_447 = arith.constant 0 : i32
        %dma_wait3A_448 = arith.constant 0 : i32
        %dma_wait3A_449 = tpu.memref_slice %arg2[%dma_wait3A_447, %dma_wait3A_448] : memref<10240x32xf32, #tpu.memory_space<hbm>> -> memref<128x32xf32, #tpu.memory_space<hbm>>
        %dma_wait3A_450 = arith.constant 0 : i32
        %dma_wait3A_451 = arith.constant 0 : i32
        %dma_wait3A_452 = tpu.memref_slice %arg11[%dma_wait3A_442, %dma_wait3A_450, %dma_wait3A_451] : memref<8x128x32xf32, #tpu.memory_space<vmem>> -> memref<1x128x32xf32, #tpu.memory_space<vmem>>
        %dma_wait3A_453 = tpu.memref_squeeze %dma_wait3A_452 : memref<1x128x32xf32, #tpu.memory_space<vmem>> -> memref<128x32xf32, #tpu.memory_space<vmem>>
        %dma_wait3A_454 = arith.constant 0 : i32
        %dma_wait3A_455 = arith.constant 0 : i32
        %dma_wait3A_456 = tpu.memref_slice %arg2[%dma_wait3A_454, %dma_wait3A_455] : memref<10240x32xf32, #tpu.memory_space<hbm>> -> memref<128x32xf32, #tpu.memory_space<hbm>>
        tpu.wait_dma2 semaphore(%arg25 : memref<!tpu.dma_semaphore, #tpu.memory_space<semaphore_mem>>) src(%dma_wait3A_456 : memref<128x32xf32, #tpu.memory_space<hbm>>) dst(%dma_wait3A_453 : memref<128x32xf32, #tpu.memory_space<vmem>>)
      } else {
      }
      %lt3A_197 = arith.constant 76 : i32
      %lt3A_198 = arith.cmpi slt, %add3A_165, %lt3A_197 : i32
      %convert_element_type3A_199 = arith.extui %lt3A_198 : i1 to i32
      %cond3A_200 = arith.constant 0 : i32
      %cond3A_201 = arith.cmpi ne, %convert_element_type3A_199, %cond3A_200 : i32
      scf.if %cond3A_201 {
        %add3A_442 = arith.constant 4 : i32
        %add3A_443 = arith.addi %add3A_165, %add3A_442 : i32
        %dma_start3A_444 = arith.constant 5 : i32
        %dma_start3A_445 = arith.constant 0 : i32
        %dma_start3A_446 = arith.constant 0 : i32
        %dma_start3A_447 = tpu.memref_slice %arg11[%dma_start3A_444, %dma_start3A_445, %dma_start3A_446] : memref<8x128x32xf32, #tpu.memory_space<vmem>> -> memref<1x128x32xf32, #tpu.memory_space<vmem>>
        %dma_start3A_448 = tpu.memref_squeeze %dma_start3A_447 : memref<1x128x32xf32, #tpu.memory_space<vmem>> -> memref<128x32xf32, #tpu.memory_space<vmem>>
        %dma_start3A_449 = arith.constant 0 : i32
        %dma_start3A_450 = tpu.memref_slice %arg9[%add3A_443, %dma_start3A_449] : memref<80x128xi32, #tpu.memory_space<vmem>> -> memref<1x128xi32, #tpu.memory_space<vmem>>
        %dma_start3A_451 = tpu.memref_squeeze %dma_start3A_450 : memref<1x128xi32, #tpu.memory_space<vmem>> -> memref<128xi32, #tpu.memory_space<vmem>>
        %dma_start3A_452 = arith.constant 0 : i32
        %dma_start3A_453 = arith.constant 0 : i32
        %dma_start3A_454 = tpu.memref_slice %arg8[%dma_start3A_452, %dma_start3A_453] : memref<10240x32xf32, #tpu.memory_space<vmem_shared>> -> memref<10240x32xf32, #tpu.memory_space<vmem_shared>>
        tpu.enqueue_indirect_dma source(%dma_start3A_454 : memref<10240x32xf32, #tpu.memory_space<vmem_shared>>) target(%dma_start3A_448 : memref<128x32xf32, #tpu.memory_space<vmem>>) offsets(%dma_start3A_451 : memref<128xi32, #tpu.memory_space<vmem>>) semaphore(%arg17 : memref<!tpu.dma_semaphore, #tpu.memory_space<semaphore_mem>>)
      } else {
      }
      %mul3A_202 = arith.constant 8 : i32
      %mul3A_203 = arith.muli %scan3A_125, %mul3A_202 : i32
      %add3A_204 = arith.constant 2 : i32
      %add3A_205 = arith.addi %mul3A_203, %add3A_204 : i32
      %dma_wait3A_206 = arith.constant 2 : i32
      %dma_wait3A_207 = arith.constant 0 : i32
      %dma_wait3A_208 = arith.constant 0 : i32
      %dma_wait3A_209 = tpu.memref_slice %arg11[%dma_wait3A_206, %dma_wait3A_207, %dma_wait3A_208] : memref<8x128x32xf32, #tpu.memory_space<vmem>> -> memref<1x128x32xf32, #tpu.memory_space<vmem>>
      %dma_wait3A_210 = tpu.memref_squeeze %dma_wait3A_209 : memref<1x128x32xf32, #tpu.memory_space<vmem>> -> memref<128x32xf32, #tpu.memory_space<vmem>>
      %dma_wait3A_211 = arith.constant 0 : i32
      %dma_wait3A_212 = arith.constant 0 : i32
      %dma_wait3A_213 = tpu.memref_slice %arg2[%dma_wait3A_211, %dma_wait3A_212] : memref<10240x32xf32, #tpu.memory_space<hbm>> -> memref<128x32xf32, #tpu.memory_space<hbm>>
      %dma_wait3A_214 = arith.constant 0 : i32
      %dma_wait3A_215 = arith.constant 0 : i32
      %dma_wait3A_216 = tpu.memref_slice %arg11[%dma_wait3A_206, %dma_wait3A_214, %dma_wait3A_215] : memref<8x128x32xf32, #tpu.memory_space<vmem>> -> memref<1x128x32xf32, #tpu.memory_space<vmem>>
      %dma_wait3A_217 = tpu.memref_squeeze %dma_wait3A_216 : memref<1x128x32xf32, #tpu.memory_space<vmem>> -> memref<128x32xf32, #tpu.memory_space<vmem>>
      %dma_wait3A_218 = arith.constant 0 : i32
      %dma_wait3A_219 = arith.constant 0 : i32
      %dma_wait3A_220 = tpu.memref_slice %arg2[%dma_wait3A_218, %dma_wait3A_219] : memref<10240x32xf32, #tpu.memory_space<hbm>> -> memref<128x32xf32, #tpu.memory_space<hbm>>
      tpu.wait_dma2 semaphore(%arg14 : memref<!tpu.dma_semaphore, #tpu.memory_space<semaphore_mem>>) src(%dma_wait3A_220 : memref<128x32xf32, #tpu.memory_space<hbm>>) dst(%dma_wait3A_217 : memref<128x32xf32, #tpu.memory_space<vmem>>)
      %dma_start3A_221 = arith.constant 2 : i32
      %dma_start3A_222 = arith.constant 0 : i32
      %dma_start3A_223 = arith.constant 0 : i32
      %dma_start3A_224 = tpu.memref_slice %arg11[%dma_start3A_221, %dma_start3A_222, %dma_start3A_223] : memref<8x128x32xf32, #tpu.memory_space<vmem>> -> memref<1x128x32xf32, #tpu.memory_space<vmem>>
      %dma_start3A_225 = tpu.memref_squeeze %dma_start3A_224 : memref<1x128x32xf32, #tpu.memory_space<vmem>> -> memref<128x32xf32, #tpu.memory_space<vmem>>
      %dma_start3A_226 = arith.constant 0 : i32
      %dma_start3A_227 = tpu.memref_slice %arg10[%add3A_205, %dma_start3A_226] : memref<80x128xi32, #tpu.memory_space<vmem>> -> memref<1x128xi32, #tpu.memory_space<vmem>>
      %dma_start3A_228 = tpu.memref_squeeze %dma_start3A_227 : memref<1x128xi32, #tpu.memory_space<vmem>> -> memref<128xi32, #tpu.memory_space<vmem>>
      %dma_start3A_229 = arith.constant 0 : i32
      %dma_start3A_230 = arith.constant 0 : i32
      %dma_start3A_231 = tpu.memref_slice %arg7[%dma_start3A_229, %dma_start3A_230] : memref<10240x32xf32, #tpu.memory_space<vmem_shared>> -> memref<10240x32xf32, #tpu.memory_space<vmem_shared>>
      tpu.enqueue_indirect_dma source(%dma_start3A_225 : memref<128x32xf32, #tpu.memory_space<vmem>>) target(%dma_start3A_231 : memref<10240x32xf32, #tpu.memory_space<vmem_shared>>) offsets(%dma_start3A_228 : memref<128xi32, #tpu.memory_space<vmem>>) semaphore(%arg22 : memref<!tpu.dma_semaphore, #tpu.memory_space<semaphore_mem>>) {add = true}
      %ge3A_232 = arith.constant 4 : i32
      %ge3A_233 = arith.cmpi sge, %add3A_205, %ge3A_232 : i32
      %convert_element_type3A_234 = arith.extui %ge3A_233 : i1 to i32
      %cond3A_235 = arith.constant 0 : i32
      %cond3A_236 = arith.cmpi ne, %convert_element_type3A_234, %cond3A_235 : i32
      scf.if %cond3A_236 {
        %dma_wait3A_442 = arith.constant 6 : i32
        %dma_wait3A_443 = arith.constant 0 : i32
        %dma_wait3A_444 = arith.constant 0 : i32
        %dma_wait3A_445 = tpu.memref_slice %arg11[%dma_wait3A_442, %dma_wait3A_443, %dma_wait3A_444] : memref<8x128x32xf32, #tpu.memory_space<vmem>> -> memref<1x128x32xf32, #tpu.memory_space<vmem>>
        %dma_wait3A_446 = tpu.memref_squeeze %dma_wait3A_445 : memref<1x128x32xf32, #tpu.memory_space<vmem>> -> memref<128x32xf32, #tpu.memory_space<vmem>>
        %dma_wait3A_447 = arith.constant 0 : i32
        %dma_wait3A_448 = arith.constant 0 : i32
        %dma_wait3A_449 = tpu.memref_slice %arg2[%dma_wait3A_447, %dma_wait3A_448] : memref<10240x32xf32, #tpu.memory_space<hbm>> -> memref<128x32xf32, #tpu.memory_space<hbm>>
        %dma_wait3A_450 = arith.constant 0 : i32
        %dma_wait3A_451 = arith.constant 0 : i32
        %dma_wait3A_452 = tpu.memref_slice %arg11[%dma_wait3A_442, %dma_wait3A_450, %dma_wait3A_451] : memref<8x128x32xf32, #tpu.memory_space<vmem>> -> memref<1x128x32xf32, #tpu.memory_space<vmem>>
        %dma_wait3A_453 = tpu.memref_squeeze %dma_wait3A_452 : memref<1x128x32xf32, #tpu.memory_space<vmem>> -> memref<128x32xf32, #tpu.memory_space<vmem>>
        %dma_wait3A_454 = arith.constant 0 : i32
        %dma_wait3A_455 = arith.constant 0 : i32
        %dma_wait3A_456 = tpu.memref_slice %arg2[%dma_wait3A_454, %dma_wait3A_455] : memref<10240x32xf32, #tpu.memory_space<hbm>> -> memref<128x32xf32, #tpu.memory_space<hbm>>
        tpu.wait_dma2 semaphore(%arg26 : memref<!tpu.dma_semaphore, #tpu.memory_space<semaphore_mem>>) src(%dma_wait3A_456 : memref<128x32xf32, #tpu.memory_space<hbm>>) dst(%dma_wait3A_453 : memref<128x32xf32, #tpu.memory_space<vmem>>)
      } else {
      }
      %lt3A_237 = arith.constant 76 : i32
      %lt3A_238 = arith.cmpi slt, %add3A_205, %lt3A_237 : i32
      %convert_element_type3A_239 = arith.extui %lt3A_238 : i1 to i32
      %cond3A_240 = arith.constant 0 : i32
      %cond3A_241 = arith.cmpi ne, %convert_element_type3A_239, %cond3A_240 : i32
      scf.if %cond3A_241 {
        %add3A_442 = arith.constant 4 : i32
        %add3A_443 = arith.addi %add3A_205, %add3A_442 : i32
        %dma_start3A_444 = arith.constant 6 : i32
        %dma_start3A_445 = arith.constant 0 : i32
        %dma_start3A_446 = arith.constant 0 : i32
        %dma_start3A_447 = tpu.memref_slice %arg11[%dma_start3A_444, %dma_start3A_445, %dma_start3A_446] : memref<8x128x32xf32, #tpu.memory_space<vmem>> -> memref<1x128x32xf32, #tpu.memory_space<vmem>>
        %dma_start3A_448 = tpu.memref_squeeze %dma_start3A_447 : memref<1x128x32xf32, #tpu.memory_space<vmem>> -> memref<128x32xf32, #tpu.memory_space<vmem>>
        %dma_start3A_449 = arith.constant 0 : i32
        %dma_start3A_450 = tpu.memref_slice %arg9[%add3A_443, %dma_start3A_449] : memref<80x128xi32, #tpu.memory_space<vmem>> -> memref<1x128xi32, #tpu.memory_space<vmem>>
        %dma_start3A_451 = tpu.memref_squeeze %dma_start3A_450 : memref<1x128xi32, #tpu.memory_space<vmem>> -> memref<128xi32, #tpu.memory_space<vmem>>
        %dma_start3A_452 = arith.constant 0 : i32
        %dma_start3A_453 = arith.constant 0 : i32
        %dma_start3A_454 = tpu.memref_slice %arg8[%dma_start3A_452, %dma_start3A_453] : memref<10240x32xf32, #tpu.memory_space<vmem_shared>> -> memref<10240x32xf32, #tpu.memory_space<vmem_shared>>
        tpu.enqueue_indirect_dma source(%dma_start3A_454 : memref<10240x32xf32, #tpu.memory_space<vmem_shared>>) target(%dma_start3A_448 : memref<128x32xf32, #tpu.memory_space<vmem>>) offsets(%dma_start3A_451 : memref<128xi32, #tpu.memory_space<vmem>>) semaphore(%arg18 : memref<!tpu.dma_semaphore, #tpu.memory_space<semaphore_mem>>)
      } else {
      }
      %mul3A_242 = arith.constant 8 : i32
      %mul3A_243 = arith.muli %scan3A_125, %mul3A_242 : i32
      %add3A_244 = arith.constant 3 : i32
      %add3A_245 = arith.addi %mul3A_243, %add3A_244 : i32
      %dma_wait3A_246 = arith.constant 3 : i32
      %dma_wait3A_247 = arith.constant 0 : i32
      %dma_wait3A_248 = arith.constant 0 : i32
      %dma_wait3A_249 = tpu.memref_slice %arg11[%dma_wait3A_246, %dma_wait3A_247, %dma_wait3A_248] : memref<8x128x32xf32, #tpu.memory_space<vmem>> -> memref<1x128x32xf32, #tpu.memory_space<vmem>>
      %dma_wait3A_250 = tpu.memref_squeeze %dma_wait3A_249 : memref<1x128x32xf32, #tpu.memory_space<vmem>> -> memref<128x32xf32, #tpu.memory_space<vmem>>
      %dma_wait3A_251 = arith.constant 0 : i32
      %dma_wait3A_252 = arith.constant 0 : i32
      %dma_wait3A_253 = tpu.memref_slice %arg2[%dma_wait3A_251, %dma_wait3A_252] : memref<10240x32xf32, #tpu.memory_space<hbm>> -> memref<128x32xf32, #tpu.memory_space<hbm>>
      %dma_wait3A_254 = arith.constant 0 : i32
      %dma_wait3A_255 = arith.constant 0 : i32
      %dma_wait3A_256 = tpu.memref_slice %arg11[%dma_wait3A_246, %dma_wait3A_254, %dma_wait3A_255] : memref<8x128x32xf32, #tpu.memory_space<vmem>> -> memref<1x128x32xf32, #tpu.memory_space<vmem>>
      %dma_wait3A_257 = tpu.memref_squeeze %dma_wait3A_256 : memref<1x128x32xf32, #tpu.memory_space<vmem>> -> memref<128x32xf32, #tpu.memory_space<vmem>>
      %dma_wait3A_258 = arith.constant 0 : i32
      %dma_wait3A_259 = arith.constant 0 : i32
      %dma_wait3A_260 = tpu.memref_slice %arg2[%dma_wait3A_258, %dma_wait3A_259] : memref<10240x32xf32, #tpu.memory_space<hbm>> -> memref<128x32xf32, #tpu.memory_space<hbm>>
      tpu.wait_dma2 semaphore(%arg15 : memref<!tpu.dma_semaphore, #tpu.memory_space<semaphore_mem>>) src(%dma_wait3A_260 : memref<128x32xf32, #tpu.memory_space<hbm>>) dst(%dma_wait3A_257 : memref<128x32xf32, #tpu.memory_space<vmem>>)
      %dma_start3A_261 = arith.constant 3 : i32
      %dma_start3A_262 = arith.constant 0 : i32
      %dma_start3A_263 = arith.constant 0 : i32
      %dma_start3A_264 = tpu.memref_slice %arg11[%dma_start3A_261, %dma_start3A_262, %dma_start3A_263] : memref<8x128x32xf32, #tpu.memory_space<vmem>> -> memref<1x128x32xf32, #tpu.memory_space<vmem>>
      %dma_start3A_265 = tpu.memref_squeeze %dma_start3A_264 : memref<1x128x32xf32, #tpu.memory_space<vmem>> -> memref<128x32xf32, #tpu.memory_space<vmem>>
      %dma_start3A_266 = arith.constant 0 : i32
      %dma_start3A_267 = tpu.memref_slice %arg10[%add3A_245, %dma_start3A_266] : memref<80x128xi32, #tpu.memory_space<vmem>> -> memref<1x128xi32, #tpu.memory_space<vmem>>
      %dma_start3A_268 = tpu.memref_squeeze %dma_start3A_267 : memref<1x128xi32, #tpu.memory_space<vmem>> -> memref<128xi32, #tpu.memory_space<vmem>>
      %dma_start3A_269 = arith.constant 0 : i32
      %dma_start3A_270 = arith.constant 0 : i32
      %dma_start3A_271 = tpu.memref_slice %arg7[%dma_start3A_269, %dma_start3A_270] : memref<10240x32xf32, #tpu.memory_space<vmem_shared>> -> memref<10240x32xf32, #tpu.memory_space<vmem_shared>>
      tpu.enqueue_indirect_dma source(%dma_start3A_265 : memref<128x32xf32, #tpu.memory_space<vmem>>) target(%dma_start3A_271 : memref<10240x32xf32, #tpu.memory_space<vmem_shared>>) offsets(%dma_start3A_268 : memref<128xi32, #tpu.memory_space<vmem>>) semaphore(%arg23 : memref<!tpu.dma_semaphore, #tpu.memory_space<semaphore_mem>>) {add = true}
      %ge3A_272 = arith.constant 4 : i32
      %ge3A_273 = arith.cmpi sge, %add3A_245, %ge3A_272 : i32
      %convert_element_type3A_274 = arith.extui %ge3A_273 : i1 to i32
      %cond3A_275 = arith.constant 0 : i32
      %cond3A_276 = arith.cmpi ne, %convert_element_type3A_274, %cond3A_275 : i32
      scf.if %cond3A_276 {
        %dma_wait3A_442 = arith.constant 7 : i32
        %dma_wait3A_443 = arith.constant 0 : i32
        %dma_wait3A_444 = arith.constant 0 : i32
        %dma_wait3A_445 = tpu.memref_slice %arg11[%dma_wait3A_442, %dma_wait3A_443, %dma_wait3A_444] : memref<8x128x32xf32, #tpu.memory_space<vmem>> -> memref<1x128x32xf32, #tpu.memory_space<vmem>>
        %dma_wait3A_446 = tpu.memref_squeeze %dma_wait3A_445 : memref<1x128x32xf32, #tpu.memory_space<vmem>> -> memref<128x32xf32, #tpu.memory_space<vmem>>
        %dma_wait3A_447 = arith.constant 0 : i32
        %dma_wait3A_448 = arith.constant 0 : i32
        %dma_wait3A_449 = tpu.memref_slice %arg2[%dma_wait3A_447, %dma_wait3A_448] : memref<10240x32xf32, #tpu.memory_space<hbm>> -> memref<128x32xf32, #tpu.memory_space<hbm>>
        %dma_wait3A_450 = arith.constant 0 : i32
        %dma_wait3A_451 = arith.constant 0 : i32
        %dma_wait3A_452 = tpu.memref_slice %arg11[%dma_wait3A_442, %dma_wait3A_450, %dma_wait3A_451] : memref<8x128x32xf32, #tpu.memory_space<vmem>> -> memref<1x128x32xf32, #tpu.memory_space<vmem>>
        %dma_wait3A_453 = tpu.memref_squeeze %dma_wait3A_452 : memref<1x128x32xf32, #tpu.memory_space<vmem>> -> memref<128x32xf32, #tpu.memory_space<vmem>>
        %dma_wait3A_454 = arith.constant 0 : i32
        %dma_wait3A_455 = arith.constant 0 : i32
        %dma_wait3A_456 = tpu.memref_slice %arg2[%dma_wait3A_454, %dma_wait3A_455] : memref<10240x32xf32, #tpu.memory_space<hbm>> -> memref<128x32xf32, #tpu.memory_space<hbm>>
        tpu.wait_dma2 semaphore(%arg27 : memref<!tpu.dma_semaphore, #tpu.memory_space<semaphore_mem>>) src(%dma_wait3A_456 : memref<128x32xf32, #tpu.memory_space<hbm>>) dst(%dma_wait3A_453 : memref<128x32xf32, #tpu.memory_space<vmem>>)
      } else {
      }
      %lt3A_277 = arith.constant 76 : i32
      %lt3A_278 = arith.cmpi slt, %add3A_245, %lt3A_277 : i32
      %convert_element_type3A_279 = arith.extui %lt3A_278 : i1 to i32
      %cond3A_280 = arith.constant 0 : i32
      %cond3A_281 = arith.cmpi ne, %convert_element_type3A_279, %cond3A_280 : i32
      scf.if %cond3A_281 {
        %add3A_442 = arith.constant 4 : i32
        %add3A_443 = arith.addi %add3A_245, %add3A_442 : i32
        %dma_start3A_444 = arith.constant 7 : i32
        %dma_start3A_445 = arith.constant 0 : i32
        %dma_start3A_446 = arith.constant 0 : i32
        %dma_start3A_447 = tpu.memref_slice %arg11[%dma_start3A_444, %dma_start3A_445, %dma_start3A_446] : memref<8x128x32xf32, #tpu.memory_space<vmem>> -> memref<1x128x32xf32, #tpu.memory_space<vmem>>
        %dma_start3A_448 = tpu.memref_squeeze %dma_start3A_447 : memref<1x128x32xf32, #tpu.memory_space<vmem>> -> memref<128x32xf32, #tpu.memory_space<vmem>>
        %dma_start3A_449 = arith.constant 0 : i32
        %dma_start3A_450 = tpu.memref_slice %arg9[%add3A_443, %dma_start3A_449] : memref<80x128xi32, #tpu.memory_space<vmem>> -> memref<1x128xi32, #tpu.memory_space<vmem>>
        %dma_start3A_451 = tpu.memref_squeeze %dma_start3A_450 : memref<1x128xi32, #tpu.memory_space<vmem>> -> memref<128xi32, #tpu.memory_space<vmem>>
        %dma_start3A_452 = arith.constant 0 : i32
        %dma_start3A_453 = arith.constant 0 : i32
        %dma_start3A_454 = tpu.memref_slice %arg8[%dma_start3A_452, %dma_start3A_453] : memref<10240x32xf32, #tpu.memory_space<vmem_shared>> -> memref<10240x32xf32, #tpu.memory_space<vmem_shared>>
        tpu.enqueue_indirect_dma source(%dma_start3A_454 : memref<10240x32xf32, #tpu.memory_space<vmem_shared>>) target(%dma_start3A_448 : memref<128x32xf32, #tpu.memory_space<vmem>>) offsets(%dma_start3A_451 : memref<128xi32, #tpu.memory_space<vmem>>) semaphore(%arg19 : memref<!tpu.dma_semaphore, #tpu.memory_space<semaphore_mem>>)
      } else {
      }
      %mul3A_282 = arith.constant 8 : i32
      %mul3A_283 = arith.muli %scan3A_125, %mul3A_282 : i32
      %add3A_284 = arith.constant 4 : i32
      %add3A_285 = arith.addi %mul3A_283, %add3A_284 : i32
      %dma_wait3A_286 = arith.constant 4 : i32
      %dma_wait3A_287 = arith.constant 0 : i32
      %dma_wait3A_288 = arith.constant 0 : i32
      %dma_wait3A_289 = tpu.memref_slice %arg11[%dma_wait3A_286, %dma_wait3A_287, %dma_wait3A_288] : memref<8x128x32xf32, #tpu.memory_space<vmem>> -> memref<1x128x32xf32, #tpu.memory_space<vmem>>
      %dma_wait3A_290 = tpu.memref_squeeze %dma_wait3A_289 : memref<1x128x32xf32, #tpu.memory_space<vmem>> -> memref<128x32xf32, #tpu.memory_space<vmem>>
      %dma_wait3A_291 = arith.constant 0 : i32
      %dma_wait3A_292 = arith.constant 0 : i32
      %dma_wait3A_293 = tpu.memref_slice %arg2[%dma_wait3A_291, %dma_wait3A_292] : memref<10240x32xf32, #tpu.memory_space<hbm>> -> memref<128x32xf32, #tpu.memory_space<hbm>>
      %dma_wait3A_294 = arith.constant 0 : i32
      %dma_wait3A_295 = arith.constant 0 : i32
      %dma_wait3A_296 = tpu.memref_slice %arg11[%dma_wait3A_286, %dma_wait3A_294, %dma_wait3A_295] : memref<8x128x32xf32, #tpu.memory_space<vmem>> -> memref<1x128x32xf32, #tpu.memory_space<vmem>>
      %dma_wait3A_297 = tpu.memref_squeeze %dma_wait3A_296 : memref<1x128x32xf32, #tpu.memory_space<vmem>> -> memref<128x32xf32, #tpu.memory_space<vmem>>
      %dma_wait3A_298 = arith.constant 0 : i32
      %dma_wait3A_299 = arith.constant 0 : i32
      %dma_wait3A_300 = tpu.memref_slice %arg2[%dma_wait3A_298, %dma_wait3A_299] : memref<10240x32xf32, #tpu.memory_space<hbm>> -> memref<128x32xf32, #tpu.memory_space<hbm>>
      tpu.wait_dma2 semaphore(%arg16 : memref<!tpu.dma_semaphore, #tpu.memory_space<semaphore_mem>>) src(%dma_wait3A_300 : memref<128x32xf32, #tpu.memory_space<hbm>>) dst(%dma_wait3A_297 : memref<128x32xf32, #tpu.memory_space<vmem>>)
      %dma_start3A_301 = arith.constant 4 : i32
      %dma_start3A_302 = arith.constant 0 : i32
      %dma_start3A_303 = arith.constant 0 : i32
      %dma_start3A_304 = tpu.memref_slice %arg11[%dma_start3A_301, %dma_start3A_302, %dma_start3A_303] : memref<8x128x32xf32, #tpu.memory_space<vmem>> -> memref<1x128x32xf32, #tpu.memory_space<vmem>>
      %dma_start3A_305 = tpu.memref_squeeze %dma_start3A_304 : memref<1x128x32xf32, #tpu.memory_space<vmem>> -> memref<128x32xf32, #tpu.memory_space<vmem>>
      %dma_start3A_306 = arith.constant 0 : i32
      %dma_start3A_307 = tpu.memref_slice %arg10[%add3A_285, %dma_start3A_306] : memref<80x128xi32, #tpu.memory_space<vmem>> -> memref<1x128xi32, #tpu.memory_space<vmem>>
      %dma_start3A_308 = tpu.memref_squeeze %dma_start3A_307 : memref<1x128xi32, #tpu.memory_space<vmem>> -> memref<128xi32, #tpu.memory_space<vmem>>
      %dma_start3A_309 = arith.constant 0 : i32
      %dma_start3A_310 = arith.constant 0 : i32
      %dma_start3A_311 = tpu.memref_slice %arg7[%dma_start3A_309, %dma_start3A_310] : memref<10240x32xf32, #tpu.memory_space<vmem_shared>> -> memref<10240x32xf32, #tpu.memory_space<vmem_shared>>
      tpu.enqueue_indirect_dma source(%dma_start3A_305 : memref<128x32xf32, #tpu.memory_space<vmem>>) target(%dma_start3A_311 : memref<10240x32xf32, #tpu.memory_space<vmem_shared>>) offsets(%dma_start3A_308 : memref<128xi32, #tpu.memory_space<vmem>>) semaphore(%arg24 : memref<!tpu.dma_semaphore, #tpu.memory_space<semaphore_mem>>) {add = true}
      %ge3A_312 = arith.constant 4 : i32
      %ge3A_313 = arith.cmpi sge, %add3A_285, %ge3A_312 : i32
      %convert_element_type3A_314 = arith.extui %ge3A_313 : i1 to i32
      %cond3A_315 = arith.constant 0 : i32
      %cond3A_316 = arith.cmpi ne, %convert_element_type3A_314, %cond3A_315 : i32
      scf.if %cond3A_316 {
        %dma_wait3A_442 = arith.constant 0 : i32
        %dma_wait3A_443 = arith.constant 0 : i32
        %dma_wait3A_444 = arith.constant 0 : i32
        %dma_wait3A_445 = tpu.memref_slice %arg11[%dma_wait3A_442, %dma_wait3A_443, %dma_wait3A_444] : memref<8x128x32xf32, #tpu.memory_space<vmem>> -> memref<1x128x32xf32, #tpu.memory_space<vmem>>
        %dma_wait3A_446 = tpu.memref_squeeze %dma_wait3A_445 : memref<1x128x32xf32, #tpu.memory_space<vmem>> -> memref<128x32xf32, #tpu.memory_space<vmem>>
        %dma_wait3A_447 = arith.constant 0 : i32
        %dma_wait3A_448 = arith.constant 0 : i32
        %dma_wait3A_449 = tpu.memref_slice %arg2[%dma_wait3A_447, %dma_wait3A_448] : memref<10240x32xf32, #tpu.memory_space<hbm>> -> memref<128x32xf32, #tpu.memory_space<hbm>>
        %dma_wait3A_450 = arith.constant 0 : i32
        %dma_wait3A_451 = arith.constant 0 : i32
        %dma_wait3A_452 = tpu.memref_slice %arg11[%dma_wait3A_442, %dma_wait3A_450, %dma_wait3A_451] : memref<8x128x32xf32, #tpu.memory_space<vmem>> -> memref<1x128x32xf32, #tpu.memory_space<vmem>>
        %dma_wait3A_453 = tpu.memref_squeeze %dma_wait3A_452 : memref<1x128x32xf32, #tpu.memory_space<vmem>> -> memref<128x32xf32, #tpu.memory_space<vmem>>
        %dma_wait3A_454 = arith.constant 0 : i32
        %dma_wait3A_455 = arith.constant 0 : i32
        %dma_wait3A_456 = tpu.memref_slice %arg2[%dma_wait3A_454, %dma_wait3A_455] : memref<10240x32xf32, #tpu.memory_space<hbm>> -> memref<128x32xf32, #tpu.memory_space<hbm>>
        tpu.wait_dma2 semaphore(%arg20 : memref<!tpu.dma_semaphore, #tpu.memory_space<semaphore_mem>>) src(%dma_wait3A_456 : memref<128x32xf32, #tpu.memory_space<hbm>>) dst(%dma_wait3A_453 : memref<128x32xf32, #tpu.memory_space<vmem>>)
      } else {
      }
      %lt3A_317 = arith.constant 76 : i32
      %lt3A_318 = arith.cmpi slt, %add3A_285, %lt3A_317 : i32
      %convert_element_type3A_319 = arith.extui %lt3A_318 : i1 to i32
      %cond3A_320 = arith.constant 0 : i32
      %cond3A_321 = arith.cmpi ne, %convert_element_type3A_319, %cond3A_320 : i32
      scf.if %cond3A_321 {
        %add3A_442 = arith.constant 4 : i32
        %add3A_443 = arith.addi %add3A_285, %add3A_442 : i32
        %dma_start3A_444 = arith.constant 0 : i32
        %dma_start3A_445 = arith.constant 0 : i32
        %dma_start3A_446 = arith.constant 0 : i32
        %dma_start3A_447 = tpu.memref_slice %arg11[%dma_start3A_444, %dma_start3A_445, %dma_start3A_446] : memref<8x128x32xf32, #tpu.memory_space<vmem>> -> memref<1x128x32xf32, #tpu.memory_space<vmem>>
        %dma_start3A_448 = tpu.memref_squeeze %dma_start3A_447 : memref<1x128x32xf32, #tpu.memory_space<vmem>> -> memref<128x32xf32, #tpu.memory_space<vmem>>
        %dma_start3A_449 = arith.constant 0 : i32
        %dma_start3A_450 = tpu.memref_slice %arg9[%add3A_443, %dma_start3A_449] : memref<80x128xi32, #tpu.memory_space<vmem>> -> memref<1x128xi32, #tpu.memory_space<vmem>>
        %dma_start3A_451 = tpu.memref_squeeze %dma_start3A_450 : memref<1x128xi32, #tpu.memory_space<vmem>> -> memref<128xi32, #tpu.memory_space<vmem>>
        %dma_start3A_452 = arith.constant 0 : i32
        %dma_start3A_453 = arith.constant 0 : i32
        %dma_start3A_454 = tpu.memref_slice %arg8[%dma_start3A_452, %dma_start3A_453] : memref<10240x32xf32, #tpu.memory_space<vmem_shared>> -> memref<10240x32xf32, #tpu.memory_space<vmem_shared>>
        tpu.enqueue_indirect_dma source(%dma_start3A_454 : memref<10240x32xf32, #tpu.memory_space<vmem_shared>>) target(%dma_start3A_448 : memref<128x32xf32, #tpu.memory_space<vmem>>) offsets(%dma_start3A_451 : memref<128xi32, #tpu.memory_space<vmem>>) semaphore(%arg12 : memref<!tpu.dma_semaphore, #tpu.memory_space<semaphore_mem>>)
      } else {
      }
      %mul3A_322 = arith.constant 8 : i32
      %mul3A_323 = arith.muli %scan3A_125, %mul3A_322 : i32
      %add3A_324 = arith.constant 5 : i32
      %add3A_325 = arith.addi %mul3A_323, %add3A_324 : i32
      %dma_wait3A_326 = arith.constant 5 : i32
      %dma_wait3A_327 = arith.constant 0 : i32
      %dma_wait3A_328 = arith.constant 0 : i32
      %dma_wait3A_329 = tpu.memref_slice %arg11[%dma_wait3A_326, %dma_wait3A_327, %dma_wait3A_328] : memref<8x128x32xf32, #tpu.memory_space<vmem>> -> memref<1x128x32xf32, #tpu.memory_space<vmem>>
      %dma_wait3A_330 = tpu.memref_squeeze %dma_wait3A_329 : memref<1x128x32xf32, #tpu.memory_space<vmem>> -> memref<128x32xf32, #tpu.memory_space<vmem>>
      %dma_wait3A_331 = arith.constant 0 : i32
      %dma_wait3A_332 = arith.constant 0 : i32
      %dma_wait3A_333 = tpu.memref_slice %arg2[%dma_wait3A_331, %dma_wait3A_332] : memref<10240x32xf32, #tpu.memory_space<hbm>> -> memref<128x32xf32, #tpu.memory_space<hbm>>
      %dma_wait3A_334 = arith.constant 0 : i32
      %dma_wait3A_335 = arith.constant 0 : i32
      %dma_wait3A_336 = tpu.memref_slice %arg11[%dma_wait3A_326, %dma_wait3A_334, %dma_wait3A_335] : memref<8x128x32xf32, #tpu.memory_space<vmem>> -> memref<1x128x32xf32, #tpu.memory_space<vmem>>
      %dma_wait3A_337 = tpu.memref_squeeze %dma_wait3A_336 : memref<1x128x32xf32, #tpu.memory_space<vmem>> -> memref<128x32xf32, #tpu.memory_space<vmem>>
      %dma_wait3A_338 = arith.constant 0 : i32
      %dma_wait3A_339 = arith.constant 0 : i32
      %dma_wait3A_340 = tpu.memref_slice %arg2[%dma_wait3A_338, %dma_wait3A_339] : memref<10240x32xf32, #tpu.memory_space<hbm>> -> memref<128x32xf32, #tpu.memory_space<hbm>>
      tpu.wait_dma2 semaphore(%arg17 : memref<!tpu.dma_semaphore, #tpu.memory_space<semaphore_mem>>) src(%dma_wait3A_340 : memref<128x32xf32, #tpu.memory_space<hbm>>) dst(%dma_wait3A_337 : memref<128x32xf32, #tpu.memory_space<vmem>>)
      %dma_start3A_341 = arith.constant 5 : i32
      %dma_start3A_342 = arith.constant 0 : i32
      %dma_start3A_343 = arith.constant 0 : i32
      %dma_start3A_344 = tpu.memref_slice %arg11[%dma_start3A_341, %dma_start3A_342, %dma_start3A_343] : memref<8x128x32xf32, #tpu.memory_space<vmem>> -> memref<1x128x32xf32, #tpu.memory_space<vmem>>
      %dma_start3A_345 = tpu.memref_squeeze %dma_start3A_344 : memref<1x128x32xf32, #tpu.memory_space<vmem>> -> memref<128x32xf32, #tpu.memory_space<vmem>>
      %dma_start3A_346 = arith.constant 0 : i32
      %dma_start3A_347 = tpu.memref_slice %arg10[%add3A_325, %dma_start3A_346] : memref<80x128xi32, #tpu.memory_space<vmem>> -> memref<1x128xi32, #tpu.memory_space<vmem>>
      %dma_start3A_348 = tpu.memref_squeeze %dma_start3A_347 : memref<1x128xi32, #tpu.memory_space<vmem>> -> memref<128xi32, #tpu.memory_space<vmem>>
      %dma_start3A_349 = arith.constant 0 : i32
      %dma_start3A_350 = arith.constant 0 : i32
      %dma_start3A_351 = tpu.memref_slice %arg7[%dma_start3A_349, %dma_start3A_350] : memref<10240x32xf32, #tpu.memory_space<vmem_shared>> -> memref<10240x32xf32, #tpu.memory_space<vmem_shared>>
      tpu.enqueue_indirect_dma source(%dma_start3A_345 : memref<128x32xf32, #tpu.memory_space<vmem>>) target(%dma_start3A_351 : memref<10240x32xf32, #tpu.memory_space<vmem_shared>>) offsets(%dma_start3A_348 : memref<128xi32, #tpu.memory_space<vmem>>) semaphore(%arg25 : memref<!tpu.dma_semaphore, #tpu.memory_space<semaphore_mem>>) {add = true}
      %ge3A_352 = arith.constant 4 : i32
      %ge3A_353 = arith.cmpi sge, %add3A_325, %ge3A_352 : i32
      %convert_element_type3A_354 = arith.extui %ge3A_353 : i1 to i32
      %cond3A_355 = arith.constant 0 : i32
      %cond3A_356 = arith.cmpi ne, %convert_element_type3A_354, %cond3A_355 : i32
      scf.if %cond3A_356 {
        %dma_wait3A_442 = arith.constant 1 : i32
        %dma_wait3A_443 = arith.constant 0 : i32
        %dma_wait3A_444 = arith.constant 0 : i32
        %dma_wait3A_445 = tpu.memref_slice %arg11[%dma_wait3A_442, %dma_wait3A_443, %dma_wait3A_444] : memref<8x128x32xf32, #tpu.memory_space<vmem>> -> memref<1x128x32xf32, #tpu.memory_space<vmem>>
        %dma_wait3A_446 = tpu.memref_squeeze %dma_wait3A_445 : memref<1x128x32xf32, #tpu.memory_space<vmem>> -> memref<128x32xf32, #tpu.memory_space<vmem>>
        %dma_wait3A_447 = arith.constant 0 : i32
        %dma_wait3A_448 = arith.constant 0 : i32
        %dma_wait3A_449 = tpu.memref_slice %arg2[%dma_wait3A_447, %dma_wait3A_448] : memref<10240x32xf32, #tpu.memory_space<hbm>> -> memref<128x32xf32, #tpu.memory_space<hbm>>
        %dma_wait3A_450 = arith.constant 0 : i32
        %dma_wait3A_451 = arith.constant 0 : i32
        %dma_wait3A_452 = tpu.memref_slice %arg11[%dma_wait3A_442, %dma_wait3A_450, %dma_wait3A_451] : memref<8x128x32xf32, #tpu.memory_space<vmem>> -> memref<1x128x32xf32, #tpu.memory_space<vmem>>
        %dma_wait3A_453 = tpu.memref_squeeze %dma_wait3A_452 : memref<1x128x32xf32, #tpu.memory_space<vmem>> -> memref<128x32xf32, #tpu.memory_space<vmem>>
        %dma_wait3A_454 = arith.constant 0 : i32
        %dma_wait3A_455 = arith.constant 0 : i32
        %dma_wait3A_456 = tpu.memref_slice %arg2[%dma_wait3A_454, %dma_wait3A_455] : memref<10240x32xf32, #tpu.memory_space<hbm>> -> memref<128x32xf32, #tpu.memory_space<hbm>>
        tpu.wait_dma2 semaphore(%arg21 : memref<!tpu.dma_semaphore, #tpu.memory_space<semaphore_mem>>) src(%dma_wait3A_456 : memref<128x32xf32, #tpu.memory_space<hbm>>) dst(%dma_wait3A_453 : memref<128x32xf32, #tpu.memory_space<vmem>>)
      } else {
      }
      %lt3A_357 = arith.constant 76 : i32
      %lt3A_358 = arith.cmpi slt, %add3A_325, %lt3A_357 : i32
      %convert_element_type3A_359 = arith.extui %lt3A_358 : i1 to i32
      %cond3A_360 = arith.constant 0 : i32
      %cond3A_361 = arith.cmpi ne, %convert_element_type3A_359, %cond3A_360 : i32
      scf.if %cond3A_361 {
        %add3A_442 = arith.constant 4 : i32
        %add3A_443 = arith.addi %add3A_325, %add3A_442 : i32
        %dma_start3A_444 = arith.constant 1 : i32
        %dma_start3A_445 = arith.constant 0 : i32
        %dma_start3A_446 = arith.constant 0 : i32
        %dma_start3A_447 = tpu.memref_slice %arg11[%dma_start3A_444, %dma_start3A_445, %dma_start3A_446] : memref<8x128x32xf32, #tpu.memory_space<vmem>> -> memref<1x128x32xf32, #tpu.memory_space<vmem>>
        %dma_start3A_448 = tpu.memref_squeeze %dma_start3A_447 : memref<1x128x32xf32, #tpu.memory_space<vmem>> -> memref<128x32xf32, #tpu.memory_space<vmem>>
        %dma_start3A_449 = arith.constant 0 : i32
        %dma_start3A_450 = tpu.memref_slice %arg9[%add3A_443, %dma_start3A_449] : memref<80x128xi32, #tpu.memory_space<vmem>> -> memref<1x128xi32, #tpu.memory_space<vmem>>
        %dma_start3A_451 = tpu.memref_squeeze %dma_start3A_450 : memref<1x128xi32, #tpu.memory_space<vmem>> -> memref<128xi32, #tpu.memory_space<vmem>>
        %dma_start3A_452 = arith.constant 0 : i32
        %dma_start3A_453 = arith.constant 0 : i32
        %dma_start3A_454 = tpu.memref_slice %arg8[%dma_start3A_452, %dma_start3A_453] : memref<10240x32xf32, #tpu.memory_space<vmem_shared>> -> memref<10240x32xf32, #tpu.memory_space<vmem_shared>>
        tpu.enqueue_indirect_dma source(%dma_start3A_454 : memref<10240x32xf32, #tpu.memory_space<vmem_shared>>) target(%dma_start3A_448 : memref<128x32xf32, #tpu.memory_space<vmem>>) offsets(%dma_start3A_451 : memref<128xi32, #tpu.memory_space<vmem>>) semaphore(%arg13 : memref<!tpu.dma_semaphore, #tpu.memory_space<semaphore_mem>>)
      } else {
      }
      %mul3A_362 = arith.constant 8 : i32
      %mul3A_363 = arith.muli %scan3A_125, %mul3A_362 : i32
      %add3A_364 = arith.constant 6 : i32
      %add3A_365 = arith.addi %mul3A_363, %add3A_364 : i32
      %dma_wait3A_366 = arith.constant 6 : i32
      %dma_wait3A_367 = arith.constant 0 : i32
      %dma_wait3A_368 = arith.constant 0 : i32
      %dma_wait3A_369 = tpu.memref_slice %arg11[%dma_wait3A_366, %dma_wait3A_367, %dma_wait3A_368] : memref<8x128x32xf32, #tpu.memory_space<vmem>> -> memref<1x128x32xf32, #tpu.memory_space<vmem>>
      %dma_wait3A_370 = tpu.memref_squeeze %dma_wait3A_369 : memref<1x128x32xf32, #tpu.memory_space<vmem>> -> memref<128x32xf32, #tpu.memory_space<vmem>>
      %dma_wait3A_371 = arith.constant 0 : i32
      %dma_wait3A_372 = arith.constant 0 : i32
      %dma_wait3A_373 = tpu.memref_slice %arg2[%dma_wait3A_371, %dma_wait3A_372] : memref<10240x32xf32, #tpu.memory_space<hbm>> -> memref<128x32xf32, #tpu.memory_space<hbm>>
      %dma_wait3A_374 = arith.constant 0 : i32
      %dma_wait3A_375 = arith.constant 0 : i32
      %dma_wait3A_376 = tpu.memref_slice %arg11[%dma_wait3A_366, %dma_wait3A_374, %dma_wait3A_375] : memref<8x128x32xf32, #tpu.memory_space<vmem>> -> memref<1x128x32xf32, #tpu.memory_space<vmem>>
      %dma_wait3A_377 = tpu.memref_squeeze %dma_wait3A_376 : memref<1x128x32xf32, #tpu.memory_space<vmem>> -> memref<128x32xf32, #tpu.memory_space<vmem>>
      %dma_wait3A_378 = arith.constant 0 : i32
      %dma_wait3A_379 = arith.constant 0 : i32
      %dma_wait3A_380 = tpu.memref_slice %arg2[%dma_wait3A_378, %dma_wait3A_379] : memref<10240x32xf32, #tpu.memory_space<hbm>> -> memref<128x32xf32, #tpu.memory_space<hbm>>
      tpu.wait_dma2 semaphore(%arg18 : memref<!tpu.dma_semaphore, #tpu.memory_space<semaphore_mem>>) src(%dma_wait3A_380 : memref<128x32xf32, #tpu.memory_space<hbm>>) dst(%dma_wait3A_377 : memref<128x32xf32, #tpu.memory_space<vmem>>)
      %dma_start3A_381 = arith.constant 6 : i32
      %dma_start3A_382 = arith.constant 0 : i32
      %dma_start3A_383 = arith.constant 0 : i32
      %dma_start3A_384 = tpu.memref_slice %arg11[%dma_start3A_381, %dma_start3A_382, %dma_start3A_383] : memref<8x128x32xf32, #tpu.memory_space<vmem>> -> memref<1x128x32xf32, #tpu.memory_space<vmem>>
      %dma_start3A_385 = tpu.memref_squeeze %dma_start3A_384 : memref<1x128x32xf32, #tpu.memory_space<vmem>> -> memref<128x32xf32, #tpu.memory_space<vmem>>
      %dma_start3A_386 = arith.constant 0 : i32
      %dma_start3A_387 = tpu.memref_slice %arg10[%add3A_365, %dma_start3A_386] : memref<80x128xi32, #tpu.memory_space<vmem>> -> memref<1x128xi32, #tpu.memory_space<vmem>>
      %dma_start3A_388 = tpu.memref_squeeze %dma_start3A_387 : memref<1x128xi32, #tpu.memory_space<vmem>> -> memref<128xi32, #tpu.memory_space<vmem>>
      %dma_start3A_389 = arith.constant 0 : i32
      %dma_start3A_390 = arith.constant 0 : i32
      %dma_start3A_391 = tpu.memref_slice %arg7[%dma_start3A_389, %dma_start3A_390] : memref<10240x32xf32, #tpu.memory_space<vmem_shared>> -> memref<10240x32xf32, #tpu.memory_space<vmem_shared>>
      tpu.enqueue_indirect_dma source(%dma_start3A_385 : memref<128x32xf32, #tpu.memory_space<vmem>>) target(%dma_start3A_391 : memref<10240x32xf32, #tpu.memory_space<vmem_shared>>) offsets(%dma_start3A_388 : memref<128xi32, #tpu.memory_space<vmem>>) semaphore(%arg26 : memref<!tpu.dma_semaphore, #tpu.memory_space<semaphore_mem>>) {add = true}
      %ge3A_392 = arith.constant 4 : i32
      %ge3A_393 = arith.cmpi sge, %add3A_365, %ge3A_392 : i32
      %convert_element_type3A_394 = arith.extui %ge3A_393 : i1 to i32
      %cond3A_395 = arith.constant 0 : i32
      %cond3A_396 = arith.cmpi ne, %convert_element_type3A_394, %cond3A_395 : i32
      scf.if %cond3A_396 {
        %dma_wait3A_442 = arith.constant 2 : i32
        %dma_wait3A_443 = arith.constant 0 : i32
        %dma_wait3A_444 = arith.constant 0 : i32
        %dma_wait3A_445 = tpu.memref_slice %arg11[%dma_wait3A_442, %dma_wait3A_443, %dma_wait3A_444] : memref<8x128x32xf32, #tpu.memory_space<vmem>> -> memref<1x128x32xf32, #tpu.memory_space<vmem>>
        %dma_wait3A_446 = tpu.memref_squeeze %dma_wait3A_445 : memref<1x128x32xf32, #tpu.memory_space<vmem>> -> memref<128x32xf32, #tpu.memory_space<vmem>>
        %dma_wait3A_447 = arith.constant 0 : i32
        %dma_wait3A_448 = arith.constant 0 : i32
        %dma_wait3A_449 = tpu.memref_slice %arg2[%dma_wait3A_447, %dma_wait3A_448] : memref<10240x32xf32, #tpu.memory_space<hbm>> -> memref<128x32xf32, #tpu.memory_space<hbm>>
        %dma_wait3A_450 = arith.constant 0 : i32
        %dma_wait3A_451 = arith.constant 0 : i32
        %dma_wait3A_452 = tpu.memref_slice %arg11[%dma_wait3A_442, %dma_wait3A_450, %dma_wait3A_451] : memref<8x128x32xf32, #tpu.memory_space<vmem>> -> memref<1x128x32xf32, #tpu.memory_space<vmem>>
        %dma_wait3A_453 = tpu.memref_squeeze %dma_wait3A_452 : memref<1x128x32xf32, #tpu.memory_space<vmem>> -> memref<128x32xf32, #tpu.memory_space<vmem>>
        %dma_wait3A_454 = arith.constant 0 : i32
        %dma_wait3A_455 = arith.constant 0 : i32
        %dma_wait3A_456 = tpu.memref_slice %arg2[%dma_wait3A_454, %dma_wait3A_455] : memref<10240x32xf32, #tpu.memory_space<hbm>> -> memref<128x32xf32, #tpu.memory_space<hbm>>
        tpu.wait_dma2 semaphore(%arg22 : memref<!tpu.dma_semaphore, #tpu.memory_space<semaphore_mem>>) src(%dma_wait3A_456 : memref<128x32xf32, #tpu.memory_space<hbm>>) dst(%dma_wait3A_453 : memref<128x32xf32, #tpu.memory_space<vmem>>)
      } else {
      }
      %lt3A_397 = arith.constant 76 : i32
      %lt3A_398 = arith.cmpi slt, %add3A_365, %lt3A_397 : i32
      %convert_element_type3A_399 = arith.extui %lt3A_398 : i1 to i32
      %cond3A_400 = arith.constant 0 : i32
      %cond3A_401 = arith.cmpi ne, %convert_element_type3A_399, %cond3A_400 : i32
      scf.if %cond3A_401 {
        %add3A_442 = arith.constant 4 : i32
        %add3A_443 = arith.addi %add3A_365, %add3A_442 : i32
        %dma_start3A_444 = arith.constant 2 : i32
        %dma_start3A_445 = arith.constant 0 : i32
        %dma_start3A_446 = arith.constant 0 : i32
        %dma_start3A_447 = tpu.memref_slice %arg11[%dma_start3A_444, %dma_start3A_445, %dma_start3A_446] : memref<8x128x32xf32, #tpu.memory_space<vmem>> -> memref<1x128x32xf32, #tpu.memory_space<vmem>>
        %dma_start3A_448 = tpu.memref_squeeze %dma_start3A_447 : memref<1x128x32xf32, #tpu.memory_space<vmem>> -> memref<128x32xf32, #tpu.memory_space<vmem>>
        %dma_start3A_449 = arith.constant 0 : i32
        %dma_start3A_450 = tpu.memref_slice %arg9[%add3A_443, %dma_start3A_449] : memref<80x128xi32, #tpu.memory_space<vmem>> -> memref<1x128xi32, #tpu.memory_space<vmem>>
        %dma_start3A_451 = tpu.memref_squeeze %dma_start3A_450 : memref<1x128xi32, #tpu.memory_space<vmem>> -> memref<128xi32, #tpu.memory_space<vmem>>
        %dma_start3A_452 = arith.constant 0 : i32
        %dma_start3A_453 = arith.constant 0 : i32
        %dma_start3A_454 = tpu.memref_slice %arg8[%dma_start3A_452, %dma_start3A_453] : memref<10240x32xf32, #tpu.memory_space<vmem_shared>> -> memref<10240x32xf32, #tpu.memory_space<vmem_shared>>
        tpu.enqueue_indirect_dma source(%dma_start3A_454 : memref<10240x32xf32, #tpu.memory_space<vmem_shared>>) target(%dma_start3A_448 : memref<128x32xf32, #tpu.memory_space<vmem>>) offsets(%dma_start3A_451 : memref<128xi32, #tpu.memory_space<vmem>>) semaphore(%arg14 : memref<!tpu.dma_semaphore, #tpu.memory_space<semaphore_mem>>)
      } else {
      }
      %mul3A_402 = arith.constant 8 : i32
      %mul3A_403 = arith.muli %scan3A_125, %mul3A_402 : i32
      %add3A_404 = arith.constant 7 : i32
      %add3A_405 = arith.addi %mul3A_403, %add3A_404 : i32
      %dma_wait3A_406 = arith.constant 7 : i32
      %dma_wait3A_407 = arith.constant 0 : i32
      %dma_wait3A_408 = arith.constant 0 : i32
      %dma_wait3A_409 = tpu.memref_slice %arg11[%dma_wait3A_406, %dma_wait3A_407, %dma_wait3A_408] : memref<8x128x32xf32, #tpu.memory_space<vmem>> -> memref<1x128x32xf32, #tpu.memory_space<vmem>>
      %dma_wait3A_410 = tpu.memref_squeeze %dma_wait3A_409 : memref<1x128x32xf32, #tpu.memory_space<vmem>> -> memref<128x32xf32, #tpu.memory_space<vmem>>
      %dma_wait3A_411 = arith.constant 0 : i32
      %dma_wait3A_412 = arith.constant 0 : i32
      %dma_wait3A_413 = tpu.memref_slice %arg2[%dma_wait3A_411, %dma_wait3A_412] : memref<10240x32xf32, #tpu.memory_space<hbm>> -> memref<128x32xf32, #tpu.memory_space<hbm>>
      %dma_wait3A_414 = arith.constant 0 : i32
      %dma_wait3A_415 = arith.constant 0 : i32
      %dma_wait3A_416 = tpu.memref_slice %arg11[%dma_wait3A_406, %dma_wait3A_414, %dma_wait3A_415] : memref<8x128x32xf32, #tpu.memory_space<vmem>> -> memref<1x128x32xf32, #tpu.memory_space<vmem>>
      %dma_wait3A_417 = tpu.memref_squeeze %dma_wait3A_416 : memref<1x128x32xf32, #tpu.memory_space<vmem>> -> memref<128x32xf32, #tpu.memory_space<vmem>>
      %dma_wait3A_418 = arith.constant 0 : i32
      %dma_wait3A_419 = arith.constant 0 : i32
      %dma_wait3A_420 = tpu.memref_slice %arg2[%dma_wait3A_418, %dma_wait3A_419] : memref<10240x32xf32, #tpu.memory_space<hbm>> -> memref<128x32xf32, #tpu.memory_space<hbm>>
      tpu.wait_dma2 semaphore(%arg19 : memref<!tpu.dma_semaphore, #tpu.memory_space<semaphore_mem>>) src(%dma_wait3A_420 : memref<128x32xf32, #tpu.memory_space<hbm>>) dst(%dma_wait3A_417 : memref<128x32xf32, #tpu.memory_space<vmem>>)
      %dma_start3A_421 = arith.constant 7 : i32
      %dma_start3A_422 = arith.constant 0 : i32
      %dma_start3A_423 = arith.constant 0 : i32
      %dma_start3A_424 = tpu.memref_slice %arg11[%dma_start3A_421, %dma_start3A_422, %dma_start3A_423] : memref<8x128x32xf32, #tpu.memory_space<vmem>> -> memref<1x128x32xf32, #tpu.memory_space<vmem>>
      %dma_start3A_425 = tpu.memref_squeeze %dma_start3A_424 : memref<1x128x32xf32, #tpu.memory_space<vmem>> -> memref<128x32xf32, #tpu.memory_space<vmem>>
      %dma_start3A_426 = arith.constant 0 : i32
      %dma_start3A_427 = tpu.memref_slice %arg10[%add3A_405, %dma_start3A_426] : memref<80x128xi32, #tpu.memory_space<vmem>> -> memref<1x128xi32, #tpu.memory_space<vmem>>
      %dma_start3A_428 = tpu.memref_squeeze %dma_start3A_427 : memref<1x128xi32, #tpu.memory_space<vmem>> -> memref<128xi32, #tpu.memory_space<vmem>>
      %dma_start3A_429 = arith.constant 0 : i32
      %dma_start3A_430 = arith.constant 0 : i32
      %dma_start3A_431 = tpu.memref_slice %arg7[%dma_start3A_429, %dma_start3A_430] : memref<10240x32xf32, #tpu.memory_space<vmem_shared>> -> memref<10240x32xf32, #tpu.memory_space<vmem_shared>>
      tpu.enqueue_indirect_dma source(%dma_start3A_425 : memref<128x32xf32, #tpu.memory_space<vmem>>) target(%dma_start3A_431 : memref<10240x32xf32, #tpu.memory_space<vmem_shared>>) offsets(%dma_start3A_428 : memref<128xi32, #tpu.memory_space<vmem>>) semaphore(%arg27 : memref<!tpu.dma_semaphore, #tpu.memory_space<semaphore_mem>>) {add = true}
      %ge3A_432 = arith.constant 4 : i32
      %ge3A_433 = arith.cmpi sge, %add3A_405, %ge3A_432 : i32
      %convert_element_type3A_434 = arith.extui %ge3A_433 : i1 to i32
      %cond3A_435 = arith.constant 0 : i32
      %cond3A_436 = arith.cmpi ne, %convert_element_type3A_434, %cond3A_435 : i32
      scf.if %cond3A_436 {
        %dma_wait3A_442 = arith.constant 3 : i32
        %dma_wait3A_443 = arith.constant 0 : i32
        %dma_wait3A_444 = arith.constant 0 : i32
        %dma_wait3A_445 = tpu.memref_slice %arg11[%dma_wait3A_442, %dma_wait3A_443, %dma_wait3A_444] : memref<8x128x32xf32, #tpu.memory_space<vmem>> -> memref<1x128x32xf32, #tpu.memory_space<vmem>>
        %dma_wait3A_446 = tpu.memref_squeeze %dma_wait3A_445 : memref<1x128x32xf32, #tpu.memory_space<vmem>> -> memref<128x32xf32, #tpu.memory_space<vmem>>
        %dma_wait3A_447 = arith.constant 0 : i32
        %dma_wait3A_448 = arith.constant 0 : i32
        %dma_wait3A_449 = tpu.memref_slice %arg2[%dma_wait3A_447, %dma_wait3A_448] : memref<10240x32xf32, #tpu.memory_space<hbm>> -> memref<128x32xf32, #tpu.memory_space<hbm>>
        %dma_wait3A_450 = arith.constant 0 : i32
        %dma_wait3A_451 = arith.constant 0 : i32
        %dma_wait3A_452 = tpu.memref_slice %arg11[%dma_wait3A_442, %dma_wait3A_450, %dma_wait3A_451] : memref<8x128x32xf32, #tpu.memory_space<vmem>> -> memref<1x128x32xf32, #tpu.memory_space<vmem>>
        %dma_wait3A_453 = tpu.memref_squeeze %dma_wait3A_452 : memref<1x128x32xf32, #tpu.memory_space<vmem>> -> memref<128x32xf32, #tpu.memory_space<vmem>>
        %dma_wait3A_454 = arith.constant 0 : i32
        %dma_wait3A_455 = arith.constant 0 : i32
        %dma_wait3A_456 = tpu.memref_slice %arg2[%dma_wait3A_454, %dma_wait3A_455] : memref<10240x32xf32, #tpu.memory_space<hbm>> -> memref<128x32xf32, #tpu.memory_space<hbm>>
        tpu.wait_dma2 semaphore(%arg23 : memref<!tpu.dma_semaphore, #tpu.memory_space<semaphore_mem>>) src(%dma_wait3A_456 : memref<128x32xf32, #tpu.memory_space<hbm>>) dst(%dma_wait3A_453 : memref<128x32xf32, #tpu.memory_space<vmem>>)
      } else {
      }
      %lt3A_437 = arith.constant 76 : i32
      %lt3A_438 = arith.cmpi slt, %add3A_405, %lt3A_437 : i32
      %convert_element_type3A_439 = arith.extui %lt3A_438 : i1 to i32
      %cond3A_440 = arith.constant 0 : i32
      %cond3A_441 = arith.cmpi ne, %convert_element_type3A_439, %cond3A_440 : i32
      scf.if %cond3A_441 {
        %add3A_442 = arith.constant 4 : i32
        %add3A_443 = arith.addi %add3A_405, %add3A_442 : i32
        %dma_start3A_444 = arith.constant 3 : i32
        %dma_start3A_445 = arith.constant 0 : i32
        %dma_start3A_446 = arith.constant 0 : i32
        %dma_start3A_447 = tpu.memref_slice %arg11[%dma_start3A_444, %dma_start3A_445, %dma_start3A_446] : memref<8x128x32xf32, #tpu.memory_space<vmem>> -> memref<1x128x32xf32, #tpu.memory_space<vmem>>
        %dma_start3A_448 = tpu.memref_squeeze %dma_start3A_447 : memref<1x128x32xf32, #tpu.memory_space<vmem>> -> memref<128x32xf32, #tpu.memory_space<vmem>>
        %dma_start3A_449 = arith.constant 0 : i32
        %dma_start3A_450 = tpu.memref_slice %arg9[%add3A_443, %dma_start3A_449] : memref<80x128xi32, #tpu.memory_space<vmem>> -> memref<1x128xi32, #tpu.memory_space<vmem>>
        %dma_start3A_451 = tpu.memref_squeeze %dma_start3A_450 : memref<1x128xi32, #tpu.memory_space<vmem>> -> memref<128xi32, #tpu.memory_space<vmem>>
        %dma_start3A_452 = arith.constant 0 : i32
        %dma_start3A_453 = arith.constant 0 : i32
        %dma_start3A_454 = tpu.memref_slice %arg8[%dma_start3A_452, %dma_start3A_453] : memref<10240x32xf32, #tpu.memory_space<vmem_shared>> -> memref<10240x32xf32, #tpu.memory_space<vmem_shared>>
        tpu.enqueue_indirect_dma source(%dma_start3A_454 : memref<10240x32xf32, #tpu.memory_space<vmem_shared>>) target(%dma_start3A_448 : memref<128x32xf32, #tpu.memory_space<vmem>>) offsets(%dma_start3A_451 : memref<128xi32, #tpu.memory_space<vmem>>) semaphore(%arg15 : memref<!tpu.dma_semaphore, #tpu.memory_space<semaphore_mem>>)
      } else {
      }
    }
    %scan3A_60 = arith.constant 10 : i32
    %dma_wait3A = arith.constant 4 : i32
    %dma_wait3A_61 = arith.constant 0 : i32
    %dma_wait3A_62 = arith.constant 0 : i32
    %dma_wait3A_63 = tpu.memref_slice %arg11[%dma_wait3A, %dma_wait3A_61, %dma_wait3A_62] : memref<8x128x32xf32, #tpu.memory_space<vmem>> -> memref<1x128x32xf32, #tpu.memory_space<vmem>>
    %dma_wait3A_64 = tpu.memref_squeeze %dma_wait3A_63 : memref<1x128x32xf32, #tpu.memory_space<vmem>> -> memref<128x32xf32, #tpu.memory_space<vmem>>
    %dma_wait3A_65 = arith.constant 0 : i32
    %dma_wait3A_66 = arith.constant 0 : i32
    %dma_wait3A_67 = tpu.memref_slice %arg2[%dma_wait3A_65, %dma_wait3A_66] : memref<10240x32xf32, #tpu.memory_space<hbm>> -> memref<128x32xf32, #tpu.memory_space<hbm>>
    %dma_wait3A_68 = arith.constant 0 : i32
    %dma_wait3A_69 = arith.constant 0 : i32
    %dma_wait3A_70 = tpu.memref_slice %arg11[%dma_wait3A, %dma_wait3A_68, %dma_wait3A_69] : memref<8x128x32xf32, #tpu.memory_space<vmem>> -> memref<1x128x32xf32, #tpu.memory_space<vmem>>
    %dma_wait3A_71 = tpu.memref_squeeze %dma_wait3A_70 : memref<1x128x32xf32, #tpu.memory_space<vmem>> -> memref<128x32xf32, #tpu.memory_space<vmem>>
    %dma_wait3A_72 = arith.constant 0 : i32
    %dma_wait3A_73 = arith.constant 0 : i32
    %dma_wait3A_74 = tpu.memref_slice %arg2[%dma_wait3A_72, %dma_wait3A_73] : memref<10240x32xf32, #tpu.memory_space<hbm>> -> memref<128x32xf32, #tpu.memory_space<hbm>>
    tpu.wait_dma2 semaphore(%arg24 : memref<!tpu.dma_semaphore, #tpu.memory_space<semaphore_mem>>) src(%dma_wait3A_74 : memref<128x32xf32, #tpu.memory_space<hbm>>) dst(%dma_wait3A_71 : memref<128x32xf32, #tpu.memory_space<vmem>>)
    %dma_wait3A_75 = arith.constant 5 : i32
    %dma_wait3A_76 = arith.constant 0 : i32
    %dma_wait3A_77 = arith.constant 0 : i32
    %dma_wait3A_78 = tpu.memref_slice %arg11[%dma_wait3A_75, %dma_wait3A_76, %dma_wait3A_77] : memref<8x128x32xf32, #tpu.memory_space<vmem>> -> memref<1x128x32xf32, #tpu.memory_space<vmem>>
    %dma_wait3A_79 = tpu.memref_squeeze %dma_wait3A_78 : memref<1x128x32xf32, #tpu.memory_space<vmem>> -> memref<128x32xf32, #tpu.memory_space<vmem>>
    %dma_wait3A_80 = arith.constant 0 : i32
    %dma_wait3A_81 = arith.constant 0 : i32
    %dma_wait3A_82 = tpu.memref_slice %arg2[%dma_wait3A_80, %dma_wait3A_81] : memref<10240x32xf32, #tpu.memory_space<hbm>> -> memref<128x32xf32, #tpu.memory_space<hbm>>
    %dma_wait3A_83 = arith.constant 0 : i32
    %dma_wait3A_84 = arith.constant 0 : i32
    %dma_wait3A_85 = tpu.memref_slice %arg11[%dma_wait3A_75, %dma_wait3A_83, %dma_wait3A_84] : memref<8x128x32xf32, #tpu.memory_space<vmem>> -> memref<1x128x32xf32, #tpu.memory_space<vmem>>
    %dma_wait3A_86 = tpu.memref_squeeze %dma_wait3A_85 : memref<1x128x32xf32, #tpu.memory_space<vmem>> -> memref<128x32xf32, #tpu.memory_space<vmem>>
    %dma_wait3A_87 = arith.constant 0 : i32
    %dma_wait3A_88 = arith.constant 0 : i32
    %dma_wait3A_89 = tpu.memref_slice %arg2[%dma_wait3A_87, %dma_wait3A_88] : memref<10240x32xf32, #tpu.memory_space<hbm>> -> memref<128x32xf32, #tpu.memory_space<hbm>>
    tpu.wait_dma2 semaphore(%arg25 : memref<!tpu.dma_semaphore, #tpu.memory_space<semaphore_mem>>) src(%dma_wait3A_89 : memref<128x32xf32, #tpu.memory_space<hbm>>) dst(%dma_wait3A_86 : memref<128x32xf32, #tpu.memory_space<vmem>>)
    %dma_wait3A_90 = arith.constant 6 : i32
    %dma_wait3A_91 = arith.constant 0 : i32
    %dma_wait3A_92 = arith.constant 0 : i32
    %dma_wait3A_93 = tpu.memref_slice %arg11[%dma_wait3A_90, %dma_wait3A_91, %dma_wait3A_92] : memref<8x128x32xf32, #tpu.memory_space<vmem>> -> memref<1x128x32xf32, #tpu.memory_space<vmem>>
    %dma_wait3A_94 = tpu.memref_squeeze %dma_wait3A_93 : memref<1x128x32xf32, #tpu.memory_space<vmem>> -> memref<128x32xf32, #tpu.memory_space<vmem>>
    %dma_wait3A_95 = arith.constant 0 : i32
    %dma_wait3A_96 = arith.constant 0 : i32
    %dma_wait3A_97 = tpu.memref_slice %arg2[%dma_wait3A_95, %dma_wait3A_96] : memref<10240x32xf32, #tpu.memory_space<hbm>> -> memref<128x32xf32, #tpu.memory_space<hbm>>
    %dma_wait3A_98 = arith.constant 0 : i32
    %dma_wait3A_99 = arith.constant 0 : i32
    %dma_wait3A_100 = tpu.memref_slice %arg11[%dma_wait3A_90, %dma_wait3A_98, %dma_wait3A_99] : memref<8x128x32xf32, #tpu.memory_space<vmem>> -> memref<1x128x32xf32, #tpu.memory_space<vmem>>
    %dma_wait3A_101 = tpu.memref_squeeze %dma_wait3A_100 : memref<1x128x32xf32, #tpu.memory_space<vmem>> -> memref<128x32xf32, #tpu.memory_space<vmem>>
    %dma_wait3A_102 = arith.constant 0 : i32
    %dma_wait3A_103 = arith.constant 0 : i32
    %dma_wait3A_104 = tpu.memref_slice %arg2[%dma_wait3A_102, %dma_wait3A_103] : memref<10240x32xf32, #tpu.memory_space<hbm>> -> memref<128x32xf32, #tpu.memory_space<hbm>>
    tpu.wait_dma2 semaphore(%arg26 : memref<!tpu.dma_semaphore, #tpu.memory_space<semaphore_mem>>) src(%dma_wait3A_104 : memref<128x32xf32, #tpu.memory_space<hbm>>) dst(%dma_wait3A_101 : memref<128x32xf32, #tpu.memory_space<vmem>>)
    %dma_wait3A_105 = arith.constant 7 : i32
    %dma_wait3A_106 = arith.constant 0 : i32
    %dma_wait3A_107 = arith.constant 0 : i32
    %dma_wait3A_108 = tpu.memref_slice %arg11[%dma_wait3A_105, %dma_wait3A_106, %dma_wait3A_107] : memref<8x128x32xf32, #tpu.memory_space<vmem>> -> memref<1x128x32xf32, #tpu.memory_space<vmem>>
    %dma_wait3A_109 = tpu.memref_squeeze %dma_wait3A_108 : memref<1x128x32xf32, #tpu.memory_space<vmem>> -> memref<128x32xf32, #tpu.memory_space<vmem>>
    %dma_wait3A_110 = arith.constant 0 : i32
    %dma_wait3A_111 = arith.constant 0 : i32
    %dma_wait3A_112 = tpu.memref_slice %arg2[%dma_wait3A_110, %dma_wait3A_111] : memref<10240x32xf32, #tpu.memory_space<hbm>> -> memref<128x32xf32, #tpu.memory_space<hbm>>
    %dma_wait3A_113 = arith.constant 0 : i32
    %dma_wait3A_114 = arith.constant 0 : i32
    %dma_wait3A_115 = tpu.memref_slice %arg11[%dma_wait3A_105, %dma_wait3A_113, %dma_wait3A_114] : memref<8x128x32xf32, #tpu.memory_space<vmem>> -> memref<1x128x32xf32, #tpu.memory_space<vmem>>
    %dma_wait3A_116 = tpu.memref_squeeze %dma_wait3A_115 : memref<1x128x32xf32, #tpu.memory_space<vmem>> -> memref<128x32xf32, #tpu.memory_space<vmem>>
    %dma_wait3A_117 = arith.constant 0 : i32
    %dma_wait3A_118 = arith.constant 0 : i32
    %dma_wait3A_119 = tpu.memref_slice %arg2[%dma_wait3A_117, %dma_wait3A_118] : memref<10240x32xf32, #tpu.memory_space<hbm>> -> memref<128x32xf32, #tpu.memory_space<hbm>>
    tpu.wait_dma2 semaphore(%arg27 : memref<!tpu.dma_semaphore, #tpu.memory_space<semaphore_mem>>) src(%dma_wait3A_119 : memref<128x32xf32, #tpu.memory_space<hbm>>) dst(%dma_wait3A_116 : memref<128x32xf32, #tpu.memory_space<vmem>>)
    %barrier3A_120 = arith.constant 0 : index
    tpu.barrier barrier_id(%barrier3A_120)
    %mul3A_121 = arith.constant 640 : i32
    %mul3A_122 = arith.muli %arg1, %mul3A_121 : i32
    %mul3A_123 = arith.constant 640 : i32
    %mul3A_124 = arith.muli %arg1, %mul3A_123 : i32
    "tpu.region"() ({
      %run_scoped3A = tpu.sem_alloc : memref<!tpu.dma_semaphore, #tpu.memory_space<semaphore_mem>>
      %dma_start3A_125 = arith.constant 0 : i32
      %dma_start3A_126 = tpu.memref_slice %arg6[%arg0, %mul3A_124, %dma_start3A_125] : memref<2x10240x32xf32, #tpu.memory_space<hbm>> -> memref<1x640x32xf32, #tpu.memory_space<hbm>>
      %dma_start3A_127 = tpu.memref_squeeze %dma_start3A_126 : memref<1x640x32xf32, #tpu.memory_space<hbm>> -> memref<640x32xf32, #tpu.memory_space<hbm>>
      %dma_start3A_128 = arith.constant 0 : i32
      %dma_start3A_129 = tpu.memref_slice %arg7[%mul3A_122, %dma_start3A_128] : memref<10240x32xf32, #tpu.memory_space<vmem_shared>> -> memref<640x32xf32, #tpu.memory_space<vmem_shared>>
      tpu.enqueue_dma source(%dma_start3A_129 : memref<640x32xf32, #tpu.memory_space<vmem_shared>>) target(%dma_start3A_127 : memref<640x32xf32, #tpu.memory_space<hbm>>) target_semaphore(%run_scoped3A : memref<!tpu.dma_semaphore, #tpu.memory_space<semaphore_mem>>)
      %dma_wait3A_130 = arith.constant 0 : i32
      %dma_wait3A_131 = tpu.memref_slice %arg6[%arg0, %mul3A_124, %dma_wait3A_130] : memref<2x10240x32xf32, #tpu.memory_space<hbm>> -> memref<1x640x32xf32, #tpu.memory_space<hbm>>
      %dma_wait3A_132 = tpu.memref_squeeze %dma_wait3A_131 : memref<1x640x32xf32, #tpu.memory_space<hbm>> -> memref<640x32xf32, #tpu.memory_space<hbm>>
      %dma_wait3A_133 = arith.constant 0 : i32
      %dma_wait3A_134 = tpu.memref_slice %arg7[%mul3A_122, %dma_wait3A_133] : memref<10240x32xf32, #tpu.memory_space<vmem_shared>> -> memref<640x32xf32, #tpu.memory_space<vmem_shared>>
      tpu.wait_dma2 semaphore(%run_scoped3A : memref<!tpu.dma_semaphore, #tpu.memory_space<semaphore_mem>>) src(%dma_wait3A_134 : memref<640x32xf32, #tpu.memory_space<vmem_shared>>) dst(%dma_wait3A_132 : memref<640x32xf32, #tpu.memory_space<hbm>>)
      tpu.yield
    }) : () -> ()
    return
  }
}

#map = affine_map<(d0, d1) -> (0, 0)>
#map1 = affine_map<(d0, d1) -> (0, 0, 0)>
module attributes {stable_mosaic.version = 14 : i64} {
  func.func @_sc_scatter(%arg0: i32, %arg1: i32, %arg2: memref<10240x32xf32, #tpu.memory_space<hbm>>, %arg3: memref<32x80x128xi32, #tpu.memory_space<hbm>>, %arg4: memref<32x80x128xi32, #tpu.memory_space<hbm>>, %arg5: memref<10240x32xf32, #tpu.memory_space<hbm>>, %arg6: memref<2x10240x32xf32, #tpu.memory_space<hbm>>, %arg7: memref<10240x32xf32, #tpu.memory_space<vmem_shared>>, %arg8: memref<10240x32xf32, #tpu.memory_space<vmem_shared>>, %arg9: memref<80x128xi32, #tpu.memory_space<vmem>>, %arg10: memref<80x128xi32, #tpu.memory_space<vmem>>, %arg11: memref<8x128x32xf32, #tpu.memory_space<vmem>>, %arg12: memref<!tpu.dma_semaphore, #tpu.memory_space<semaphore_mem>>, %arg13: memref<!tpu.dma_semaphore, #tpu.memory_space<semaphore_mem>>, %arg14: memref<!tpu.dma_semaphore, #tpu.memory_space<semaphore_mem>>, %arg15: memref<!tpu.dma_semaphore, #tpu.memory_space<semaphore_mem>>, %arg16: memref<!tpu.dma_semaphore, #tpu.memory_space<semaphore_mem>>, %arg17: memref<!tpu.dma_semaphore, #tpu.memory_space<semaphore_mem>>, %arg18: memref<!tpu.dma_semaphore, #tpu.memory_space<semaphore_mem>>, %arg19: memref<!tpu.dma_semaphore, #tpu.memory_space<semaphore_mem>>, %arg20: memref<!tpu.dma_semaphore, #tpu.memory_space<semaphore_mem>>, %arg21: memref<!tpu.dma_semaphore, #tpu.memory_space<semaphore_mem>>, %arg22: memref<!tpu.dma_semaphore, #tpu.memory_space<semaphore_mem>>, %arg23: memref<!tpu.dma_semaphore, #tpu.memory_space<semaphore_mem>>, %arg24: memref<!tpu.dma_semaphore, #tpu.memory_space<semaphore_mem>>, %arg25: memref<!tpu.dma_semaphore, #tpu.memory_space<semaphore_mem>>, %arg26: memref<!tpu.dma_semaphore, #tpu.memory_space<semaphore_mem>>, %arg27: memref<!tpu.dma_semaphore, #tpu.memory_space<semaphore_mem>>) attributes {dimension_semantics = [#tpu.dimension_semantics<core_parallel>, #tpu.dimension_semantics<subcore_parallel>], iteration_bounds = array<i64: 2, 16>, scalar_prefetch = 0 : i64, scratch_operands = 21 : i64, tpu.core_type = #tpu.core_type<sc_vector_subcore>, window_params = [{transform_indices = #map}, {transform_indices = #map1}, {transform_indices = #map1}, {transform_indices = #map}, {transform_indices = #map1}]} {
    %mul3A = arith.constant 16 : i32
    %mul3A_0 = arith.muli %arg0, %mul3A : i32
    %add3A = arith.addi %mul3A_0, %arg1 : i32
    %mul3A_1 = arith.constant 640 : i32
    %mul3A_2 = arith.muli %arg1, %mul3A_1 : i32
    %mul3A_3 = arith.constant 640 : i32
    %mul3A_4 = arith.muli %arg1, %mul3A_3 : i32
    "tpu.region"() ({
      %run_scoped3A = tpu.sem_alloc : memref<!tpu.dma_semaphore, #tpu.memory_space<semaphore_mem>>
      %dma_start3A_125 = arith.constant 0 : i32
      %dma_start3A_126 = tpu.memref_slice %arg8[%mul3A_4, %dma_start3A_125] : memref<10240x32xf32, #tpu.memory_space<vmem_shared>> -> memref<640x32xf32, #tpu.memory_space<vmem_shared>>
      %dma_start3A_127 = arith.constant 0 : i32
      %dma_start3A_128 = tpu.memref_slice %arg2[%mul3A_2, %dma_start3A_127] : memref<10240x32xf32, #tpu.memory_space<hbm>> -> memref<640x32xf32, #tpu.memory_space<hbm>>
      tpu.enqueue_dma source(%dma_start3A_128 : memref<640x32xf32, #tpu.memory_space<hbm>>) target(%dma_start3A_126 : memref<640x32xf32, #tpu.memory_space<vmem_shared>>) target_semaphore(%run_scoped3A : memref<!tpu.dma_semaphore, #tpu.memory_space<semaphore_mem>>)
      %dma_wait3A_129 = arith.constant 0 : i32
      %dma_wait3A_130 = tpu.memref_slice %arg8[%mul3A_4, %dma_wait3A_129] : memref<10240x32xf32, #tpu.memory_space<vmem_shared>> -> memref<640x32xf32, #tpu.memory_space<vmem_shared>>
      %dma_wait3A_131 = arith.constant 0 : i32
      %dma_wait3A_132 = tpu.memref_slice %arg2[%mul3A_2, %dma_wait3A_131] : memref<10240x32xf32, #tpu.memory_space<hbm>> -> memref<640x32xf32, #tpu.memory_space<hbm>>
      tpu.wait_dma2 semaphore(%run_scoped3A : memref<!tpu.dma_semaphore, #tpu.memory_space<semaphore_mem>>) src(%dma_wait3A_132 : memref<640x32xf32, #tpu.memory_space<hbm>>) dst(%dma_wait3A_130 : memref<640x32xf32, #tpu.memory_space<vmem_shared>>)
      tpu.yield
    }) : () -> ()
    %mul3A_5 = arith.constant 640 : i32
    %mul3A_6 = arith.muli %arg1, %mul3A_5 : i32
    %mul3A_7 = arith.constant 640 : i32
    %mul3A_8 = arith.muli %arg1, %mul3A_7 : i32
    "tpu.region"() ({
      %run_scoped3A = tpu.sem_alloc : memref<!tpu.dma_semaphore, #tpu.memory_space<semaphore_mem>>
      %dma_start3A_125 = arith.constant 0 : i32
      %dma_start3A_126 = tpu.memref_slice %arg7[%mul3A_8, %dma_start3A_125] : memref<10240x32xf32, #tpu.memory_space<vmem_shared>> -> memref<640x32xf32, #tpu.memory_space<vmem_shared>>
      %dma_start3A_127 = arith.constant 0 : i32
      %dma_start3A_128 = tpu.memref_slice %arg5[%mul3A_6, %dma_start3A_127] : memref<10240x32xf32, #tpu.memory_space<hbm>> -> memref<640x32xf32, #tpu.memory_space<hbm>>
      tpu.enqueue_dma source(%dma_start3A_128 : memref<640x32xf32, #tpu.memory_space<hbm>>) target(%dma_start3A_126 : memref<640x32xf32, #tpu.memory_space<vmem_shared>>) target_semaphore(%run_scoped3A : memref<!tpu.dma_semaphore, #tpu.memory_space<semaphore_mem>>)
      %dma_wait3A_129 = arith.constant 0 : i32
      %dma_wait3A_130 = tpu.memref_slice %arg7[%mul3A_8, %dma_wait3A_129] : memref<10240x32xf32, #tpu.memory_space<vmem_shared>> -> memref<640x32xf32, #tpu.memory_space<vmem_shared>>
      %dma_wait3A_131 = arith.constant 0 : i32
      %dma_wait3A_132 = tpu.memref_slice %arg5[%mul3A_6, %dma_wait3A_131] : memref<10240x32xf32, #tpu.memory_space<hbm>> -> memref<640x32xf32, #tpu.memory_space<hbm>>
      tpu.wait_dma2 semaphore(%run_scoped3A : memref<!tpu.dma_semaphore, #tpu.memory_space<semaphore_mem>>) src(%dma_wait3A_132 : memref<640x32xf32, #tpu.memory_space<hbm>>) dst(%dma_wait3A_130 : memref<640x32xf32, #tpu.memory_space<vmem_shared>>)
      tpu.yield
    }) : () -> ()
    "tpu.region"() ({
      %run_scoped3A = tpu.sem_alloc : memref<!tpu.dma_semaphore, #tpu.memory_space<semaphore_mem>>
      %dma_start3A_125 = arith.constant 0 : i32
      %dma_start3A_126 = arith.constant 0 : i32
      %dma_start3A_127 = tpu.memref_slice %arg3[%add3A, %dma_start3A_125, %dma_start3A_126] : memref<32x80x128xi32, #tpu.memory_space<hbm>> -> memref<1x80x128xi32, #tpu.memory_space<hbm>>
      %dma_start3A_128 = tpu.memref_squeeze %dma_start3A_127 : memref<1x80x128xi32, #tpu.memory_space<hbm>> -> memref<80x128xi32, #tpu.memory_space<hbm>>
      %dma_start3A_129 = arith.constant 0 : i32
      %dma_start3A_130 = arith.constant 0 : i32
      %dma_start3A_131 = tpu.memref_slice %arg3[%add3A, %dma_start3A_129, %dma_start3A_130] : memref<32x80x128xi32, #tpu.memory_space<hbm>> -> memref<1x80x128xi32, #tpu.memory_space<hbm>>
      %dma_start3A_132 = tpu.memref_squeeze %dma_start3A_131 : memref<1x80x128xi32, #tpu.memory_space<hbm>> -> memref<80x128xi32, #tpu.memory_space<hbm>>
      tpu.enqueue_dma source(%dma_start3A_132 : memref<80x128xi32, #tpu.memory_space<hbm>>) target(%arg9 : memref<80x128xi32, #tpu.memory_space<vmem>>) target_semaphore(%run_scoped3A : memref<!tpu.dma_semaphore, #tpu.memory_space<semaphore_mem>>)
      %dma_wait3A_133 = arith.constant 0 : i32
      %dma_wait3A_134 = arith.constant 0 : i32
      %dma_wait3A_135 = tpu.memref_slice %arg3[%add3A, %dma_wait3A_133, %dma_wait3A_134] : memref<32x80x128xi32, #tpu.memory_space<hbm>> -> memref<1x80x128xi32, #tpu.memory_space<hbm>>
      %dma_wait3A_136 = tpu.memref_squeeze %dma_wait3A_135 : memref<1x80x128xi32, #tpu.memory_space<hbm>> -> memref<80x128xi32, #tpu.memory_space<hbm>>
      %dma_wait3A_137 = arith.constant 0 : i32
      %dma_wait3A_138 = arith.constant 0 : i32
      %dma_wait3A_139 = tpu.memref_slice %arg3[%add3A, %dma_wait3A_137, %dma_wait3A_138] : memref<32x80x128xi32, #tpu.memory_space<hbm>> -> memref<1x80x128xi32, #tpu.memory_space<hbm>>
      %dma_wait3A_140 = tpu.memref_squeeze %dma_wait3A_139 : memref<1x80x128xi32, #tpu.memory_space<hbm>> -> memref<80x128xi32, #tpu.memory_space<hbm>>
      tpu.wait_dma2 semaphore(%run_scoped3A : memref<!tpu.dma_semaphore, #tpu.memory_space<semaphore_mem>>) src(%dma_wait3A_140 : memref<80x128xi32, #tpu.memory_space<hbm>>) dst(%arg9 : memref<80x128xi32, #tpu.memory_space<vmem>>)
      tpu.yield
    }) : () -> ()
    "tpu.region"() ({
      %run_scoped3A = tpu.sem_alloc : memref<!tpu.dma_semaphore, #tpu.memory_space<semaphore_mem>>
      %dma_start3A_125 = arith.constant 0 : i32
      %dma_start3A_126 = arith.constant 0 : i32
      %dma_start3A_127 = tpu.memref_slice %arg4[%add3A, %dma_start3A_125, %dma_start3A_126] : memref<32x80x128xi32, #tpu.memory_space<hbm>> -> memref<1x80x128xi32, #tpu.memory_space<hbm>>
      %dma_start3A_128 = tpu.memref_squeeze %dma_start3A_127 : memref<1x80x128xi32, #tpu.memory_space<hbm>> -> memref<80x128xi32, #tpu.memory_space<hbm>>
      %dma_start3A_129 = arith.constant 0 : i32
      %dma_start3A_130 = arith.constant 0 : i32
      %dma_start3A_131 = tpu.memref_slice %arg4[%add3A, %dma_start3A_129, %dma_start3A_130] : memref<32x80x128xi32, #tpu.memory_space<hbm>> -> memref<1x80x128xi32, #tpu.memory_space<hbm>>
      %dma_start3A_132 = tpu.memref_squeeze %dma_start3A_131 : memref<1x80x128xi32, #tpu.memory_space<hbm>> -> memref<80x128xi32, #tpu.memory_space<hbm>>
      tpu.enqueue_dma source(%dma_start3A_132 : memref<80x128xi32, #tpu.memory_space<hbm>>) target(%arg10 : memref<80x128xi32, #tpu.memory_space<vmem>>) target_semaphore(%run_scoped3A : memref<!tpu.dma_semaphore, #tpu.memory_space<semaphore_mem>>)
      %dma_wait3A_133 = arith.constant 0 : i32
      %dma_wait3A_134 = arith.constant 0 : i32
      %dma_wait3A_135 = tpu.memref_slice %arg4[%add3A, %dma_wait3A_133, %dma_wait3A_134] : memref<32x80x128xi32, #tpu.memory_space<hbm>> -> memref<1x80x128xi32, #tpu.memory_space<hbm>>
      %dma_wait3A_136 = tpu.memref_squeeze %dma_wait3A_135 : memref<1x80x128xi32, #tpu.memory_space<hbm>> -> memref<80x128xi32, #tpu.memory_space<hbm>>
      %dma_wait3A_137 = arith.constant 0 : i32
      %dma_wait3A_138 = arith.constant 0 : i32
      %dma_wait3A_139 = tpu.memref_slice %arg4[%add3A, %dma_wait3A_137, %dma_wait3A_138] : memref<32x80x128xi32, #tpu.memory_space<hbm>> -> memref<1x80x128xi32, #tpu.memory_space<hbm>>
      %dma_wait3A_140 = tpu.memref_squeeze %dma_wait3A_139 : memref<1x80x128xi32, #tpu.memory_space<hbm>> -> memref<80x128xi32, #tpu.memory_space<hbm>>
      tpu.wait_dma2 semaphore(%run_scoped3A : memref<!tpu.dma_semaphore, #tpu.memory_space<semaphore_mem>>) src(%dma_wait3A_140 : memref<80x128xi32, #tpu.memory_space<hbm>>) dst(%arg10 : memref<80x128xi32, #tpu.memory_space<vmem>>)
      tpu.yield
    }) : () -> ()
    %barrier3A = arith.constant 0 : index
    tpu.barrier barrier_id(%barrier3A)
    %dma_start3A = arith.constant 0 : i32
    %dma_start3A_9 = arith.constant 0 : i32
    %dma_start3A_10 = arith.constant 0 : i32
    %dma_start3A_11 = arith.constant 0 : i32
    %dma_start3A_12 = tpu.memref_slice %arg11[%dma_start3A_9, %dma_start3A_10, %dma_start3A_11] : memref<8x128x32xf32, #tpu.memory_space<vmem>> -> memref<1x128x32xf32, #tpu.memory_space<vmem>>
    %dma_start3A_13 = tpu.memref_squeeze %dma_start3A_12 : memref<1x128x32xf32, #tpu.memory_space<vmem>> -> memref<128x32xf32, #tpu.memory_space<vmem>>
    %dma_start3A_14 = arith.constant 0 : i32
    %dma_start3A_15 = tpu.memref_slice %arg9[%dma_start3A, %dma_start3A_14] : memref<80x128xi32, #tpu.memory_space<vmem>> -> memref<1x128xi32, #tpu.memory_space<vmem>>
    %dma_start3A_16 = tpu.memref_squeeze %dma_start3A_15 : memref<1x128xi32, #tpu.memory_space<vmem>> -> memref<128xi32, #tpu.memory_space<vmem>>
    %dma_start3A_17 = arith.constant 0 : i32
    %dma_start3A_18 = arith.constant 0 : i32
    %dma_start3A_19 = tpu.memref_slice %arg8[%dma_start3A_17, %dma_start3A_18] : memref<10240x32xf32, #tpu.memory_space<vmem_shared>> -> memref<10240x32xf32, #tpu.memory_space<vmem_shared>>
    tpu.enqueue_indirect_dma source(%dma_start3A_19 : memref<10240x32xf32, #tpu.memory_space<vmem_shared>>) target(%dma_start3A_13 : memref<128x32xf32, #tpu.memory_space<vmem>>) offsets(%dma_start3A_16 : memref<128xi32, #tpu.memory_space<vmem>>) semaphore(%arg12 : memref<!tpu.dma_semaphore, #tpu.memory_space<semaphore_mem>>)
    %dma_start3A_20 = arith.constant 1 : i32
    %dma_start3A_21 = arith.constant 1 : i32
    %dma_start3A_22 = arith.constant 0 : i32
    %dma_start3A_23 = arith.constant 0 : i32
    %dma_start3A_24 = tpu.memref_slice %arg11[%dma_start3A_21, %dma_start3A_22, %dma_start3A_23] : memref<8x128x32xf32, #tpu.memory_space<vmem>> -> memref<1x128x32xf32, #tpu.memory_space<vmem>>
    %dma_start3A_25 = tpu.memref_squeeze %dma_start3A_24 : memref<1x128x32xf32, #tpu.memory_space<vmem>> -> memref<128x32xf32, #tpu.memory_space<vmem>>
    %dma_start3A_26 = arith.constant 0 : i32
    %dma_start3A_27 = tpu.memref_slice %arg9[%dma_start3A_20, %dma_start3A_26] : memref<80x128xi32, #tpu.memory_space<vmem>> -> memref<1x128xi32, #tpu.memory_space<vmem>>
    %dma_start3A_28 = tpu.memref_squeeze %dma_start3A_27 : memref<1x128xi32, #tpu.memory_space<vmem>> -> memref<128xi32, #tpu.memory_space<vmem>>
    %dma_start3A_29 = arith.constant 0 : i32
    %dma_start3A_30 = arith.constant 0 : i32
    %dma_start3A_31 = tpu.memref_slice %arg8[%dma_start3A_29, %dma_start3A_30] : memref<10240x32xf32, #tpu.memory_space<vmem_shared>> -> memref<10240x32xf32, #tpu.memory_space<vmem_shared>>
    tpu.enqueue_indirect_dma source(%dma_start3A_31 : memref<10240x32xf32, #tpu.memory_space<vmem_shared>>) target(%dma_start3A_25 : memref<128x32xf32, #tpu.memory_space<vmem>>) offsets(%dma_start3A_28 : memref<128xi32, #tpu.memory_space<vmem>>) semaphore(%arg13 : memref<!tpu.dma_semaphore, #tpu.memory_space<semaphore_mem>>)
    %dma_start3A_32 = arith.constant 2 : i32
    %dma_start3A_33 = arith.constant 2 : i32
    %dma_start3A_34 = arith.constant 0 : i32
    %dma_start3A_35 = arith.constant 0 : i32
    %dma_start3A_36 = tpu.memref_slice %arg11[%dma_start3A_33, %dma_start3A_34, %dma_start3A_35] : memref<8x128x32xf32, #tpu.memory_space<vmem>> -> memref<1x128x32xf32, #tpu.memory_space<vmem>>
    %dma_start3A_37 = tpu.memref_squeeze %dma_start3A_36 : memref<1x128x32xf32, #tpu.memory_space<vmem>> -> memref<128x32xf32, #tpu.memory_space<vmem>>
    %dma_start3A_38 = arith.constant 0 : i32
    %dma_start3A_39 = tpu.memref_slice %arg9[%dma_start3A_32, %dma_start3A_38] : memref<80x128xi32, #tpu.memory_space<vmem>> -> memref<1x128xi32, #tpu.memory_space<vmem>>
    %dma_start3A_40 = tpu.memref_squeeze %dma_start3A_39 : memref<1x128xi32, #tpu.memory_space<vmem>> -> memref<128xi32, #tpu.memory_space<vmem>>
    %dma_start3A_41 = arith.constant 0 : i32
    %dma_start3A_42 = arith.constant 0 : i32
    %dma_start3A_43 = tpu.memref_slice %arg8[%dma_start3A_41, %dma_start3A_42] : memref<10240x32xf32, #tpu.memory_space<vmem_shared>> -> memref<10240x32xf32, #tpu.memory_space<vmem_shared>>
    tpu.enqueue_indirect_dma source(%dma_start3A_43 : memref<10240x32xf32, #tpu.memory_space<vmem_shared>>) target(%dma_start3A_37 : memref<128x32xf32, #tpu.memory_space<vmem>>) offsets(%dma_start3A_40 : memref<128xi32, #tpu.memory_space<vmem>>) semaphore(%arg14 : memref<!tpu.dma_semaphore, #tpu.memory_space<semaphore_mem>>)
    %dma_start3A_44 = arith.constant 3 : i32
    %dma_start3A_45 = arith.constant 3 : i32
    %dma_start3A_46 = arith.constant 0 : i32
    %dma_start3A_47 = arith.constant 0 : i32
    %dma_start3A_48 = tpu.memref_slice %arg11[%dma_start3A_45, %dma_start3A_46, %dma_start3A_47] : memref<8x128x32xf32, #tpu.memory_space<vmem>> -> memref<1x128x32xf32, #tpu.memory_space<vmem>>
    %dma_start3A_49 = tpu.memref_squeeze %dma_start3A_48 : memref<1x128x32xf32, #tpu.memory_space<vmem>> -> memref<128x32xf32, #tpu.memory_space<vmem>>
    %dma_start3A_50 = arith.constant 0 : i32
    %dma_start3A_51 = tpu.memref_slice %arg9[%dma_start3A_44, %dma_start3A_50] : memref<80x128xi32, #tpu.memory_space<vmem>> -> memref<1x128xi32, #tpu.memory_space<vmem>>
    %dma_start3A_52 = tpu.memref_squeeze %dma_start3A_51 : memref<1x128xi32, #tpu.memory_space<vmem>> -> memref<128xi32, #tpu.memory_space<vmem>>
    %dma_start3A_53 = arith.constant 0 : i32
    %dma_start3A_54 = arith.constant 0 : i32
    %dma_start3A_55 = tpu.memref_slice %arg8[%dma_start3A_53, %dma_start3A_54] : memref<10240x32xf32, #tpu.memory_space<vmem_shared>> -> memref<10240x32xf32, #tpu.memory_space<vmem_shared>>
    tpu.enqueue_indirect_dma source(%dma_start3A_55 : memref<10240x32xf32, #tpu.memory_space<vmem_shared>>) target(%dma_start3A_49 : memref<128x32xf32, #tpu.memory_space<vmem>>) offsets(%dma_start3A_52 : memref<128xi32, #tpu.memory_space<vmem>>) semaphore(%arg15 : memref<!tpu.dma_semaphore, #tpu.memory_space<semaphore_mem>>)
    %scan3A = arith.constant 0 : i32
    %scan3A_56 = arith.constant 0 : i32
    %scan3A_57 = arith.constant 10 : i32
    %scan3A_58 = arith.addi %scan3A_56, %scan3A_57 : i32
    %scan3A_59 = arith.constant 1 : i32
    scf.for %scan3A_125 = %scan3A_56 to %scan3A_58 step %scan3A_59  : i32 {
      %mul3A_126 = arith.constant 8 : i32
      %mul3A_127 = arith.muli %scan3A_125, %mul3A_126 : i32
      %add3A_128 = arith.constant 0 : i32
      %add3A_129 = arith.addi %mul3A_127, %add3A_128 : i32
      %dma_wait3A_130 = arith.constant 0 : i32
      %dma_wait3A_131 = arith.constant 0 : i32
      %dma_wait3A_132 = arith.constant 0 : i32
      %dma_wait3A_133 = tpu.memref_slice %arg11[%dma_wait3A_130, %dma_wait3A_131, %dma_wait3A_132] : memref<8x128x32xf32, #tpu.memory_space<vmem>> -> memref<1x128x32xf32, #tpu.memory_space<vmem>>
      %dma_wait3A_134 = tpu.memref_squeeze %dma_wait3A_133 : memref<1x128x32xf32, #tpu.memory_space<vmem>> -> memref<128x32xf32, #tpu.memory_space<vmem>>
      %dma_wait3A_135 = arith.constant 0 : i32
      %dma_wait3A_136 = arith.constant 0 : i32
      %dma_wait3A_137 = tpu.memref_slice %arg2[%dma_wait3A_135, %dma_wait3A_136] : memref<10240x32xf32, #tpu.memory_space<hbm>> -> memref<128x32xf32, #tpu.memory_space<hbm>>
      %dma_wait3A_138 = arith.constant 0 : i32
      %dma_wait3A_139 = arith.constant 0 : i32
      %dma_wait3A_140 = tpu.memref_slice %arg11[%dma_wait3A_130, %dma_wait3A_138, %dma_wait3A_139] : memref<8x128x32xf32, #tpu.memory_space<vmem>> -> memref<1x128x32xf32, #tpu.memory_space<vmem>>
      %dma_wait3A_141 = tpu.memref_squeeze %dma_wait3A_140 : memref<1x128x32xf32, #tpu.memory_space<vmem>> -> memref<128x32xf32, #tpu.memory_space<vmem>>
      %dma_wait3A_142 = arith.constant 0 : i32
      %dma_wait3A_143 = arith.constant 0 : i32
      %dma_wait3A_144 = tpu.memref_slice %arg2[%dma_wait3A_142, %dma_wait3A_143] : memref<10240x32xf32, #tpu.memory_space<hbm>> -> memref<128x32xf32, #tpu.memory_space<hbm>>
      tpu.wait_dma2 semaphore(%arg12 : memref<!tpu.dma_semaphore, #tpu.memory_space<semaphore_mem>>) src(%dma_wait3A_144 : memref<128x32xf32, #tpu.memory_space<hbm>>) dst(%dma_wait3A_141 : memref<128x32xf32, #tpu.memory_space<vmem>>)
      %dma_start3A_145 = arith.constant 0 : i32
      %dma_start3A_146 = arith.constant 0 : i32
      %dma_start3A_147 = arith.constant 0 : i32
      %dma_start3A_148 = tpu.memref_slice %arg11[%dma_start3A_145, %dma_start3A_146, %dma_start3A_147] : memref<8x128x32xf32, #tpu.memory_space<vmem>> -> memref<1x128x32xf32, #tpu.memory_space<vmem>>
      %dma_start3A_149 = tpu.memref_squeeze %dma_start3A_148 : memref<1x128x32xf32, #tpu.memory_space<vmem>> -> memref<128x32xf32, #tpu.memory_space<vmem>>
      %dma_start3A_150 = arith.constant 0 : i32
      %dma_start3A_151 = tpu.memref_slice %arg10[%add3A_129, %dma_start3A_150] : memref<80x128xi32, #tpu.memory_space<vmem>> -> memref<1x128xi32, #tpu.memory_space<vmem>>
      %dma_start3A_152 = tpu.memref_squeeze %dma_start3A_151 : memref<1x128xi32, #tpu.memory_space<vmem>> -> memref<128xi32, #tpu.memory_space<vmem>>
      %dma_start3A_153 = arith.constant 0 : i32
      %dma_start3A_154 = arith.constant 0 : i32
      %dma_start3A_155 = tpu.memref_slice %arg7[%dma_start3A_153, %dma_start3A_154] : memref<10240x32xf32, #tpu.memory_space<vmem_shared>> -> memref<10240x32xf32, #tpu.memory_space<vmem_shared>>
      tpu.enqueue_indirect_dma source(%dma_start3A_149 : memref<128x32xf32, #tpu.memory_space<vmem>>) target(%dma_start3A_155 : memref<10240x32xf32, #tpu.memory_space<vmem_shared>>) offsets(%dma_start3A_152 : memref<128xi32, #tpu.memory_space<vmem>>) semaphore(%arg20 : memref<!tpu.dma_semaphore, #tpu.memory_space<semaphore_mem>>) {add = true}
      %ge3A = arith.constant 4 : i32
      %ge3A_156 = arith.cmpi sge, %add3A_129, %ge3A : i32
      %convert_element_type3A = arith.extui %ge3A_156 : i1 to i32
      %cond3A = arith.constant 0 : i32
      %cond3A_157 = arith.cmpi ne, %convert_element_type3A, %cond3A : i32
      scf.if %cond3A_157 {
        %dma_wait3A_442 = arith.constant 4 : i32
        %dma_wait3A_443 = arith.constant 0 : i32
        %dma_wait3A_444 = arith.constant 0 : i32
        %dma_wait3A_445 = tpu.memref_slice %arg11[%dma_wait3A_442, %dma_wait3A_443, %dma_wait3A_444] : memref<8x128x32xf32, #tpu.memory_space<vmem>> -> memref<1x128x32xf32, #tpu.memory_space<vmem>>
        %dma_wait3A_446 = tpu.memref_squeeze %dma_wait3A_445 : memref<1x128x32xf32, #tpu.memory_space<vmem>> -> memref<128x32xf32, #tpu.memory_space<vmem>>
        %dma_wait3A_447 = arith.constant 0 : i32
        %dma_wait3A_448 = arith.constant 0 : i32
        %dma_wait3A_449 = tpu.memref_slice %arg2[%dma_wait3A_447, %dma_wait3A_448] : memref<10240x32xf32, #tpu.memory_space<hbm>> -> memref<128x32xf32, #tpu.memory_space<hbm>>
        %dma_wait3A_450 = arith.constant 0 : i32
        %dma_wait3A_451 = arith.constant 0 : i32
        %dma_wait3A_452 = tpu.memref_slice %arg11[%dma_wait3A_442, %dma_wait3A_450, %dma_wait3A_451] : memref<8x128x32xf32, #tpu.memory_space<vmem>> -> memref<1x128x32xf32, #tpu.memory_space<vmem>>
        %dma_wait3A_453 = tpu.memref_squeeze %dma_wait3A_452 : memref<1x128x32xf32, #tpu.memory_space<vmem>> -> memref<128x32xf32, #tpu.memory_space<vmem>>
        %dma_wait3A_454 = arith.constant 0 : i32
        %dma_wait3A_455 = arith.constant 0 : i32
        %dma_wait3A_456 = tpu.memref_slice %arg2[%dma_wait3A_454, %dma_wait3A_455] : memref<10240x32xf32, #tpu.memory_space<hbm>> -> memref<128x32xf32, #tpu.memory_space<hbm>>
        tpu.wait_dma2 semaphore(%arg24 : memref<!tpu.dma_semaphore, #tpu.memory_space<semaphore_mem>>) src(%dma_wait3A_456 : memref<128x32xf32, #tpu.memory_space<hbm>>) dst(%dma_wait3A_453 : memref<128x32xf32, #tpu.memory_space<vmem>>)
      } else {
      }
      %lt3A = arith.constant 76 : i32
      %lt3A_158 = arith.cmpi slt, %add3A_129, %lt3A : i32
      %convert_element_type3A_159 = arith.extui %lt3A_158 : i1 to i32
      %cond3A_160 = arith.constant 0 : i32
      %cond3A_161 = arith.cmpi ne, %convert_element_type3A_159, %cond3A_160 : i32
      scf.if %cond3A_161 {
        %add3A_442 = arith.constant 4 : i32
        %add3A_443 = arith.addi %add3A_129, %add3A_442 : i32
        %dma_start3A_444 = arith.constant 4 : i32
        %dma_start3A_445 = arith.constant 0 : i32
        %dma_start3A_446 = arith.constant 0 : i32
        %dma_start3A_447 = tpu.memref_slice %arg11[%dma_start3A_444, %dma_start3A_445, %dma_start3A_446] : memref<8x128x32xf32, #tpu.memory_space<vmem>> -> memref<1x128x32xf32, #tpu.memory_space<vmem>>
        %dma_start3A_448 = tpu.memref_squeeze %dma_start3A_447 : memref<1x128x32xf32, #tpu.memory_space<vmem>> -> memref<128x32xf32, #tpu.memory_space<vmem>>
        %dma_start3A_449 = arith.constant 0 : i32
        %dma_start3A_450 = tpu.memref_slice %arg9[%add3A_443, %dma_start3A_449] : memref<80x128xi32, #tpu.memory_space<vmem>> -> memref<1x128xi32, #tpu.memory_space<vmem>>
        %dma_start3A_451 = tpu.memref_squeeze %dma_start3A_450 : memref<1x128xi32, #tpu.memory_space<vmem>> -> memref<128xi32, #tpu.memory_space<vmem>>
        %dma_start3A_452 = arith.constant 0 : i32
        %dma_start3A_453 = arith.constant 0 : i32
        %dma_start3A_454 = tpu.memref_slice %arg8[%dma_start3A_452, %dma_start3A_453] : memref<10240x32xf32, #tpu.memory_space<vmem_shared>> -> memref<10240x32xf32, #tpu.memory_space<vmem_shared>>
        tpu.enqueue_indirect_dma source(%dma_start3A_454 : memref<10240x32xf32, #tpu.memory_space<vmem_shared>>) target(%dma_start3A_448 : memref<128x32xf32, #tpu.memory_space<vmem>>) offsets(%dma_start3A_451 : memref<128xi32, #tpu.memory_space<vmem>>) semaphore(%arg16 : memref<!tpu.dma_semaphore, #tpu.memory_space<semaphore_mem>>)
      } else {
      }
      %mul3A_162 = arith.constant 8 : i32
      %mul3A_163 = arith.muli %scan3A_125, %mul3A_162 : i32
      %add3A_164 = arith.constant 1 : i32
      %add3A_165 = arith.addi %mul3A_163, %add3A_164 : i32
      %dma_wait3A_166 = arith.constant 1 : i32
      %dma_wait3A_167 = arith.constant 0 : i32
      %dma_wait3A_168 = arith.constant 0 : i32
      %dma_wait3A_169 = tpu.memref_slice %arg11[%dma_wait3A_166, %dma_wait3A_167, %dma_wait3A_168] : memref<8x128x32xf32, #tpu.memory_space<vmem>> -> memref<1x128x32xf32, #tpu.memory_space<vmem>>
      %dma_wait3A_170 = tpu.memref_squeeze %dma_wait3A_169 : memref<1x128x32xf32, #tpu.memory_space<vmem>> -> memref<128x32xf32, #tpu.memory_space<vmem>>
      %dma_wait3A_171 = arith.constant 0 : i32
      %dma_wait3A_172 = arith.constant 0 : i32
      %dma_wait3A_173 = tpu.memref_slice %arg2[%dma_wait3A_171, %dma_wait3A_172] : memref<10240x32xf32, #tpu.memory_space<hbm>> -> memref<128x32xf32, #tpu.memory_space<hbm>>
      %dma_wait3A_174 = arith.constant 0 : i32
      %dma_wait3A_175 = arith.constant 0 : i32
      %dma_wait3A_176 = tpu.memref_slice %arg11[%dma_wait3A_166, %dma_wait3A_174, %dma_wait3A_175] : memref<8x128x32xf32, #tpu.memory_space<vmem>> -> memref<1x128x32xf32, #tpu.memory_space<vmem>>
      %dma_wait3A_177 = tpu.memref_squeeze %dma_wait3A_176 : memref<1x128x32xf32, #tpu.memory_space<vmem>> -> memref<128x32xf32, #tpu.memory_space<vmem>>
      %dma_wait3A_178 = arith.constant 0 : i32
      %dma_wait3A_179 = arith.constant 0 : i32
      %dma_wait3A_180 = tpu.memref_slice %arg2[%dma_wait3A_178, %dma_wait3A_179] : memref<10240x32xf32, #tpu.memory_space<hbm>> -> memref<128x32xf32, #tpu.memory_space<hbm>>
      tpu.wait_dma2 semaphore(%arg13 : memref<!tpu.dma_semaphore, #tpu.memory_space<semaphore_mem>>) src(%dma_wait3A_180 : memref<128x32xf32, #tpu.memory_space<hbm>>) dst(%dma_wait3A_177 : memref<128x32xf32, #tpu.memory_space<vmem>>)
      %dma_start3A_181 = arith.constant 1 : i32
      %dma_start3A_182 = arith.constant 0 : i32
      %dma_start3A_183 = arith.constant 0 : i32
      %dma_start3A_184 = tpu.memref_slice %arg11[%dma_start3A_181, %dma_start3A_182, %dma_start3A_183] : memref<8x128x32xf32, #tpu.memory_space<vmem>> -> memref<1x128x32xf32, #tpu.memory_space<vmem>>
      %dma_start3A_185 = tpu.memref_squeeze %dma_start3A_184 : memref<1x128x32xf32, #tpu.memory_space<vmem>> -> memref<128x32xf32, #tpu.memory_space<vmem>>
      %dma_start3A_186 = arith.constant 0 : i32
      %dma_start3A_187 = tpu.memref_slice %arg10[%add3A_165, %dma_start3A_186] : memref<80x128xi32, #tpu.memory_space<vmem>> -> memref<1x128xi32, #tpu.memory_space<vmem>>
      %dma_start3A_188 = tpu.memref_squeeze %dma_start3A_187 : memref<1x128xi32, #tpu.memory_space<vmem>> -> memref<128xi32, #tpu.memory_space<vmem>>
      %dma_start3A_189 = arith.constant 0 : i32
      %dma_start3A_190 = arith.constant 0 : i32
      %dma_start3A_191 = tpu.memref_slice %arg7[%dma_start3A_189, %dma_start3A_190] : memref<10240x32xf32, #tpu.memory_space<vmem_shared>> -> memref<10240x32xf32, #tpu.memory_space<vmem_shared>>
      tpu.enqueue_indirect_dma source(%dma_start3A_185 : memref<128x32xf32, #tpu.memory_space<vmem>>) target(%dma_start3A_191 : memref<10240x32xf32, #tpu.memory_space<vmem_shared>>) offsets(%dma_start3A_188 : memref<128xi32, #tpu.memory_space<vmem>>) semaphore(%arg21 : memref<!tpu.dma_semaphore, #tpu.memory_space<semaphore_mem>>) {add = true}
      %ge3A_192 = arith.constant 4 : i32
      %ge3A_193 = arith.cmpi sge, %add3A_165, %ge3A_192 : i32
      %convert_element_type3A_194 = arith.extui %ge3A_193 : i1 to i32
      %cond3A_195 = arith.constant 0 : i32
      %cond3A_196 = arith.cmpi ne, %convert_element_type3A_194, %cond3A_195 : i32
      scf.if %cond3A_196 {
        %dma_wait3A_442 = arith.constant 5 : i32
        %dma_wait3A_443 = arith.constant 0 : i32
        %dma_wait3A_444 = arith.constant 0 : i32
        %dma_wait3A_445 = tpu.memref_slice %arg11[%dma_wait3A_442, %dma_wait3A_443, %dma_wait3A_444] : memref<8x128x32xf32, #tpu.memory_space<vmem>> -> memref<1x128x32xf32, #tpu.memory_space<vmem>>
        %dma_wait3A_446 = tpu.memref_squeeze %dma_wait3A_445 : memref<1x128x32xf32, #tpu.memory_space<vmem>> -> memref<128x32xf32, #tpu.memory_space<vmem>>
        %dma_wait3A_447 = arith.constant 0 : i32
        %dma_wait3A_448 = arith.constant 0 : i32
        %dma_wait3A_449 = tpu.memref_slice %arg2[%dma_wait3A_447, %dma_wait3A_448] : memref<10240x32xf32, #tpu.memory_space<hbm>> -> memref<128x32xf32, #tpu.memory_space<hbm>>
        %dma_wait3A_450 = arith.constant 0 : i32
        %dma_wait3A_451 = arith.constant 0 : i32
        %dma_wait3A_452 = tpu.memref_slice %arg11[%dma_wait3A_442, %dma_wait3A_450, %dma_wait3A_451] : memref<8x128x32xf32, #tpu.memory_space<vmem>> -> memref<1x128x32xf32, #tpu.memory_space<vmem>>
        %dma_wait3A_453 = tpu.memref_squeeze %dma_wait3A_452 : memref<1x128x32xf32, #tpu.memory_space<vmem>> -> memref<128x32xf32, #tpu.memory_space<vmem>>
        %dma_wait3A_454 = arith.constant 0 : i32
        %dma_wait3A_455 = arith.constant 0 : i32
        %dma_wait3A_456 = tpu.memref_slice %arg2[%dma_wait3A_454, %dma_wait3A_455] : memref<10240x32xf32, #tpu.memory_space<hbm>> -> memref<128x32xf32, #tpu.memory_space<hbm>>
        tpu.wait_dma2 semaphore(%arg25 : memref<!tpu.dma_semaphore, #tpu.memory_space<semaphore_mem>>) src(%dma_wait3A_456 : memref<128x32xf32, #tpu.memory_space<hbm>>) dst(%dma_wait3A_453 : memref<128x32xf32, #tpu.memory_space<vmem>>)
      } else {
      }
      %lt3A_197 = arith.constant 76 : i32
      %lt3A_198 = arith.cmpi slt, %add3A_165, %lt3A_197 : i32
      %convert_element_type3A_199 = arith.extui %lt3A_198 : i1 to i32
      %cond3A_200 = arith.constant 0 : i32
      %cond3A_201 = arith.cmpi ne, %convert_element_type3A_199, %cond3A_200 : i32
      scf.if %cond3A_201 {
        %add3A_442 = arith.constant 4 : i32
        %add3A_443 = arith.addi %add3A_165, %add3A_442 : i32
        %dma_start3A_444 = arith.constant 5 : i32
        %dma_start3A_445 = arith.constant 0 : i32
        %dma_start3A_446 = arith.constant 0 : i32
        %dma_start3A_447 = tpu.memref_slice %arg11[%dma_start3A_444, %dma_start3A_445, %dma_start3A_446] : memref<8x128x32xf32, #tpu.memory_space<vmem>> -> memref<1x128x32xf32, #tpu.memory_space<vmem>>
        %dma_start3A_448 = tpu.memref_squeeze %dma_start3A_447 : memref<1x128x32xf32, #tpu.memory_space<vmem>> -> memref<128x32xf32, #tpu.memory_space<vmem>>
        %dma_start3A_449 = arith.constant 0 : i32
        %dma_start3A_450 = tpu.memref_slice %arg9[%add3A_443, %dma_start3A_449] : memref<80x128xi32, #tpu.memory_space<vmem>> -> memref<1x128xi32, #tpu.memory_space<vmem>>
        %dma_start3A_451 = tpu.memref_squeeze %dma_start3A_450 : memref<1x128xi32, #tpu.memory_space<vmem>> -> memref<128xi32, #tpu.memory_space<vmem>>
        %dma_start3A_452 = arith.constant 0 : i32
        %dma_start3A_453 = arith.constant 0 : i32
        %dma_start3A_454 = tpu.memref_slice %arg8[%dma_start3A_452, %dma_start3A_453] : memref<10240x32xf32, #tpu.memory_space<vmem_shared>> -> memref<10240x32xf32, #tpu.memory_space<vmem_shared>>
        tpu.enqueue_indirect_dma source(%dma_start3A_454 : memref<10240x32xf32, #tpu.memory_space<vmem_shared>>) target(%dma_start3A_448 : memref<128x32xf32, #tpu.memory_space<vmem>>) offsets(%dma_start3A_451 : memref<128xi32, #tpu.memory_space<vmem>>) semaphore(%arg17 : memref<!tpu.dma_semaphore, #tpu.memory_space<semaphore_mem>>)
      } else {
      }
      %mul3A_202 = arith.constant 8 : i32
      %mul3A_203 = arith.muli %scan3A_125, %mul3A_202 : i32
      %add3A_204 = arith.constant 2 : i32
      %add3A_205 = arith.addi %mul3A_203, %add3A_204 : i32
      %dma_wait3A_206 = arith.constant 2 : i32
      %dma_wait3A_207 = arith.constant 0 : i32
      %dma_wait3A_208 = arith.constant 0 : i32
      %dma_wait3A_209 = tpu.memref_slice %arg11[%dma_wait3A_206, %dma_wait3A_207, %dma_wait3A_208] : memref<8x128x32xf32, #tpu.memory_space<vmem>> -> memref<1x128x32xf32, #tpu.memory_space<vmem>>
      %dma_wait3A_210 = tpu.memref_squeeze %dma_wait3A_209 : memref<1x128x32xf32, #tpu.memory_space<vmem>> -> memref<128x32xf32, #tpu.memory_space<vmem>>
      %dma_wait3A_211 = arith.constant 0 : i32
      %dma_wait3A_212 = arith.constant 0 : i32
      %dma_wait3A_213 = tpu.memref_slice %arg2[%dma_wait3A_211, %dma_wait3A_212] : memref<10240x32xf32, #tpu.memory_space<hbm>> -> memref<128x32xf32, #tpu.memory_space<hbm>>
      %dma_wait3A_214 = arith.constant 0 : i32
      %dma_wait3A_215 = arith.constant 0 : i32
      %dma_wait3A_216 = tpu.memref_slice %arg11[%dma_wait3A_206, %dma_wait3A_214, %dma_wait3A_215] : memref<8x128x32xf32, #tpu.memory_space<vmem>> -> memref<1x128x32xf32, #tpu.memory_space<vmem>>
      %dma_wait3A_217 = tpu.memref_squeeze %dma_wait3A_216 : memref<1x128x32xf32, #tpu.memory_space<vmem>> -> memref<128x32xf32, #tpu.memory_space<vmem>>
      %dma_wait3A_218 = arith.constant 0 : i32
      %dma_wait3A_219 = arith.constant 0 : i32
      %dma_wait3A_220 = tpu.memref_slice %arg2[%dma_wait3A_218, %dma_wait3A_219] : memref<10240x32xf32, #tpu.memory_space<hbm>> -> memref<128x32xf32, #tpu.memory_space<hbm>>
      tpu.wait_dma2 semaphore(%arg14 : memref<!tpu.dma_semaphore, #tpu.memory_space<semaphore_mem>>) src(%dma_wait3A_220 : memref<128x32xf32, #tpu.memory_space<hbm>>) dst(%dma_wait3A_217 : memref<128x32xf32, #tpu.memory_space<vmem>>)
      %dma_start3A_221 = arith.constant 2 : i32
      %dma_start3A_222 = arith.constant 0 : i32
      %dma_start3A_223 = arith.constant 0 : i32
      %dma_start3A_224 = tpu.memref_slice %arg11[%dma_start3A_221, %dma_start3A_222, %dma_start3A_223] : memref<8x128x32xf32, #tpu.memory_space<vmem>> -> memref<1x128x32xf32, #tpu.memory_space<vmem>>
      %dma_start3A_225 = tpu.memref_squeeze %dma_start3A_224 : memref<1x128x32xf32, #tpu.memory_space<vmem>> -> memref<128x32xf32, #tpu.memory_space<vmem>>
      %dma_start3A_226 = arith.constant 0 : i32
      %dma_start3A_227 = tpu.memref_slice %arg10[%add3A_205, %dma_start3A_226] : memref<80x128xi32, #tpu.memory_space<vmem>> -> memref<1x128xi32, #tpu.memory_space<vmem>>
      %dma_start3A_228 = tpu.memref_squeeze %dma_start3A_227 : memref<1x128xi32, #tpu.memory_space<vmem>> -> memref<128xi32, #tpu.memory_space<vmem>>
      %dma_start3A_229 = arith.constant 0 : i32
      %dma_start3A_230 = arith.constant 0 : i32
      %dma_start3A_231 = tpu.memref_slice %arg7[%dma_start3A_229, %dma_start3A_230] : memref<10240x32xf32, #tpu.memory_space<vmem_shared>> -> memref<10240x32xf32, #tpu.memory_space<vmem_shared>>
      tpu.enqueue_indirect_dma source(%dma_start3A_225 : memref<128x32xf32, #tpu.memory_space<vmem>>) target(%dma_start3A_231 : memref<10240x32xf32, #tpu.memory_space<vmem_shared>>) offsets(%dma_start3A_228 : memref<128xi32, #tpu.memory_space<vmem>>) semaphore(%arg22 : memref<!tpu.dma_semaphore, #tpu.memory_space<semaphore_mem>>) {add = true}
      %ge3A_232 = arith.constant 4 : i32
      %ge3A_233 = arith.cmpi sge, %add3A_205, %ge3A_232 : i32
      %convert_element_type3A_234 = arith.extui %ge3A_233 : i1 to i32
      %cond3A_235 = arith.constant 0 : i32
      %cond3A_236 = arith.cmpi ne, %convert_element_type3A_234, %cond3A_235 : i32
      scf.if %cond3A_236 {
        %dma_wait3A_442 = arith.constant 6 : i32
        %dma_wait3A_443 = arith.constant 0 : i32
        %dma_wait3A_444 = arith.constant 0 : i32
        %dma_wait3A_445 = tpu.memref_slice %arg11[%dma_wait3A_442, %dma_wait3A_443, %dma_wait3A_444] : memref<8x128x32xf32, #tpu.memory_space<vmem>> -> memref<1x128x32xf32, #tpu.memory_space<vmem>>
        %dma_wait3A_446 = tpu.memref_squeeze %dma_wait3A_445 : memref<1x128x32xf32, #tpu.memory_space<vmem>> -> memref<128x32xf32, #tpu.memory_space<vmem>>
        %dma_wait3A_447 = arith.constant 0 : i32
        %dma_wait3A_448 = arith.constant 0 : i32
        %dma_wait3A_449 = tpu.memref_slice %arg2[%dma_wait3A_447, %dma_wait3A_448] : memref<10240x32xf32, #tpu.memory_space<hbm>> -> memref<128x32xf32, #tpu.memory_space<hbm>>
        %dma_wait3A_450 = arith.constant 0 : i32
        %dma_wait3A_451 = arith.constant 0 : i32
        %dma_wait3A_452 = tpu.memref_slice %arg11[%dma_wait3A_442, %dma_wait3A_450, %dma_wait3A_451] : memref<8x128x32xf32, #tpu.memory_space<vmem>> -> memref<1x128x32xf32, #tpu.memory_space<vmem>>
        %dma_wait3A_453 = tpu.memref_squeeze %dma_wait3A_452 : memref<1x128x32xf32, #tpu.memory_space<vmem>> -> memref<128x32xf32, #tpu.memory_space<vmem>>
        %dma_wait3A_454 = arith.constant 0 : i32
        %dma_wait3A_455 = arith.constant 0 : i32
        %dma_wait3A_456 = tpu.memref_slice %arg2[%dma_wait3A_454, %dma_wait3A_455] : memref<10240x32xf32, #tpu.memory_space<hbm>> -> memref<128x32xf32, #tpu.memory_space<hbm>>
        tpu.wait_dma2 semaphore(%arg26 : memref<!tpu.dma_semaphore, #tpu.memory_space<semaphore_mem>>) src(%dma_wait3A_456 : memref<128x32xf32, #tpu.memory_space<hbm>>) dst(%dma_wait3A_453 : memref<128x32xf32, #tpu.memory_space<vmem>>)
      } else {
      }
      %lt3A_237 = arith.constant 76 : i32
      %lt3A_238 = arith.cmpi slt, %add3A_205, %lt3A_237 : i32
      %convert_element_type3A_239 = arith.extui %lt3A_238 : i1 to i32
      %cond3A_240 = arith.constant 0 : i32
      %cond3A_241 = arith.cmpi ne, %convert_element_type3A_239, %cond3A_240 : i32
      scf.if %cond3A_241 {
        %add3A_442 = arith.constant 4 : i32
        %add3A_443 = arith.addi %add3A_205, %add3A_442 : i32
        %dma_start3A_444 = arith.constant 6 : i32
        %dma_start3A_445 = arith.constant 0 : i32
        %dma_start3A_446 = arith.constant 0 : i32
        %dma_start3A_447 = tpu.memref_slice %arg11[%dma_start3A_444, %dma_start3A_445, %dma_start3A_446] : memref<8x128x32xf32, #tpu.memory_space<vmem>> -> memref<1x128x32xf32, #tpu.memory_space<vmem>>
        %dma_start3A_448 = tpu.memref_squeeze %dma_start3A_447 : memref<1x128x32xf32, #tpu.memory_space<vmem>> -> memref<128x32xf32, #tpu.memory_space<vmem>>
        %dma_start3A_449 = arith.constant 0 : i32
        %dma_start3A_450 = tpu.memref_slice %arg9[%add3A_443, %dma_start3A_449] : memref<80x128xi32, #tpu.memory_space<vmem>> -> memref<1x128xi32, #tpu.memory_space<vmem>>
        %dma_start3A_451 = tpu.memref_squeeze %dma_start3A_450 : memref<1x128xi32, #tpu.memory_space<vmem>> -> memref<128xi32, #tpu.memory_space<vmem>>
        %dma_start3A_452 = arith.constant 0 : i32
        %dma_start3A_453 = arith.constant 0 : i32
        %dma_start3A_454 = tpu.memref_slice %arg8[%dma_start3A_452, %dma_start3A_453] : memref<10240x32xf32, #tpu.memory_space<vmem_shared>> -> memref<10240x32xf32, #tpu.memory_space<vmem_shared>>
        tpu.enqueue_indirect_dma source(%dma_start3A_454 : memref<10240x32xf32, #tpu.memory_space<vmem_shared>>) target(%dma_start3A_448 : memref<128x32xf32, #tpu.memory_space<vmem>>) offsets(%dma_start3A_451 : memref<128xi32, #tpu.memory_space<vmem>>) semaphore(%arg18 : memref<!tpu.dma_semaphore, #tpu.memory_space<semaphore_mem>>)
      } else {
      }
      %mul3A_242 = arith.constant 8 : i32
      %mul3A_243 = arith.muli %scan3A_125, %mul3A_242 : i32
      %add3A_244 = arith.constant 3 : i32
      %add3A_245 = arith.addi %mul3A_243, %add3A_244 : i32
      %dma_wait3A_246 = arith.constant 3 : i32
      %dma_wait3A_247 = arith.constant 0 : i32
      %dma_wait3A_248 = arith.constant 0 : i32
      %dma_wait3A_249 = tpu.memref_slice %arg11[%dma_wait3A_246, %dma_wait3A_247, %dma_wait3A_248] : memref<8x128x32xf32, #tpu.memory_space<vmem>> -> memref<1x128x32xf32, #tpu.memory_space<vmem>>
      %dma_wait3A_250 = tpu.memref_squeeze %dma_wait3A_249 : memref<1x128x32xf32, #tpu.memory_space<vmem>> -> memref<128x32xf32, #tpu.memory_space<vmem>>
      %dma_wait3A_251 = arith.constant 0 : i32
      %dma_wait3A_252 = arith.constant 0 : i32
      %dma_wait3A_253 = tpu.memref_slice %arg2[%dma_wait3A_251, %dma_wait3A_252] : memref<10240x32xf32, #tpu.memory_space<hbm>> -> memref<128x32xf32, #tpu.memory_space<hbm>>
      %dma_wait3A_254 = arith.constant 0 : i32
      %dma_wait3A_255 = arith.constant 0 : i32
      %dma_wait3A_256 = tpu.memref_slice %arg11[%dma_wait3A_246, %dma_wait3A_254, %dma_wait3A_255] : memref<8x128x32xf32, #tpu.memory_space<vmem>> -> memref<1x128x32xf32, #tpu.memory_space<vmem>>
      %dma_wait3A_257 = tpu.memref_squeeze %dma_wait3A_256 : memref<1x128x32xf32, #tpu.memory_space<vmem>> -> memref<128x32xf32, #tpu.memory_space<vmem>>
      %dma_wait3A_258 = arith.constant 0 : i32
      %dma_wait3A_259 = arith.constant 0 : i32
      %dma_wait3A_260 = tpu.memref_slice %arg2[%dma_wait3A_258, %dma_wait3A_259] : memref<10240x32xf32, #tpu.memory_space<hbm>> -> memref<128x32xf32, #tpu.memory_space<hbm>>
      tpu.wait_dma2 semaphore(%arg15 : memref<!tpu.dma_semaphore, #tpu.memory_space<semaphore_mem>>) src(%dma_wait3A_260 : memref<128x32xf32, #tpu.memory_space<hbm>>) dst(%dma_wait3A_257 : memref<128x32xf32, #tpu.memory_space<vmem>>)
      %dma_start3A_261 = arith.constant 3 : i32
      %dma_start3A_262 = arith.constant 0 : i32
      %dma_start3A_263 = arith.constant 0 : i32
      %dma_start3A_264 = tpu.memref_slice %arg11[%dma_start3A_261, %dma_start3A_262, %dma_start3A_263] : memref<8x128x32xf32, #tpu.memory_space<vmem>> -> memref<1x128x32xf32, #tpu.memory_space<vmem>>
      %dma_start3A_265 = tpu.memref_squeeze %dma_start3A_264 : memref<1x128x32xf32, #tpu.memory_space<vmem>> -> memref<128x32xf32, #tpu.memory_space<vmem>>
      %dma_start3A_266 = arith.constant 0 : i32
      %dma_start3A_267 = tpu.memref_slice %arg10[%add3A_245, %dma_start3A_266] : memref<80x128xi32, #tpu.memory_space<vmem>> -> memref<1x128xi32, #tpu.memory_space<vmem>>
      %dma_start3A_268 = tpu.memref_squeeze %dma_start3A_267 : memref<1x128xi32, #tpu.memory_space<vmem>> -> memref<128xi32, #tpu.memory_space<vmem>>
      %dma_start3A_269 = arith.constant 0 : i32
      %dma_start3A_270 = arith.constant 0 : i32
      %dma_start3A_271 = tpu.memref_slice %arg7[%dma_start3A_269, %dma_start3A_270] : memref<10240x32xf32, #tpu.memory_space<vmem_shared>> -> memref<10240x32xf32, #tpu.memory_space<vmem_shared>>
      tpu.enqueue_indirect_dma source(%dma_start3A_265 : memref<128x32xf32, #tpu.memory_space<vmem>>) target(%dma_start3A_271 : memref<10240x32xf32, #tpu.memory_space<vmem_shared>>) offsets(%dma_start3A_268 : memref<128xi32, #tpu.memory_space<vmem>>) semaphore(%arg23 : memref<!tpu.dma_semaphore, #tpu.memory_space<semaphore_mem>>) {add = true}
      %ge3A_272 = arith.constant 4 : i32
      %ge3A_273 = arith.cmpi sge, %add3A_245, %ge3A_272 : i32
      %convert_element_type3A_274 = arith.extui %ge3A_273 : i1 to i32
      %cond3A_275 = arith.constant 0 : i32
      %cond3A_276 = arith.cmpi ne, %convert_element_type3A_274, %cond3A_275 : i32
      scf.if %cond3A_276 {
        %dma_wait3A_442 = arith.constant 7 : i32
        %dma_wait3A_443 = arith.constant 0 : i32
        %dma_wait3A_444 = arith.constant 0 : i32
        %dma_wait3A_445 = tpu.memref_slice %arg11[%dma_wait3A_442, %dma_wait3A_443, %dma_wait3A_444] : memref<8x128x32xf32, #tpu.memory_space<vmem>> -> memref<1x128x32xf32, #tpu.memory_space<vmem>>
        %dma_wait3A_446 = tpu.memref_squeeze %dma_wait3A_445 : memref<1x128x32xf32, #tpu.memory_space<vmem>> -> memref<128x32xf32, #tpu.memory_space<vmem>>
        %dma_wait3A_447 = arith.constant 0 : i32
        %dma_wait3A_448 = arith.constant 0 : i32
        %dma_wait3A_449 = tpu.memref_slice %arg2[%dma_wait3A_447, %dma_wait3A_448] : memref<10240x32xf32, #tpu.memory_space<hbm>> -> memref<128x32xf32, #tpu.memory_space<hbm>>
        %dma_wait3A_450 = arith.constant 0 : i32
        %dma_wait3A_451 = arith.constant 0 : i32
        %dma_wait3A_452 = tpu.memref_slice %arg11[%dma_wait3A_442, %dma_wait3A_450, %dma_wait3A_451] : memref<8x128x32xf32, #tpu.memory_space<vmem>> -> memref<1x128x32xf32, #tpu.memory_space<vmem>>
        %dma_wait3A_453 = tpu.memref_squeeze %dma_wait3A_452 : memref<1x128x32xf32, #tpu.memory_space<vmem>> -> memref<128x32xf32, #tpu.memory_space<vmem>>
        %dma_wait3A_454 = arith.constant 0 : i32
        %dma_wait3A_455 = arith.constant 0 : i32
        %dma_wait3A_456 = tpu.memref_slice %arg2[%dma_wait3A_454, %dma_wait3A_455] : memref<10240x32xf32, #tpu.memory_space<hbm>> -> memref<128x32xf32, #tpu.memory_space<hbm>>
        tpu.wait_dma2 semaphore(%arg27 : memref<!tpu.dma_semaphore, #tpu.memory_space<semaphore_mem>>) src(%dma_wait3A_456 : memref<128x32xf32, #tpu.memory_space<hbm>>) dst(%dma_wait3A_453 : memref<128x32xf32, #tpu.memory_space<vmem>>)
      } else {
      }
      %lt3A_277 = arith.constant 76 : i32
      %lt3A_278 = arith.cmpi slt, %add3A_245, %lt3A_277 : i32
      %convert_element_type3A_279 = arith.extui %lt3A_278 : i1 to i32
      %cond3A_280 = arith.constant 0 : i32
      %cond3A_281 = arith.cmpi ne, %convert_element_type3A_279, %cond3A_280 : i32
      scf.if %cond3A_281 {
        %add3A_442 = arith.constant 4 : i32
        %add3A_443 = arith.addi %add3A_245, %add3A_442 : i32
        %dma_start3A_444 = arith.constant 7 : i32
        %dma_start3A_445 = arith.constant 0 : i32
        %dma_start3A_446 = arith.constant 0 : i32
        %dma_start3A_447 = tpu.memref_slice %arg11[%dma_start3A_444, %dma_start3A_445, %dma_start3A_446] : memref<8x128x32xf32, #tpu.memory_space<vmem>> -> memref<1x128x32xf32, #tpu.memory_space<vmem>>
        %dma_start3A_448 = tpu.memref_squeeze %dma_start3A_447 : memref<1x128x32xf32, #tpu.memory_space<vmem>> -> memref<128x32xf32, #tpu.memory_space<vmem>>
        %dma_start3A_449 = arith.constant 0 : i32
        %dma_start3A_450 = tpu.memref_slice %arg9[%add3A_443, %dma_start3A_449] : memref<80x128xi32, #tpu.memory_space<vmem>> -> memref<1x128xi32, #tpu.memory_space<vmem>>
        %dma_start3A_451 = tpu.memref_squeeze %dma_start3A_450 : memref<1x128xi32, #tpu.memory_space<vmem>> -> memref<128xi32, #tpu.memory_space<vmem>>
        %dma_start3A_452 = arith.constant 0 : i32
        %dma_start3A_453 = arith.constant 0 : i32
        %dma_start3A_454 = tpu.memref_slice %arg8[%dma_start3A_452, %dma_start3A_453] : memref<10240x32xf32, #tpu.memory_space<vmem_shared>> -> memref<10240x32xf32, #tpu.memory_space<vmem_shared>>
        tpu.enqueue_indirect_dma source(%dma_start3A_454 : memref<10240x32xf32, #tpu.memory_space<vmem_shared>>) target(%dma_start3A_448 : memref<128x32xf32, #tpu.memory_space<vmem>>) offsets(%dma_start3A_451 : memref<128xi32, #tpu.memory_space<vmem>>) semaphore(%arg19 : memref<!tpu.dma_semaphore, #tpu.memory_space<semaphore_mem>>)
      } else {
      }
      %mul3A_282 = arith.constant 8 : i32
      %mul3A_283 = arith.muli %scan3A_125, %mul3A_282 : i32
      %add3A_284 = arith.constant 4 : i32
      %add3A_285 = arith.addi %mul3A_283, %add3A_284 : i32
      %dma_wait3A_286 = arith.constant 4 : i32
      %dma_wait3A_287 = arith.constant 0 : i32
      %dma_wait3A_288 = arith.constant 0 : i32
      %dma_wait3A_289 = tpu.memref_slice %arg11[%dma_wait3A_286, %dma_wait3A_287, %dma_wait3A_288] : memref<8x128x32xf32, #tpu.memory_space<vmem>> -> memref<1x128x32xf32, #tpu.memory_space<vmem>>
      %dma_wait3A_290 = tpu.memref_squeeze %dma_wait3A_289 : memref<1x128x32xf32, #tpu.memory_space<vmem>> -> memref<128x32xf32, #tpu.memory_space<vmem>>
      %dma_wait3A_291 = arith.constant 0 : i32
      %dma_wait3A_292 = arith.constant 0 : i32
      %dma_wait3A_293 = tpu.memref_slice %arg2[%dma_wait3A_291, %dma_wait3A_292] : memref<10240x32xf32, #tpu.memory_space<hbm>> -> memref<128x32xf32, #tpu.memory_space<hbm>>
      %dma_wait3A_294 = arith.constant 0 : i32
      %dma_wait3A_295 = arith.constant 0 : i32
      %dma_wait3A_296 = tpu.memref_slice %arg11[%dma_wait3A_286, %dma_wait3A_294, %dma_wait3A_295] : memref<8x128x32xf32, #tpu.memory_space<vmem>> -> memref<1x128x32xf32, #tpu.memory_space<vmem>>
      %dma_wait3A_297 = tpu.memref_squeeze %dma_wait3A_296 : memref<1x128x32xf32, #tpu.memory_space<vmem>> -> memref<128x32xf32, #tpu.memory_space<vmem>>
      %dma_wait3A_298 = arith.constant 0 : i32
      %dma_wait3A_299 = arith.constant 0 : i32
      %dma_wait3A_300 = tpu.memref_slice %arg2[%dma_wait3A_298, %dma_wait3A_299] : memref<10240x32xf32, #tpu.memory_space<hbm>> -> memref<128x32xf32, #tpu.memory_space<hbm>>
      tpu.wait_dma2 semaphore(%arg16 : memref<!tpu.dma_semaphore, #tpu.memory_space<semaphore_mem>>) src(%dma_wait3A_300 : memref<128x32xf32, #tpu.memory_space<hbm>>) dst(%dma_wait3A_297 : memref<128x32xf32, #tpu.memory_space<vmem>>)
      %dma_start3A_301 = arith.constant 4 : i32
      %dma_start3A_302 = arith.constant 0 : i32
      %dma_start3A_303 = arith.constant 0 : i32
      %dma_start3A_304 = tpu.memref_slice %arg11[%dma_start3A_301, %dma_start3A_302, %dma_start3A_303] : memref<8x128x32xf32, #tpu.memory_space<vmem>> -> memref<1x128x32xf32, #tpu.memory_space<vmem>>
      %dma_start3A_305 = tpu.memref_squeeze %dma_start3A_304 : memref<1x128x32xf32, #tpu.memory_space<vmem>> -> memref<128x32xf32, #tpu.memory_space<vmem>>
      %dma_start3A_306 = arith.constant 0 : i32
      %dma_start3A_307 = tpu.memref_slice %arg10[%add3A_285, %dma_start3A_306] : memref<80x128xi32, #tpu.memory_space<vmem>> -> memref<1x128xi32, #tpu.memory_space<vmem>>
      %dma_start3A_308 = tpu.memref_squeeze %dma_start3A_307 : memref<1x128xi32, #tpu.memory_space<vmem>> -> memref<128xi32, #tpu.memory_space<vmem>>
      %dma_start3A_309 = arith.constant 0 : i32
      %dma_start3A_310 = arith.constant 0 : i32
      %dma_start3A_311 = tpu.memref_slice %arg7[%dma_start3A_309, %dma_start3A_310] : memref<10240x32xf32, #tpu.memory_space<vmem_shared>> -> memref<10240x32xf32, #tpu.memory_space<vmem_shared>>
      tpu.enqueue_indirect_dma source(%dma_start3A_305 : memref<128x32xf32, #tpu.memory_space<vmem>>) target(%dma_start3A_311 : memref<10240x32xf32, #tpu.memory_space<vmem_shared>>) offsets(%dma_start3A_308 : memref<128xi32, #tpu.memory_space<vmem>>) semaphore(%arg24 : memref<!tpu.dma_semaphore, #tpu.memory_space<semaphore_mem>>) {add = true}
      %ge3A_312 = arith.constant 4 : i32
      %ge3A_313 = arith.cmpi sge, %add3A_285, %ge3A_312 : i32
      %convert_element_type3A_314 = arith.extui %ge3A_313 : i1 to i32
      %cond3A_315 = arith.constant 0 : i32
      %cond3A_316 = arith.cmpi ne, %convert_element_type3A_314, %cond3A_315 : i32
      scf.if %cond3A_316 {
        %dma_wait3A_442 = arith.constant 0 : i32
        %dma_wait3A_443 = arith.constant 0 : i32
        %dma_wait3A_444 = arith.constant 0 : i32
        %dma_wait3A_445 = tpu.memref_slice %arg11[%dma_wait3A_442, %dma_wait3A_443, %dma_wait3A_444] : memref<8x128x32xf32, #tpu.memory_space<vmem>> -> memref<1x128x32xf32, #tpu.memory_space<vmem>>
        %dma_wait3A_446 = tpu.memref_squeeze %dma_wait3A_445 : memref<1x128x32xf32, #tpu.memory_space<vmem>> -> memref<128x32xf32, #tpu.memory_space<vmem>>
        %dma_wait3A_447 = arith.constant 0 : i32
        %dma_wait3A_448 = arith.constant 0 : i32
        %dma_wait3A_449 = tpu.memref_slice %arg2[%dma_wait3A_447, %dma_wait3A_448] : memref<10240x32xf32, #tpu.memory_space<hbm>> -> memref<128x32xf32, #tpu.memory_space<hbm>>
        %dma_wait3A_450 = arith.constant 0 : i32
        %dma_wait3A_451 = arith.constant 0 : i32
        %dma_wait3A_452 = tpu.memref_slice %arg11[%dma_wait3A_442, %dma_wait3A_450, %dma_wait3A_451] : memref<8x128x32xf32, #tpu.memory_space<vmem>> -> memref<1x128x32xf32, #tpu.memory_space<vmem>>
        %dma_wait3A_453 = tpu.memref_squeeze %dma_wait3A_452 : memref<1x128x32xf32, #tpu.memory_space<vmem>> -> memref<128x32xf32, #tpu.memory_space<vmem>>
        %dma_wait3A_454 = arith.constant 0 : i32
        %dma_wait3A_455 = arith.constant 0 : i32
        %dma_wait3A_456 = tpu.memref_slice %arg2[%dma_wait3A_454, %dma_wait3A_455] : memref<10240x32xf32, #tpu.memory_space<hbm>> -> memref<128x32xf32, #tpu.memory_space<hbm>>
        tpu.wait_dma2 semaphore(%arg20 : memref<!tpu.dma_semaphore, #tpu.memory_space<semaphore_mem>>) src(%dma_wait3A_456 : memref<128x32xf32, #tpu.memory_space<hbm>>) dst(%dma_wait3A_453 : memref<128x32xf32, #tpu.memory_space<vmem>>)
      } else {
      }
      %lt3A_317 = arith.constant 76 : i32
      %lt3A_318 = arith.cmpi slt, %add3A_285, %lt3A_317 : i32
      %convert_element_type3A_319 = arith.extui %lt3A_318 : i1 to i32
      %cond3A_320 = arith.constant 0 : i32
      %cond3A_321 = arith.cmpi ne, %convert_element_type3A_319, %cond3A_320 : i32
      scf.if %cond3A_321 {
        %add3A_442 = arith.constant 4 : i32
        %add3A_443 = arith.addi %add3A_285, %add3A_442 : i32
        %dma_start3A_444 = arith.constant 0 : i32
        %dma_start3A_445 = arith.constant 0 : i32
        %dma_start3A_446 = arith.constant 0 : i32
        %dma_start3A_447 = tpu.memref_slice %arg11[%dma_start3A_444, %dma_start3A_445, %dma_start3A_446] : memref<8x128x32xf32, #tpu.memory_space<vmem>> -> memref<1x128x32xf32, #tpu.memory_space<vmem>>
        %dma_start3A_448 = tpu.memref_squeeze %dma_start3A_447 : memref<1x128x32xf32, #tpu.memory_space<vmem>> -> memref<128x32xf32, #tpu.memory_space<vmem>>
        %dma_start3A_449 = arith.constant 0 : i32
        %dma_start3A_450 = tpu.memref_slice %arg9[%add3A_443, %dma_start3A_449] : memref<80x128xi32, #tpu.memory_space<vmem>> -> memref<1x128xi32, #tpu.memory_space<vmem>>
        %dma_start3A_451 = tpu.memref_squeeze %dma_start3A_450 : memref<1x128xi32, #tpu.memory_space<vmem>> -> memref<128xi32, #tpu.memory_space<vmem>>
        %dma_start3A_452 = arith.constant 0 : i32
        %dma_start3A_453 = arith.constant 0 : i32
        %dma_start3A_454 = tpu.memref_slice %arg8[%dma_start3A_452, %dma_start3A_453] : memref<10240x32xf32, #tpu.memory_space<vmem_shared>> -> memref<10240x32xf32, #tpu.memory_space<vmem_shared>>
        tpu.enqueue_indirect_dma source(%dma_start3A_454 : memref<10240x32xf32, #tpu.memory_space<vmem_shared>>) target(%dma_start3A_448 : memref<128x32xf32, #tpu.memory_space<vmem>>) offsets(%dma_start3A_451 : memref<128xi32, #tpu.memory_space<vmem>>) semaphore(%arg12 : memref<!tpu.dma_semaphore, #tpu.memory_space<semaphore_mem>>)
      } else {
      }
      %mul3A_322 = arith.constant 8 : i32
      %mul3A_323 = arith.muli %scan3A_125, %mul3A_322 : i32
      %add3A_324 = arith.constant 5 : i32
      %add3A_325 = arith.addi %mul3A_323, %add3A_324 : i32
      %dma_wait3A_326 = arith.constant 5 : i32
      %dma_wait3A_327 = arith.constant 0 : i32
      %dma_wait3A_328 = arith.constant 0 : i32
      %dma_wait3A_329 = tpu.memref_slice %arg11[%dma_wait3A_326, %dma_wait3A_327, %dma_wait3A_328] : memref<8x128x32xf32, #tpu.memory_space<vmem>> -> memref<1x128x32xf32, #tpu.memory_space<vmem>>
      %dma_wait3A_330 = tpu.memref_squeeze %dma_wait3A_329 : memref<1x128x32xf32, #tpu.memory_space<vmem>> -> memref<128x32xf32, #tpu.memory_space<vmem>>
      %dma_wait3A_331 = arith.constant 0 : i32
      %dma_wait3A_332 = arith.constant 0 : i32
      %dma_wait3A_333 = tpu.memref_slice %arg2[%dma_wait3A_331, %dma_wait3A_332] : memref<10240x32xf32, #tpu.memory_space<hbm>> -> memref<128x32xf32, #tpu.memory_space<hbm>>
      %dma_wait3A_334 = arith.constant 0 : i32
      %dma_wait3A_335 = arith.constant 0 : i32
      %dma_wait3A_336 = tpu.memref_slice %arg11[%dma_wait3A_326, %dma_wait3A_334, %dma_wait3A_335] : memref<8x128x32xf32, #tpu.memory_space<vmem>> -> memref<1x128x32xf32, #tpu.memory_space<vmem>>
      %dma_wait3A_337 = tpu.memref_squeeze %dma_wait3A_336 : memref<1x128x32xf32, #tpu.memory_space<vmem>> -> memref<128x32xf32, #tpu.memory_space<vmem>>
      %dma_wait3A_338 = arith.constant 0 : i32
      %dma_wait3A_339 = arith.constant 0 : i32
      %dma_wait3A_340 = tpu.memref_slice %arg2[%dma_wait3A_338, %dma_wait3A_339] : memref<10240x32xf32, #tpu.memory_space<hbm>> -> memref<128x32xf32, #tpu.memory_space<hbm>>
      tpu.wait_dma2 semaphore(%arg17 : memref<!tpu.dma_semaphore, #tpu.memory_space<semaphore_mem>>) src(%dma_wait3A_340 : memref<128x32xf32, #tpu.memory_space<hbm>>) dst(%dma_wait3A_337 : memref<128x32xf32, #tpu.memory_space<vmem>>)
      %dma_start3A_341 = arith.constant 5 : i32
      %dma_start3A_342 = arith.constant 0 : i32
      %dma_start3A_343 = arith.constant 0 : i32
      %dma_start3A_344 = tpu.memref_slice %arg11[%dma_start3A_341, %dma_start3A_342, %dma_start3A_343] : memref<8x128x32xf32, #tpu.memory_space<vmem>> -> memref<1x128x32xf32, #tpu.memory_space<vmem>>
      %dma_start3A_345 = tpu.memref_squeeze %dma_start3A_344 : memref<1x128x32xf32, #tpu.memory_space<vmem>> -> memref<128x32xf32, #tpu.memory_space<vmem>>
      %dma_start3A_346 = arith.constant 0 : i32
      %dma_start3A_347 = tpu.memref_slice %arg10[%add3A_325, %dma_start3A_346] : memref<80x128xi32, #tpu.memory_space<vmem>> -> memref<1x128xi32, #tpu.memory_space<vmem>>
      %dma_start3A_348 = tpu.memref_squeeze %dma_start3A_347 : memref<1x128xi32, #tpu.memory_space<vmem>> -> memref<128xi32, #tpu.memory_space<vmem>>
      %dma_start3A_349 = arith.constant 0 : i32
      %dma_start3A_350 = arith.constant 0 : i32
      %dma_start3A_351 = tpu.memref_slice %arg7[%dma_start3A_349, %dma_start3A_350] : memref<10240x32xf32, #tpu.memory_space<vmem_shared>> -> memref<10240x32xf32, #tpu.memory_space<vmem_shared>>
      tpu.enqueue_indirect_dma source(%dma_start3A_345 : memref<128x32xf32, #tpu.memory_space<vmem>>) target(%dma_start3A_351 : memref<10240x32xf32, #tpu.memory_space<vmem_shared>>) offsets(%dma_start3A_348 : memref<128xi32, #tpu.memory_space<vmem>>) semaphore(%arg25 : memref<!tpu.dma_semaphore, #tpu.memory_space<semaphore_mem>>) {add = true}
      %ge3A_352 = arith.constant 4 : i32
      %ge3A_353 = arith.cmpi sge, %add3A_325, %ge3A_352 : i32
      %convert_element_type3A_354 = arith.extui %ge3A_353 : i1 to i32
      %cond3A_355 = arith.constant 0 : i32
      %cond3A_356 = arith.cmpi ne, %convert_element_type3A_354, %cond3A_355 : i32
      scf.if %cond3A_356 {
        %dma_wait3A_442 = arith.constant 1 : i32
        %dma_wait3A_443 = arith.constant 0 : i32
        %dma_wait3A_444 = arith.constant 0 : i32
        %dma_wait3A_445 = tpu.memref_slice %arg11[%dma_wait3A_442, %dma_wait3A_443, %dma_wait3A_444] : memref<8x128x32xf32, #tpu.memory_space<vmem>> -> memref<1x128x32xf32, #tpu.memory_space<vmem>>
        %dma_wait3A_446 = tpu.memref_squeeze %dma_wait3A_445 : memref<1x128x32xf32, #tpu.memory_space<vmem>> -> memref<128x32xf32, #tpu.memory_space<vmem>>
        %dma_wait3A_447 = arith.constant 0 : i32
        %dma_wait3A_448 = arith.constant 0 : i32
        %dma_wait3A_449 = tpu.memref_slice %arg2[%dma_wait3A_447, %dma_wait3A_448] : memref<10240x32xf32, #tpu.memory_space<hbm>> -> memref<128x32xf32, #tpu.memory_space<hbm>>
        %dma_wait3A_450 = arith.constant 0 : i32
        %dma_wait3A_451 = arith.constant 0 : i32
        %dma_wait3A_452 = tpu.memref_slice %arg11[%dma_wait3A_442, %dma_wait3A_450, %dma_wait3A_451] : memref<8x128x32xf32, #tpu.memory_space<vmem>> -> memref<1x128x32xf32, #tpu.memory_space<vmem>>
        %dma_wait3A_453 = tpu.memref_squeeze %dma_wait3A_452 : memref<1x128x32xf32, #tpu.memory_space<vmem>> -> memref<128x32xf32, #tpu.memory_space<vmem>>
        %dma_wait3A_454 = arith.constant 0 : i32
        %dma_wait3A_455 = arith.constant 0 : i32
        %dma_wait3A_456 = tpu.memref_slice %arg2[%dma_wait3A_454, %dma_wait3A_455] : memref<10240x32xf32, #tpu.memory_space<hbm>> -> memref<128x32xf32, #tpu.memory_space<hbm>>
        tpu.wait_dma2 semaphore(%arg21 : memref<!tpu.dma_semaphore, #tpu.memory_space<semaphore_mem>>) src(%dma_wait3A_456 : memref<128x32xf32, #tpu.memory_space<hbm>>) dst(%dma_wait3A_453 : memref<128x32xf32, #tpu.memory_space<vmem>>)
      } else {
      }
      %lt3A_357 = arith.constant 76 : i32
      %lt3A_358 = arith.cmpi slt, %add3A_325, %lt3A_357 : i32
      %convert_element_type3A_359 = arith.extui %lt3A_358 : i1 to i32
      %cond3A_360 = arith.constant 0 : i32
      %cond3A_361 = arith.cmpi ne, %convert_element_type3A_359, %cond3A_360 : i32
      scf.if %cond3A_361 {
        %add3A_442 = arith.constant 4 : i32
        %add3A_443 = arith.addi %add3A_325, %add3A_442 : i32
        %dma_start3A_444 = arith.constant 1 : i32
        %dma_start3A_445 = arith.constant 0 : i32
        %dma_start3A_446 = arith.constant 0 : i32
        %dma_start3A_447 = tpu.memref_slice %arg11[%dma_start3A_444, %dma_start3A_445, %dma_start3A_446] : memref<8x128x32xf32, #tpu.memory_space<vmem>> -> memref<1x128x32xf32, #tpu.memory_space<vmem>>
        %dma_start3A_448 = tpu.memref_squeeze %dma_start3A_447 : memref<1x128x32xf32, #tpu.memory_space<vmem>> -> memref<128x32xf32, #tpu.memory_space<vmem>>
        %dma_start3A_449 = arith.constant 0 : i32
        %dma_start3A_450 = tpu.memref_slice %arg9[%add3A_443, %dma_start3A_449] : memref<80x128xi32, #tpu.memory_space<vmem>> -> memref<1x128xi32, #tpu.memory_space<vmem>>
        %dma_start3A_451 = tpu.memref_squeeze %dma_start3A_450 : memref<1x128xi32, #tpu.memory_space<vmem>> -> memref<128xi32, #tpu.memory_space<vmem>>
        %dma_start3A_452 = arith.constant 0 : i32
        %dma_start3A_453 = arith.constant 0 : i32
        %dma_start3A_454 = tpu.memref_slice %arg8[%dma_start3A_452, %dma_start3A_453] : memref<10240x32xf32, #tpu.memory_space<vmem_shared>> -> memref<10240x32xf32, #tpu.memory_space<vmem_shared>>
        tpu.enqueue_indirect_dma source(%dma_start3A_454 : memref<10240x32xf32, #tpu.memory_space<vmem_shared>>) target(%dma_start3A_448 : memref<128x32xf32, #tpu.memory_space<vmem>>) offsets(%dma_start3A_451 : memref<128xi32, #tpu.memory_space<vmem>>) semaphore(%arg13 : memref<!tpu.dma_semaphore, #tpu.memory_space<semaphore_mem>>)
      } else {
      }
      %mul3A_362 = arith.constant 8 : i32
      %mul3A_363 = arith.muli %scan3A_125, %mul3A_362 : i32
      %add3A_364 = arith.constant 6 : i32
      %add3A_365 = arith.addi %mul3A_363, %add3A_364 : i32
      %dma_wait3A_366 = arith.constant 6 : i32
      %dma_wait3A_367 = arith.constant 0 : i32
      %dma_wait3A_368 = arith.constant 0 : i32
      %dma_wait3A_369 = tpu.memref_slice %arg11[%dma_wait3A_366, %dma_wait3A_367, %dma_wait3A_368] : memref<8x128x32xf32, #tpu.memory_space<vmem>> -> memref<1x128x32xf32, #tpu.memory_space<vmem>>
      %dma_wait3A_370 = tpu.memref_squeeze %dma_wait3A_369 : memref<1x128x32xf32, #tpu.memory_space<vmem>> -> memref<128x32xf32, #tpu.memory_space<vmem>>
      %dma_wait3A_371 = arith.constant 0 : i32
      %dma_wait3A_372 = arith.constant 0 : i32
      %dma_wait3A_373 = tpu.memref_slice %arg2[%dma_wait3A_371, %dma_wait3A_372] : memref<10240x32xf32, #tpu.memory_space<hbm>> -> memref<128x32xf32, #tpu.memory_space<hbm>>
      %dma_wait3A_374 = arith.constant 0 : i32
      %dma_wait3A_375 = arith.constant 0 : i32
      %dma_wait3A_376 = tpu.memref_slice %arg11[%dma_wait3A_366, %dma_wait3A_374, %dma_wait3A_375] : memref<8x128x32xf32, #tpu.memory_space<vmem>> -> memref<1x128x32xf32, #tpu.memory_space<vmem>>
      %dma_wait3A_377 = tpu.memref_squeeze %dma_wait3A_376 : memref<1x128x32xf32, #tpu.memory_space<vmem>> -> memref<128x32xf32, #tpu.memory_space<vmem>>
      %dma_wait3A_378 = arith.constant 0 : i32
      %dma_wait3A_379 = arith.constant 0 : i32
      %dma_wait3A_380 = tpu.memref_slice %arg2[%dma_wait3A_378, %dma_wait3A_379] : memref<10240x32xf32, #tpu.memory_space<hbm>> -> memref<128x32xf32, #tpu.memory_space<hbm>>
      tpu.wait_dma2 semaphore(%arg18 : memref<!tpu.dma_semaphore, #tpu.memory_space<semaphore_mem>>) src(%dma_wait3A_380 : memref<128x32xf32, #tpu.memory_space<hbm>>) dst(%dma_wait3A_377 : memref<128x32xf32, #tpu.memory_space<vmem>>)
      %dma_start3A_381 = arith.constant 6 : i32
      %dma_start3A_382 = arith.constant 0 : i32
      %dma_start3A_383 = arith.constant 0 : i32
      %dma_start3A_384 = tpu.memref_slice %arg11[%dma_start3A_381, %dma_start3A_382, %dma_start3A_383] : memref<8x128x32xf32, #tpu.memory_space<vmem>> -> memref<1x128x32xf32, #tpu.memory_space<vmem>>
      %dma_start3A_385 = tpu.memref_squeeze %dma_start3A_384 : memref<1x128x32xf32, #tpu.memory_space<vmem>> -> memref<128x32xf32, #tpu.memory_space<vmem>>
      %dma_start3A_386 = arith.constant 0 : i32
      %dma_start3A_387 = tpu.memref_slice %arg10[%add3A_365, %dma_start3A_386] : memref<80x128xi32, #tpu.memory_space<vmem>> -> memref<1x128xi32, #tpu.memory_space<vmem>>
      %dma_start3A_388 = tpu.memref_squeeze %dma_start3A_387 : memref<1x128xi32, #tpu.memory_space<vmem>> -> memref<128xi32, #tpu.memory_space<vmem>>
      %dma_start3A_389 = arith.constant 0 : i32
      %dma_start3A_390 = arith.constant 0 : i32
      %dma_start3A_391 = tpu.memref_slice %arg7[%dma_start3A_389, %dma_start3A_390] : memref<10240x32xf32, #tpu.memory_space<vmem_shared>> -> memref<10240x32xf32, #tpu.memory_space<vmem_shared>>
      tpu.enqueue_indirect_dma source(%dma_start3A_385 : memref<128x32xf32, #tpu.memory_space<vmem>>) target(%dma_start3A_391 : memref<10240x32xf32, #tpu.memory_space<vmem_shared>>) offsets(%dma_start3A_388 : memref<128xi32, #tpu.memory_space<vmem>>) semaphore(%arg26 : memref<!tpu.dma_semaphore, #tpu.memory_space<semaphore_mem>>) {add = true}
      %ge3A_392 = arith.constant 4 : i32
      %ge3A_393 = arith.cmpi sge, %add3A_365, %ge3A_392 : i32
      %convert_element_type3A_394 = arith.extui %ge3A_393 : i1 to i32
      %cond3A_395 = arith.constant 0 : i32
      %cond3A_396 = arith.cmpi ne, %convert_element_type3A_394, %cond3A_395 : i32
      scf.if %cond3A_396 {
        %dma_wait3A_442 = arith.constant 2 : i32
        %dma_wait3A_443 = arith.constant 0 : i32
        %dma_wait3A_444 = arith.constant 0 : i32
        %dma_wait3A_445 = tpu.memref_slice %arg11[%dma_wait3A_442, %dma_wait3A_443, %dma_wait3A_444] : memref<8x128x32xf32, #tpu.memory_space<vmem>> -> memref<1x128x32xf32, #tpu.memory_space<vmem>>
        %dma_wait3A_446 = tpu.memref_squeeze %dma_wait3A_445 : memref<1x128x32xf32, #tpu.memory_space<vmem>> -> memref<128x32xf32, #tpu.memory_space<vmem>>
        %dma_wait3A_447 = arith.constant 0 : i32
        %dma_wait3A_448 = arith.constant 0 : i32
        %dma_wait3A_449 = tpu.memref_slice %arg2[%dma_wait3A_447, %dma_wait3A_448] : memref<10240x32xf32, #tpu.memory_space<hbm>> -> memref<128x32xf32, #tpu.memory_space<hbm>>
        %dma_wait3A_450 = arith.constant 0 : i32
        %dma_wait3A_451 = arith.constant 0 : i32
        %dma_wait3A_452 = tpu.memref_slice %arg11[%dma_wait3A_442, %dma_wait3A_450, %dma_wait3A_451] : memref<8x128x32xf32, #tpu.memory_space<vmem>> -> memref<1x128x32xf32, #tpu.memory_space<vmem>>
        %dma_wait3A_453 = tpu.memref_squeeze %dma_wait3A_452 : memref<1x128x32xf32, #tpu.memory_space<vmem>> -> memref<128x32xf32, #tpu.memory_space<vmem>>
        %dma_wait3A_454 = arith.constant 0 : i32
        %dma_wait3A_455 = arith.constant 0 : i32
        %dma_wait3A_456 = tpu.memref_slice %arg2[%dma_wait3A_454, %dma_wait3A_455] : memref<10240x32xf32, #tpu.memory_space<hbm>> -> memref<128x32xf32, #tpu.memory_space<hbm>>
        tpu.wait_dma2 semaphore(%arg22 : memref<!tpu.dma_semaphore, #tpu.memory_space<semaphore_mem>>) src(%dma_wait3A_456 : memref<128x32xf32, #tpu.memory_space<hbm>>) dst(%dma_wait3A_453 : memref<128x32xf32, #tpu.memory_space<vmem>>)
      } else {
      }
      %lt3A_397 = arith.constant 76 : i32
      %lt3A_398 = arith.cmpi slt, %add3A_365, %lt3A_397 : i32
      %convert_element_type3A_399 = arith.extui %lt3A_398 : i1 to i32
      %cond3A_400 = arith.constant 0 : i32
      %cond3A_401 = arith.cmpi ne, %convert_element_type3A_399, %cond3A_400 : i32
      scf.if %cond3A_401 {
        %add3A_442 = arith.constant 4 : i32
        %add3A_443 = arith.addi %add3A_365, %add3A_442 : i32
        %dma_start3A_444 = arith.constant 2 : i32
        %dma_start3A_445 = arith.constant 0 : i32
        %dma_start3A_446 = arith.constant 0 : i32
        %dma_start3A_447 = tpu.memref_slice %arg11[%dma_start3A_444, %dma_start3A_445, %dma_start3A_446] : memref<8x128x32xf32, #tpu.memory_space<vmem>> -> memref<1x128x32xf32, #tpu.memory_space<vmem>>
        %dma_start3A_448 = tpu.memref_squeeze %dma_start3A_447 : memref<1x128x32xf32, #tpu.memory_space<vmem>> -> memref<128x32xf32, #tpu.memory_space<vmem>>
        %dma_start3A_449 = arith.constant 0 : i32
        %dma_start3A_450 = tpu.memref_slice %arg9[%add3A_443, %dma_start3A_449] : memref<80x128xi32, #tpu.memory_space<vmem>> -> memref<1x128xi32, #tpu.memory_space<vmem>>
        %dma_start3A_451 = tpu.memref_squeeze %dma_start3A_450 : memref<1x128xi32, #tpu.memory_space<vmem>> -> memref<128xi32, #tpu.memory_space<vmem>>
        %dma_start3A_452 = arith.constant 0 : i32
        %dma_start3A_453 = arith.constant 0 : i32
        %dma_start3A_454 = tpu.memref_slice %arg8[%dma_start3A_452, %dma_start3A_453] : memref<10240x32xf32, #tpu.memory_space<vmem_shared>> -> memref<10240x32xf32, #tpu.memory_space<vmem_shared>>
        tpu.enqueue_indirect_dma source(%dma_start3A_454 : memref<10240x32xf32, #tpu.memory_space<vmem_shared>>) target(%dma_start3A_448 : memref<128x32xf32, #tpu.memory_space<vmem>>) offsets(%dma_start3A_451 : memref<128xi32, #tpu.memory_space<vmem>>) semaphore(%arg14 : memref<!tpu.dma_semaphore, #tpu.memory_space<semaphore_mem>>)
      } else {
      }
      %mul3A_402 = arith.constant 8 : i32
      %mul3A_403 = arith.muli %scan3A_125, %mul3A_402 : i32
      %add3A_404 = arith.constant 7 : i32
      %add3A_405 = arith.addi %mul3A_403, %add3A_404 : i32
      %dma_wait3A_406 = arith.constant 7 : i32
      %dma_wait3A_407 = arith.constant 0 : i32
      %dma_wait3A_408 = arith.constant 0 : i32
      %dma_wait3A_409 = tpu.memref_slice %arg11[%dma_wait3A_406, %dma_wait3A_407, %dma_wait3A_408] : memref<8x128x32xf32, #tpu.memory_space<vmem>> -> memref<1x128x32xf32, #tpu.memory_space<vmem>>
      %dma_wait3A_410 = tpu.memref_squeeze %dma_wait3A_409 : memref<1x128x32xf32, #tpu.memory_space<vmem>> -> memref<128x32xf32, #tpu.memory_space<vmem>>
      %dma_wait3A_411 = arith.constant 0 : i32
      %dma_wait3A_412 = arith.constant 0 : i32
      %dma_wait3A_413 = tpu.memref_slice %arg2[%dma_wait3A_411, %dma_wait3A_412] : memref<10240x32xf32, #tpu.memory_space<hbm>> -> memref<128x32xf32, #tpu.memory_space<hbm>>
      %dma_wait3A_414 = arith.constant 0 : i32
      %dma_wait3A_415 = arith.constant 0 : i32
      %dma_wait3A_416 = tpu.memref_slice %arg11[%dma_wait3A_406, %dma_wait3A_414, %dma_wait3A_415] : memref<8x128x32xf32, #tpu.memory_space<vmem>> -> memref<1x128x32xf32, #tpu.memory_space<vmem>>
      %dma_wait3A_417 = tpu.memref_squeeze %dma_wait3A_416 : memref<1x128x32xf32, #tpu.memory_space<vmem>> -> memref<128x32xf32, #tpu.memory_space<vmem>>
      %dma_wait3A_418 = arith.constant 0 : i32
      %dma_wait3A_419 = arith.constant 0 : i32
      %dma_wait3A_420 = tpu.memref_slice %arg2[%dma_wait3A_418, %dma_wait3A_419] : memref<10240x32xf32, #tpu.memory_space<hbm>> -> memref<128x32xf32, #tpu.memory_space<hbm>>
      tpu.wait_dma2 semaphore(%arg19 : memref<!tpu.dma_semaphore, #tpu.memory_space<semaphore_mem>>) src(%dma_wait3A_420 : memref<128x32xf32, #tpu.memory_space<hbm>>) dst(%dma_wait3A_417 : memref<128x32xf32, #tpu.memory_space<vmem>>)
      %dma_start3A_421 = arith.constant 7 : i32
      %dma_start3A_422 = arith.constant 0 : i32
      %dma_start3A_423 = arith.constant 0 : i32
      %dma_start3A_424 = tpu.memref_slice %arg11[%dma_start3A_421, %dma_start3A_422, %dma_start3A_423] : memref<8x128x32xf32, #tpu.memory_space<vmem>> -> memref<1x128x32xf32, #tpu.memory_space<vmem>>
      %dma_start3A_425 = tpu.memref_squeeze %dma_start3A_424 : memref<1x128x32xf32, #tpu.memory_space<vmem>> -> memref<128x32xf32, #tpu.memory_space<vmem>>
      %dma_start3A_426 = arith.constant 0 : i32
      %dma_start3A_427 = tpu.memref_slice %arg10[%add3A_405, %dma_start3A_426] : memref<80x128xi32, #tpu.memory_space<vmem>> -> memref<1x128xi32, #tpu.memory_space<vmem>>
      %dma_start3A_428 = tpu.memref_squeeze %dma_start3A_427 : memref<1x128xi32, #tpu.memory_space<vmem>> -> memref<128xi32, #tpu.memory_space<vmem>>
      %dma_start3A_429 = arith.constant 0 : i32
      %dma_start3A_430 = arith.constant 0 : i32
      %dma_start3A_431 = tpu.memref_slice %arg7[%dma_start3A_429, %dma_start3A_430] : memref<10240x32xf32, #tpu.memory_space<vmem_shared>> -> memref<10240x32xf32, #tpu.memory_space<vmem_shared>>
      tpu.enqueue_indirect_dma source(%dma_start3A_425 : memref<128x32xf32, #tpu.memory_space<vmem>>) target(%dma_start3A_431 : memref<10240x32xf32, #tpu.memory_space<vmem_shared>>) offsets(%dma_start3A_428 : memref<128xi32, #tpu.memory_space<vmem>>) semaphore(%arg27 : memref<!tpu.dma_semaphore, #tpu.memory_space<semaphore_mem>>) {add = true}
      %ge3A_432 = arith.constant 4 : i32
      %ge3A_433 = arith.cmpi sge, %add3A_405, %ge3A_432 : i32
      %convert_element_type3A_434 = arith.extui %ge3A_433 : i1 to i32
      %cond3A_435 = arith.constant 0 : i32
      %cond3A_436 = arith.cmpi ne, %convert_element_type3A_434, %cond3A_435 : i32
      scf.if %cond3A_436 {
        %dma_wait3A_442 = arith.constant 3 : i32
        %dma_wait3A_443 = arith.constant 0 : i32
        %dma_wait3A_444 = arith.constant 0 : i32
        %dma_wait3A_445 = tpu.memref_slice %arg11[%dma_wait3A_442, %dma_wait3A_443, %dma_wait3A_444] : memref<8x128x32xf32, #tpu.memory_space<vmem>> -> memref<1x128x32xf32, #tpu.memory_space<vmem>>
        %dma_wait3A_446 = tpu.memref_squeeze %dma_wait3A_445 : memref<1x128x32xf32, #tpu.memory_space<vmem>> -> memref<128x32xf32, #tpu.memory_space<vmem>>
        %dma_wait3A_447 = arith.constant 0 : i32
        %dma_wait3A_448 = arith.constant 0 : i32
        %dma_wait3A_449 = tpu.memref_slice %arg2[%dma_wait3A_447, %dma_wait3A_448] : memref<10240x32xf32, #tpu.memory_space<hbm>> -> memref<128x32xf32, #tpu.memory_space<hbm>>
        %dma_wait3A_450 = arith.constant 0 : i32
        %dma_wait3A_451 = arith.constant 0 : i32
        %dma_wait3A_452 = tpu.memref_slice %arg11[%dma_wait3A_442, %dma_wait3A_450, %dma_wait3A_451] : memref<8x128x32xf32, #tpu.memory_space<vmem>> -> memref<1x128x32xf32, #tpu.memory_space<vmem>>
        %dma_wait3A_453 = tpu.memref_squeeze %dma_wait3A_452 : memref<1x128x32xf32, #tpu.memory_space<vmem>> -> memref<128x32xf32, #tpu.memory_space<vmem>>
        %dma_wait3A_454 = arith.constant 0 : i32
        %dma_wait3A_455 = arith.constant 0 : i32
        %dma_wait3A_456 = tpu.memref_slice %arg2[%dma_wait3A_454, %dma_wait3A_455] : memref<10240x32xf32, #tpu.memory_space<hbm>> -> memref<128x32xf32, #tpu.memory_space<hbm>>
        tpu.wait_dma2 semaphore(%arg23 : memref<!tpu.dma_semaphore, #tpu.memory_space<semaphore_mem>>) src(%dma_wait3A_456 : memref<128x32xf32, #tpu.memory_space<hbm>>) dst(%dma_wait3A_453 : memref<128x32xf32, #tpu.memory_space<vmem>>)
      } else {
      }
      %lt3A_437 = arith.constant 76 : i32
      %lt3A_438 = arith.cmpi slt, %add3A_405, %lt3A_437 : i32
      %convert_element_type3A_439 = arith.extui %lt3A_438 : i1 to i32
      %cond3A_440 = arith.constant 0 : i32
      %cond3A_441 = arith.cmpi ne, %convert_element_type3A_439, %cond3A_440 : i32
      scf.if %cond3A_441 {
        %add3A_442 = arith.constant 4 : i32
        %add3A_443 = arith.addi %add3A_405, %add3A_442 : i32
        %dma_start3A_444 = arith.constant 3 : i32
        %dma_start3A_445 = arith.constant 0 : i32
        %dma_start3A_446 = arith.constant 0 : i32
        %dma_start3A_447 = tpu.memref_slice %arg11[%dma_start3A_444, %dma_start3A_445, %dma_start3A_446] : memref<8x128x32xf32, #tpu.memory_space<vmem>> -> memref<1x128x32xf32, #tpu.memory_space<vmem>>
        %dma_start3A_448 = tpu.memref_squeeze %dma_start3A_447 : memref<1x128x32xf32, #tpu.memory_space<vmem>> -> memref<128x32xf32, #tpu.memory_space<vmem>>
        %dma_start3A_449 = arith.constant 0 : i32
        %dma_start3A_450 = tpu.memref_slice %arg9[%add3A_443, %dma_start3A_449] : memref<80x128xi32, #tpu.memory_space<vmem>> -> memref<1x128xi32, #tpu.memory_space<vmem>>
        %dma_start3A_451 = tpu.memref_squeeze %dma_start3A_450 : memref<1x128xi32, #tpu.memory_space<vmem>> -> memref<128xi32, #tpu.memory_space<vmem>>
        %dma_start3A_452 = arith.constant 0 : i32
        %dma_start3A_453 = arith.constant 0 : i32
        %dma_start3A_454 = tpu.memref_slice %arg8[%dma_start3A_452, %dma_start3A_453] : memref<10240x32xf32, #tpu.memory_space<vmem_shared>> -> memref<10240x32xf32, #tpu.memory_space<vmem_shared>>
        tpu.enqueue_indirect_dma source(%dma_start3A_454 : memref<10240x32xf32, #tpu.memory_space<vmem_shared>>) target(%dma_start3A_448 : memref<128x32xf32, #tpu.memory_space<vmem>>) offsets(%dma_start3A_451 : memref<128xi32, #tpu.memory_space<vmem>>) semaphore(%arg15 : memref<!tpu.dma_semaphore, #tpu.memory_space<semaphore_mem>>)
      } else {
      }
    }
    %scan3A_60 = arith.constant 10 : i32
    %dma_wait3A = arith.constant 4 : i32
    %dma_wait3A_61 = arith.constant 0 : i32
    %dma_wait3A_62 = arith.constant 0 : i32
    %dma_wait3A_63 = tpu.memref_slice %arg11[%dma_wait3A, %dma_wait3A_61, %dma_wait3A_62] : memref<8x128x32xf32, #tpu.memory_space<vmem>> -> memref<1x128x32xf32, #tpu.memory_space<vmem>>
    %dma_wait3A_64 = tpu.memref_squeeze %dma_wait3A_63 : memref<1x128x32xf32, #tpu.memory_space<vmem>> -> memref<128x32xf32, #tpu.memory_space<vmem>>
    %dma_wait3A_65 = arith.constant 0 : i32
    %dma_wait3A_66 = arith.constant 0 : i32
    %dma_wait3A_67 = tpu.memref_slice %arg2[%dma_wait3A_65, %dma_wait3A_66] : memref<10240x32xf32, #tpu.memory_space<hbm>> -> memref<128x32xf32, #tpu.memory_space<hbm>>
    %dma_wait3A_68 = arith.constant 0 : i32
    %dma_wait3A_69 = arith.constant 0 : i32
    %dma_wait3A_70 = tpu.memref_slice %arg11[%dma_wait3A, %dma_wait3A_68, %dma_wait3A_69] : memref<8x128x32xf32, #tpu.memory_space<vmem>> -> memref<1x128x32xf32, #tpu.memory_space<vmem>>
    %dma_wait3A_71 = tpu.memref_squeeze %dma_wait3A_70 : memref<1x128x32xf32, #tpu.memory_space<vmem>> -> memref<128x32xf32, #tpu.memory_space<vmem>>
    %dma_wait3A_72 = arith.constant 0 : i32
    %dma_wait3A_73 = arith.constant 0 : i32
    %dma_wait3A_74 = tpu.memref_slice %arg2[%dma_wait3A_72, %dma_wait3A_73] : memref<10240x32xf32, #tpu.memory_space<hbm>> -> memref<128x32xf32, #tpu.memory_space<hbm>>
    tpu.wait_dma2 semaphore(%arg24 : memref<!tpu.dma_semaphore, #tpu.memory_space<semaphore_mem>>) src(%dma_wait3A_74 : memref<128x32xf32, #tpu.memory_space<hbm>>) dst(%dma_wait3A_71 : memref<128x32xf32, #tpu.memory_space<vmem>>)
    %dma_wait3A_75 = arith.constant 5 : i32
    %dma_wait3A_76 = arith.constant 0 : i32
    %dma_wait3A_77 = arith.constant 0 : i32
    %dma_wait3A_78 = tpu.memref_slice %arg11[%dma_wait3A_75, %dma_wait3A_76, %dma_wait3A_77] : memref<8x128x32xf32, #tpu.memory_space<vmem>> -> memref<1x128x32xf32, #tpu.memory_space<vmem>>
    %dma_wait3A_79 = tpu.memref_squeeze %dma_wait3A_78 : memref<1x128x32xf32, #tpu.memory_space<vmem>> -> memref<128x32xf32, #tpu.memory_space<vmem>>
    %dma_wait3A_80 = arith.constant 0 : i32
    %dma_wait3A_81 = arith.constant 0 : i32
    %dma_wait3A_82 = tpu.memref_slice %arg2[%dma_wait3A_80, %dma_wait3A_81] : memref<10240x32xf32, #tpu.memory_space<hbm>> -> memref<128x32xf32, #tpu.memory_space<hbm>>
    %dma_wait3A_83 = arith.constant 0 : i32
    %dma_wait3A_84 = arith.constant 0 : i32
    %dma_wait3A_85 = tpu.memref_slice %arg11[%dma_wait3A_75, %dma_wait3A_83, %dma_wait3A_84] : memref<8x128x32xf32, #tpu.memory_space<vmem>> -> memref<1x128x32xf32, #tpu.memory_space<vmem>>
    %dma_wait3A_86 = tpu.memref_squeeze %dma_wait3A_85 : memref<1x128x32xf32, #tpu.memory_space<vmem>> -> memref<128x32xf32, #tpu.memory_space<vmem>>
    %dma_wait3A_87 = arith.constant 0 : i32
    %dma_wait3A_88 = arith.constant 0 : i32
    %dma_wait3A_89 = tpu.memref_slice %arg2[%dma_wait3A_87, %dma_wait3A_88] : memref<10240x32xf32, #tpu.memory_space<hbm>> -> memref<128x32xf32, #tpu.memory_space<hbm>>
    tpu.wait_dma2 semaphore(%arg25 : memref<!tpu.dma_semaphore, #tpu.memory_space<semaphore_mem>>) src(%dma_wait3A_89 : memref<128x32xf32, #tpu.memory_space<hbm>>) dst(%dma_wait3A_86 : memref<128x32xf32, #tpu.memory_space<vmem>>)
    %dma_wait3A_90 = arith.constant 6 : i32
    %dma_wait3A_91 = arith.constant 0 : i32
    %dma_wait3A_92 = arith.constant 0 : i32
    %dma_wait3A_93 = tpu.memref_slice %arg11[%dma_wait3A_90, %dma_wait3A_91, %dma_wait3A_92] : memref<8x128x32xf32, #tpu.memory_space<vmem>> -> memref<1x128x32xf32, #tpu.memory_space<vmem>>
    %dma_wait3A_94 = tpu.memref_squeeze %dma_wait3A_93 : memref<1x128x32xf32, #tpu.memory_space<vmem>> -> memref<128x32xf32, #tpu.memory_space<vmem>>
    %dma_wait3A_95 = arith.constant 0 : i32
    %dma_wait3A_96 = arith.constant 0 : i32
    %dma_wait3A_97 = tpu.memref_slice %arg2[%dma_wait3A_95, %dma_wait3A_96] : memref<10240x32xf32, #tpu.memory_space<hbm>> -> memref<128x32xf32, #tpu.memory_space<hbm>>
    %dma_wait3A_98 = arith.constant 0 : i32
    %dma_wait3A_99 = arith.constant 0 : i32
    %dma_wait3A_100 = tpu.memref_slice %arg11[%dma_wait3A_90, %dma_wait3A_98, %dma_wait3A_99] : memref<8x128x32xf32, #tpu.memory_space<vmem>> -> memref<1x128x32xf32, #tpu.memory_space<vmem>>
    %dma_wait3A_101 = tpu.memref_squeeze %dma_wait3A_100 : memref<1x128x32xf32, #tpu.memory_space<vmem>> -> memref<128x32xf32, #tpu.memory_space<vmem>>
    %dma_wait3A_102 = arith.constant 0 : i32
    %dma_wait3A_103 = arith.constant 0 : i32
    %dma_wait3A_104 = tpu.memref_slice %arg2[%dma_wait3A_102, %dma_wait3A_103] : memref<10240x32xf32, #tpu.memory_space<hbm>> -> memref<128x32xf32, #tpu.memory_space<hbm>>
    tpu.wait_dma2 semaphore(%arg26 : memref<!tpu.dma_semaphore, #tpu.memory_space<semaphore_mem>>) src(%dma_wait3A_104 : memref<128x32xf32, #tpu.memory_space<hbm>>) dst(%dma_wait3A_101 : memref<128x32xf32, #tpu.memory_space<vmem>>)
    %dma_wait3A_105 = arith.constant 7 : i32
    %dma_wait3A_106 = arith.constant 0 : i32
    %dma_wait3A_107 = arith.constant 0 : i32
    %dma_wait3A_108 = tpu.memref_slice %arg11[%dma_wait3A_105, %dma_wait3A_106, %dma_wait3A_107] : memref<8x128x32xf32, #tpu.memory_space<vmem>> -> memref<1x128x32xf32, #tpu.memory_space<vmem>>
    %dma_wait3A_109 = tpu.memref_squeeze %dma_wait3A_108 : memref<1x128x32xf32, #tpu.memory_space<vmem>> -> memref<128x32xf32, #tpu.memory_space<vmem>>
    %dma_wait3A_110 = arith.constant 0 : i32
    %dma_wait3A_111 = arith.constant 0 : i32
    %dma_wait3A_112 = tpu.memref_slice %arg2[%dma_wait3A_110, %dma_wait3A_111] : memref<10240x32xf32, #tpu.memory_space<hbm>> -> memref<128x32xf32, #tpu.memory_space<hbm>>
    %dma_wait3A_113 = arith.constant 0 : i32
    %dma_wait3A_114 = arith.constant 0 : i32
    %dma_wait3A_115 = tpu.memref_slice %arg11[%dma_wait3A_105, %dma_wait3A_113, %dma_wait3A_114] : memref<8x128x32xf32, #tpu.memory_space<vmem>> -> memref<1x128x32xf32, #tpu.memory_space<vmem>>
    %dma_wait3A_116 = tpu.memref_squeeze %dma_wait3A_115 : memref<1x128x32xf32, #tpu.memory_space<vmem>> -> memref<128x32xf32, #tpu.memory_space<vmem>>
    %dma_wait3A_117 = arith.constant 0 : i32
    %dma_wait3A_118 = arith.constant 0 : i32
    %dma_wait3A_119 = tpu.memref_slice %arg2[%dma_wait3A_117, %dma_wait3A_118] : memref<10240x32xf32, #tpu.memory_space<hbm>> -> memref<128x32xf32, #tpu.memory_space<hbm>>
    tpu.wait_dma2 semaphore(%arg27 : memref<!tpu.dma_semaphore, #tpu.memory_space<semaphore_mem>>) src(%dma_wait3A_119 : memref<128x32xf32, #tpu.memory_space<hbm>>) dst(%dma_wait3A_116 : memref<128x32xf32, #tpu.memory_space<vmem>>)
    %barrier3A_120 = arith.constant 0 : index
    tpu.barrier barrier_id(%barrier3A_120)
    %mul3A_121 = arith.constant 640 : i32
    %mul3A_122 = arith.muli %arg1, %mul3A_121 : i32
    %mul3A_123 = arith.constant 640 : i32
    %mul3A_124 = arith.muli %arg1, %mul3A_123 : i32
    "tpu.region"() ({
      %run_scoped3A = tpu.sem_alloc : memref<!tpu.dma_semaphore, #tpu.memory_space<semaphore_mem>>
      %dma_start3A_125 = arith.constant 0 : i32
      %dma_start3A_126 = tpu.memref_slice %arg6[%arg0, %mul3A_124, %dma_start3A_125] : memref<2x10240x32xf32, #tpu.memory_space<hbm>> -> memref<1x640x32xf32, #tpu.memory_space<hbm>>
      %dma_start3A_127 = tpu.memref_squeeze %dma_start3A_126 : memref<1x640x32xf32, #tpu.memory_space<hbm>> -> memref<640x32xf32, #tpu.memory_space<hbm>>
      %dma_start3A_128 = arith.constant 0 : i32
      %dma_start3A_129 = tpu.memref_slice %arg7[%mul3A_122, %dma_start3A_128] : memref<10240x32xf32, #tpu.memory_space<vmem_shared>> -> memref<640x32xf32, #tpu.memory_space<vmem_shared>>
      tpu.enqueue_dma source(%dma_start3A_129 : memref<640x32xf32, #tpu.memory_space<vmem_shared>>) target(%dma_start3A_127 : memref<640x32xf32, #tpu.memory_space<hbm>>) target_semaphore(%run_scoped3A : memref<!tpu.dma_semaphore, #tpu.memory_space<semaphore_mem>>)
      %dma_wait3A_130 = arith.constant 0 : i32
      %dma_wait3A_131 = tpu.memref_slice %arg6[%arg0, %mul3A_124, %dma_wait3A_130] : memref<2x10240x32xf32, #tpu.memory_space<hbm>> -> memref<1x640x32xf32, #tpu.memory_space<hbm>>
      %dma_wait3A_132 = tpu.memref_squeeze %dma_wait3A_131 : memref<1x640x32xf32, #tpu.memory_space<hbm>> -> memref<640x32xf32, #tpu.memory_space<hbm>>
      %dma_wait3A_133 = arith.constant 0 : i32
      %dma_wait3A_134 = tpu.memref_slice %arg7[%mul3A_122, %dma_wait3A_133] : memref<10240x32xf32, #tpu.memory_space<vmem_shared>> -> memref<640x32xf32, #tpu.memory_space<vmem_shared>>
      tpu.wait_dma2 semaphore(%run_scoped3A : memref<!tpu.dma_semaphore, #tpu.memory_space<semaphore_mem>>) src(%dma_wait3A_134 : memref<640x32xf32, #tpu.memory_space<vmem_shared>>) dst(%dma_wait3A_132 : memref<640x32xf32, #tpu.memory_space<hbm>>)
      tpu.yield
    }) : () -> ()
    return
  }
}

#map = affine_map<(d0, d1) -> (0, 0)>
#map1 = affine_map<(d0, d1) -> (0, 0, 0)>
module attributes {stable_mosaic.version = 14 : i64} {
  func.func @_sc_scatter(%arg0: i32, %arg1: i32, %arg2: memref<10240x32xf32, #tpu.memory_space<hbm>>, %arg3: memref<32x80x128xi32, #tpu.memory_space<hbm>>, %arg4: memref<32x80x128xi32, #tpu.memory_space<hbm>>, %arg5: memref<10240x32xf32, #tpu.memory_space<hbm>>, %arg6: memref<2x10240x32xf32, #tpu.memory_space<hbm>>, %arg7: memref<10240x32xf32, #tpu.memory_space<vmem_shared>>, %arg8: memref<10240x32xf32, #tpu.memory_space<vmem_shared>>, %arg9: memref<80x128xi32, #tpu.memory_space<vmem>>, %arg10: memref<80x128xi32, #tpu.memory_space<vmem>>, %arg11: memref<8x128x32xf32, #tpu.memory_space<vmem>>, %arg12: memref<!tpu.dma_semaphore, #tpu.memory_space<semaphore_mem>>, %arg13: memref<!tpu.dma_semaphore, #tpu.memory_space<semaphore_mem>>, %arg14: memref<!tpu.dma_semaphore, #tpu.memory_space<semaphore_mem>>, %arg15: memref<!tpu.dma_semaphore, #tpu.memory_space<semaphore_mem>>, %arg16: memref<!tpu.dma_semaphore, #tpu.memory_space<semaphore_mem>>, %arg17: memref<!tpu.dma_semaphore, #tpu.memory_space<semaphore_mem>>, %arg18: memref<!tpu.dma_semaphore, #tpu.memory_space<semaphore_mem>>, %arg19: memref<!tpu.dma_semaphore, #tpu.memory_space<semaphore_mem>>, %arg20: memref<!tpu.dma_semaphore, #tpu.memory_space<semaphore_mem>>, %arg21: memref<!tpu.dma_semaphore, #tpu.memory_space<semaphore_mem>>, %arg22: memref<!tpu.dma_semaphore, #tpu.memory_space<semaphore_mem>>, %arg23: memref<!tpu.dma_semaphore, #tpu.memory_space<semaphore_mem>>, %arg24: memref<!tpu.dma_semaphore, #tpu.memory_space<semaphore_mem>>, %arg25: memref<!tpu.dma_semaphore, #tpu.memory_space<semaphore_mem>>, %arg26: memref<!tpu.dma_semaphore, #tpu.memory_space<semaphore_mem>>, %arg27: memref<!tpu.dma_semaphore, #tpu.memory_space<semaphore_mem>>) attributes {dimension_semantics = [#tpu.dimension_semantics<core_parallel>, #tpu.dimension_semantics<subcore_parallel>], iteration_bounds = array<i64: 2, 16>, scalar_prefetch = 0 : i64, scratch_operands = 21 : i64, tpu.core_type = #tpu.core_type<sc_vector_subcore>, window_params = [{transform_indices = #map}, {transform_indices = #map1}, {transform_indices = #map1}, {transform_indices = #map}, {transform_indices = #map1}]} {
    %mul3A = arith.constant 16 : i32
    %mul3A_0 = arith.muli %arg0, %mul3A : i32
    %add3A = arith.addi %mul3A_0, %arg1 : i32
    %mul3A_1 = arith.constant 640 : i32
    %mul3A_2 = arith.muli %arg1, %mul3A_1 : i32
    %mul3A_3 = arith.constant 640 : i32
    %mul3A_4 = arith.muli %arg1, %mul3A_3 : i32
    "tpu.region"() ({
      %run_scoped3A = tpu.sem_alloc : memref<!tpu.dma_semaphore, #tpu.memory_space<semaphore_mem>>
      %dma_start3A_125 = arith.constant 0 : i32
      %dma_start3A_126 = tpu.memref_slice %arg8[%mul3A_4, %dma_start3A_125] : memref<10240x32xf32, #tpu.memory_space<vmem_shared>> -> memref<640x32xf32, #tpu.memory_space<vmem_shared>>
      %dma_start3A_127 = arith.constant 0 : i32
      %dma_start3A_128 = tpu.memref_slice %arg2[%mul3A_2, %dma_start3A_127] : memref<10240x32xf32, #tpu.memory_space<hbm>> -> memref<640x32xf32, #tpu.memory_space<hbm>>
      tpu.enqueue_dma source(%dma_start3A_128 : memref<640x32xf32, #tpu.memory_space<hbm>>) target(%dma_start3A_126 : memref<640x32xf32, #tpu.memory_space<vmem_shared>>) target_semaphore(%run_scoped3A : memref<!tpu.dma_semaphore, #tpu.memory_space<semaphore_mem>>)
      %dma_wait3A_129 = arith.constant 0 : i32
      %dma_wait3A_130 = tpu.memref_slice %arg8[%mul3A_4, %dma_wait3A_129] : memref<10240x32xf32, #tpu.memory_space<vmem_shared>> -> memref<640x32xf32, #tpu.memory_space<vmem_shared>>
      %dma_wait3A_131 = arith.constant 0 : i32
      %dma_wait3A_132 = tpu.memref_slice %arg2[%mul3A_2, %dma_wait3A_131] : memref<10240x32xf32, #tpu.memory_space<hbm>> -> memref<640x32xf32, #tpu.memory_space<hbm>>
      tpu.wait_dma2 semaphore(%run_scoped3A : memref<!tpu.dma_semaphore, #tpu.memory_space<semaphore_mem>>) src(%dma_wait3A_132 : memref<640x32xf32, #tpu.memory_space<hbm>>) dst(%dma_wait3A_130 : memref<640x32xf32, #tpu.memory_space<vmem_shared>>)
      tpu.yield
    }) : () -> ()
    %mul3A_5 = arith.constant 640 : i32
    %mul3A_6 = arith.muli %arg1, %mul3A_5 : i32
    %mul3A_7 = arith.constant 640 : i32
    %mul3A_8 = arith.muli %arg1, %mul3A_7 : i32
    "tpu.region"() ({
      %run_scoped3A = tpu.sem_alloc : memref<!tpu.dma_semaphore, #tpu.memory_space<semaphore_mem>>
      %dma_start3A_125 = arith.constant 0 : i32
      %dma_start3A_126 = tpu.memref_slice %arg7[%mul3A_8, %dma_start3A_125] : memref<10240x32xf32, #tpu.memory_space<vmem_shared>> -> memref<640x32xf32, #tpu.memory_space<vmem_shared>>
      %dma_start3A_127 = arith.constant 0 : i32
      %dma_start3A_128 = tpu.memref_slice %arg5[%mul3A_6, %dma_start3A_127] : memref<10240x32xf32, #tpu.memory_space<hbm>> -> memref<640x32xf32, #tpu.memory_space<hbm>>
      tpu.enqueue_dma source(%dma_start3A_128 : memref<640x32xf32, #tpu.memory_space<hbm>>) target(%dma_start3A_126 : memref<640x32xf32, #tpu.memory_space<vmem_shared>>) target_semaphore(%run_scoped3A : memref<!tpu.dma_semaphore, #tpu.memory_space<semaphore_mem>>)
      %dma_wait3A_129 = arith.constant 0 : i32
      %dma_wait3A_130 = tpu.memref_slice %arg7[%mul3A_8, %dma_wait3A_129] : memref<10240x32xf32, #tpu.memory_space<vmem_shared>> -> memref<640x32xf32, #tpu.memory_space<vmem_shared>>
      %dma_wait3A_131 = arith.constant 0 : i32
      %dma_wait3A_132 = tpu.memref_slice %arg5[%mul3A_6, %dma_wait3A_131] : memref<10240x32xf32, #tpu.memory_space<hbm>> -> memref<640x32xf32, #tpu.memory_space<hbm>>
      tpu.wait_dma2 semaphore(%run_scoped3A : memref<!tpu.dma_semaphore, #tpu.memory_space<semaphore_mem>>) src(%dma_wait3A_132 : memref<640x32xf32, #tpu.memory_space<hbm>>) dst(%dma_wait3A_130 : memref<640x32xf32, #tpu.memory_space<vmem_shared>>)
      tpu.yield
    }) : () -> ()
    "tpu.region"() ({
      %run_scoped3A = tpu.sem_alloc : memref<!tpu.dma_semaphore, #tpu.memory_space<semaphore_mem>>
      %dma_start3A_125 = arith.constant 0 : i32
      %dma_start3A_126 = arith.constant 0 : i32
      %dma_start3A_127 = tpu.memref_slice %arg3[%add3A, %dma_start3A_125, %dma_start3A_126] : memref<32x80x128xi32, #tpu.memory_space<hbm>> -> memref<1x80x128xi32, #tpu.memory_space<hbm>>
      %dma_start3A_128 = tpu.memref_squeeze %dma_start3A_127 : memref<1x80x128xi32, #tpu.memory_space<hbm>> -> memref<80x128xi32, #tpu.memory_space<hbm>>
      %dma_start3A_129 = arith.constant 0 : i32
      %dma_start3A_130 = arith.constant 0 : i32
      %dma_start3A_131 = tpu.memref_slice %arg3[%add3A, %dma_start3A_129, %dma_start3A_130] : memref<32x80x128xi32, #tpu.memory_space<hbm>> -> memref<1x80x128xi32, #tpu.memory_space<hbm>>
      %dma_start3A_132 = tpu.memref_squeeze %dma_start3A_131 : memref<1x80x128xi32, #tpu.memory_space<hbm>> -> memref<80x128xi32, #tpu.memory_space<hbm>>
      tpu.enqueue_dma source(%dma_start3A_132 : memref<80x128xi32, #tpu.memory_space<hbm>>) target(%arg9 : memref<80x128xi32, #tpu.memory_space<vmem>>) target_semaphore(%run_scoped3A : memref<!tpu.dma_semaphore, #tpu.memory_space<semaphore_mem>>)
      %dma_wait3A_133 = arith.constant 0 : i32
      %dma_wait3A_134 = arith.constant 0 : i32
      %dma_wait3A_135 = tpu.memref_slice %arg3[%add3A, %dma_wait3A_133, %dma_wait3A_134] : memref<32x80x128xi32, #tpu.memory_space<hbm>> -> memref<1x80x128xi32, #tpu.memory_space<hbm>>
      %dma_wait3A_136 = tpu.memref_squeeze %dma_wait3A_135 : memref<1x80x128xi32, #tpu.memory_space<hbm>> -> memref<80x128xi32, #tpu.memory_space<hbm>>
      %dma_wait3A_137 = arith.constant 0 : i32
      %dma_wait3A_138 = arith.constant 0 : i32
      %dma_wait3A_139 = tpu.memref_slice %arg3[%add3A, %dma_wait3A_137, %dma_wait3A_138] : memref<32x80x128xi32, #tpu.memory_space<hbm>> -> memref<1x80x128xi32, #tpu.memory_space<hbm>>
      %dma_wait3A_140 = tpu.memref_squeeze %dma_wait3A_139 : memref<1x80x128xi32, #tpu.memory_space<hbm>> -> memref<80x128xi32, #tpu.memory_space<hbm>>
      tpu.wait_dma2 semaphore(%run_scoped3A : memref<!tpu.dma_semaphore, #tpu.memory_space<semaphore_mem>>) src(%dma_wait3A_140 : memref<80x128xi32, #tpu.memory_space<hbm>>) dst(%arg9 : memref<80x128xi32, #tpu.memory_space<vmem>>)
      tpu.yield
    }) : () -> ()
    "tpu.region"() ({
      %run_scoped3A = tpu.sem_alloc : memref<!tpu.dma_semaphore, #tpu.memory_space<semaphore_mem>>
      %dma_start3A_125 = arith.constant 0 : i32
      %dma_start3A_126 = arith.constant 0 : i32
      %dma_start3A_127 = tpu.memref_slice %arg4[%add3A, %dma_start3A_125, %dma_start3A_126] : memref<32x80x128xi32, #tpu.memory_space<hbm>> -> memref<1x80x128xi32, #tpu.memory_space<hbm>>
      %dma_start3A_128 = tpu.memref_squeeze %dma_start3A_127 : memref<1x80x128xi32, #tpu.memory_space<hbm>> -> memref<80x128xi32, #tpu.memory_space<hbm>>
      %dma_start3A_129 = arith.constant 0 : i32
      %dma_start3A_130 = arith.constant 0 : i32
      %dma_start3A_131 = tpu.memref_slice %arg4[%add3A, %dma_start3A_129, %dma_start3A_130] : memref<32x80x128xi32, #tpu.memory_space<hbm>> -> memref<1x80x128xi32, #tpu.memory_space<hbm>>
      %dma_start3A_132 = tpu.memref_squeeze %dma_start3A_131 : memref<1x80x128xi32, #tpu.memory_space<hbm>> -> memref<80x128xi32, #tpu.memory_space<hbm>>
      tpu.enqueue_dma source(%dma_start3A_132 : memref<80x128xi32, #tpu.memory_space<hbm>>) target(%arg10 : memref<80x128xi32, #tpu.memory_space<vmem>>) target_semaphore(%run_scoped3A : memref<!tpu.dma_semaphore, #tpu.memory_space<semaphore_mem>>)
      %dma_wait3A_133 = arith.constant 0 : i32
      %dma_wait3A_134 = arith.constant 0 : i32
      %dma_wait3A_135 = tpu.memref_slice %arg4[%add3A, %dma_wait3A_133, %dma_wait3A_134] : memref<32x80x128xi32, #tpu.memory_space<hbm>> -> memref<1x80x128xi32, #tpu.memory_space<hbm>>
      %dma_wait3A_136 = tpu.memref_squeeze %dma_wait3A_135 : memref<1x80x128xi32, #tpu.memory_space<hbm>> -> memref<80x128xi32, #tpu.memory_space<hbm>>
      %dma_wait3A_137 = arith.constant 0 : i32
      %dma_wait3A_138 = arith.constant 0 : i32
      %dma_wait3A_139 = tpu.memref_slice %arg4[%add3A, %dma_wait3A_137, %dma_wait3A_138] : memref<32x80x128xi32, #tpu.memory_space<hbm>> -> memref<1x80x128xi32, #tpu.memory_space<hbm>>
      %dma_wait3A_140 = tpu.memref_squeeze %dma_wait3A_139 : memref<1x80x128xi32, #tpu.memory_space<hbm>> -> memref<80x128xi32, #tpu.memory_space<hbm>>
      tpu.wait_dma2 semaphore(%run_scoped3A : memref<!tpu.dma_semaphore, #tpu.memory_space<semaphore_mem>>) src(%dma_wait3A_140 : memref<80x128xi32, #tpu.memory_space<hbm>>) dst(%arg10 : memref<80x128xi32, #tpu.memory_space<vmem>>)
      tpu.yield
    }) : () -> ()
    %barrier3A = arith.constant 0 : index
    tpu.barrier barrier_id(%barrier3A)
    %dma_start3A = arith.constant 0 : i32
    %dma_start3A_9 = arith.constant 0 : i32
    %dma_start3A_10 = arith.constant 0 : i32
    %dma_start3A_11 = arith.constant 0 : i32
    %dma_start3A_12 = tpu.memref_slice %arg11[%dma_start3A_9, %dma_start3A_10, %dma_start3A_11] : memref<8x128x32xf32, #tpu.memory_space<vmem>> -> memref<1x128x32xf32, #tpu.memory_space<vmem>>
    %dma_start3A_13 = tpu.memref_squeeze %dma_start3A_12 : memref<1x128x32xf32, #tpu.memory_space<vmem>> -> memref<128x32xf32, #tpu.memory_space<vmem>>
    %dma_start3A_14 = arith.constant 0 : i32
    %dma_start3A_15 = tpu.memref_slice %arg9[%dma_start3A, %dma_start3A_14] : memref<80x128xi32, #tpu.memory_space<vmem>> -> memref<1x128xi32, #tpu.memory_space<vmem>>
    %dma_start3A_16 = tpu.memref_squeeze %dma_start3A_15 : memref<1x128xi32, #tpu.memory_space<vmem>> -> memref<128xi32, #tpu.memory_space<vmem>>
    %dma_start3A_17 = arith.constant 0 : i32
    %dma_start3A_18 = arith.constant 0 : i32
    %dma_start3A_19 = tpu.memref_slice %arg8[%dma_start3A_17, %dma_start3A_18] : memref<10240x32xf32, #tpu.memory_space<vmem_shared>> -> memref<10240x32xf32, #tpu.memory_space<vmem_shared>>
    tpu.enqueue_indirect_dma source(%dma_start3A_19 : memref<10240x32xf32, #tpu.memory_space<vmem_shared>>) target(%dma_start3A_13 : memref<128x32xf32, #tpu.memory_space<vmem>>) offsets(%dma_start3A_16 : memref<128xi32, #tpu.memory_space<vmem>>) semaphore(%arg12 : memref<!tpu.dma_semaphore, #tpu.memory_space<semaphore_mem>>)
    %dma_start3A_20 = arith.constant 1 : i32
    %dma_start3A_21 = arith.constant 1 : i32
    %dma_start3A_22 = arith.constant 0 : i32
    %dma_start3A_23 = arith.constant 0 : i32
    %dma_start3A_24 = tpu.memref_slice %arg11[%dma_start3A_21, %dma_start3A_22, %dma_start3A_23] : memref<8x128x32xf32, #tpu.memory_space<vmem>> -> memref<1x128x32xf32, #tpu.memory_space<vmem>>
    %dma_start3A_25 = tpu.memref_squeeze %dma_start3A_24 : memref<1x128x32xf32, #tpu.memory_space<vmem>> -> memref<128x32xf32, #tpu.memory_space<vmem>>
    %dma_start3A_26 = arith.constant 0 : i32
    %dma_start3A_27 = tpu.memref_slice %arg9[%dma_start3A_20, %dma_start3A_26] : memref<80x128xi32, #tpu.memory_space<vmem>> -> memref<1x128xi32, #tpu.memory_space<vmem>>
    %dma_start3A_28 = tpu.memref_squeeze %dma_start3A_27 : memref<1x128xi32, #tpu.memory_space<vmem>> -> memref<128xi32, #tpu.memory_space<vmem>>
    %dma_start3A_29 = arith.constant 0 : i32
    %dma_start3A_30 = arith.constant 0 : i32
    %dma_start3A_31 = tpu.memref_slice %arg8[%dma_start3A_29, %dma_start3A_30] : memref<10240x32xf32, #tpu.memory_space<vmem_shared>> -> memref<10240x32xf32, #tpu.memory_space<vmem_shared>>
    tpu.enqueue_indirect_dma source(%dma_start3A_31 : memref<10240x32xf32, #tpu.memory_space<vmem_shared>>) target(%dma_start3A_25 : memref<128x32xf32, #tpu.memory_space<vmem>>) offsets(%dma_start3A_28 : memref<128xi32, #tpu.memory_space<vmem>>) semaphore(%arg13 : memref<!tpu.dma_semaphore, #tpu.memory_space<semaphore_mem>>)
    %dma_start3A_32 = arith.constant 2 : i32
    %dma_start3A_33 = arith.constant 2 : i32
    %dma_start3A_34 = arith.constant 0 : i32
    %dma_start3A_35 = arith.constant 0 : i32
    %dma_start3A_36 = tpu.memref_slice %arg11[%dma_start3A_33, %dma_start3A_34, %dma_start3A_35] : memref<8x128x32xf32, #tpu.memory_space<vmem>> -> memref<1x128x32xf32, #tpu.memory_space<vmem>>
    %dma_start3A_37 = tpu.memref_squeeze %dma_start3A_36 : memref<1x128x32xf32, #tpu.memory_space<vmem>> -> memref<128x32xf32, #tpu.memory_space<vmem>>
    %dma_start3A_38 = arith.constant 0 : i32
    %dma_start3A_39 = tpu.memref_slice %arg9[%dma_start3A_32, %dma_start3A_38] : memref<80x128xi32, #tpu.memory_space<vmem>> -> memref<1x128xi32, #tpu.memory_space<vmem>>
    %dma_start3A_40 = tpu.memref_squeeze %dma_start3A_39 : memref<1x128xi32, #tpu.memory_space<vmem>> -> memref<128xi32, #tpu.memory_space<vmem>>
    %dma_start3A_41 = arith.constant 0 : i32
    %dma_start3A_42 = arith.constant 0 : i32
    %dma_start3A_43 = tpu.memref_slice %arg8[%dma_start3A_41, %dma_start3A_42] : memref<10240x32xf32, #tpu.memory_space<vmem_shared>> -> memref<10240x32xf32, #tpu.memory_space<vmem_shared>>
    tpu.enqueue_indirect_dma source(%dma_start3A_43 : memref<10240x32xf32, #tpu.memory_space<vmem_shared>>) target(%dma_start3A_37 : memref<128x32xf32, #tpu.memory_space<vmem>>) offsets(%dma_start3A_40 : memref<128xi32, #tpu.memory_space<vmem>>) semaphore(%arg14 : memref<!tpu.dma_semaphore, #tpu.memory_space<semaphore_mem>>)
    %dma_start3A_44 = arith.constant 3 : i32
    %dma_start3A_45 = arith.constant 3 : i32
    %dma_start3A_46 = arith.constant 0 : i32
    %dma_start3A_47 = arith.constant 0 : i32
    %dma_start3A_48 = tpu.memref_slice %arg11[%dma_start3A_45, %dma_start3A_46, %dma_start3A_47] : memref<8x128x32xf32, #tpu.memory_space<vmem>> -> memref<1x128x32xf32, #tpu.memory_space<vmem>>
    %dma_start3A_49 = tpu.memref_squeeze %dma_start3A_48 : memref<1x128x32xf32, #tpu.memory_space<vmem>> -> memref<128x32xf32, #tpu.memory_space<vmem>>
    %dma_start3A_50 = arith.constant 0 : i32
    %dma_start3A_51 = tpu.memref_slice %arg9[%dma_start3A_44, %dma_start3A_50] : memref<80x128xi32, #tpu.memory_space<vmem>> -> memref<1x128xi32, #tpu.memory_space<vmem>>
    %dma_start3A_52 = tpu.memref_squeeze %dma_start3A_51 : memref<1x128xi32, #tpu.memory_space<vmem>> -> memref<128xi32, #tpu.memory_space<vmem>>
    %dma_start3A_53 = arith.constant 0 : i32
    %dma_start3A_54 = arith.constant 0 : i32
    %dma_start3A_55 = tpu.memref_slice %arg8[%dma_start3A_53, %dma_start3A_54] : memref<10240x32xf32, #tpu.memory_space<vmem_shared>> -> memref<10240x32xf32, #tpu.memory_space<vmem_shared>>
    tpu.enqueue_indirect_dma source(%dma_start3A_55 : memref<10240x32xf32, #tpu.memory_space<vmem_shared>>) target(%dma_start3A_49 : memref<128x32xf32, #tpu.memory_space<vmem>>) offsets(%dma_start3A_52 : memref<128xi32, #tpu.memory_space<vmem>>) semaphore(%arg15 : memref<!tpu.dma_semaphore, #tpu.memory_space<semaphore_mem>>)
    %scan3A = arith.constant 0 : i32
    %scan3A_56 = arith.constant 0 : i32
    %scan3A_57 = arith.constant 10 : i32
    %scan3A_58 = arith.addi %scan3A_56, %scan3A_57 : i32
    %scan3A_59 = arith.constant 1 : i32
    scf.for %scan3A_125 = %scan3A_56 to %scan3A_58 step %scan3A_59  : i32 {
      %mul3A_126 = arith.constant 8 : i32
      %mul3A_127 = arith.muli %scan3A_125, %mul3A_126 : i32
      %add3A_128 = arith.constant 0 : i32
      %add3A_129 = arith.addi %mul3A_127, %add3A_128 : i32
      %dma_wait3A_130 = arith.constant 0 : i32
      %dma_wait3A_131 = arith.constant 0 : i32
      %dma_wait3A_132 = arith.constant 0 : i32
      %dma_wait3A_133 = tpu.memref_slice %arg11[%dma_wait3A_130, %dma_wait3A_131, %dma_wait3A_132] : memref<8x128x32xf32, #tpu.memory_space<vmem>> -> memref<1x128x32xf32, #tpu.memory_space<vmem>>
      %dma_wait3A_134 = tpu.memref_squeeze %dma_wait3A_133 : memref<1x128x32xf32, #tpu.memory_space<vmem>> -> memref<128x32xf32, #tpu.memory_space<vmem>>
      %dma_wait3A_135 = arith.constant 0 : i32
      %dma_wait3A_136 = arith.constant 0 : i32
      %dma_wait3A_137 = tpu.memref_slice %arg2[%dma_wait3A_135, %dma_wait3A_136] : memref<10240x32xf32, #tpu.memory_space<hbm>> -> memref<128x32xf32, #tpu.memory_space<hbm>>
      %dma_wait3A_138 = arith.constant 0 : i32
      %dma_wait3A_139 = arith.constant 0 : i32
      %dma_wait3A_140 = tpu.memref_slice %arg11[%dma_wait3A_130, %dma_wait3A_138, %dma_wait3A_139] : memref<8x128x32xf32, #tpu.memory_space<vmem>> -> memref<1x128x32xf32, #tpu.memory_space<vmem>>
      %dma_wait3A_141 = tpu.memref_squeeze %dma_wait3A_140 : memref<1x128x32xf32, #tpu.memory_space<vmem>> -> memref<128x32xf32, #tpu.memory_space<vmem>>
      %dma_wait3A_142 = arith.constant 0 : i32
      %dma_wait3A_143 = arith.constant 0 : i32
      %dma_wait3A_144 = tpu.memref_slice %arg2[%dma_wait3A_142, %dma_wait3A_143] : memref<10240x32xf32, #tpu.memory_space<hbm>> -> memref<128x32xf32, #tpu.memory_space<hbm>>
      tpu.wait_dma2 semaphore(%arg12 : memref<!tpu.dma_semaphore, #tpu.memory_space<semaphore_mem>>) src(%dma_wait3A_144 : memref<128x32xf32, #tpu.memory_space<hbm>>) dst(%dma_wait3A_141 : memref<128x32xf32, #tpu.memory_space<vmem>>)
      %dma_start3A_145 = arith.constant 0 : i32
      %dma_start3A_146 = arith.constant 0 : i32
      %dma_start3A_147 = arith.constant 0 : i32
      %dma_start3A_148 = tpu.memref_slice %arg11[%dma_start3A_145, %dma_start3A_146, %dma_start3A_147] : memref<8x128x32xf32, #tpu.memory_space<vmem>> -> memref<1x128x32xf32, #tpu.memory_space<vmem>>
      %dma_start3A_149 = tpu.memref_squeeze %dma_start3A_148 : memref<1x128x32xf32, #tpu.memory_space<vmem>> -> memref<128x32xf32, #tpu.memory_space<vmem>>
      %dma_start3A_150 = arith.constant 0 : i32
      %dma_start3A_151 = tpu.memref_slice %arg10[%add3A_129, %dma_start3A_150] : memref<80x128xi32, #tpu.memory_space<vmem>> -> memref<1x128xi32, #tpu.memory_space<vmem>>
      %dma_start3A_152 = tpu.memref_squeeze %dma_start3A_151 : memref<1x128xi32, #tpu.memory_space<vmem>> -> memref<128xi32, #tpu.memory_space<vmem>>
      %dma_start3A_153 = arith.constant 0 : i32
      %dma_start3A_154 = arith.constant 0 : i32
      %dma_start3A_155 = tpu.memref_slice %arg7[%dma_start3A_153, %dma_start3A_154] : memref<10240x32xf32, #tpu.memory_space<vmem_shared>> -> memref<10240x32xf32, #tpu.memory_space<vmem_shared>>
      tpu.enqueue_indirect_dma source(%dma_start3A_149 : memref<128x32xf32, #tpu.memory_space<vmem>>) target(%dma_start3A_155 : memref<10240x32xf32, #tpu.memory_space<vmem_shared>>) offsets(%dma_start3A_152 : memref<128xi32, #tpu.memory_space<vmem>>) semaphore(%arg20 : memref<!tpu.dma_semaphore, #tpu.memory_space<semaphore_mem>>) {add = true}
      %ge3A = arith.constant 4 : i32
      %ge3A_156 = arith.cmpi sge, %add3A_129, %ge3A : i32
      %convert_element_type3A = arith.extui %ge3A_156 : i1 to i32
      %cond3A = arith.constant 0 : i32
      %cond3A_157 = arith.cmpi ne, %convert_element_type3A, %cond3A : i32
      scf.if %cond3A_157 {
        %dma_wait3A_442 = arith.constant 4 : i32
        %dma_wait3A_443 = arith.constant 0 : i32
        %dma_wait3A_444 = arith.constant 0 : i32
        %dma_wait3A_445 = tpu.memref_slice %arg11[%dma_wait3A_442, %dma_wait3A_443, %dma_wait3A_444] : memref<8x128x32xf32, #tpu.memory_space<vmem>> -> memref<1x128x32xf32, #tpu.memory_space<vmem>>
        %dma_wait3A_446 = tpu.memref_squeeze %dma_wait3A_445 : memref<1x128x32xf32, #tpu.memory_space<vmem>> -> memref<128x32xf32, #tpu.memory_space<vmem>>
        %dma_wait3A_447 = arith.constant 0 : i32
        %dma_wait3A_448 = arith.constant 0 : i32
        %dma_wait3A_449 = tpu.memref_slice %arg2[%dma_wait3A_447, %dma_wait3A_448] : memref<10240x32xf32, #tpu.memory_space<hbm>> -> memref<128x32xf32, #tpu.memory_space<hbm>>
        %dma_wait3A_450 = arith.constant 0 : i32
        %dma_wait3A_451 = arith.constant 0 : i32
        %dma_wait3A_452 = tpu.memref_slice %arg11[%dma_wait3A_442, %dma_wait3A_450, %dma_wait3A_451] : memref<8x128x32xf32, #tpu.memory_space<vmem>> -> memref<1x128x32xf32, #tpu.memory_space<vmem>>
        %dma_wait3A_453 = tpu.memref_squeeze %dma_wait3A_452 : memref<1x128x32xf32, #tpu.memory_space<vmem>> -> memref<128x32xf32, #tpu.memory_space<vmem>>
        %dma_wait3A_454 = arith.constant 0 : i32
        %dma_wait3A_455 = arith.constant 0 : i32
        %dma_wait3A_456 = tpu.memref_slice %arg2[%dma_wait3A_454, %dma_wait3A_455] : memref<10240x32xf32, #tpu.memory_space<hbm>> -> memref<128x32xf32, #tpu.memory_space<hbm>>
        tpu.wait_dma2 semaphore(%arg24 : memref<!tpu.dma_semaphore, #tpu.memory_space<semaphore_mem>>) src(%dma_wait3A_456 : memref<128x32xf32, #tpu.memory_space<hbm>>) dst(%dma_wait3A_453 : memref<128x32xf32, #tpu.memory_space<vmem>>)
      } else {
      }
      %lt3A = arith.constant 76 : i32
      %lt3A_158 = arith.cmpi slt, %add3A_129, %lt3A : i32
      %convert_element_type3A_159 = arith.extui %lt3A_158 : i1 to i32
      %cond3A_160 = arith.constant 0 : i32
      %cond3A_161 = arith.cmpi ne, %convert_element_type3A_159, %cond3A_160 : i32
      scf.if %cond3A_161 {
        %add3A_442 = arith.constant 4 : i32
        %add3A_443 = arith.addi %add3A_129, %add3A_442 : i32
        %dma_start3A_444 = arith.constant 4 : i32
        %dma_start3A_445 = arith.constant 0 : i32
        %dma_start3A_446 = arith.constant 0 : i32
        %dma_start3A_447 = tpu.memref_slice %arg11[%dma_start3A_444, %dma_start3A_445, %dma_start3A_446] : memref<8x128x32xf32, #tpu.memory_space<vmem>> -> memref<1x128x32xf32, #tpu.memory_space<vmem>>
        %dma_start3A_448 = tpu.memref_squeeze %dma_start3A_447 : memref<1x128x32xf32, #tpu.memory_space<vmem>> -> memref<128x32xf32, #tpu.memory_space<vmem>>
        %dma_start3A_449 = arith.constant 0 : i32
        %dma_start3A_450 = tpu.memref_slice %arg9[%add3A_443, %dma_start3A_449] : memref<80x128xi32, #tpu.memory_space<vmem>> -> memref<1x128xi32, #tpu.memory_space<vmem>>
        %dma_start3A_451 = tpu.memref_squeeze %dma_start3A_450 : memref<1x128xi32, #tpu.memory_space<vmem>> -> memref<128xi32, #tpu.memory_space<vmem>>
        %dma_start3A_452 = arith.constant 0 : i32
        %dma_start3A_453 = arith.constant 0 : i32
        %dma_start3A_454 = tpu.memref_slice %arg8[%dma_start3A_452, %dma_start3A_453] : memref<10240x32xf32, #tpu.memory_space<vmem_shared>> -> memref<10240x32xf32, #tpu.memory_space<vmem_shared>>
        tpu.enqueue_indirect_dma source(%dma_start3A_454 : memref<10240x32xf32, #tpu.memory_space<vmem_shared>>) target(%dma_start3A_448 : memref<128x32xf32, #tpu.memory_space<vmem>>) offsets(%dma_start3A_451 : memref<128xi32, #tpu.memory_space<vmem>>) semaphore(%arg16 : memref<!tpu.dma_semaphore, #tpu.memory_space<semaphore_mem>>)
      } else {
      }
      %mul3A_162 = arith.constant 8 : i32
      %mul3A_163 = arith.muli %scan3A_125, %mul3A_162 : i32
      %add3A_164 = arith.constant 1 : i32
      %add3A_165 = arith.addi %mul3A_163, %add3A_164 : i32
      %dma_wait3A_166 = arith.constant 1 : i32
      %dma_wait3A_167 = arith.constant 0 : i32
      %dma_wait3A_168 = arith.constant 0 : i32
      %dma_wait3A_169 = tpu.memref_slice %arg11[%dma_wait3A_166, %dma_wait3A_167, %dma_wait3A_168] : memref<8x128x32xf32, #tpu.memory_space<vmem>> -> memref<1x128x32xf32, #tpu.memory_space<vmem>>
      %dma_wait3A_170 = tpu.memref_squeeze %dma_wait3A_169 : memref<1x128x32xf32, #tpu.memory_space<vmem>> -> memref<128x32xf32, #tpu.memory_space<vmem>>
      %dma_wait3A_171 = arith.constant 0 : i32
      %dma_wait3A_172 = arith.constant 0 : i32
      %dma_wait3A_173 = tpu.memref_slice %arg2[%dma_wait3A_171, %dma_wait3A_172] : memref<10240x32xf32, #tpu.memory_space<hbm>> -> memref<128x32xf32, #tpu.memory_space<hbm>>
      %dma_wait3A_174 = arith.constant 0 : i32
      %dma_wait3A_175 = arith.constant 0 : i32
      %dma_wait3A_176 = tpu.memref_slice %arg11[%dma_wait3A_166, %dma_wait3A_174, %dma_wait3A_175] : memref<8x128x32xf32, #tpu.memory_space<vmem>> -> memref<1x128x32xf32, #tpu.memory_space<vmem>>
      %dma_wait3A_177 = tpu.memref_squeeze %dma_wait3A_176 : memref<1x128x32xf32, #tpu.memory_space<vmem>> -> memref<128x32xf32, #tpu.memory_space<vmem>>
      %dma_wait3A_178 = arith.constant 0 : i32
      %dma_wait3A_179 = arith.constant 0 : i32
      %dma_wait3A_180 = tpu.memref_slice %arg2[%dma_wait3A_178, %dma_wait3A_179] : memref<10240x32xf32, #tpu.memory_space<hbm>> -> memref<128x32xf32, #tpu.memory_space<hbm>>
      tpu.wait_dma2 semaphore(%arg13 : memref<!tpu.dma_semaphore, #tpu.memory_space<semaphore_mem>>) src(%dma_wait3A_180 : memref<128x32xf32, #tpu.memory_space<hbm>>) dst(%dma_wait3A_177 : memref<128x32xf32, #tpu.memory_space<vmem>>)
      %dma_start3A_181 = arith.constant 1 : i32
      %dma_start3A_182 = arith.constant 0 : i32
      %dma_start3A_183 = arith.constant 0 : i32
      %dma_start3A_184 = tpu.memref_slice %arg11[%dma_start3A_181, %dma_start3A_182, %dma_start3A_183] : memref<8x128x32xf32, #tpu.memory_space<vmem>> -> memref<1x128x32xf32, #tpu.memory_space<vmem>>
      %dma_start3A_185 = tpu.memref_squeeze %dma_start3A_184 : memref<1x128x32xf32, #tpu.memory_space<vmem>> -> memref<128x32xf32, #tpu.memory_space<vmem>>
      %dma_start3A_186 = arith.constant 0 : i32
      %dma_start3A_187 = tpu.memref_slice %arg10[%add3A_165, %dma_start3A_186] : memref<80x128xi32, #tpu.memory_space<vmem>> -> memref<1x128xi32, #tpu.memory_space<vmem>>
      %dma_start3A_188 = tpu.memref_squeeze %dma_start3A_187 : memref<1x128xi32, #tpu.memory_space<vmem>> -> memref<128xi32, #tpu.memory_space<vmem>>
      %dma_start3A_189 = arith.constant 0 : i32
      %dma_start3A_190 = arith.constant 0 : i32
      %dma_start3A_191 = tpu.memref_slice %arg7[%dma_start3A_189, %dma_start3A_190] : memref<10240x32xf32, #tpu.memory_space<vmem_shared>> -> memref<10240x32xf32, #tpu.memory_space<vmem_shared>>
      tpu.enqueue_indirect_dma source(%dma_start3A_185 : memref<128x32xf32, #tpu.memory_space<vmem>>) target(%dma_start3A_191 : memref<10240x32xf32, #tpu.memory_space<vmem_shared>>) offsets(%dma_start3A_188 : memref<128xi32, #tpu.memory_space<vmem>>) semaphore(%arg21 : memref<!tpu.dma_semaphore, #tpu.memory_space<semaphore_mem>>) {add = true}
      %ge3A_192 = arith.constant 4 : i32
      %ge3A_193 = arith.cmpi sge, %add3A_165, %ge3A_192 : i32
      %convert_element_type3A_194 = arith.extui %ge3A_193 : i1 to i32
      %cond3A_195 = arith.constant 0 : i32
      %cond3A_196 = arith.cmpi ne, %convert_element_type3A_194, %cond3A_195 : i32
      scf.if %cond3A_196 {
        %dma_wait3A_442 = arith.constant 5 : i32
        %dma_wait3A_443 = arith.constant 0 : i32
        %dma_wait3A_444 = arith.constant 0 : i32
        %dma_wait3A_445 = tpu.memref_slice %arg11[%dma_wait3A_442, %dma_wait3A_443, %dma_wait3A_444] : memref<8x128x32xf32, #tpu.memory_space<vmem>> -> memref<1x128x32xf32, #tpu.memory_space<vmem>>
        %dma_wait3A_446 = tpu.memref_squeeze %dma_wait3A_445 : memref<1x128x32xf32, #tpu.memory_space<vmem>> -> memref<128x32xf32, #tpu.memory_space<vmem>>
        %dma_wait3A_447 = arith.constant 0 : i32
        %dma_wait3A_448 = arith.constant 0 : i32
        %dma_wait3A_449 = tpu.memref_slice %arg2[%dma_wait3A_447, %dma_wait3A_448] : memref<10240x32xf32, #tpu.memory_space<hbm>> -> memref<128x32xf32, #tpu.memory_space<hbm>>
        %dma_wait3A_450 = arith.constant 0 : i32
        %dma_wait3A_451 = arith.constant 0 : i32
        %dma_wait3A_452 = tpu.memref_slice %arg11[%dma_wait3A_442, %dma_wait3A_450, %dma_wait3A_451] : memref<8x128x32xf32, #tpu.memory_space<vmem>> -> memref<1x128x32xf32, #tpu.memory_space<vmem>>
        %dma_wait3A_453 = tpu.memref_squeeze %dma_wait3A_452 : memref<1x128x32xf32, #tpu.memory_space<vmem>> -> memref<128x32xf32, #tpu.memory_space<vmem>>
        %dma_wait3A_454 = arith.constant 0 : i32
        %dma_wait3A_455 = arith.constant 0 : i32
        %dma_wait3A_456 = tpu.memref_slice %arg2[%dma_wait3A_454, %dma_wait3A_455] : memref<10240x32xf32, #tpu.memory_space<hbm>> -> memref<128x32xf32, #tpu.memory_space<hbm>>
        tpu.wait_dma2 semaphore(%arg25 : memref<!tpu.dma_semaphore, #tpu.memory_space<semaphore_mem>>) src(%dma_wait3A_456 : memref<128x32xf32, #tpu.memory_space<hbm>>) dst(%dma_wait3A_453 : memref<128x32xf32, #tpu.memory_space<vmem>>)
      } else {
      }
      %lt3A_197 = arith.constant 76 : i32
      %lt3A_198 = arith.cmpi slt, %add3A_165, %lt3A_197 : i32
      %convert_element_type3A_199 = arith.extui %lt3A_198 : i1 to i32
      %cond3A_200 = arith.constant 0 : i32
      %cond3A_201 = arith.cmpi ne, %convert_element_type3A_199, %cond3A_200 : i32
      scf.if %cond3A_201 {
        %add3A_442 = arith.constant 4 : i32
        %add3A_443 = arith.addi %add3A_165, %add3A_442 : i32
        %dma_start3A_444 = arith.constant 5 : i32
        %dma_start3A_445 = arith.constant 0 : i32
        %dma_start3A_446 = arith.constant 0 : i32
        %dma_start3A_447 = tpu.memref_slice %arg11[%dma_start3A_444, %dma_start3A_445, %dma_start3A_446] : memref<8x128x32xf32, #tpu.memory_space<vmem>> -> memref<1x128x32xf32, #tpu.memory_space<vmem>>
        %dma_start3A_448 = tpu.memref_squeeze %dma_start3A_447 : memref<1x128x32xf32, #tpu.memory_space<vmem>> -> memref<128x32xf32, #tpu.memory_space<vmem>>
        %dma_start3A_449 = arith.constant 0 : i32
        %dma_start3A_450 = tpu.memref_slice %arg9[%add3A_443, %dma_start3A_449] : memref<80x128xi32, #tpu.memory_space<vmem>> -> memref<1x128xi32, #tpu.memory_space<vmem>>
        %dma_start3A_451 = tpu.memref_squeeze %dma_start3A_450 : memref<1x128xi32, #tpu.memory_space<vmem>> -> memref<128xi32, #tpu.memory_space<vmem>>
        %dma_start3A_452 = arith.constant 0 : i32
        %dma_start3A_453 = arith.constant 0 : i32
        %dma_start3A_454 = tpu.memref_slice %arg8[%dma_start3A_452, %dma_start3A_453] : memref<10240x32xf32, #tpu.memory_space<vmem_shared>> -> memref<10240x32xf32, #tpu.memory_space<vmem_shared>>
        tpu.enqueue_indirect_dma source(%dma_start3A_454 : memref<10240x32xf32, #tpu.memory_space<vmem_shared>>) target(%dma_start3A_448 : memref<128x32xf32, #tpu.memory_space<vmem>>) offsets(%dma_start3A_451 : memref<128xi32, #tpu.memory_space<vmem>>) semaphore(%arg17 : memref<!tpu.dma_semaphore, #tpu.memory_space<semaphore_mem>>)
      } else {
      }
      %mul3A_202 = arith.constant 8 : i32
      %mul3A_203 = arith.muli %scan3A_125, %mul3A_202 : i32
      %add3A_204 = arith.constant 2 : i32
      %add3A_205 = arith.addi %mul3A_203, %add3A_204 : i32
      %dma_wait3A_206 = arith.constant 2 : i32
      %dma_wait3A_207 = arith.constant 0 : i32
      %dma_wait3A_208 = arith.constant 0 : i32
      %dma_wait3A_209 = tpu.memref_slice %arg11[%dma_wait3A_206, %dma_wait3A_207, %dma_wait3A_208] : memref<8x128x32xf32, #tpu.memory_space<vmem>> -> memref<1x128x32xf32, #tpu.memory_space<vmem>>
      %dma_wait3A_210 = tpu.memref_squeeze %dma_wait3A_209 : memref<1x128x32xf32, #tpu.memory_space<vmem>> -> memref<128x32xf32, #tpu.memory_space<vmem>>
      %dma_wait3A_211 = arith.constant 0 : i32
      %dma_wait3A_212 = arith.constant 0 : i32
      %dma_wait3A_213 = tpu.memref_slice %arg2[%dma_wait3A_211, %dma_wait3A_212] : memref<10240x32xf32, #tpu.memory_space<hbm>> -> memref<128x32xf32, #tpu.memory_space<hbm>>
      %dma_wait3A_214 = arith.constant 0 : i32
      %dma_wait3A_215 = arith.constant 0 : i32
      %dma_wait3A_216 = tpu.memref_slice %arg11[%dma_wait3A_206, %dma_wait3A_214, %dma_wait3A_215] : memref<8x128x32xf32, #tpu.memory_space<vmem>> -> memref<1x128x32xf32, #tpu.memory_space<vmem>>
      %dma_wait3A_217 = tpu.memref_squeeze %dma_wait3A_216 : memref<1x128x32xf32, #tpu.memory_space<vmem>> -> memref<128x32xf32, #tpu.memory_space<vmem>>
      %dma_wait3A_218 = arith.constant 0 : i32
      %dma_wait3A_219 = arith.constant 0 : i32
      %dma_wait3A_220 = tpu.memref_slice %arg2[%dma_wait3A_218, %dma_wait3A_219] : memref<10240x32xf32, #tpu.memory_space<hbm>> -> memref<128x32xf32, #tpu.memory_space<hbm>>
      tpu.wait_dma2 semaphore(%arg14 : memref<!tpu.dma_semaphore, #tpu.memory_space<semaphore_mem>>) src(%dma_wait3A_220 : memref<128x32xf32, #tpu.memory_space<hbm>>) dst(%dma_wait3A_217 : memref<128x32xf32, #tpu.memory_space<vmem>>)
      %dma_start3A_221 = arith.constant 2 : i32
      %dma_start3A_222 = arith.constant 0 : i32
      %dma_start3A_223 = arith.constant 0 : i32
      %dma_start3A_224 = tpu.memref_slice %arg11[%dma_start3A_221, %dma_start3A_222, %dma_start3A_223] : memref<8x128x32xf32, #tpu.memory_space<vmem>> -> memref<1x128x32xf32, #tpu.memory_space<vmem>>
      %dma_start3A_225 = tpu.memref_squeeze %dma_start3A_224 : memref<1x128x32xf32, #tpu.memory_space<vmem>> -> memref<128x32xf32, #tpu.memory_space<vmem>>
      %dma_start3A_226 = arith.constant 0 : i32
      %dma_start3A_227 = tpu.memref_slice %arg10[%add3A_205, %dma_start3A_226] : memref<80x128xi32, #tpu.memory_space<vmem>> -> memref<1x128xi32, #tpu.memory_space<vmem>>
      %dma_start3A_228 = tpu.memref_squeeze %dma_start3A_227 : memref<1x128xi32, #tpu.memory_space<vmem>> -> memref<128xi32, #tpu.memory_space<vmem>>
      %dma_start3A_229 = arith.constant 0 : i32
      %dma_start3A_230 = arith.constant 0 : i32
      %dma_start3A_231 = tpu.memref_slice %arg7[%dma_start3A_229, %dma_start3A_230] : memref<10240x32xf32, #tpu.memory_space<vmem_shared>> -> memref<10240x32xf32, #tpu.memory_space<vmem_shared>>
      tpu.enqueue_indirect_dma source(%dma_start3A_225 : memref<128x32xf32, #tpu.memory_space<vmem>>) target(%dma_start3A_231 : memref<10240x32xf32, #tpu.memory_space<vmem_shared>>) offsets(%dma_start3A_228 : memref<128xi32, #tpu.memory_space<vmem>>) semaphore(%arg22 : memref<!tpu.dma_semaphore, #tpu.memory_space<semaphore_mem>>) {add = true}
      %ge3A_232 = arith.constant 4 : i32
      %ge3A_233 = arith.cmpi sge, %add3A_205, %ge3A_232 : i32
      %convert_element_type3A_234 = arith.extui %ge3A_233 : i1 to i32
      %cond3A_235 = arith.constant 0 : i32
      %cond3A_236 = arith.cmpi ne, %convert_element_type3A_234, %cond3A_235 : i32
      scf.if %cond3A_236 {
        %dma_wait3A_442 = arith.constant 6 : i32
        %dma_wait3A_443 = arith.constant 0 : i32
        %dma_wait3A_444 = arith.constant 0 : i32
        %dma_wait3A_445 = tpu.memref_slice %arg11[%dma_wait3A_442, %dma_wait3A_443, %dma_wait3A_444] : memref<8x128x32xf32, #tpu.memory_space<vmem>> -> memref<1x128x32xf32, #tpu.memory_space<vmem>>
        %dma_wait3A_446 = tpu.memref_squeeze %dma_wait3A_445 : memref<1x128x32xf32, #tpu.memory_space<vmem>> -> memref<128x32xf32, #tpu.memory_space<vmem>>
        %dma_wait3A_447 = arith.constant 0 : i32
        %dma_wait3A_448 = arith.constant 0 : i32
        %dma_wait3A_449 = tpu.memref_slice %arg2[%dma_wait3A_447, %dma_wait3A_448] : memref<10240x32xf32, #tpu.memory_space<hbm>> -> memref<128x32xf32, #tpu.memory_space<hbm>>
        %dma_wait3A_450 = arith.constant 0 : i32
        %dma_wait3A_451 = arith.constant 0 : i32
        %dma_wait3A_452 = tpu.memref_slice %arg11[%dma_wait3A_442, %dma_wait3A_450, %dma_wait3A_451] : memref<8x128x32xf32, #tpu.memory_space<vmem>> -> memref<1x128x32xf32, #tpu.memory_space<vmem>>
        %dma_wait3A_453 = tpu.memref_squeeze %dma_wait3A_452 : memref<1x128x32xf32, #tpu.memory_space<vmem>> -> memref<128x32xf32, #tpu.memory_space<vmem>>
        %dma_wait3A_454 = arith.constant 0 : i32
        %dma_wait3A_455 = arith.constant 0 : i32
        %dma_wait3A_456 = tpu.memref_slice %arg2[%dma_wait3A_454, %dma_wait3A_455] : memref<10240x32xf32, #tpu.memory_space<hbm>> -> memref<128x32xf32, #tpu.memory_space<hbm>>
        tpu.wait_dma2 semaphore(%arg26 : memref<!tpu.dma_semaphore, #tpu.memory_space<semaphore_mem>>) src(%dma_wait3A_456 : memref<128x32xf32, #tpu.memory_space<hbm>>) dst(%dma_wait3A_453 : memref<128x32xf32, #tpu.memory_space<vmem>>)
      } else {
      }
      %lt3A_237 = arith.constant 76 : i32
      %lt3A_238 = arith.cmpi slt, %add3A_205, %lt3A_237 : i32
      %convert_element_type3A_239 = arith.extui %lt3A_238 : i1 to i32
      %cond3A_240 = arith.constant 0 : i32
      %cond3A_241 = arith.cmpi ne, %convert_element_type3A_239, %cond3A_240 : i32
      scf.if %cond3A_241 {
        %add3A_442 = arith.constant 4 : i32
        %add3A_443 = arith.addi %add3A_205, %add3A_442 : i32
        %dma_start3A_444 = arith.constant 6 : i32
        %dma_start3A_445 = arith.constant 0 : i32
        %dma_start3A_446 = arith.constant 0 : i32
        %dma_start3A_447 = tpu.memref_slice %arg11[%dma_start3A_444, %dma_start3A_445, %dma_start3A_446] : memref<8x128x32xf32, #tpu.memory_space<vmem>> -> memref<1x128x32xf32, #tpu.memory_space<vmem>>
        %dma_start3A_448 = tpu.memref_squeeze %dma_start3A_447 : memref<1x128x32xf32, #tpu.memory_space<vmem>> -> memref<128x32xf32, #tpu.memory_space<vmem>>
        %dma_start3A_449 = arith.constant 0 : i32
        %dma_start3A_450 = tpu.memref_slice %arg9[%add3A_443, %dma_start3A_449] : memref<80x128xi32, #tpu.memory_space<vmem>> -> memref<1x128xi32, #tpu.memory_space<vmem>>
        %dma_start3A_451 = tpu.memref_squeeze %dma_start3A_450 : memref<1x128xi32, #tpu.memory_space<vmem>> -> memref<128xi32, #tpu.memory_space<vmem>>
        %dma_start3A_452 = arith.constant 0 : i32
        %dma_start3A_453 = arith.constant 0 : i32
        %dma_start3A_454 = tpu.memref_slice %arg8[%dma_start3A_452, %dma_start3A_453] : memref<10240x32xf32, #tpu.memory_space<vmem_shared>> -> memref<10240x32xf32, #tpu.memory_space<vmem_shared>>
        tpu.enqueue_indirect_dma source(%dma_start3A_454 : memref<10240x32xf32, #tpu.memory_space<vmem_shared>>) target(%dma_start3A_448 : memref<128x32xf32, #tpu.memory_space<vmem>>) offsets(%dma_start3A_451 : memref<128xi32, #tpu.memory_space<vmem>>) semaphore(%arg18 : memref<!tpu.dma_semaphore, #tpu.memory_space<semaphore_mem>>)
      } else {
      }
      %mul3A_242 = arith.constant 8 : i32
      %mul3A_243 = arith.muli %scan3A_125, %mul3A_242 : i32
      %add3A_244 = arith.constant 3 : i32
      %add3A_245 = arith.addi %mul3A_243, %add3A_244 : i32
      %dma_wait3A_246 = arith.constant 3 : i32
      %dma_wait3A_247 = arith.constant 0 : i32
      %dma_wait3A_248 = arith.constant 0 : i32
      %dma_wait3A_249 = tpu.memref_slice %arg11[%dma_wait3A_246, %dma_wait3A_247, %dma_wait3A_248] : memref<8x128x32xf32, #tpu.memory_space<vmem>> -> memref<1x128x32xf32, #tpu.memory_space<vmem>>
      %dma_wait3A_250 = tpu.memref_squeeze %dma_wait3A_249 : memref<1x128x32xf32, #tpu.memory_space<vmem>> -> memref<128x32xf32, #tpu.memory_space<vmem>>
      %dma_wait3A_251 = arith.constant 0 : i32
      %dma_wait3A_252 = arith.constant 0 : i32
      %dma_wait3A_253 = tpu.memref_slice %arg2[%dma_wait3A_251, %dma_wait3A_252] : memref<10240x32xf32, #tpu.memory_space<hbm>> -> memref<128x32xf32, #tpu.memory_space<hbm>>
      %dma_wait3A_254 = arith.constant 0 : i32
      %dma_wait3A_255 = arith.constant 0 : i32
      %dma_wait3A_256 = tpu.memref_slice %arg11[%dma_wait3A_246, %dma_wait3A_254, %dma_wait3A_255] : memref<8x128x32xf32, #tpu.memory_space<vmem>> -> memref<1x128x32xf32, #tpu.memory_space<vmem>>
      %dma_wait3A_257 = tpu.memref_squeeze %dma_wait3A_256 : memref<1x128x32xf32, #tpu.memory_space<vmem>> -> memref<128x32xf32, #tpu.memory_space<vmem>>
      %dma_wait3A_258 = arith.constant 0 : i32
      %dma_wait3A_259 = arith.constant 0 : i32
      %dma_wait3A_260 = tpu.memref_slice %arg2[%dma_wait3A_258, %dma_wait3A_259] : memref<10240x32xf32, #tpu.memory_space<hbm>> -> memref<128x32xf32, #tpu.memory_space<hbm>>
      tpu.wait_dma2 semaphore(%arg15 : memref<!tpu.dma_semaphore, #tpu.memory_space<semaphore_mem>>) src(%dma_wait3A_260 : memref<128x32xf32, #tpu.memory_space<hbm>>) dst(%dma_wait3A_257 : memref<128x32xf32, #tpu.memory_space<vmem>>)
      %dma_start3A_261 = arith.constant 3 : i32
      %dma_start3A_262 = arith.constant 0 : i32
      %dma_start3A_263 = arith.constant 0 : i32
      %dma_start3A_264 = tpu.memref_slice %arg11[%dma_start3A_261, %dma_start3A_262, %dma_start3A_263] : memref<8x128x32xf32, #tpu.memory_space<vmem>> -> memref<1x128x32xf32, #tpu.memory_space<vmem>>
      %dma_start3A_265 = tpu.memref_squeeze %dma_start3A_264 : memref<1x128x32xf32, #tpu.memory_space<vmem>> -> memref<128x32xf32, #tpu.memory_space<vmem>>
      %dma_start3A_266 = arith.constant 0 : i32
      %dma_start3A_267 = tpu.memref_slice %arg10[%add3A_245, %dma_start3A_266] : memref<80x128xi32, #tpu.memory_space<vmem>> -> memref<1x128xi32, #tpu.memory_space<vmem>>
      %dma_start3A_268 = tpu.memref_squeeze %dma_start3A_267 : memref<1x128xi32, #tpu.memory_space<vmem>> -> memref<128xi32, #tpu.memory_space<vmem>>
      %dma_start3A_269 = arith.constant 0 : i32
      %dma_start3A_270 = arith.constant 0 : i32
      %dma_start3A_271 = tpu.memref_slice %arg7[%dma_start3A_269, %dma_start3A_270] : memref<10240x32xf32, #tpu.memory_space<vmem_shared>> -> memref<10240x32xf32, #tpu.memory_space<vmem_shared>>
      tpu.enqueue_indirect_dma source(%dma_start3A_265 : memref<128x32xf32, #tpu.memory_space<vmem>>) target(%dma_start3A_271 : memref<10240x32xf32, #tpu.memory_space<vmem_shared>>) offsets(%dma_start3A_268 : memref<128xi32, #tpu.memory_space<vmem>>) semaphore(%arg23 : memref<!tpu.dma_semaphore, #tpu.memory_space<semaphore_mem>>) {add = true}
      %ge3A_272 = arith.constant 4 : i32
      %ge3A_273 = arith.cmpi sge, %add3A_245, %ge3A_272 : i32
      %convert_element_type3A_274 = arith.extui %ge3A_273 : i1 to i32
      %cond3A_275 = arith.constant 0 : i32
      %cond3A_276 = arith.cmpi ne, %convert_element_type3A_274, %cond3A_275 : i32
      scf.if %cond3A_276 {
        %dma_wait3A_442 = arith.constant 7 : i32
        %dma_wait3A_443 = arith.constant 0 : i32
        %dma_wait3A_444 = arith.constant 0 : i32
        %dma_wait3A_445 = tpu.memref_slice %arg11[%dma_wait3A_442, %dma_wait3A_443, %dma_wait3A_444] : memref<8x128x32xf32, #tpu.memory_space<vmem>> -> memref<1x128x32xf32, #tpu.memory_space<vmem>>
        %dma_wait3A_446 = tpu.memref_squeeze %dma_wait3A_445 : memref<1x128x32xf32, #tpu.memory_space<vmem>> -> memref<128x32xf32, #tpu.memory_space<vmem>>
        %dma_wait3A_447 = arith.constant 0 : i32
        %dma_wait3A_448 = arith.constant 0 : i32
        %dma_wait3A_449 = tpu.memref_slice %arg2[%dma_wait3A_447, %dma_wait3A_448] : memref<10240x32xf32, #tpu.memory_space<hbm>> -> memref<128x32xf32, #tpu.memory_space<hbm>>
        %dma_wait3A_450 = arith.constant 0 : i32
        %dma_wait3A_451 = arith.constant 0 : i32
        %dma_wait3A_452 = tpu.memref_slice %arg11[%dma_wait3A_442, %dma_wait3A_450, %dma_wait3A_451] : memref<8x128x32xf32, #tpu.memory_space<vmem>> -> memref<1x128x32xf32, #tpu.memory_space<vmem>>
        %dma_wait3A_453 = tpu.memref_squeeze %dma_wait3A_452 : memref<1x128x32xf32, #tpu.memory_space<vmem>> -> memref<128x32xf32, #tpu.memory_space<vmem>>
        %dma_wait3A_454 = arith.constant 0 : i32
        %dma_wait3A_455 = arith.constant 0 : i32
        %dma_wait3A_456 = tpu.memref_slice %arg2[%dma_wait3A_454, %dma_wait3A_455] : memref<10240x32xf32, #tpu.memory_space<hbm>> -> memref<128x32xf32, #tpu.memory_space<hbm>>
        tpu.wait_dma2 semaphore(%arg27 : memref<!tpu.dma_semaphore, #tpu.memory_space<semaphore_mem>>) src(%dma_wait3A_456 : memref<128x32xf32, #tpu.memory_space<hbm>>) dst(%dma_wait3A_453 : memref<128x32xf32, #tpu.memory_space<vmem>>)
      } else {
      }
      %lt3A_277 = arith.constant 76 : i32
      %lt3A_278 = arith.cmpi slt, %add3A_245, %lt3A_277 : i32
      %convert_element_type3A_279 = arith.extui %lt3A_278 : i1 to i32
      %cond3A_280 = arith.constant 0 : i32
      %cond3A_281 = arith.cmpi ne, %convert_element_type3A_279, %cond3A_280 : i32
      scf.if %cond3A_281 {
        %add3A_442 = arith.constant 4 : i32
        %add3A_443 = arith.addi %add3A_245, %add3A_442 : i32
        %dma_start3A_444 = arith.constant 7 : i32
        %dma_start3A_445 = arith.constant 0 : i32
        %dma_start3A_446 = arith.constant 0 : i32
        %dma_start3A_447 = tpu.memref_slice %arg11[%dma_start3A_444, %dma_start3A_445, %dma_start3A_446] : memref<8x128x32xf32, #tpu.memory_space<vmem>> -> memref<1x128x32xf32, #tpu.memory_space<vmem>>
        %dma_start3A_448 = tpu.memref_squeeze %dma_start3A_447 : memref<1x128x32xf32, #tpu.memory_space<vmem>> -> memref<128x32xf32, #tpu.memory_space<vmem>>
        %dma_start3A_449 = arith.constant 0 : i32
        %dma_start3A_450 = tpu.memref_slice %arg9[%add3A_443, %dma_start3A_449] : memref<80x128xi32, #tpu.memory_space<vmem>> -> memref<1x128xi32, #tpu.memory_space<vmem>>
        %dma_start3A_451 = tpu.memref_squeeze %dma_start3A_450 : memref<1x128xi32, #tpu.memory_space<vmem>> -> memref<128xi32, #tpu.memory_space<vmem>>
        %dma_start3A_452 = arith.constant 0 : i32
        %dma_start3A_453 = arith.constant 0 : i32
        %dma_start3A_454 = tpu.memref_slice %arg8[%dma_start3A_452, %dma_start3A_453] : memref<10240x32xf32, #tpu.memory_space<vmem_shared>> -> memref<10240x32xf32, #tpu.memory_space<vmem_shared>>
        tpu.enqueue_indirect_dma source(%dma_start3A_454 : memref<10240x32xf32, #tpu.memory_space<vmem_shared>>) target(%dma_start3A_448 : memref<128x32xf32, #tpu.memory_space<vmem>>) offsets(%dma_start3A_451 : memref<128xi32, #tpu.memory_space<vmem>>) semaphore(%arg19 : memref<!tpu.dma_semaphore, #tpu.memory_space<semaphore_mem>>)
      } else {
      }
      %mul3A_282 = arith.constant 8 : i32
      %mul3A_283 = arith.muli %scan3A_125, %mul3A_282 : i32
      %add3A_284 = arith.constant 4 : i32
      %add3A_285 = arith.addi %mul3A_283, %add3A_284 : i32
      %dma_wait3A_286 = arith.constant 4 : i32
      %dma_wait3A_287 = arith.constant 0 : i32
      %dma_wait3A_288 = arith.constant 0 : i32
      %dma_wait3A_289 = tpu.memref_slice %arg11[%dma_wait3A_286, %dma_wait3A_287, %dma_wait3A_288] : memref<8x128x32xf32, #tpu.memory_space<vmem>> -> memref<1x128x32xf32, #tpu.memory_space<vmem>>
      %dma_wait3A_290 = tpu.memref_squeeze %dma_wait3A_289 : memref<1x128x32xf32, #tpu.memory_space<vmem>> -> memref<128x32xf32, #tpu.memory_space<vmem>>
      %dma_wait3A_291 = arith.constant 0 : i32
      %dma_wait3A_292 = arith.constant 0 : i32
      %dma_wait3A_293 = tpu.memref_slice %arg2[%dma_wait3A_291, %dma_wait3A_292] : memref<10240x32xf32, #tpu.memory_space<hbm>> -> memref<128x32xf32, #tpu.memory_space<hbm>>
      %dma_wait3A_294 = arith.constant 0 : i32
      %dma_wait3A_295 = arith.constant 0 : i32
      %dma_wait3A_296 = tpu.memref_slice %arg11[%dma_wait3A_286, %dma_wait3A_294, %dma_wait3A_295] : memref<8x128x32xf32, #tpu.memory_space<vmem>> -> memref<1x128x32xf32, #tpu.memory_space<vmem>>
      %dma_wait3A_297 = tpu.memref_squeeze %dma_wait3A_296 : memref<1x128x32xf32, #tpu.memory_space<vmem>> -> memref<128x32xf32, #tpu.memory_space<vmem>>
      %dma_wait3A_298 = arith.constant 0 : i32
      %dma_wait3A_299 = arith.constant 0 : i32
      %dma_wait3A_300 = tpu.memref_slice %arg2[%dma_wait3A_298, %dma_wait3A_299] : memref<10240x32xf32, #tpu.memory_space<hbm>> -> memref<128x32xf32, #tpu.memory_space<hbm>>
      tpu.wait_dma2 semaphore(%arg16 : memref<!tpu.dma_semaphore, #tpu.memory_space<semaphore_mem>>) src(%dma_wait3A_300 : memref<128x32xf32, #tpu.memory_space<hbm>>) dst(%dma_wait3A_297 : memref<128x32xf32, #tpu.memory_space<vmem>>)
      %dma_start3A_301 = arith.constant 4 : i32
      %dma_start3A_302 = arith.constant 0 : i32
      %dma_start3A_303 = arith.constant 0 : i32
      %dma_start3A_304 = tpu.memref_slice %arg11[%dma_start3A_301, %dma_start3A_302, %dma_start3A_303] : memref<8x128x32xf32, #tpu.memory_space<vmem>> -> memref<1x128x32xf32, #tpu.memory_space<vmem>>
      %dma_start3A_305 = tpu.memref_squeeze %dma_start3A_304 : memref<1x128x32xf32, #tpu.memory_space<vmem>> -> memref<128x32xf32, #tpu.memory_space<vmem>>
      %dma_start3A_306 = arith.constant 0 : i32
      %dma_start3A_307 = tpu.memref_slice %arg10[%add3A_285, %dma_start3A_306] : memref<80x128xi32, #tpu.memory_space<vmem>> -> memref<1x128xi32, #tpu.memory_space<vmem>>
      %dma_start3A_308 = tpu.memref_squeeze %dma_start3A_307 : memref<1x128xi32, #tpu.memory_space<vmem>> -> memref<128xi32, #tpu.memory_space<vmem>>
      %dma_start3A_309 = arith.constant 0 : i32
      %dma_start3A_310 = arith.constant 0 : i32
      %dma_start3A_311 = tpu.memref_slice %arg7[%dma_start3A_309, %dma_start3A_310] : memref<10240x32xf32, #tpu.memory_space<vmem_shared>> -> memref<10240x32xf32, #tpu.memory_space<vmem_shared>>
      tpu.enqueue_indirect_dma source(%dma_start3A_305 : memref<128x32xf32, #tpu.memory_space<vmem>>) target(%dma_start3A_311 : memref<10240x32xf32, #tpu.memory_space<vmem_shared>>) offsets(%dma_start3A_308 : memref<128xi32, #tpu.memory_space<vmem>>) semaphore(%arg24 : memref<!tpu.dma_semaphore, #tpu.memory_space<semaphore_mem>>) {add = true}
      %ge3A_312 = arith.constant 4 : i32
      %ge3A_313 = arith.cmpi sge, %add3A_285, %ge3A_312 : i32
      %convert_element_type3A_314 = arith.extui %ge3A_313 : i1 to i32
      %cond3A_315 = arith.constant 0 : i32
      %cond3A_316 = arith.cmpi ne, %convert_element_type3A_314, %cond3A_315 : i32
      scf.if %cond3A_316 {
        %dma_wait3A_442 = arith.constant 0 : i32
        %dma_wait3A_443 = arith.constant 0 : i32
        %dma_wait3A_444 = arith.constant 0 : i32
        %dma_wait3A_445 = tpu.memref_slice %arg11[%dma_wait3A_442, %dma_wait3A_443, %dma_wait3A_444] : memref<8x128x32xf32, #tpu.memory_space<vmem>> -> memref<1x128x32xf32, #tpu.memory_space<vmem>>
        %dma_wait3A_446 = tpu.memref_squeeze %dma_wait3A_445 : memref<1x128x32xf32, #tpu.memory_space<vmem>> -> memref<128x32xf32, #tpu.memory_space<vmem>>
        %dma_wait3A_447 = arith.constant 0 : i32
        %dma_wait3A_448 = arith.constant 0 : i32
        %dma_wait3A_449 = tpu.memref_slice %arg2[%dma_wait3A_447, %dma_wait3A_448] : memref<10240x32xf32, #tpu.memory_space<hbm>> -> memref<128x32xf32, #tpu.memory_space<hbm>>
        %dma_wait3A_450 = arith.constant 0 : i32
        %dma_wait3A_451 = arith.constant 0 : i32
        %dma_wait3A_452 = tpu.memref_slice %arg11[%dma_wait3A_442, %dma_wait3A_450, %dma_wait3A_451] : memref<8x128x32xf32, #tpu.memory_space<vmem>> -> memref<1x128x32xf32, #tpu.memory_space<vmem>>
        %dma_wait3A_453 = tpu.memref_squeeze %dma_wait3A_452 : memref<1x128x32xf32, #tpu.memory_space<vmem>> -> memref<128x32xf32, #tpu.memory_space<vmem>>
        %dma_wait3A_454 = arith.constant 0 : i32
        %dma_wait3A_455 = arith.constant 0 : i32
        %dma_wait3A_456 = tpu.memref_slice %arg2[%dma_wait3A_454, %dma_wait3A_455] : memref<10240x32xf32, #tpu.memory_space<hbm>> -> memref<128x32xf32, #tpu.memory_space<hbm>>
        tpu.wait_dma2 semaphore(%arg20 : memref<!tpu.dma_semaphore, #tpu.memory_space<semaphore_mem>>) src(%dma_wait3A_456 : memref<128x32xf32, #tpu.memory_space<hbm>>) dst(%dma_wait3A_453 : memref<128x32xf32, #tpu.memory_space<vmem>>)
      } else {
      }
      %lt3A_317 = arith.constant 76 : i32
      %lt3A_318 = arith.cmpi slt, %add3A_285, %lt3A_317 : i32
      %convert_element_type3A_319 = arith.extui %lt3A_318 : i1 to i32
      %cond3A_320 = arith.constant 0 : i32
      %cond3A_321 = arith.cmpi ne, %convert_element_type3A_319, %cond3A_320 : i32
      scf.if %cond3A_321 {
        %add3A_442 = arith.constant 4 : i32
        %add3A_443 = arith.addi %add3A_285, %add3A_442 : i32
        %dma_start3A_444 = arith.constant 0 : i32
        %dma_start3A_445 = arith.constant 0 : i32
        %dma_start3A_446 = arith.constant 0 : i32
        %dma_start3A_447 = tpu.memref_slice %arg11[%dma_start3A_444, %dma_start3A_445, %dma_start3A_446] : memref<8x128x32xf32, #tpu.memory_space<vmem>> -> memref<1x128x32xf32, #tpu.memory_space<vmem>>
        %dma_start3A_448 = tpu.memref_squeeze %dma_start3A_447 : memref<1x128x32xf32, #tpu.memory_space<vmem>> -> memref<128x32xf32, #tpu.memory_space<vmem>>
        %dma_start3A_449 = arith.constant 0 : i32
        %dma_start3A_450 = tpu.memref_slice %arg9[%add3A_443, %dma_start3A_449] : memref<80x128xi32, #tpu.memory_space<vmem>> -> memref<1x128xi32, #tpu.memory_space<vmem>>
        %dma_start3A_451 = tpu.memref_squeeze %dma_start3A_450 : memref<1x128xi32, #tpu.memory_space<vmem>> -> memref<128xi32, #tpu.memory_space<vmem>>
        %dma_start3A_452 = arith.constant 0 : i32
        %dma_start3A_453 = arith.constant 0 : i32
        %dma_start3A_454 = tpu.memref_slice %arg8[%dma_start3A_452, %dma_start3A_453] : memref<10240x32xf32, #tpu.memory_space<vmem_shared>> -> memref<10240x32xf32, #tpu.memory_space<vmem_shared>>
        tpu.enqueue_indirect_dma source(%dma_start3A_454 : memref<10240x32xf32, #tpu.memory_space<vmem_shared>>) target(%dma_start3A_448 : memref<128x32xf32, #tpu.memory_space<vmem>>) offsets(%dma_start3A_451 : memref<128xi32, #tpu.memory_space<vmem>>) semaphore(%arg12 : memref<!tpu.dma_semaphore, #tpu.memory_space<semaphore_mem>>)
      } else {
      }
      %mul3A_322 = arith.constant 8 : i32
      %mul3A_323 = arith.muli %scan3A_125, %mul3A_322 : i32
      %add3A_324 = arith.constant 5 : i32
      %add3A_325 = arith.addi %mul3A_323, %add3A_324 : i32
      %dma_wait3A_326 = arith.constant 5 : i32
      %dma_wait3A_327 = arith.constant 0 : i32
      %dma_wait3A_328 = arith.constant 0 : i32
      %dma_wait3A_329 = tpu.memref_slice %arg11[%dma_wait3A_326, %dma_wait3A_327, %dma_wait3A_328] : memref<8x128x32xf32, #tpu.memory_space<vmem>> -> memref<1x128x32xf32, #tpu.memory_space<vmem>>
      %dma_wait3A_330 = tpu.memref_squeeze %dma_wait3A_329 : memref<1x128x32xf32, #tpu.memory_space<vmem>> -> memref<128x32xf32, #tpu.memory_space<vmem>>
      %dma_wait3A_331 = arith.constant 0 : i32
      %dma_wait3A_332 = arith.constant 0 : i32
      %dma_wait3A_333 = tpu.memref_slice %arg2[%dma_wait3A_331, %dma_wait3A_332] : memref<10240x32xf32, #tpu.memory_space<hbm>> -> memref<128x32xf32, #tpu.memory_space<hbm>>
      %dma_wait3A_334 = arith.constant 0 : i32
      %dma_wait3A_335 = arith.constant 0 : i32
      %dma_wait3A_336 = tpu.memref_slice %arg11[%dma_wait3A_326, %dma_wait3A_334, %dma_wait3A_335] : memref<8x128x32xf32, #tpu.memory_space<vmem>> -> memref<1x128x32xf32, #tpu.memory_space<vmem>>
      %dma_wait3A_337 = tpu.memref_squeeze %dma_wait3A_336 : memref<1x128x32xf32, #tpu.memory_space<vmem>> -> memref<128x32xf32, #tpu.memory_space<vmem>>
      %dma_wait3A_338 = arith.constant 0 : i32
      %dma_wait3A_339 = arith.constant 0 : i32
      %dma_wait3A_340 = tpu.memref_slice %arg2[%dma_wait3A_338, %dma_wait3A_339] : memref<10240x32xf32, #tpu.memory_space<hbm>> -> memref<128x32xf32, #tpu.memory_space<hbm>>
      tpu.wait_dma2 semaphore(%arg17 : memref<!tpu.dma_semaphore, #tpu.memory_space<semaphore_mem>>) src(%dma_wait3A_340 : memref<128x32xf32, #tpu.memory_space<hbm>>) dst(%dma_wait3A_337 : memref<128x32xf32, #tpu.memory_space<vmem>>)
      %dma_start3A_341 = arith.constant 5 : i32
      %dma_start3A_342 = arith.constant 0 : i32
      %dma_start3A_343 = arith.constant 0 : i32
      %dma_start3A_344 = tpu.memref_slice %arg11[%dma_start3A_341, %dma_start3A_342, %dma_start3A_343] : memref<8x128x32xf32, #tpu.memory_space<vmem>> -> memref<1x128x32xf32, #tpu.memory_space<vmem>>
      %dma_start3A_345 = tpu.memref_squeeze %dma_start3A_344 : memref<1x128x32xf32, #tpu.memory_space<vmem>> -> memref<128x32xf32, #tpu.memory_space<vmem>>
      %dma_start3A_346 = arith.constant 0 : i32
      %dma_start3A_347 = tpu.memref_slice %arg10[%add3A_325, %dma_start3A_346] : memref<80x128xi32, #tpu.memory_space<vmem>> -> memref<1x128xi32, #tpu.memory_space<vmem>>
      %dma_start3A_348 = tpu.memref_squeeze %dma_start3A_347 : memref<1x128xi32, #tpu.memory_space<vmem>> -> memref<128xi32, #tpu.memory_space<vmem>>
      %dma_start3A_349 = arith.constant 0 : i32
      %dma_start3A_350 = arith.constant 0 : i32
      %dma_start3A_351 = tpu.memref_slice %arg7[%dma_start3A_349, %dma_start3A_350] : memref<10240x32xf32, #tpu.memory_space<vmem_shared>> -> memref<10240x32xf32, #tpu.memory_space<vmem_shared>>
      tpu.enqueue_indirect_dma source(%dma_start3A_345 : memref<128x32xf32, #tpu.memory_space<vmem>>) target(%dma_start3A_351 : memref<10240x32xf32, #tpu.memory_space<vmem_shared>>) offsets(%dma_start3A_348 : memref<128xi32, #tpu.memory_space<vmem>>) semaphore(%arg25 : memref<!tpu.dma_semaphore, #tpu.memory_space<semaphore_mem>>) {add = true}
      %ge3A_352 = arith.constant 4 : i32
      %ge3A_353 = arith.cmpi sge, %add3A_325, %ge3A_352 : i32
      %convert_element_type3A_354 = arith.extui %ge3A_353 : i1 to i32
      %cond3A_355 = arith.constant 0 : i32
      %cond3A_356 = arith.cmpi ne, %convert_element_type3A_354, %cond3A_355 : i32
      scf.if %cond3A_356 {
        %dma_wait3A_442 = arith.constant 1 : i32
        %dma_wait3A_443 = arith.constant 0 : i32
        %dma_wait3A_444 = arith.constant 0 : i32
        %dma_wait3A_445 = tpu.memref_slice %arg11[%dma_wait3A_442, %dma_wait3A_443, %dma_wait3A_444] : memref<8x128x32xf32, #tpu.memory_space<vmem>> -> memref<1x128x32xf32, #tpu.memory_space<vmem>>
        %dma_wait3A_446 = tpu.memref_squeeze %dma_wait3A_445 : memref<1x128x32xf32, #tpu.memory_space<vmem>> -> memref<128x32xf32, #tpu.memory_space<vmem>>
        %dma_wait3A_447 = arith.constant 0 : i32
        %dma_wait3A_448 = arith.constant 0 : i32
        %dma_wait3A_449 = tpu.memref_slice %arg2[%dma_wait3A_447, %dma_wait3A_448] : memref<10240x32xf32, #tpu.memory_space<hbm>> -> memref<128x32xf32, #tpu.memory_space<hbm>>
        %dma_wait3A_450 = arith.constant 0 : i32
        %dma_wait3A_451 = arith.constant 0 : i32
        %dma_wait3A_452 = tpu.memref_slice %arg11[%dma_wait3A_442, %dma_wait3A_450, %dma_wait3A_451] : memref<8x128x32xf32, #tpu.memory_space<vmem>> -> memref<1x128x32xf32, #tpu.memory_space<vmem>>
        %dma_wait3A_453 = tpu.memref_squeeze %dma_wait3A_452 : memref<1x128x32xf32, #tpu.memory_space<vmem>> -> memref<128x32xf32, #tpu.memory_space<vmem>>
        %dma_wait3A_454 = arith.constant 0 : i32
        %dma_wait3A_455 = arith.constant 0 : i32
        %dma_wait3A_456 = tpu.memref_slice %arg2[%dma_wait3A_454, %dma_wait3A_455] : memref<10240x32xf32, #tpu.memory_space<hbm>> -> memref<128x32xf32, #tpu.memory_space<hbm>>
        tpu.wait_dma2 semaphore(%arg21 : memref<!tpu.dma_semaphore, #tpu.memory_space<semaphore_mem>>) src(%dma_wait3A_456 : memref<128x32xf32, #tpu.memory_space<hbm>>) dst(%dma_wait3A_453 : memref<128x32xf32, #tpu.memory_space<vmem>>)
      } else {
      }
      %lt3A_357 = arith.constant 76 : i32
      %lt3A_358 = arith.cmpi slt, %add3A_325, %lt3A_357 : i32
      %convert_element_type3A_359 = arith.extui %lt3A_358 : i1 to i32
      %cond3A_360 = arith.constant 0 : i32
      %cond3A_361 = arith.cmpi ne, %convert_element_type3A_359, %cond3A_360 : i32
      scf.if %cond3A_361 {
        %add3A_442 = arith.constant 4 : i32
        %add3A_443 = arith.addi %add3A_325, %add3A_442 : i32
        %dma_start3A_444 = arith.constant 1 : i32
        %dma_start3A_445 = arith.constant 0 : i32
        %dma_start3A_446 = arith.constant 0 : i32
        %dma_start3A_447 = tpu.memref_slice %arg11[%dma_start3A_444, %dma_start3A_445, %dma_start3A_446] : memref<8x128x32xf32, #tpu.memory_space<vmem>> -> memref<1x128x32xf32, #tpu.memory_space<vmem>>
        %dma_start3A_448 = tpu.memref_squeeze %dma_start3A_447 : memref<1x128x32xf32, #tpu.memory_space<vmem>> -> memref<128x32xf32, #tpu.memory_space<vmem>>
        %dma_start3A_449 = arith.constant 0 : i32
        %dma_start3A_450 = tpu.memref_slice %arg9[%add3A_443, %dma_start3A_449] : memref<80x128xi32, #tpu.memory_space<vmem>> -> memref<1x128xi32, #tpu.memory_space<vmem>>
        %dma_start3A_451 = tpu.memref_squeeze %dma_start3A_450 : memref<1x128xi32, #tpu.memory_space<vmem>> -> memref<128xi32, #tpu.memory_space<vmem>>
        %dma_start3A_452 = arith.constant 0 : i32
        %dma_start3A_453 = arith.constant 0 : i32
        %dma_start3A_454 = tpu.memref_slice %arg8[%dma_start3A_452, %dma_start3A_453] : memref<10240x32xf32, #tpu.memory_space<vmem_shared>> -> memref<10240x32xf32, #tpu.memory_space<vmem_shared>>
        tpu.enqueue_indirect_dma source(%dma_start3A_454 : memref<10240x32xf32, #tpu.memory_space<vmem_shared>>) target(%dma_start3A_448 : memref<128x32xf32, #tpu.memory_space<vmem>>) offsets(%dma_start3A_451 : memref<128xi32, #tpu.memory_space<vmem>>) semaphore(%arg13 : memref<!tpu.dma_semaphore, #tpu.memory_space<semaphore_mem>>)
      } else {
      }
      %mul3A_362 = arith.constant 8 : i32
      %mul3A_363 = arith.muli %scan3A_125, %mul3A_362 : i32
      %add3A_364 = arith.constant 6 : i32
      %add3A_365 = arith.addi %mul3A_363, %add3A_364 : i32
      %dma_wait3A_366 = arith.constant 6 : i32
      %dma_wait3A_367 = arith.constant 0 : i32
      %dma_wait3A_368 = arith.constant 0 : i32
      %dma_wait3A_369 = tpu.memref_slice %arg11[%dma_wait3A_366, %dma_wait3A_367, %dma_wait3A_368] : memref<8x128x32xf32, #tpu.memory_space<vmem>> -> memref<1x128x32xf32, #tpu.memory_space<vmem>>
      %dma_wait3A_370 = tpu.memref_squeeze %dma_wait3A_369 : memref<1x128x32xf32, #tpu.memory_space<vmem>> -> memref<128x32xf32, #tpu.memory_space<vmem>>
      %dma_wait3A_371 = arith.constant 0 : i32
      %dma_wait3A_372 = arith.constant 0 : i32
      %dma_wait3A_373 = tpu.memref_slice %arg2[%dma_wait3A_371, %dma_wait3A_372] : memref<10240x32xf32, #tpu.memory_space<hbm>> -> memref<128x32xf32, #tpu.memory_space<hbm>>
      %dma_wait3A_374 = arith.constant 0 : i32
      %dma_wait3A_375 = arith.constant 0 : i32
      %dma_wait3A_376 = tpu.memref_slice %arg11[%dma_wait3A_366, %dma_wait3A_374, %dma_wait3A_375] : memref<8x128x32xf32, #tpu.memory_space<vmem>> -> memref<1x128x32xf32, #tpu.memory_space<vmem>>
      %dma_wait3A_377 = tpu.memref_squeeze %dma_wait3A_376 : memref<1x128x32xf32, #tpu.memory_space<vmem>> -> memref<128x32xf32, #tpu.memory_space<vmem>>
      %dma_wait3A_378 = arith.constant 0 : i32
      %dma_wait3A_379 = arith.constant 0 : i32
      %dma_wait3A_380 = tpu.memref_slice %arg2[%dma_wait3A_378, %dma_wait3A_379] : memref<10240x32xf32, #tpu.memory_space<hbm>> -> memref<128x32xf32, #tpu.memory_space<hbm>>
      tpu.wait_dma2 semaphore(%arg18 : memref<!tpu.dma_semaphore, #tpu.memory_space<semaphore_mem>>) src(%dma_wait3A_380 : memref<128x32xf32, #tpu.memory_space<hbm>>) dst(%dma_wait3A_377 : memref<128x32xf32, #tpu.memory_space<vmem>>)
      %dma_start3A_381 = arith.constant 6 : i32
      %dma_start3A_382 = arith.constant 0 : i32
      %dma_start3A_383 = arith.constant 0 : i32
      %dma_start3A_384 = tpu.memref_slice %arg11[%dma_start3A_381, %dma_start3A_382, %dma_start3A_383] : memref<8x128x32xf32, #tpu.memory_space<vmem>> -> memref<1x128x32xf32, #tpu.memory_space<vmem>>
      %dma_start3A_385 = tpu.memref_squeeze %dma_start3A_384 : memref<1x128x32xf32, #tpu.memory_space<vmem>> -> memref<128x32xf32, #tpu.memory_space<vmem>>
      %dma_start3A_386 = arith.constant 0 : i32
      %dma_start3A_387 = tpu.memref_slice %arg10[%add3A_365, %dma_start3A_386] : memref<80x128xi32, #tpu.memory_space<vmem>> -> memref<1x128xi32, #tpu.memory_space<vmem>>
      %dma_start3A_388 = tpu.memref_squeeze %dma_start3A_387 : memref<1x128xi32, #tpu.memory_space<vmem>> -> memref<128xi32, #tpu.memory_space<vmem>>
      %dma_start3A_389 = arith.constant 0 : i32
      %dma_start3A_390 = arith.constant 0 : i32
      %dma_start3A_391 = tpu.memref_slice %arg7[%dma_start3A_389, %dma_start3A_390] : memref<10240x32xf32, #tpu.memory_space<vmem_shared>> -> memref<10240x32xf32, #tpu.memory_space<vmem_shared>>
      tpu.enqueue_indirect_dma source(%dma_start3A_385 : memref<128x32xf32, #tpu.memory_space<vmem>>) target(%dma_start3A_391 : memref<10240x32xf32, #tpu.memory_space<vmem_shared>>) offsets(%dma_start3A_388 : memref<128xi32, #tpu.memory_space<vmem>>) semaphore(%arg26 : memref<!tpu.dma_semaphore, #tpu.memory_space<semaphore_mem>>) {add = true}
      %ge3A_392 = arith.constant 4 : i32
      %ge3A_393 = arith.cmpi sge, %add3A_365, %ge3A_392 : i32
      %convert_element_type3A_394 = arith.extui %ge3A_393 : i1 to i32
      %cond3A_395 = arith.constant 0 : i32
      %cond3A_396 = arith.cmpi ne, %convert_element_type3A_394, %cond3A_395 : i32
      scf.if %cond3A_396 {
        %dma_wait3A_442 = arith.constant 2 : i32
        %dma_wait3A_443 = arith.constant 0 : i32
        %dma_wait3A_444 = arith.constant 0 : i32
        %dma_wait3A_445 = tpu.memref_slice %arg11[%dma_wait3A_442, %dma_wait3A_443, %dma_wait3A_444] : memref<8x128x32xf32, #tpu.memory_space<vmem>> -> memref<1x128x32xf32, #tpu.memory_space<vmem>>
        %dma_wait3A_446 = tpu.memref_squeeze %dma_wait3A_445 : memref<1x128x32xf32, #tpu.memory_space<vmem>> -> memref<128x32xf32, #tpu.memory_space<vmem>>
        %dma_wait3A_447 = arith.constant 0 : i32
        %dma_wait3A_448 = arith.constant 0 : i32
        %dma_wait3A_449 = tpu.memref_slice %arg2[%dma_wait3A_447, %dma_wait3A_448] : memref<10240x32xf32, #tpu.memory_space<hbm>> -> memref<128x32xf32, #tpu.memory_space<hbm>>
        %dma_wait3A_450 = arith.constant 0 : i32
        %dma_wait3A_451 = arith.constant 0 : i32
        %dma_wait3A_452 = tpu.memref_slice %arg11[%dma_wait3A_442, %dma_wait3A_450, %dma_wait3A_451] : memref<8x128x32xf32, #tpu.memory_space<vmem>> -> memref<1x128x32xf32, #tpu.memory_space<vmem>>
        %dma_wait3A_453 = tpu.memref_squeeze %dma_wait3A_452 : memref<1x128x32xf32, #tpu.memory_space<vmem>> -> memref<128x32xf32, #tpu.memory_space<vmem>>
        %dma_wait3A_454 = arith.constant 0 : i32
        %dma_wait3A_455 = arith.constant 0 : i32
        %dma_wait3A_456 = tpu.memref_slice %arg2[%dma_wait3A_454, %dma_wait3A_455] : memref<10240x32xf32, #tpu.memory_space<hbm>> -> memref<128x32xf32, #tpu.memory_space<hbm>>
        tpu.wait_dma2 semaphore(%arg22 : memref<!tpu.dma_semaphore, #tpu.memory_space<semaphore_mem>>) src(%dma_wait3A_456 : memref<128x32xf32, #tpu.memory_space<hbm>>) dst(%dma_wait3A_453 : memref<128x32xf32, #tpu.memory_space<vmem>>)
      } else {
      }
      %lt3A_397 = arith.constant 76 : i32
      %lt3A_398 = arith.cmpi slt, %add3A_365, %lt3A_397 : i32
      %convert_element_type3A_399 = arith.extui %lt3A_398 : i1 to i32
      %cond3A_400 = arith.constant 0 : i32
      %cond3A_401 = arith.cmpi ne, %convert_element_type3A_399, %cond3A_400 : i32
      scf.if %cond3A_401 {
        %add3A_442 = arith.constant 4 : i32
        %add3A_443 = arith.addi %add3A_365, %add3A_442 : i32
        %dma_start3A_444 = arith.constant 2 : i32
        %dma_start3A_445 = arith.constant 0 : i32
        %dma_start3A_446 = arith.constant 0 : i32
        %dma_start3A_447 = tpu.memref_slice %arg11[%dma_start3A_444, %dma_start3A_445, %dma_start3A_446] : memref<8x128x32xf32, #tpu.memory_space<vmem>> -> memref<1x128x32xf32, #tpu.memory_space<vmem>>
        %dma_start3A_448 = tpu.memref_squeeze %dma_start3A_447 : memref<1x128x32xf32, #tpu.memory_space<vmem>> -> memref<128x32xf32, #tpu.memory_space<vmem>>
        %dma_start3A_449 = arith.constant 0 : i32
        %dma_start3A_450 = tpu.memref_slice %arg9[%add3A_443, %dma_start3A_449] : memref<80x128xi32, #tpu.memory_space<vmem>> -> memref<1x128xi32, #tpu.memory_space<vmem>>
        %dma_start3A_451 = tpu.memref_squeeze %dma_start3A_450 : memref<1x128xi32, #tpu.memory_space<vmem>> -> memref<128xi32, #tpu.memory_space<vmem>>
        %dma_start3A_452 = arith.constant 0 : i32
        %dma_start3A_453 = arith.constant 0 : i32
        %dma_start3A_454 = tpu.memref_slice %arg8[%dma_start3A_452, %dma_start3A_453] : memref<10240x32xf32, #tpu.memory_space<vmem_shared>> -> memref<10240x32xf32, #tpu.memory_space<vmem_shared>>
        tpu.enqueue_indirect_dma source(%dma_start3A_454 : memref<10240x32xf32, #tpu.memory_space<vmem_shared>>) target(%dma_start3A_448 : memref<128x32xf32, #tpu.memory_space<vmem>>) offsets(%dma_start3A_451 : memref<128xi32, #tpu.memory_space<vmem>>) semaphore(%arg14 : memref<!tpu.dma_semaphore, #tpu.memory_space<semaphore_mem>>)
      } else {
      }
      %mul3A_402 = arith.constant 8 : i32
      %mul3A_403 = arith.muli %scan3A_125, %mul3A_402 : i32
      %add3A_404 = arith.constant 7 : i32
      %add3A_405 = arith.addi %mul3A_403, %add3A_404 : i32
      %dma_wait3A_406 = arith.constant 7 : i32
      %dma_wait3A_407 = arith.constant 0 : i32
      %dma_wait3A_408 = arith.constant 0 : i32
      %dma_wait3A_409 = tpu.memref_slice %arg11[%dma_wait3A_406, %dma_wait3A_407, %dma_wait3A_408] : memref<8x128x32xf32, #tpu.memory_space<vmem>> -> memref<1x128x32xf32, #tpu.memory_space<vmem>>
      %dma_wait3A_410 = tpu.memref_squeeze %dma_wait3A_409 : memref<1x128x32xf32, #tpu.memory_space<vmem>> -> memref<128x32xf32, #tpu.memory_space<vmem>>
      %dma_wait3A_411 = arith.constant 0 : i32
      %dma_wait3A_412 = arith.constant 0 : i32
      %dma_wait3A_413 = tpu.memref_slice %arg2[%dma_wait3A_411, %dma_wait3A_412] : memref<10240x32xf32, #tpu.memory_space<hbm>> -> memref<128x32xf32, #tpu.memory_space<hbm>>
      %dma_wait3A_414 = arith.constant 0 : i32
      %dma_wait3A_415 = arith.constant 0 : i32
      %dma_wait3A_416 = tpu.memref_slice %arg11[%dma_wait3A_406, %dma_wait3A_414, %dma_wait3A_415] : memref<8x128x32xf32, #tpu.memory_space<vmem>> -> memref<1x128x32xf32, #tpu.memory_space<vmem>>
      %dma_wait3A_417 = tpu.memref_squeeze %dma_wait3A_416 : memref<1x128x32xf32, #tpu.memory_space<vmem>> -> memref<128x32xf32, #tpu.memory_space<vmem>>
      %dma_wait3A_418 = arith.constant 0 : i32
      %dma_wait3A_419 = arith.constant 0 : i32
      %dma_wait3A_420 = tpu.memref_slice %arg2[%dma_wait3A_418, %dma_wait3A_419] : memref<10240x32xf32, #tpu.memory_space<hbm>> -> memref<128x32xf32, #tpu.memory_space<hbm>>
      tpu.wait_dma2 semaphore(%arg19 : memref<!tpu.dma_semaphore, #tpu.memory_space<semaphore_mem>>) src(%dma_wait3A_420 : memref<128x32xf32, #tpu.memory_space<hbm>>) dst(%dma_wait3A_417 : memref<128x32xf32, #tpu.memory_space<vmem>>)
      %dma_start3A_421 = arith.constant 7 : i32
      %dma_start3A_422 = arith.constant 0 : i32
      %dma_start3A_423 = arith.constant 0 : i32
      %dma_start3A_424 = tpu.memref_slice %arg11[%dma_start3A_421, %dma_start3A_422, %dma_start3A_423] : memref<8x128x32xf32, #tpu.memory_space<vmem>> -> memref<1x128x32xf32, #tpu.memory_space<vmem>>
      %dma_start3A_425 = tpu.memref_squeeze %dma_start3A_424 : memref<1x128x32xf32, #tpu.memory_space<vmem>> -> memref<128x32xf32, #tpu.memory_space<vmem>>
      %dma_start3A_426 = arith.constant 0 : i32
      %dma_start3A_427 = tpu.memref_slice %arg10[%add3A_405, %dma_start3A_426] : memref<80x128xi32, #tpu.memory_space<vmem>> -> memref<1x128xi32, #tpu.memory_space<vmem>>
      %dma_start3A_428 = tpu.memref_squeeze %dma_start3A_427 : memref<1x128xi32, #tpu.memory_space<vmem>> -> memref<128xi32, #tpu.memory_space<vmem>>
      %dma_start3A_429 = arith.constant 0 : i32
      %dma_start3A_430 = arith.constant 0 : i32
      %dma_start3A_431 = tpu.memref_slice %arg7[%dma_start3A_429, %dma_start3A_430] : memref<10240x32xf32, #tpu.memory_space<vmem_shared>> -> memref<10240x32xf32, #tpu.memory_space<vmem_shared>>
      tpu.enqueue_indirect_dma source(%dma_start3A_425 : memref<128x32xf32, #tpu.memory_space<vmem>>) target(%dma_start3A_431 : memref<10240x32xf32, #tpu.memory_space<vmem_shared>>) offsets(%dma_start3A_428 : memref<128xi32, #tpu.memory_space<vmem>>) semaphore(%arg27 : memref<!tpu.dma_semaphore, #tpu.memory_space<semaphore_mem>>) {add = true}
      %ge3A_432 = arith.constant 4 : i32
      %ge3A_433 = arith.cmpi sge, %add3A_405, %ge3A_432 : i32
      %convert_element_type3A_434 = arith.extui %ge3A_433 : i1 to i32
      %cond3A_435 = arith.constant 0 : i32
      %cond3A_436 = arith.cmpi ne, %convert_element_type3A_434, %cond3A_435 : i32
      scf.if %cond3A_436 {
        %dma_wait3A_442 = arith.constant 3 : i32
        %dma_wait3A_443 = arith.constant 0 : i32
        %dma_wait3A_444 = arith.constant 0 : i32
        %dma_wait3A_445 = tpu.memref_slice %arg11[%dma_wait3A_442, %dma_wait3A_443, %dma_wait3A_444] : memref<8x128x32xf32, #tpu.memory_space<vmem>> -> memref<1x128x32xf32, #tpu.memory_space<vmem>>
        %dma_wait3A_446 = tpu.memref_squeeze %dma_wait3A_445 : memref<1x128x32xf32, #tpu.memory_space<vmem>> -> memref<128x32xf32, #tpu.memory_space<vmem>>
        %dma_wait3A_447 = arith.constant 0 : i32
        %dma_wait3A_448 = arith.constant 0 : i32
        %dma_wait3A_449 = tpu.memref_slice %arg2[%dma_wait3A_447, %dma_wait3A_448] : memref<10240x32xf32, #tpu.memory_space<hbm>> -> memref<128x32xf32, #tpu.memory_space<hbm>>
        %dma_wait3A_450 = arith.constant 0 : i32
        %dma_wait3A_451 = arith.constant 0 : i32
        %dma_wait3A_452 = tpu.memref_slice %arg11[%dma_wait3A_442, %dma_wait3A_450, %dma_wait3A_451] : memref<8x128x32xf32, #tpu.memory_space<vmem>> -> memref<1x128x32xf32, #tpu.memory_space<vmem>>
        %dma_wait3A_453 = tpu.memref_squeeze %dma_wait3A_452 : memref<1x128x32xf32, #tpu.memory_space<vmem>> -> memref<128x32xf32, #tpu.memory_space<vmem>>
        %dma_wait3A_454 = arith.constant 0 : i32
        %dma_wait3A_455 = arith.constant 0 : i32
        %dma_wait3A_456 = tpu.memref_slice %arg2[%dma_wait3A_454, %dma_wait3A_455] : memref<10240x32xf32, #tpu.memory_space<hbm>> -> memref<128x32xf32, #tpu.memory_space<hbm>>
        tpu.wait_dma2 semaphore(%arg23 : memref<!tpu.dma_semaphore, #tpu.memory_space<semaphore_mem>>) src(%dma_wait3A_456 : memref<128x32xf32, #tpu.memory_space<hbm>>) dst(%dma_wait3A_453 : memref<128x32xf32, #tpu.memory_space<vmem>>)
      } else {
      }
      %lt3A_437 = arith.constant 76 : i32
      %lt3A_438 = arith.cmpi slt, %add3A_405, %lt3A_437 : i32
      %convert_element_type3A_439 = arith.extui %lt3A_438 : i1 to i32
      %cond3A_440 = arith.constant 0 : i32
      %cond3A_441 = arith.cmpi ne, %convert_element_type3A_439, %cond3A_440 : i32
      scf.if %cond3A_441 {
        %add3A_442 = arith.constant 4 : i32
        %add3A_443 = arith.addi %add3A_405, %add3A_442 : i32
        %dma_start3A_444 = arith.constant 3 : i32
        %dma_start3A_445 = arith.constant 0 : i32
        %dma_start3A_446 = arith.constant 0 : i32
        %dma_start3A_447 = tpu.memref_slice %arg11[%dma_start3A_444, %dma_start3A_445, %dma_start3A_446] : memref<8x128x32xf32, #tpu.memory_space<vmem>> -> memref<1x128x32xf32, #tpu.memory_space<vmem>>
        %dma_start3A_448 = tpu.memref_squeeze %dma_start3A_447 : memref<1x128x32xf32, #tpu.memory_space<vmem>> -> memref<128x32xf32, #tpu.memory_space<vmem>>
        %dma_start3A_449 = arith.constant 0 : i32
        %dma_start3A_450 = tpu.memref_slice %arg9[%add3A_443, %dma_start3A_449] : memref<80x128xi32, #tpu.memory_space<vmem>> -> memref<1x128xi32, #tpu.memory_space<vmem>>
        %dma_start3A_451 = tpu.memref_squeeze %dma_start3A_450 : memref<1x128xi32, #tpu.memory_space<vmem>> -> memref<128xi32, #tpu.memory_space<vmem>>
        %dma_start3A_452 = arith.constant 0 : i32
        %dma_start3A_453 = arith.constant 0 : i32
        %dma_start3A_454 = tpu.memref_slice %arg8[%dma_start3A_452, %dma_start3A_453] : memref<10240x32xf32, #tpu.memory_space<vmem_shared>> -> memref<10240x32xf32, #tpu.memory_space<vmem_shared>>
        tpu.enqueue_indirect_dma source(%dma_start3A_454 : memref<10240x32xf32, #tpu.memory_space<vmem_shared>>) target(%dma_start3A_448 : memref<128x32xf32, #tpu.memory_space<vmem>>) offsets(%dma_start3A_451 : memref<128xi32, #tpu.memory_space<vmem>>) semaphore(%arg15 : memref<!tpu.dma_semaphore, #tpu.memory_space<semaphore_mem>>)
      } else {
      }
    }
    %scan3A_60 = arith.constant 10 : i32
    %dma_wait3A = arith.constant 4 : i32
    %dma_wait3A_61 = arith.constant 0 : i32
    %dma_wait3A_62 = arith.constant 0 : i32
    %dma_wait3A_63 = tpu.memref_slice %arg11[%dma_wait3A, %dma_wait3A_61, %dma_wait3A_62] : memref<8x128x32xf32, #tpu.memory_space<vmem>> -> memref<1x128x32xf32, #tpu.memory_space<vmem>>
    %dma_wait3A_64 = tpu.memref_squeeze %dma_wait3A_63 : memref<1x128x32xf32, #tpu.memory_space<vmem>> -> memref<128x32xf32, #tpu.memory_space<vmem>>
    %dma_wait3A_65 = arith.constant 0 : i32
    %dma_wait3A_66 = arith.constant 0 : i32
    %dma_wait3A_67 = tpu.memref_slice %arg2[%dma_wait3A_65, %dma_wait3A_66] : memref<10240x32xf32, #tpu.memory_space<hbm>> -> memref<128x32xf32, #tpu.memory_space<hbm>>
    %dma_wait3A_68 = arith.constant 0 : i32
    %dma_wait3A_69 = arith.constant 0 : i32
    %dma_wait3A_70 = tpu.memref_slice %arg11[%dma_wait3A, %dma_wait3A_68, %dma_wait3A_69] : memref<8x128x32xf32, #tpu.memory_space<vmem>> -> memref<1x128x32xf32, #tpu.memory_space<vmem>>
    %dma_wait3A_71 = tpu.memref_squeeze %dma_wait3A_70 : memref<1x128x32xf32, #tpu.memory_space<vmem>> -> memref<128x32xf32, #tpu.memory_space<vmem>>
    %dma_wait3A_72 = arith.constant 0 : i32
    %dma_wait3A_73 = arith.constant 0 : i32
    %dma_wait3A_74 = tpu.memref_slice %arg2[%dma_wait3A_72, %dma_wait3A_73] : memref<10240x32xf32, #tpu.memory_space<hbm>> -> memref<128x32xf32, #tpu.memory_space<hbm>>
    tpu.wait_dma2 semaphore(%arg24 : memref<!tpu.dma_semaphore, #tpu.memory_space<semaphore_mem>>) src(%dma_wait3A_74 : memref<128x32xf32, #tpu.memory_space<hbm>>) dst(%dma_wait3A_71 : memref<128x32xf32, #tpu.memory_space<vmem>>)
    %dma_wait3A_75 = arith.constant 5 : i32
    %dma_wait3A_76 = arith.constant 0 : i32
    %dma_wait3A_77 = arith.constant 0 : i32
    %dma_wait3A_78 = tpu.memref_slice %arg11[%dma_wait3A_75, %dma_wait3A_76, %dma_wait3A_77] : memref<8x128x32xf32, #tpu.memory_space<vmem>> -> memref<1x128x32xf32, #tpu.memory_space<vmem>>
    %dma_wait3A_79 = tpu.memref_squeeze %dma_wait3A_78 : memref<1x128x32xf32, #tpu.memory_space<vmem>> -> memref<128x32xf32, #tpu.memory_space<vmem>>
    %dma_wait3A_80 = arith.constant 0 : i32
    %dma_wait3A_81 = arith.constant 0 : i32
    %dma_wait3A_82 = tpu.memref_slice %arg2[%dma_wait3A_80, %dma_wait3A_81] : memref<10240x32xf32, #tpu.memory_space<hbm>> -> memref<128x32xf32, #tpu.memory_space<hbm>>
    %dma_wait3A_83 = arith.constant 0 : i32
    %dma_wait3A_84 = arith.constant 0 : i32
    %dma_wait3A_85 = tpu.memref_slice %arg11[%dma_wait3A_75, %dma_wait3A_83, %dma_wait3A_84] : memref<8x128x32xf32, #tpu.memory_space<vmem>> -> memref<1x128x32xf32, #tpu.memory_space<vmem>>
    %dma_wait3A_86 = tpu.memref_squeeze %dma_wait3A_85 : memref<1x128x32xf32, #tpu.memory_space<vmem>> -> memref<128x32xf32, #tpu.memory_space<vmem>>
    %dma_wait3A_87 = arith.constant 0 : i32
    %dma_wait3A_88 = arith.constant 0 : i32
    %dma_wait3A_89 = tpu.memref_slice %arg2[%dma_wait3A_87, %dma_wait3A_88] : memref<10240x32xf32, #tpu.memory_space<hbm>> -> memref<128x32xf32, #tpu.memory_space<hbm>>
    tpu.wait_dma2 semaphore(%arg25 : memref<!tpu.dma_semaphore, #tpu.memory_space<semaphore_mem>>) src(%dma_wait3A_89 : memref<128x32xf32, #tpu.memory_space<hbm>>) dst(%dma_wait3A_86 : memref<128x32xf32, #tpu.memory_space<vmem>>)
    %dma_wait3A_90 = arith.constant 6 : i32
    %dma_wait3A_91 = arith.constant 0 : i32
    %dma_wait3A_92 = arith.constant 0 : i32
    %dma_wait3A_93 = tpu.memref_slice %arg11[%dma_wait3A_90, %dma_wait3A_91, %dma_wait3A_92] : memref<8x128x32xf32, #tpu.memory_space<vmem>> -> memref<1x128x32xf32, #tpu.memory_space<vmem>>
    %dma_wait3A_94 = tpu.memref_squeeze %dma_wait3A_93 : memref<1x128x32xf32, #tpu.memory_space<vmem>> -> memref<128x32xf32, #tpu.memory_space<vmem>>
    %dma_wait3A_95 = arith.constant 0 : i32
    %dma_wait3A_96 = arith.constant 0 : i32
    %dma_wait3A_97 = tpu.memref_slice %arg2[%dma_wait3A_95, %dma_wait3A_96] : memref<10240x32xf32, #tpu.memory_space<hbm>> -> memref<128x32xf32, #tpu.memory_space<hbm>>
    %dma_wait3A_98 = arith.constant 0 : i32
    %dma_wait3A_99 = arith.constant 0 : i32
    %dma_wait3A_100 = tpu.memref_slice %arg11[%dma_wait3A_90, %dma_wait3A_98, %dma_wait3A_99] : memref<8x128x32xf32, #tpu.memory_space<vmem>> -> memref<1x128x32xf32, #tpu.memory_space<vmem>>
    %dma_wait3A_101 = tpu.memref_squeeze %dma_wait3A_100 : memref<1x128x32xf32, #tpu.memory_space<vmem>> -> memref<128x32xf32, #tpu.memory_space<vmem>>
    %dma_wait3A_102 = arith.constant 0 : i32
    %dma_wait3A_103 = arith.constant 0 : i32
    %dma_wait3A_104 = tpu.memref_slice %arg2[%dma_wait3A_102, %dma_wait3A_103] : memref<10240x32xf32, #tpu.memory_space<hbm>> -> memref<128x32xf32, #tpu.memory_space<hbm>>
    tpu.wait_dma2 semaphore(%arg26 : memref<!tpu.dma_semaphore, #tpu.memory_space<semaphore_mem>>) src(%dma_wait3A_104 : memref<128x32xf32, #tpu.memory_space<hbm>>) dst(%dma_wait3A_101 : memref<128x32xf32, #tpu.memory_space<vmem>>)
    %dma_wait3A_105 = arith.constant 7 : i32
    %dma_wait3A_106 = arith.constant 0 : i32
    %dma_wait3A_107 = arith.constant 0 : i32
    %dma_wait3A_108 = tpu.memref_slice %arg11[%dma_wait3A_105, %dma_wait3A_106, %dma_wait3A_107] : memref<8x128x32xf32, #tpu.memory_space<vmem>> -> memref<1x128x32xf32, #tpu.memory_space<vmem>>
    %dma_wait3A_109 = tpu.memref_squeeze %dma_wait3A_108 : memref<1x128x32xf32, #tpu.memory_space<vmem>> -> memref<128x32xf32, #tpu.memory_space<vmem>>
    %dma_wait3A_110 = arith.constant 0 : i32
    %dma_wait3A_111 = arith.constant 0 : i32
    %dma_wait3A_112 = tpu.memref_slice %arg2[%dma_wait3A_110, %dma_wait3A_111] : memref<10240x32xf32, #tpu.memory_space<hbm>> -> memref<128x32xf32, #tpu.memory_space<hbm>>
    %dma_wait3A_113 = arith.constant 0 : i32
    %dma_wait3A_114 = arith.constant 0 : i32
    %dma_wait3A_115 = tpu.memref_slice %arg11[%dma_wait3A_105, %dma_wait3A_113, %dma_wait3A_114] : memref<8x128x32xf32, #tpu.memory_space<vmem>> -> memref<1x128x32xf32, #tpu.memory_space<vmem>>
    %dma_wait3A_116 = tpu.memref_squeeze %dma_wait3A_115 : memref<1x128x32xf32, #tpu.memory_space<vmem>> -> memref<128x32xf32, #tpu.memory_space<vmem>>
    %dma_wait3A_117 = arith.constant 0 : i32
    %dma_wait3A_118 = arith.constant 0 : i32
    %dma_wait3A_119 = tpu.memref_slice %arg2[%dma_wait3A_117, %dma_wait3A_118] : memref<10240x32xf32, #tpu.memory_space<hbm>> -> memref<128x32xf32, #tpu.memory_space<hbm>>
    tpu.wait_dma2 semaphore(%arg27 : memref<!tpu.dma_semaphore, #tpu.memory_space<semaphore_mem>>) src(%dma_wait3A_119 : memref<128x32xf32, #tpu.memory_space<hbm>>) dst(%dma_wait3A_116 : memref<128x32xf32, #tpu.memory_space<vmem>>)
    %barrier3A_120 = arith.constant 0 : index
    tpu.barrier barrier_id(%barrier3A_120)
    %mul3A_121 = arith.constant 640 : i32
    %mul3A_122 = arith.muli %arg1, %mul3A_121 : i32
    %mul3A_123 = arith.constant 640 : i32
    %mul3A_124 = arith.muli %arg1, %mul3A_123 : i32
    "tpu.region"() ({
      %run_scoped3A = tpu.sem_alloc : memref<!tpu.dma_semaphore, #tpu.memory_space<semaphore_mem>>
      %dma_start3A_125 = arith.constant 0 : i32
      %dma_start3A_126 = tpu.memref_slice %arg6[%arg0, %mul3A_124, %dma_start3A_125] : memref<2x10240x32xf32, #tpu.memory_space<hbm>> -> memref<1x640x32xf32, #tpu.memory_space<hbm>>
      %dma_start3A_127 = tpu.memref_squeeze %dma_start3A_126 : memref<1x640x32xf32, #tpu.memory_space<hbm>> -> memref<640x32xf32, #tpu.memory_space<hbm>>
      %dma_start3A_128 = arith.constant 0 : i32
      %dma_start3A_129 = tpu.memref_slice %arg7[%mul3A_122, %dma_start3A_128] : memref<10240x32xf32, #tpu.memory_space<vmem_shared>> -> memref<640x32xf32, #tpu.memory_space<vmem_shared>>
      tpu.enqueue_dma source(%dma_start3A_129 : memref<640x32xf32, #tpu.memory_space<vmem_shared>>) target(%dma_start3A_127 : memref<640x32xf32, #tpu.memory_space<hbm>>) target_semaphore(%run_scoped3A : memref<!tpu.dma_semaphore, #tpu.memory_space<semaphore_mem>>)
      %dma_wait3A_130 = arith.constant 0 : i32
      %dma_wait3A_131 = tpu.memref_slice %arg6[%arg0, %mul3A_124, %dma_wait3A_130] : memref<2x10240x32xf32, #tpu.memory_space<hbm>> -> memref<1x640x32xf32, #tpu.memory_space<hbm>>
      %dma_wait3A_132 = tpu.memref_squeeze %dma_wait3A_131 : memref<1x640x32xf32, #tpu.memory_space<hbm>> -> memref<640x32xf32, #tpu.memory_space<hbm>>
      %dma_wait3A_133 = arith.constant 0 : i32
      %dma_wait3A_134 = tpu.memref_slice %arg7[%mul3A_122, %dma_wait3A_133] : memref<10240x32xf32, #tpu.memory_space<vmem_shared>> -> memref<640x32xf32, #tpu.memory_space<vmem_shared>>
      tpu.wait_dma2 semaphore(%run_scoped3A : memref<!tpu.dma_semaphore, #tpu.memory_space<semaphore_mem>>) src(%dma_wait3A_134 : memref<640x32xf32, #tpu.memory_space<vmem_shared>>) dst(%dma_wait3A_132 : memref<640x32xf32, #tpu.memory_space<hbm>>)
      tpu.yield
    }) : () -> ()
    return
  }
}

#map = affine_map<(d0, d1) -> (0, 0, 0)>
#map1 = affine_map<(d0, d1) -> (0, 0)>
module attributes {stable_mosaic.version = 14 : i64} {
  func.func @_sc_degree(%arg0: i32, %arg1: i32, %arg2: memref<32x80x128xi32, #tpu.memory_space<hbm>>, %arg3: memref<128x16xf32, #tpu.memory_space<hbm>>, %arg4: memref<10240x16xf32, #tpu.memory_space<hbm>>, %arg5: memref<2x10240x32xf32, #tpu.memory_space<hbm>>, %arg6: memref<10240x16xf32, #tpu.memory_space<vmem_shared>>, %arg7: memref<80x128xi32, #tpu.memory_space<vmem>>, %arg8: memref<128x16xf32, #tpu.memory_space<vmem>>, %arg9: memref<640x16xf32, #tpu.memory_space<vmem>>, %arg10: memref<640x32xf32, #tpu.memory_space<vmem>>, %arg11: memref<!tpu.dma_semaphore, #tpu.memory_space<semaphore_mem>>) attributes {dimension_semantics = [#tpu.dimension_semantics<core_parallel>, #tpu.dimension_semantics<subcore_parallel>], iteration_bounds = array<i64: 2, 16>, scalar_prefetch = 0 : i64, scratch_operands = 6 : i64, tpu.core_type = #tpu.core_type<sc_vector_subcore>, window_params = [{transform_indices = #map}, {transform_indices = #map1}, {transform_indices = #map1}, {transform_indices = #map}]} {
    %mul3A = arith.constant 16 : i32
    %mul3A_0 = arith.muli %arg0, %mul3A : i32
    %add3A = arith.addi %mul3A_0, %arg1 : i32
    %mul3A_1 = arith.constant 640 : i32
    %mul3A_2 = arith.muli %arg1, %mul3A_1 : i32
    %mul3A_3 = arith.constant 640 : i32
    %mul3A_4 = arith.muli %arg1, %mul3A_3 : i32
    "tpu.region"() ({
      %run_scoped3A = tpu.sem_alloc : memref<!tpu.dma_semaphore, #tpu.memory_space<semaphore_mem>>
      %dma_start3A = arith.constant 0 : i32
      %dma_start3A_27 = tpu.memref_slice %arg6[%mul3A_4, %dma_start3A] : memref<10240x16xf32, #tpu.memory_space<vmem_shared>> -> memref<640x16xf32, #tpu.memory_space<vmem_shared>>
      %dma_start3A_28 = arith.constant 0 : i32
      %dma_start3A_29 = tpu.memref_slice %arg4[%mul3A_2, %dma_start3A_28] : memref<10240x16xf32, #tpu.memory_space<hbm>> -> memref<640x16xf32, #tpu.memory_space<hbm>>
      tpu.enqueue_dma source(%dma_start3A_29 : memref<640x16xf32, #tpu.memory_space<hbm>>) target(%dma_start3A_27 : memref<640x16xf32, #tpu.memory_space<vmem_shared>>) target_semaphore(%run_scoped3A : memref<!tpu.dma_semaphore, #tpu.memory_space<semaphore_mem>>)
      %dma_wait3A = arith.constant 0 : i32
      %dma_wait3A_30 = tpu.memref_slice %arg6[%mul3A_4, %dma_wait3A] : memref<10240x16xf32, #tpu.memory_space<vmem_shared>> -> memref<640x16xf32, #tpu.memory_space<vmem_shared>>
      %dma_wait3A_31 = arith.constant 0 : i32
      %dma_wait3A_32 = tpu.memref_slice %arg4[%mul3A_2, %dma_wait3A_31] : memref<10240x16xf32, #tpu.memory_space<hbm>> -> memref<640x16xf32, #tpu.memory_space<hbm>>
      tpu.wait_dma2 semaphore(%run_scoped3A : memref<!tpu.dma_semaphore, #tpu.memory_space<semaphore_mem>>) src(%dma_wait3A_32 : memref<640x16xf32, #tpu.memory_space<hbm>>) dst(%dma_wait3A_30 : memref<640x16xf32, #tpu.memory_space<vmem_shared>>)
      tpu.yield
    }) : () -> ()
    "tpu.region"() ({
      %run_scoped3A = tpu.sem_alloc : memref<!tpu.dma_semaphore, #tpu.memory_space<semaphore_mem>>
      %dma_start3A = arith.constant 0 : i32
      %dma_start3A_27 = arith.constant 0 : i32
      %dma_start3A_28 = tpu.memref_slice %arg2[%add3A, %dma_start3A, %dma_start3A_27] : memref<32x80x128xi32, #tpu.memory_space<hbm>> -> memref<1x80x128xi32, #tpu.memory_space<hbm>>
      %dma_start3A_29 = tpu.memref_squeeze %dma_start3A_28 : memref<1x80x128xi32, #tpu.memory_space<hbm>> -> memref<80x128xi32, #tpu.memory_space<hbm>>
      %dma_start3A_30 = arith.constant 0 : i32
      %dma_start3A_31 = arith.constant 0 : i32
      %dma_start3A_32 = tpu.memref_slice %arg2[%add3A, %dma_start3A_30, %dma_start3A_31] : memref<32x80x128xi32, #tpu.memory_space<hbm>> -> memref<1x80x128xi32, #tpu.memory_space<hbm>>
      %dma_start3A_33 = tpu.memref_squeeze %dma_start3A_32 : memref<1x80x128xi32, #tpu.memory_space<hbm>> -> memref<80x128xi32, #tpu.memory_space<hbm>>
      tpu.enqueue_dma source(%dma_start3A_33 : memref<80x128xi32, #tpu.memory_space<hbm>>) target(%arg7 : memref<80x128xi32, #tpu.memory_space<vmem>>) target_semaphore(%run_scoped3A : memref<!tpu.dma_semaphore, #tpu.memory_space<semaphore_mem>>)
      %dma_wait3A = arith.constant 0 : i32
      %dma_wait3A_34 = arith.constant 0 : i32
      %dma_wait3A_35 = tpu.memref_slice %arg2[%add3A, %dma_wait3A, %dma_wait3A_34] : memref<32x80x128xi32, #tpu.memory_space<hbm>> -> memref<1x80x128xi32, #tpu.memory_space<hbm>>
      %dma_wait3A_36 = tpu.memref_squeeze %dma_wait3A_35 : memref<1x80x128xi32, #tpu.memory_space<hbm>> -> memref<80x128xi32, #tpu.memory_space<hbm>>
      %dma_wait3A_37 = arith.constant 0 : i32
      %dma_wait3A_38 = arith.constant 0 : i32
      %dma_wait3A_39 = tpu.memref_slice %arg2[%add3A, %dma_wait3A_37, %dma_wait3A_38] : memref<32x80x128xi32, #tpu.memory_space<hbm>> -> memref<1x80x128xi32, #tpu.memory_space<hbm>>
      %dma_wait3A_40 = tpu.memref_squeeze %dma_wait3A_39 : memref<1x80x128xi32, #tpu.memory_space<hbm>> -> memref<80x128xi32, #tpu.memory_space<hbm>>
      tpu.wait_dma2 semaphore(%run_scoped3A : memref<!tpu.dma_semaphore, #tpu.memory_space<semaphore_mem>>) src(%dma_wait3A_40 : memref<80x128xi32, #tpu.memory_space<hbm>>) dst(%arg7 : memref<80x128xi32, #tpu.memory_space<vmem>>)
      tpu.yield
    }) : () -> ()
    "tpu.region"() ({
      %run_scoped3A = tpu.sem_alloc : memref<!tpu.dma_semaphore, #tpu.memory_space<semaphore_mem>>
      tpu.enqueue_dma source(%arg3 : memref<128x16xf32, #tpu.memory_space<hbm>>) target(%arg8 : memref<128x16xf32, #tpu.memory_space<vmem>>) target_semaphore(%run_scoped3A : memref<!tpu.dma_semaphore, #tpu.memory_space<semaphore_mem>>)
      tpu.wait_dma2 semaphore(%run_scoped3A : memref<!tpu.dma_semaphore, #tpu.memory_space<semaphore_mem>>) src(%arg3 : memref<128x16xf32, #tpu.memory_space<hbm>>) dst(%arg8 : memref<128x16xf32, #tpu.memory_space<vmem>>)
      tpu.yield
    }) : () -> ()
    %barrier3A = arith.constant 0 : index
    tpu.barrier barrier_id(%barrier3A)
    %scan3A = arith.constant 0 : i32
    %scan3A_5 = arith.constant 0 : i32
    %scan3A_6 = arith.constant 80 : i32
    %scan3A_7 = arith.addi %scan3A_5, %scan3A_6 : i32
    %scan3A_8 = arith.constant 1 : i32
    scf.for %scan3A_27 = %scan3A_5 to %scan3A_7 step %scan3A_8  : i32 {
      %dma_start3A = arith.constant 0 : i32
      %dma_start3A_28 = tpu.memref_slice %arg7[%scan3A_27, %dma_start3A] : memref<80x128xi32, #tpu.memory_space<vmem>> -> memref<1x128xi32, #tpu.memory_space<vmem>>
      %dma_start3A_29 = tpu.memref_squeeze %dma_start3A_28 : memref<1x128xi32, #tpu.memory_space<vmem>> -> memref<128xi32, #tpu.memory_space<vmem>>
      %dma_start3A_30 = arith.constant 0 : i32
      %dma_start3A_31 = arith.constant 0 : i32
      %dma_start3A_32 = tpu.memref_slice %arg6[%dma_start3A_30, %dma_start3A_31] : memref<10240x16xf32, #tpu.memory_space<vmem_shared>> -> memref<10240x16xf32, #tpu.memory_space<vmem_shared>>
      tpu.enqueue_indirect_dma source(%arg8 : memref<128x16xf32, #tpu.memory_space<vmem>>) target(%dma_start3A_32 : memref<10240x16xf32, #tpu.memory_space<vmem_shared>>) offsets(%dma_start3A_29 : memref<128xi32, #tpu.memory_space<vmem>>) semaphore(%arg11 : memref<!tpu.dma_semaphore, #tpu.memory_space<semaphore_mem>>) {add = true}
    }
    %scan3A_9 = arith.constant 80 : i32
    %scan3A_10 = arith.constant 0 : i32
    %scan3A_11 = arith.constant 0 : i32
    %scan3A_12 = arith.constant 80 : i32
    %scan3A_13 = arith.addi %scan3A_11, %scan3A_12 : i32
    %scan3A_14 = arith.constant 1 : i32
    scf.for %scan3A_27 = %scan3A_11 to %scan3A_13 step %scan3A_14  : i32 {
      tpu.wait_dma2 semaphore(%arg11 : memref<!tpu.dma_semaphore, #tpu.memory_space<semaphore_mem>>) src(%arg3 : memref<128x16xf32, #tpu.memory_space<hbm>>) dst(%arg8 : memref<128x16xf32, #tpu.memory_space<vmem>>)
    }
    %scan3A_15 = arith.constant 80 : i32
    %barrier3A_16 = arith.constant 0 : index
    tpu.barrier barrier_id(%barrier3A_16)
    %mul3A_17 = arith.constant 640 : i32
    %mul3A_18 = arith.muli %arg1, %mul3A_17 : i32
    "tpu.region"() ({
      %run_scoped3A = tpu.sem_alloc : memref<!tpu.dma_semaphore, #tpu.memory_space<semaphore_mem>>
      %dma_start3A = arith.constant 0 : i32
      %dma_start3A_27 = tpu.memref_slice %arg6[%mul3A_18, %dma_start3A] : memref<10240x16xf32, #tpu.memory_space<vmem_shared>> -> memref<640x16xf32, #tpu.memory_space<vmem_shared>>
      %dma_start3A_28 = arith.constant 0 : i32
      %dma_start3A_29 = tpu.memref_slice %arg6[%mul3A_18, %dma_start3A_28] : memref<10240x16xf32, #tpu.memory_space<vmem_shared>> -> memref<640x16xf32, #tpu.memory_space<vmem_shared>>
      tpu.enqueue_dma source(%dma_start3A_29 : memref<640x16xf32, #tpu.memory_space<vmem_shared>>) target(%arg9 : memref<640x16xf32, #tpu.memory_space<vmem>>) target_semaphore(%run_scoped3A : memref<!tpu.dma_semaphore, #tpu.memory_space<semaphore_mem>>)
      %dma_wait3A = arith.constant 0 : i32
      %dma_wait3A_30 = tpu.memref_slice %arg6[%mul3A_18, %dma_wait3A] : memref<10240x16xf32, #tpu.memory_space<vmem_shared>> -> memref<640x16xf32, #tpu.memory_space<vmem_shared>>
      %dma_wait3A_31 = arith.constant 0 : i32
      %dma_wait3A_32 = tpu.memref_slice %arg6[%mul3A_18, %dma_wait3A_31] : memref<10240x16xf32, #tpu.memory_space<vmem_shared>> -> memref<640x16xf32, #tpu.memory_space<vmem_shared>>
      tpu.wait_dma2 semaphore(%run_scoped3A : memref<!tpu.dma_semaphore, #tpu.memory_space<semaphore_mem>>) src(%dma_wait3A_32 : memref<640x16xf32, #tpu.memory_space<vmem_shared>>) dst(%arg9 : memref<640x16xf32, #tpu.memory_space<vmem>>)
      tpu.yield
    }) : () -> ()
    %scan3A_19 = arith.constant 0 : i32
    %scan3A_20 = arith.constant 0 : i32
    %scan3A_21 = arith.constant 640 : i32
    %scan3A_22 = arith.addi %scan3A_20, %scan3A_21 : i32
    %scan3A_23 = arith.constant 1 : i32
    scf.for %scan3A_27 = %scan3A_20 to %scan3A_22 step %scan3A_23  : i32 {
      %get3A = arith.index_cast %scan3A_27 : i32 to index
      %get3A_28 = arith.constant 0 : index
      %get3A_29 = tpu.vector_load %arg9[%get3A, %get3A_28] {strides = array<i32>} : memref<640x16xf32, #tpu.memory_space<vmem>>, vector<1x16xf32>,
      %get3A_30 = vector.shape_cast %get3A_29 : vector<1x16xf32> to vector<16xf32>
      %swap3A = arith.index_cast %scan3A_27 : i32 to index
      %swap3A_31 = arith.constant 0 : index
      %swap3A_32 = tpu.vector_load %arg10[%swap3A, %swap3A_31] {strides = array<i32>} : memref<640x32xf32, #tpu.memory_space<vmem>>, vector<1x16xf32>,
      %swap3A_33 = vector.shape_cast %swap3A_32 : vector<1x16xf32> to vector<16xf32>
      %swap3A_34 = vector.shape_cast %get3A_30 : vector<16xf32> to vector<1x16xf32>
      tpu.vector_store %arg10[%swap3A, %swap3A_31], %swap3A_34 {strides = array<i32>} : memref<640x32xf32, #tpu.memory_space<vmem>>, vector<1x16xf32>,
      %swap3A_35 = arith.index_cast %scan3A_27 : i32 to index
      %swap3A_36 = arith.constant 16 : index
      %swap3A_37 = tpu.vector_load %arg10[%swap3A_35, %swap3A_36] {strides = array<i32>} : memref<640x32xf32, #tpu.memory_space<vmem>>, vector<1x16xf32>,
      %swap3A_38 = vector.shape_cast %swap3A_37 : vector<1x16xf32> to vector<16xf32>
      %swap3A_39 = vector.shape_cast %get3A_30 : vector<16xf32> to vector<1x16xf32>
      tpu.vector_store %arg10[%swap3A_35, %swap3A_36], %swap3A_39 {strides = array<i32>} : memref<640x32xf32, #tpu.memory_space<vmem>>, vector<1x16xf32>,
    }
    %scan3A_24 = arith.constant 640 : i32
    %mul3A_25 = arith.constant 640 : i32
    %mul3A_26 = arith.muli %arg1, %mul3A_25 : i32
    "tpu.region"() ({
      %run_scoped3A = tpu.sem_alloc : memref<!tpu.dma_semaphore, #tpu.memory_space<semaphore_mem>>
      %dma_start3A = arith.constant 0 : i32
      %dma_start3A_27 = tpu.memref_slice %arg5[%arg0, %mul3A_26, %dma_start3A] : memref<2x10240x32xf32, #tpu.memory_space<hbm>> -> memref<1x640x32xf32, #tpu.memory_space<hbm>>
      %dma_start3A_28 = tpu.memref_squeeze %dma_start3A_27 : memref<1x640x32xf32, #tpu.memory_space<hbm>> -> memref<640x32xf32, #tpu.memory_space<hbm>>
      %dma_start3A_29 = arith.constant 0 : i32
      %dma_start3A_30 = tpu.memref_slice %arg5[%arg0, %mul3A_26, %dma_start3A_29] : memref<2x10240x32xf32, #tpu.memory_space<hbm>> -> memref<1x640x32xf32, #tpu.memory_space<hbm>>
      %dma_start3A_31 = tpu.memref_squeeze %dma_start3A_30 : memref<1x640x32xf32, #tpu.memory_space<hbm>> -> memref<640x32xf32, #tpu.memory_space<hbm>>
      tpu.enqueue_dma source(%arg10 : memref<640x32xf32, #tpu.memory_space<vmem>>) target(%dma_start3A_31 : memref<640x32xf32, #tpu.memory_space<hbm>>) target_semaphore(%run_scoped3A : memref<!tpu.dma_semaphore, #tpu.memory_space<semaphore_mem>>)
      %dma_wait3A = arith.constant 0 : i32
      %dma_wait3A_32 = tpu.memref_slice %arg5[%arg0, %mul3A_26, %dma_wait3A] : memref<2x10240x32xf32, #tpu.memory_space<hbm>> -> memref<1x640x32xf32, #tpu.memory_space<hbm>>
      %dma_wait3A_33 = tpu.memref_squeeze %dma_wait3A_32 : memref<1x640x32xf32, #tpu.memory_space<hbm>> -> memref<640x32xf32, #tpu.memory_space<hbm>>
      %dma_wait3A_34 = arith.constant 0 : i32
      %dma_wait3A_35 = tpu.memref_slice %arg5[%arg0, %mul3A_26, %dma_wait3A_34] : memref<2x10240x32xf32, #tpu.memory_space<hbm>> -> memref<1x640x32xf32, #tpu.memory_space<hbm>>
      %dma_wait3A_36 = tpu.memref_squeeze %dma_wait3A_35 : memref<1x640x32xf32, #tpu.memory_space<hbm>> -> memref<640x32xf32, #tpu.memory_space<hbm>>
      tpu.wait_dma2 semaphore(%run_scoped3A : memref<!tpu.dma_semaphore, #tpu.memory_space<semaphore_mem>>) src(%arg10 : memref<640x32xf32, #tpu.memory_space<vmem>>) dst(%dma_wait3A_36 : memref<640x32xf32, #tpu.memory_space<hbm>>)
      tpu.yield
    }) : () -> ()
    return
  }
}

module attributes {stable_mosaic.version = 14 : i64} {
  func.func @_tc_mm1_body(%arg0: i32, %arg1: memref<256x512xf32, #tpu.memory_space<vmem>>, %arg2: memref<512x128xf32, #tpu.memory_space<vmem>>, %arg3: memref<256x128xf32, #tpu.memory_space<vmem>>) attributes {dimension_semantics = [#tpu.dimension_semantics<arbitrary>], iteration_bounds = array<i64: 10>, scalar_prefetch = 0 : i64, scratch_operands = 0 : i64, tpu.core_type = #tpu.core_type<tc>, window_params = [{transform_indices = @transform_0, window_bounds = array<i64: 256, 512>}, {pipeline_mode = #tpu.pipeline_mode<synchronous>, transform_indices = @transform_1, window_bounds = array<i64: 512, 128>}, {transform_indices = @transform_2, window_bounds = array<i64: 256, 128>}]} {
    %get3A = arith.constant 0 : index
    %get3A_0 = arith.constant 0 : index
    %get3A_1 = vector.load %arg1[%get3A, %get3A_0] : memref<256x512xf32, #tpu.memory_space<vmem>>, vector<256x512xf32>
    %get3A_2 = arith.constant 0 : index
    %get3A_3 = arith.constant 0 : index
    %get3A_4 = vector.load %arg2[%get3A_2, %get3A_3] : memref<512x128xf32, #tpu.memory_space<vmem>>, vector<512x128xf32>
    %dot_general3A = arith.constant dense<0.000000e+00> : vector<256x128xf32>
    %dot_general3A_5 = tpu.matmul %get3A_1, %get3A_4, %dot_general3A {dimension_numbers = #tpu.dot_dimension_numbers<[1], [0], [0], [1], [0, 0, 1, 1], [], []>, transpose_lhs_hint = false} : vector<256x512xf32>, vector<512x128xf32>, vector<256x128xf32> -> vector<256x128xf32>
    %swap3A = arith.constant 0 : index
    %swap3A_6 = arith.constant 0 : index
    %swap3A_7 = vector.load %arg3[%swap3A, %swap3A_6] : memref<256x128xf32, #tpu.memory_space<vmem>>, vector<256x128xf32>
    tpu.vector_store %arg3[%swap3A, %swap3A_6], %dot_general3A_5 {strides = array<i32>} : memref<256x128xf32, #tpu.memory_space<vmem>>, vector<256x128xf32>,
    return
  }
  func.func @transform_0(%arg0: i32) -> (i32, i32) {
    %c0_i32 = arith.constant 0 : i32
    %c0_i32_0 = arith.constant 0 : i32
    return %arg0, %c0_i32 : i32, i32
  }
  func.func @transform_1(%arg0: i32) -> (i32, i32) {
    %c0_i32 = arith.constant 0 : i32
    %c0_i32_0 = arith.constant 0 : i32
    %c0_i32_1 = arith.constant 0 : i32
    return %c0_i32, %c0_i32_0 : i32, i32
  }
  func.func @transform_2(%arg0: i32) -> (i32, i32) {
    %c0_i32 = arith.constant 0 : i32
    %c0_i32_0 = arith.constant 0 : i32
    return %arg0, %c0_i32 : i32, i32
  }
}

module attributes {stable_mosaic.version = 14 : i64} {
  func.func @_tc_scale_body(%arg0: i32, %arg1: memref<320x128xf32, #tpu.memory_space<vmem>>, %arg2: memref<2x320x128xf32, #tpu.memory_space<vmem>>, %arg3: memref<320x128xf32, #tpu.memory_space<vmem>>, %arg4: memref<320x128xf32, #tpu.memory_space<vmem>>) attributes {dimension_semantics = [#tpu.dimension_semantics<arbitrary>], iteration_bounds = array<i64: 8>, scalar_prefetch = 0 : i64, scratch_operands = 0 : i64, tpu.core_type = #tpu.core_type<tc>, window_params = [{transform_indices = @transform_0, window_bounds = array<i64: 320, 128>}, {transform_indices = @transform_1, window_bounds = array<i64: 2, 320, 128>}, {transform_indices = @transform_2, window_bounds = array<i64: 320, 128>}, {transform_indices = @transform_3, window_bounds = array<i64: 320, 128>}]} {
    %get3A = arith.constant 0 : index
    %get3A_0 = arith.constant 0 : index
    %get3A_1 = arith.constant 0 : index
    %get3A_2 = vector.load %arg2[%get3A, %get3A_0, %get3A_1] : memref<2x320x128xf32, #tpu.memory_space<vmem>>, vector<1x320x128xf32>
    %get3A_3 = vector.shape_cast %get3A_2 : vector<1x320x128xf32> to vector<320x128xf32>
    %get3A_4 = arith.constant 1 : index
    %get3A_5 = arith.constant 0 : index
    %get3A_6 = arith.constant 0 : index
    %get3A_7 = vector.load %arg2[%get3A_4, %get3A_5, %get3A_6] : memref<2x320x128xf32, #tpu.memory_space<vmem>>, vector<1x320x128xf32>
    %get3A_8 = vector.shape_cast %get3A_7 : vector<1x320x128xf32> to vector<320x128xf32>
    %add3A = arith.addf %get3A_3, %get3A_8 : vector<320x128xf32>
    %add3A_9 = arith.constant 1.000000e+00 : f32
    %add3A_10 = vector.broadcast %add3A_9 : f32 to vector<320x128xf32>
    %add3A_11 = arith.addf %add3A, %add3A_10 : vector<320x128xf32>
    %max3A = arith.constant 1.000000e+00 : f32
    %max3A_12 = vector.broadcast %max3A : f32 to vector<320x128xf32>
    %max3A_13 = arith.maximumf %add3A_11, %max3A_12 : vector<320x128xf32>
    %rsqrt3A = math.rsqrt %max3A_13 : vector<320x128xf32>
    %swap3A = arith.constant 0 : index
    %swap3A_14 = arith.constant 0 : index
    %swap3A_15 = vector.load %arg3[%swap3A, %swap3A_14] : memref<320x128xf32, #tpu.memory_space<vmem>>, vector<320x128xf32>
    tpu.vector_store %arg3[%swap3A, %swap3A_14], %rsqrt3A {strides = array<i32>} : memref<320x128xf32, #tpu.memory_space<vmem>>, vector<320x128xf32>,
    %get3A_16 = arith.constant 0 : index
    %get3A_17 = arith.constant 0 : index
    %get3A_18 = vector.load %arg1[%get3A_16, %get3A_17] : memref<320x128xf32, #tpu.memory_space<vmem>>, vector<320x128xf32>
    %mul3A = arith.mulf %get3A_18, %rsqrt3A : vector<320x128xf32>
    %swap3A_19 = arith.constant 0 : index
    %swap3A_20 = arith.constant 0 : index
    %swap3A_21 = vector.load %arg4[%swap3A_19, %swap3A_20] : memref<320x128xf32, #tpu.memory_space<vmem>>, vector<320x128xf32>
    tpu.vector_store %arg4[%swap3A_19, %swap3A_20], %mul3A {strides = array<i32>} : memref<320x128xf32, #tpu.memory_space<vmem>>, vector<320x128xf32>,
    return
  }
  func.func @transform_0(%arg0: i32) -> (i32, i32) {
    %c0_i32 = arith.constant 0 : i32
    %c0_i32_0 = arith.constant 0 : i32
    return %arg0, %c0_i32 : i32, i32
  }
  func.func @transform_1(%arg0: i32) -> (i32, i32, i32) {
    %c0_i32 = arith.constant 0 : i32
    %c0_i32_0 = arith.constant 0 : i32
    %c0_i32_1 = arith.constant 0 : i32
    return %c0_i32, %arg0, %c0_i32_0 : i32, i32, i32
  }
  func.func @transform_2(%arg0: i32) -> (i32, i32) {
    %c0_i32 = arith.constant 0 : i32
    %c0_i32_0 = arith.constant 0 : i32
    return %arg0, %c0_i32 : i32, i32
  }
  func.func @transform_3(%arg0: i32) -> (i32, i32) {
    %c0_i32 = arith.constant 0 : i32
    %c0_i32_0 = arith.constant 0 : i32
    return %arg0, %c0_i32 : i32, i32
  }
}

module attributes {stable_mosaic.version = 14 : i64} {
  func.func @_tc_b_body(%arg0: i32, %arg1: memref<2x320x128xf32, #tpu.memory_space<vmem>>, %arg2: memref<320x128xf32, #tpu.memory_space<vmem>>, %arg3: memref<320x128xf32, #tpu.memory_space<vmem>>, %arg4: memref<1x128xf32, #tpu.memory_space<vmem>>, %arg5: memref<128x128xf32, #tpu.memory_space<vmem>>, %arg6: memref<320x128xf32, #tpu.memory_space<vmem>>) attributes {dimension_semantics = [#tpu.dimension_semantics<arbitrary>], iteration_bounds = array<i64: 8>, scalar_prefetch = 0 : i64, scratch_operands = 0 : i64, tpu.core_type = #tpu.core_type<tc>, window_params = [{transform_indices = @transform_0, window_bounds = array<i64: 2, 320, 128>}, {transform_indices = @transform_1, window_bounds = array<i64: 320, 128>}, {transform_indices = @transform_2, window_bounds = array<i64: 320, 128>}, {pipeline_mode = #tpu.pipeline_mode<synchronous>, transform_indices = @transform_3, window_bounds = array<i64: 1, 128>}, {pipeline_mode = #tpu.pipeline_mode<synchronous>, transform_indices = @transform_4, window_bounds = array<i64: 128, 128>}, {transform_indices = @transform_5, window_bounds = array<i64: 320, 128>}]} {
    %get3A = arith.constant 0 : index
    %get3A_0 = arith.constant 0 : index
    %get3A_1 = arith.constant 0 : index
    %get3A_2 = vector.load %arg1[%get3A, %get3A_0, %get3A_1] : memref<2x320x128xf32, #tpu.memory_space<vmem>>, vector<1x320x128xf32>
    %get3A_3 = vector.shape_cast %get3A_2 : vector<1x320x128xf32> to vector<320x128xf32>
    %get3A_4 = arith.constant 1 : index
    %get3A_5 = arith.constant 0 : index
    %get3A_6 = arith.constant 0 : index
    %get3A_7 = vector.load %arg1[%get3A_4, %get3A_5, %get3A_6] : memref<2x320x128xf32, #tpu.memory_space<vmem>>, vector<1x320x128xf32>
    %get3A_8 = vector.shape_cast %get3A_7 : vector<1x320x128xf32> to vector<320x128xf32>
    %add3A = arith.addf %get3A_3, %get3A_8 : vector<320x128xf32>
    %get3A_9 = arith.constant 0 : index
    %get3A_10 = arith.constant 0 : index
    %get3A_11 = vector.load %arg2[%get3A_9, %get3A_10] : memref<320x128xf32, #tpu.memory_space<vmem>>, vector<320x128xf32>
    %add3A_12 = arith.addf %add3A, %get3A_11 : vector<320x128xf32>
    %get3A_13 = arith.constant 0 : index
    %get3A_14 = arith.constant 0 : index
    %get3A_15 = vector.load %arg3[%get3A_13, %get3A_14] : memref<320x128xf32, #tpu.memory_space<vmem>>, vector<320x128xf32>
    %mul3A = arith.mulf %add3A_12, %get3A_15 : vector<320x128xf32>
    %get3A_16 = arith.constant 0 : index
    %get3A_17 = arith.constant 0 : index
    %get3A_18 = vector.load %arg4[%get3A_16, %get3A_17] : memref<1x128xf32, #tpu.memory_space<vmem>>, vector<1x128xf32>
    %add3A_19 = vector.broadcast %get3A_18 : vector<1x128xf32> to vector<320x128xf32>
    %add3A_20 = arith.addf %mul3A, %add3A_19 : vector<320x128xf32>
    %max3A = arith.constant 0.000000e+00 : f32
    %max3A_21 = vector.broadcast %max3A : f32 to vector<320x128xf32>
    %max3A_22 = arith.maximumf %add3A_20, %max3A_21 : vector<320x128xf32>
    %get3A_23 = arith.constant 0 : index
    %get3A_24 = arith.constant 0 : index
    %get3A_25 = vector.load %arg5[%get3A_23, %get3A_24] : memref<128x128xf32, #tpu.memory_space<vmem>>, vector<128x128xf32>
    %dot_general3A = arith.constant dense<0.000000e+00> : vector<320x128xf32>
    %dot_general3A_26 = tpu.matmul %max3A_22, %get3A_25, %dot_general3A {dimension_numbers = #tpu.dot_dimension_numbers<[1], [0], [0], [1], [0, 0, 1, 1], [], []>, transpose_lhs_hint = false} : vector<320x128xf32>, vector<128x128xf32>, vector<320x128xf32> -> vector<320x128xf32>
    %mul3A_27 = arith.mulf %dot_general3A_26, %get3A_15 : vector<320x128xf32>
    %swap3A = arith.constant 0 : index
    %swap3A_28 = arith.constant 0 : index
    %swap3A_29 = vector.load %arg6[%swap3A, %swap3A_28] : memref<320x128xf32, #tpu.memory_space<vmem>>, vector<320x128xf32>
    tpu.vector_store %arg6[%swap3A, %swap3A_28], %mul3A_27 {strides = array<i32>} : memref<320x128xf32, #tpu.memory_space<vmem>>, vector<320x128xf32>,
    return
  }
  func.func @transform_0(%arg0: i32) -> (i32, i32, i32) {
    %c0_i32 = arith.constant 0 : i32
    %c0_i32_0 = arith.constant 0 : i32
    %c0_i32_1 = arith.constant 0 : i32
    return %c0_i32, %arg0, %c0_i32_0 : i32, i32, i32
  }
  func.func @transform_1(%arg0: i32) -> (i32, i32) {
    %c0_i32 = arith.constant 0 : i32
    %c0_i32_0 = arith.constant 0 : i32
    return %arg0, %c0_i32 : i32, i32
  }
  func.func @transform_2(%arg0: i32) -> (i32, i32) {
    %c0_i32 = arith.constant 0 : i32
    %c0_i32_0 = arith.constant 0 : i32
    return %arg0, %c0_i32 : i32, i32
  }
  func.func @transform_3(%arg0: i32) -> (i32, i32) {
    %c0_i32 = arith.constant 0 : i32
    %c0_i32_0 = arith.constant 0 : i32
    %c0_i32_1 = arith.constant 0 : i32
    return %c0_i32, %c0_i32_0 : i32, i32
  }
  func.func @transform_4(%arg0: i32) -> (i32, i32) {
    %c0_i32 = arith.constant 0 : i32
    %c0_i32_0 = arith.constant 0 : i32
    %c0_i32_1 = arith.constant 0 : i32
    return %c0_i32, %c0_i32_0 : i32, i32
  }
  func.func @transform_5(%arg0: i32) -> (i32, i32) {
    %c0_i32 = arith.constant 0 : i32
    %c0_i32_0 = arith.constant 0 : i32
    return %arg0, %c0_i32 : i32, i32
  }
}

module attributes {stable_mosaic.version = 14 : i64} {
  func.func @_tc_c_body(%arg0: memref<2x2560x128xf32, #tpu.memory_space<vmem>>, %arg1: memref<2560x128xf32, #tpu.memory_space<vmem>>, %arg2: memref<2560x128xf32, #tpu.memory_space<vmem>>, %arg3: memref<1x128xf32, #tpu.memory_space<vmem>>, %arg4: memref<4x2500xi32, #tpu.memory_space<vmem>>, %arg5: memref<32x26xf32, #tpu.memory_space<vmem>>, %arg6: memref<1x26xf32, #tpu.memory_space<vmem>>, %arg7: memref<26x1xf32, #tpu.memory_space<vmem>>, %arg8: memref<1x1xf32, #tpu.memory_space<vmem>>, %arg9: memref<64x1xf32, #tpu.memory_space<vmem>>) attributes {dimension_semantics = [], scalar_prefetch = 0 : i64, scratch_operands = 0 : i64, tpu.core_type = #tpu.core_type<tc>} {
    %get3A = arith.constant 0 : index
    %get3A_0 = arith.constant 0 : index
    %get3A_1 = arith.constant 0 : index
    %get3A_2 = vector.load %arg0[%get3A, %get3A_0, %get3A_1] : memref<2x2560x128xf32, #tpu.memory_space<vmem>>, vector<1x2560x128xf32>
    %get3A_3 = vector.shape_cast %get3A_2 : vector<1x2560x128xf32> to vector<2560x128xf32>
    %get3A_4 = arith.constant 1 : index
    %get3A_5 = arith.constant 0 : index
    %get3A_6 = arith.constant 0 : index
    %get3A_7 = vector.load %arg0[%get3A_4, %get3A_5, %get3A_6] : memref<2x2560x128xf32, #tpu.memory_space<vmem>>, vector<1x2560x128xf32>
    %get3A_8 = vector.shape_cast %get3A_7 : vector<1x2560x128xf32> to vector<2560x128xf32>
    %add3A = arith.addf %get3A_3, %get3A_8 : vector<2560x128xf32>
    %get3A_9 = arith.constant 0 : index
    %get3A_10 = arith.constant 0 : index
    %get3A_11 = vector.load %arg1[%get3A_9, %get3A_10] : memref<2560x128xf32, #tpu.memory_space<vmem>>, vector<2560x128xf32>
    %add3A_12 = arith.addf %add3A, %get3A_11 : vector<2560x128xf32>
    %get3A_13 = arith.constant 0 : index
    %get3A_14 = arith.constant 0 : index
    %get3A_15 = vector.load %arg2[%get3A_13, %get3A_14] : memref<2560x128xf32, #tpu.memory_space<vmem>>, vector<2560x128xf32>
    %mul3A = arith.mulf %add3A_12, %get3A_15 : vector<2560x128xf32>
    %get3A_16 = arith.constant 0 : index
    %get3A_17 = arith.constant 0 : index
    %get3A_18 = vector.load %arg3[%get3A_16, %get3A_17] : memref<1x128xf32, #tpu.memory_space<vmem>>, vector<1x128xf32>
    %add3A_19 = vector.broadcast %get3A_18 : vector<1x128xf32> to vector<2560x128xf32>
    %add3A_20 = arith.addf %mul3A, %add3A_19 : vector<2560x128xf32>
    %max3A = arith.constant 0.000000e+00 : f32
    %max3A_21 = vector.broadcast %max3A : f32 to vector<2560x128xf32>
    %max3A_22 = arith.maximumf %add3A_20, %max3A_21 : vector<2560x128xf32>
    %iota3A = tpu.iota {dimensions = array<i32: 0>} : vector<64x2500xi32>
    %broadcast_in_dim3A = arith.constant 0.000000e+00 : f32
    %broadcast_in_dim3A_23 = vector.broadcast %broadcast_in_dim3A : f32 to vector<64x32xf32>
    %get3A_24 = arith.constant 0 : index
    %get3A_25 = arith.constant 0 : index
    %get3A_26 = vector.load %arg4[%get3A_24, %get3A_25] : memref<4x2500xi32, #tpu.memory_space<vmem>>, vector<1x2500xi32>
    %eq3A = vector.broadcast %get3A_26 : vector<1x2500xi32> to vector<64x2500xi32>
    %eq3A_27 = arith.cmpi eq, %eq3A, %iota3A : vector<64x2500xi32>
    %jit3A = arith.constant 1.000000e+00 : f32
    %jit3A_28 = arith.constant 0.000000e+00 : f32
    %broadcast_in_dim3A_29 = vector.broadcast %jit3A : f32 to vector<64x2500xf32>
    %broadcast_in_dim3A_30 = vector.broadcast %jit3A_28 : f32 to vector<64x2500xf32>
    %select_n3A = arith.select %eq3A_27, %broadcast_in_dim3A_29, %broadcast_in_dim3A_30 : vector<64x2500xi1>, vector<64x2500xf32>
    %slice3A = vector.extract_strided_slice %max3A_22 {offsets = [0, 0], sizes = [2500, 32], strides = [1, 1]} : vector<2560x128xf32> to vector<2500x32xf32>
    %dot_general3A = arith.constant dense<0.000000e+00> : vector<64x32xf32>
    %dot_general3A_31 = tpu.matmul %select_n3A, %slice3A, %dot_general3A {dimension_numbers = #tpu.dot_dimension_numbers<[1], [0], [0], [1], [0, 0, 1, 1], [], []>, transpose_lhs_hint = false} : vector<64x2500xf32>, vector<2500x32xf32>, vector<64x32xf32> -> vector<64x32xf32>
    %add3A_32 = arith.addf %broadcast_in_dim3A_23, %dot_general3A_31 : vector<64x32xf32>
    %get3A_33 = arith.constant 1 : index
    %get3A_34 = arith.constant 0 : index
    %get3A_35 = vector.load %arg4[%get3A_33, %get3A_34] : memref<4x2500xi32, #tpu.memory_space<vmem>>, vector<1x2500xi32>
    %eq3A_36 = vector.broadcast %get3A_35 : vector<1x2500xi32> to vector<64x2500xi32>
    %eq3A_37 = arith.cmpi eq, %eq3A_36, %iota3A : vector<64x2500xi32>
    %jit3A_38 = arith.constant 1.000000e+00 : f32
    %jit3A_39 = arith.constant 0.000000e+00 : f32
    %broadcast_in_dim3A_40 = vector.broadcast %jit3A_38 : f32 to vector<64x2500xf32>
    %broadcast_in_dim3A_41 = vector.broadcast %jit3A_39 : f32 to vector<64x2500xf32>
    %select_n3A_42 = arith.select %eq3A_37, %broadcast_in_dim3A_40, %broadcast_in_dim3A_41 : vector<64x2500xi1>, vector<64x2500xf32>
    %slice3A_43 = vector.extract_strided_slice %max3A_22 {offsets = [0, 32], sizes = [2500, 32], strides = [1, 1]} : vector<2560x128xf32> to vector<2500x32xf32>
    %dot_general3A_44 = arith.constant dense<0.000000e+00> : vector<64x32xf32>
    %dot_general3A_45 = tpu.matmul %select_n3A_42, %slice3A_43, %dot_general3A_44 {dimension_numbers = #tpu.dot_dimension_numbers<[1], [0], [0], [1], [0, 0, 1, 1], [], []>, transpose_lhs_hint = false} : vector<64x2500xf32>, vector<2500x32xf32>, vector<64x32xf32> -> vector<64x32xf32>
    %add3A_46 = arith.addf %add3A_32, %dot_general3A_45 : vector<64x32xf32>
    %get3A_47 = arith.constant 2 : index
    %get3A_48 = arith.constant 0 : index
    %get3A_49 = vector.load %arg4[%get3A_47, %get3A_48] : memref<4x2500xi32, #tpu.memory_space<vmem>>, vector<1x2500xi32>
    %eq3A_50 = vector.broadcast %get3A_49 : vector<1x2500xi32> to vector<64x2500xi32>
    %eq3A_51 = arith.cmpi eq, %eq3A_50, %iota3A : vector<64x2500xi32>
    %jit3A_52 = arith.constant 1.000000e+00 : f32
    %jit3A_53 = arith.constant 0.000000e+00 : f32
    %broadcast_in_dim3A_54 = vector.broadcast %jit3A_52 : f32 to vector<64x2500xf32>
    %broadcast_in_dim3A_55 = vector.broadcast %jit3A_53 : f32 to vector<64x2500xf32>
    %select_n3A_56 = arith.select %eq3A_51, %broadcast_in_dim3A_54, %broadcast_in_dim3A_55 : vector<64x2500xi1>, vector<64x2500xf32>
    %slice3A_57 = vector.extract_strided_slice %max3A_22 {offsets = [0, 64], sizes = [2500, 32], strides = [1, 1]} : vector<2560x128xf32> to vector<2500x32xf32>
    %dot_general3A_58 = arith.constant dense<0.000000e+00> : vector<64x32xf32>
    %dot_general3A_59 = tpu.matmul %select_n3A_56, %slice3A_57, %dot_general3A_58 {dimension_numbers = #tpu.dot_dimension_numbers<[1], [0], [0], [1], [0, 0, 1, 1], [], []>, transpose_lhs_hint = false} : vector<64x2500xf32>, vector<2500x32xf32>, vector<64x32xf32> -> vector<64x32xf32>
    %add3A_60 = arith.addf %add3A_46, %dot_general3A_59 : vector<64x32xf32>
    %get3A_61 = arith.constant 3 : index
    %get3A_62 = arith.constant 0 : index
    %get3A_63 = vector.load %arg4[%get3A_61, %get3A_62] : memref<4x2500xi32, #tpu.memory_space<vmem>>, vector<1x2500xi32>
    %eq3A_64 = vector.broadcast %get3A_63 : vector<1x2500xi32> to vector<64x2500xi32>
    %eq3A_65 = arith.cmpi eq, %eq3A_64, %iota3A : vector<64x2500xi32>
    %jit3A_66 = arith.constant 1.000000e+00 : f32
    %jit3A_67 = arith.constant 0.000000e+00 : f32
    %broadcast_in_dim3A_68 = vector.broadcast %jit3A_66 : f32 to vector<64x2500xf32>
    %broadcast_in_dim3A_69 = vector.broadcast %jit3A_67 : f32 to vector<64x2500xf32>
    %select_n3A_70 = arith.select %eq3A_65, %broadcast_in_dim3A_68, %broadcast_in_dim3A_69 : vector<64x2500xi1>, vector<64x2500xf32>
    %slice3A_71 = vector.extract_strided_slice %max3A_22 {offsets = [0, 96], sizes = [2500, 32], strides = [1, 1]} : vector<2560x128xf32> to vector<2500x32xf32>
    %dot_general3A_72 = arith.constant dense<0.000000e+00> : vector<64x32xf32>
    %dot_general3A_73 = tpu.matmul %select_n3A_70, %slice3A_71, %dot_general3A_72 {dimension_numbers = #tpu.dot_dimension_numbers<[1], [0], [0], [1], [0, 0, 1, 1], [], []>, transpose_lhs_hint = false} : vector<64x2500xf32>, vector<2500x32xf32>, vector<64x32xf32> -> vector<64x32xf32>
    %add3A_74 = arith.addf %add3A_60, %dot_general3A_73 : vector<64x32xf32>
    %get3A_75 = arith.constant 0 : index
    %get3A_76 = arith.constant 0 : index
    %get3A_77 = vector.load %arg5[%get3A_75, %get3A_76] : memref<32x26xf32, #tpu.memory_space<vmem>>, vector<32x26xf32>
    %dot_general3A_78 = arith.constant dense<0.000000e+00> : vector<64x26xf32>
    %dot_general3A_79 = tpu.matmul %add3A_74, %get3A_77, %dot_general3A_78 {dimension_numbers = #tpu.dot_dimension_numbers<[1], [0], [0], [1], [0, 0, 1, 1], [], []>, transpose_lhs_hint = false} : vector<64x32xf32>, vector<32x26xf32>, vector<64x26xf32> -> vector<64x26xf32>
    %get3A_80 = arith.constant 0 : index
    %get3A_81 = arith.constant 0 : index
    %get3A_82 = vector.load %arg6[%get3A_80, %get3A_81] : memref<1x26xf32, #tpu.memory_space<vmem>>, vector<1x26xf32>
    %add3A_83 = vector.broadcast %get3A_82 : vector<1x26xf32> to vector<64x26xf32>
    %add3A_84 = arith.addf %dot_general3A_79, %add3A_83 : vector<64x26xf32>
    %max3A_85 = arith.constant 0.000000e+00 : f32
    %max3A_86 = vector.broadcast %max3A_85 : f32 to vector<64x26xf32>
    %max3A_87 = arith.maximumf %add3A_84, %max3A_86 : vector<64x26xf32>
    %get3A_88 = arith.constant 0 : index
    %get3A_89 = arith.constant 0 : index
    %get3A_90 = vector.load %arg7[%get3A_88, %get3A_89] : memref<26x1xf32, #tpu.memory_space<vmem>>, vector<26x1xf32>
    %dot_general3A_91 = arith.constant dense<0.000000e+00> : vector<64x1xf32>
    %dot_general3A_92 = tpu.matmul %max3A_87, %get3A_90, %dot_general3A_91 {dimension_numbers = #tpu.dot_dimension_numbers<[1], [0], [0], [1], [0, 0, 1, 1], [], []>, transpose_lhs_hint = false} : vector<64x26xf32>, vector<26x1xf32>, vector<64x1xf32> -> vector<64x1xf32>
    %get3A_93 = arith.constant 0 : index
    %get3A_94 = arith.constant 0 : index
    %get3A_95 = vector.load %arg8[%get3A_93, %get3A_94] : memref<1x1xf32, #tpu.memory_space<vmem>>, vector<1x1xf32>
    %add3A_96 = vector.broadcast %get3A_95 : vector<1x1xf32> to vector<64x1xf32>
    %add3A_97 = arith.addf %dot_general3A_92, %add3A_96 : vector<64x1xf32>
    %neg3A = arith.constant 0.000000e+00 : f32
    %neg3A_98 = vector.broadcast %neg3A : f32 to vector<64x1xf32>
    %neg3A_99 = arith.subf %neg3A_98, %add3A_97 : vector<64x1xf32>
    %exp3A = math.exp %neg3A_99 : vector<64x1xf32>
    %add3A_100 = arith.constant 1.000000e+00 : f32
    %add3A_101 = vector.broadcast %add3A_100 : f32 to vector<64x1xf32>
    %add3A_102 = arith.addf %add3A_101, %exp3A : vector<64x1xf32>
    %div3A = arith.constant 1.000000e+00 : f32
    %div3A_103 = vector.broadcast %div3A : f32 to vector<64x1xf32>
    %div3A_104 = arith.divf %div3A_103, %add3A_102 : vector<64x1xf32>
    %swap3A = arith.constant 0 : index
    %swap3A_105 = arith.constant 0 : index
    %swap3A_106 = vector.load %arg9[%swap3A, %swap3A_105] : memref<64x1xf32, #tpu.memory_space<vmem>>, vector<64x1xf32>
    tpu.vector_store %arg9[%swap3A, %swap3A_105], %div3A_104 {strides = array<i32>} : memref<64x1xf32, #tpu.memory_space<vmem>>, vector<64x1xf32>,
    return
  }
}

</mosaic_0001>

<sc_bundles>
// kernel: kernel.11.cloned.1.call-start
scs
__scs_entry_jumppad:
0x0: {  	(pc) =	sbr.rel $0x88, $3  }
0x1: {  	(tag) =	ssettag $0x0;
	lr =	simm.s32 $0x1  }
0x2: {  	[smem:$0x3F94] =	sst lr;
	_ =	strace $0xD0000000  }
0x3: {  	_ = 	snop  }
0x4: {  	_ = 	snop  }
0x5: {  	_ = 	snop  }
0x6: {  	_ = 	snop  }
0x7: {  	_ = 	snop  }
__scs_overlays_trampoline_lowered:
0x8: {  	[smem:$0x3FA3] =	sst s0  }
0x9: {  	[smem:$0x3FA4] =	sst s1  }
0xa: {  	[smem:$0x3FA5] =	sst s2  }
0xb: {  	[smem:$0x3FA6] =	sst s3  }
0xc: {  	[smem:$0x3FA7] =	sst s4  }
0xd: {  	[smem:$0x3FA8] =	sst s5  }
0xe: {  	[smem:$0x3FA9] =	sst s6  }
0xf: {  	[smem:$0x3FAA] =	sst s7  }
0x10: {  	[smem:$0x3FAB] =	sst s8  }
0x11: {  	[smem:$0x3FAC] =	sst s9;
	s0 =	simm.s32 @!p0 $0x0  }
0x12: {  	s1 =	sld [smem:$0x3F92];
	s0 =	simm.s32 @p0 $0x1  }
0x13: {  	[smem:$0x3FAD] =	sst s0;
	s0 =	simm.s32 @!p1 $0x0  }
0x14: {  	s2 =	sld [smem:$0x3F91];
	s0 =	simm.s32 @p1 $0x1  }
0x15: {  	[smem:$0x3FAE] =	sst s0;
	s0 =	simm.s32 @!p2 $0x0  }
0x16: {  	s3 =	sld [smem:$0x3FDB];
	s0 =	simm.s32 @p2 $0x1  }
0x17: {  	s4 =	simm.s32 $0x1BF5;
	[smem:$0x3FB0] =	sst s0  }
0x18: {  	s0 =	sld [smem:$0x3F93];
	_ =	swait.ge [sflag:s4], $0x0  }
0x19: {  	s7 =	sld [smem:$0x3F94]  }
0x1a: {  	s8 =	sadd.s32 $0xFFFFE003, lr  }
0x1b: {  	s9 =	sadd.s32 $0xFFFFFEF7, lr;
	s5 =	simm.s32 $0xFFFFFFFF;
	p2 =	slt.u32 s8, $0xFFFFF086  }
0x1c: {  	p1 =	slt.u32 s9, $0xF7A;
	s5 =	simm.s32 @!p2 $0x0  }
0x1d: {  	s5 =	simm.s32 @p1 $0x1;
	p0 =	seq.s32 s7, s2  }
0x1e: {  	s7 =	smul.u32 @!p0 $0xF7A, s2;
	p2 =	seq.s32 @!p0 s5, $0x0  }
0x1f: {  	s9 =	smul.u32 $0xF7A, s1;
	s8 =	simm.s32 @!p0 $0x1BF5;
	p2 =	por !p2, p0  }
0x20: {  	[sflag:s8] =	ssyncset.s32 @!p0 $0xFFFFF086;
	s6 =	sadd.s32 @!p0 s3, s7;
	s7 =	simm.s32 @!p0 $0x108  }
0x21: {  	s3 =	sadd.s32 s3, s9;
	s6 =	sadd.s32 @!p0 $0x88, s6;
	s7 =	simm.s32 @p2 $0x1082  }
0x22: {  	[simem:s7], [sflag:s8] =	dma.local @!p0 [hbm:s6], $0xF7A  }
0x23: {  	s9 =	sor.u32 $0xD0000000, s2;
	s6 =	simm.s32 $0x108;
	_ =	swait.ge @!p0 [sflag:s8], $0x0  }
0x24: {  	s3 =	sadd.s32 $0x88, s3;
	s6 =	simm.s32 @!p1 $0x1082;
	[sflag:s4] =	ssyncset.s32 $0xFFFFF086  }
0x25: {  	[simem:s6], [sflag:s4] =	dma.local [hbm:s3], $0xF7A  }
0x26: {  	[smem:$0x3F94] =	sst s1;
	(tag) =	ssettag s2;
	_ =	strace s9  }
0x27: {  	s1 =	sld [smem:$0x3FA4]  }
0x28: {  	s2 =	sld [smem:$0x3FA5]  }
0x29: {  	s4 =	sld [smem:$0x3FA7]  }
0x2a: {  	p0 =	seq.s32 s5, $0x0;
	s5 =	sld [smem:$0x3FA8]  }
0x2b: {  	s6 =	sld [smem:$0x3FA9]  }
0x2c: {  	s7 =	sld [smem:$0x3FAA]  }
0x2d: {  	s3 =	simm.s32 $0x108;
	s8 =	sld [smem:$0x3FAB]  }
0x2e: {  	s3 =	simm.s32 @!p0 $0x1082;
	s9 =	sld [smem:$0x3FAC]  }
0x2f: {  	lr =	sadd.s32 s0, s3;
	s0 =	sld [smem:$0x3FA3]  }
0x30: {  	s3 =	sld [smem:$0x3FA6]  }
0x31: {  	[smem:$0x3FAF] =	sst s10  }
0x32: {  	s10 =	sld [smem:$0x3FAD];
	_ =	sdelay $0x3  }
0x33: {  	p0 =	seq.s32 s10, $0x1;
	s10 =	sld [smem:$0x3FAF];
	_ =	sdelay $0x3  }
0x34: {  	[smem:$0x3FAF] =	sst s10  }
0x35: {  	s10 =	sld [smem:$0x3FAE];
	_ =	sdelay $0x3  }
0x36: {  	p1 =	seq.s32 s10, $0x1;
	s10 =	sld [smem:$0x3FAF];
	_ =	sdelay $0x3  }
0x37: {  	[smem:$0x3FAF] =	sst s10  }
0x38: {  	s10 =	sld [smem:$0x3FB0]  }
0x39: {  	_ = 	snop;
	(pc) =	sbr.ind lr, $3  }
0x3a: {  	_ = 	snop  }
0x3b: {  	_ = 	snop  }
0x3c: {  	p2 =	seq.s32 s10, $0x1;
	s10 =	sld [smem:$0x3FAF]  }
0x3d: {  	_ =	shalt  }
0x3e: {  	_ =	shalt  }
0x3f: {  	_ =	shalt  }
0x40: {  	_ =	shalt  }
0x41: {  	_ =	shalt  }
0x42: {  	_ =	shalt  }
0x43: {  	_ =	shalt  }
0x44: {  	_ =	shalt  }
0x45: {  	_ =	shalt  }
0x46: {  	_ =	shalt  }
0x47: {  	_ =	shalt  }
0x48: {  	_ =	shalt  }
0x49: {  	_ =	shalt  }
0x4a: {  	_ =	shalt  }
0x4b: {  	_ =	shalt  }
0x4c: {  	_ =	shalt  }
0x4d: {  	_ =	shalt  }
0x4e: {  	_ =	shalt  }
0x4f: {  	_ =	shalt  }
0x50: {  	_ =	shalt  }
0x51: {  	_ =	shalt  }
0x52: {  	_ =	shalt  }
0x53: {  	_ =	shalt  }
0x54: {  	_ =	shalt  }
0x55: {  	_ =	shalt  }
0x56: {  	_ =	shalt  }
0x57: {  	_ =	shalt  }
0x58: {  	_ =	shalt  }
0x59: {  	_ =	shalt  }
0x5a: {  	_ =	shalt  }
0x5b: {  	_ =	shalt  }
0x5c: {  	_ =	shalt  }
0x5d: {  	_ =	shalt  }
0x5e: {  	_ =	shalt  }
0x5f: {  	_ =	shalt  }
0x60: {  	_ =	shalt  }
0x61: {  	_ =	shalt  }
0x62: {  	_ =	shalt  }
0x63: {  	_ =	shalt  }
0x64: {  	_ =	shalt  }
0x65: {  	_ =	shalt  }
0x66: {  	_ =	shalt  }
0x67: {  	_ =	shalt  }
0x68: {  	_ =	shalt  }
0x69: {  	_ =	shalt  }
0x6a: {  	_ =	shalt  }
0x6b: {  	_ =	shalt  }
0x6c: {  	_ =	shalt  }
0x6d: {  	_ =	shalt  }
0x6e: {  	_ =	shalt  }
0x6f: {  	_ =	shalt  }
0x70: {  	_ =	shalt  }
0x71: {  	_ =	shalt  }
0x72: {  	_ =	shalt  }
0x73: {  	_ =	shalt  }
0x74: {  	_ =	shalt  }
0x75: {  	_ =	shalt  }
0x76: {  	_ =	shalt  }
0x77: {  	_ =	shalt  }
0x78: {  	_ =	shalt  }
0x79: {  	_ =	shalt  }
0x7a: {  	_ =	shalt  }
0x7b: {  	_ =	shalt  }
0x7c: {  	_ =	shalt  }
0x7d: {  	_ =	shalt  }
0x7e: {  	_ =	shalt  }
0x7f: {  	_ =	shalt  }
0x80: {  	_ =	shalt  }
0x81: {  	_ =	shalt  }
0x82: {  	_ =	shalt  }
0x83: {  	_ =	shalt  }
0x84: {  	_ =	shalt  }
0x85: {  	_ =	shalt  }
0x86: {  	_ =	shalt  }
0x87: {  	_ =	shalt  }
.Lfunc_end0:
.L_simem_size_0:
called_computation_lowered:
.L_overlay_start_0:
0x88: {  	s2 =	sld [smem:$0x3FD9]  }
0x89: {  	s3 =	sld [smem:$0x3FFE];
	_ =	sdelay $0x1  }
0x8a: {  	s1 =	srdreg.scid  }
0x8b: {  	s0 =	sand.u32 $0x1, s1  }
0x8c: {  	s16 =	sshll.u32 s0, $0xA;
	s2 =	sadd.s32 s3, s2  }
0x8d: {  	s2 =	sadd.s32 s2, s16  }
0x8e: {  	[smem:$0x3FBB] =	sst s2  }
0x8f: {  	_ = 	snop  }
0x90: {  	(tm) =	ssettm $0x1  }
0x91: {  	s17 =	sld [smem:$0x3FFB];
	_ =	sdelay $0x3  }
0x92: {  	_ =	strace s17  }
0x93: {  	s2 =	sld [smem:$0x3FFC];
	_ =	sdelay $0x3  }
0x94: {  	_ =	strace s2  }
0x95: {  	s2 =	sld [smem:$0x3FFD];
	_ =	sdelay $0x3  }
0x96: {  	_ =	strace s2  }
0x97: {  	_ =	strace $0x8FFFFFFF  }
0x98: {  	s18 =	sld [smem:$0x3FDB];
	_ =	sdelay $0x1  }
0x99: {  	s19 =	simm.s32 $_scs_section_size  }
0x9a: {  	s4 =	simm.s32 $_size__tile_overlayer_lowered;
	s5 =	simm.s32 $_tile_overlayer_lowered  }
0x9b: {  	s22 =	simm.s32 $0x1BFF;
	s21 =	sshll.u32 s5, $0x1;
	s2 =	sadd.s32 s19, s18  }
0x9c: {  	s6 =	simm.s32 $0x0;
	s20 =	sshll.u32 s4, $0x1;
	s4 =	sadd.s32 s21, s2  }
0x9d: {  	[timem:s6], [sflag:s22] =	dma.local [hbm:s4], s20  }
0x9e: {  	_ =	swait.ge [sflag:s22], s20  }
0x9f: {  	s3 =	ssub.s32 $0x0, s20;
	[sflag:s22] =	ssyncset.done $0x0  }
0xa0: {  	[sflag:s22] =	ssyncadd.s32 s3;
	_ =	sdelay $0x1  }
0xa1: {  	s23 =	simm.s32 $0x1B8B  }
0xa2: {  	_ =	swait.ge [sflag:s23], $0x1  }
0xa3: {  	[sflag:s23] =	ssyncset.done $0x0  }
0xa4: {  	s25 =	simm.s32 $0x1B8E;
	s24 =	sld [smem:$0x3FFE];
	[sflag:s23] =	ssyncadd.s32 $0xFFFFFFFF  }
0xa5: {  	s26 =	simm.s32 $execute0_lowered;
	[smem:$0x3FD2] =	sst s25  }
0xa6: {  	s4 =	sshll.u32 s26, $0x1;
	_ =	strace $0x80000046;
	[dreg:$0x1] =	wrdreg $0xFFFFFFFF  }
0xa7: {  	s28 =	simm.s32 $_size_execute0_lowered;
	s2 =	sadd.s32 s2, s4;
	[dreg:$0x0] =	wrdreg $0x0  }
0xa8: {  	s4 =	sshll.u32 s28, $0x1;
	[dreg:$0x2] =	wrdreg s2  }
0xa9: {  	[dreg:$0x3] =	wrdreg s4  }
0xaa: {  	[dreg:$0x4] =	wrdreg $0xC0  }
0xab: {  	_ =	task [dreg:s6], $0x5FFFF  }
0xac: {  	[dreg:$0x1] =	wrdreg $0xFFFFFFFF  }
0xad: {  	[dreg:$0x0] =	wrdreg $0x60  }
0xae: {  	[dreg:$0x2] =	wrdreg s24  }
0xaf: {  	[dreg:$0x3] =	wrdreg $0x0  }
0xb0: {  	[dreg:$0x4] =	wrdreg $0x9  }
0xb1: {  	_ =	task.clear_ibuf [dreg:s6], $0x5FFFF;
	_ =	strace $0x90000046  }
0xb2: {  	s29 =	simm.s32 $0x9;
	_ =	strace $0x80000048  }
0xb3: {  	_ =	swait.ge [sflag:s29], $0x1  }
0xb4: {  	[sflag:s29] =	ssyncadd.s32 $0xFFFFFFFF  }
0xb5: {  	_ =	strace $0x90000048  }
0xb6: {  	_ =	sfence  }
0xb7: {  	s30 =	sld [smem:$0x0];
	_ =	sdelay $0x2  }
0xb8: {  	s31 =	sshll.u32 s1, $0xD;
	s1 =	sshrl.u32 s1, $0x2  }
0xb9: {  	s3 =	sand.u32 $0x4000, s31;
	s1 =	sadd.s32 s1, s30  }
0xba: {  	s0 =	sor.u32 s3, s0;
	s1 =	sshll.u32 s1, $0x11  }
0xbb: {  	s0 =	sor.u32 s1, s0  }
0xbc: {  	s0 =	sadd.s32 $0x8F2B, s0  }
0xbd: {  	[sflag:s0] =	ssyncadd.remote.s32 $0x1  }
0xbe: {  	_ =	sfence.sel $0xFFFF  }
0xbf: {  	[dreg:$0x0] =	wrdreg $0xFFFFFFFF;
	(pc) =	sbr.abs _section_cstart, $3  }
0xc0: {  	[dreg:$0x1] =	wrdreg $0xFFFFFFFF  }
0xc1: {  	_ =	task.clear_ibuf [dreg:s6], $0x2FFFF;
	_ =	strace $0x9FFFFFFF  }
0xc2: {  	(tm) =	ssettm $0x7FFFFFFF  }
0xc3: {  	_ =	shalt  }
tec
execute0_lowered:
.L_overlay_start_1:
0x0: {  	(tag) =	ssettag $0x1  }
0x1: {  	s0 =	srdreg.scid;
	s6 =	rddreg [dreg:$0x0]  }
0x2: {  	s2 =	rddreg [dreg:$0x1];
	s3 =	simm.s32 $0x0;
	s13 =	simm.s32 $0x2800  }
0x3: {  	s14 =	simm.s32 $0x5000;
	s15 =	simm.s32 $0x80;
	s16 =	simm.s32 $0x1  }
0x4: {  	s17 =	simm.s32 $0x5800;
	s5 =	sand.u32 $0x1, s0;
	s0 =	stileid.u32  }
0x5: {  	s18 =	simm.s32 $0x8000;
	s19 =	simm.s32 $0x0;
	s7 =	smul.u32 $0x2800, s0  }
0x6: {  	[smem:$0x7FF] =	sst s3;
	s1 =	sshll.u32 s5, $0x4;
	s8 =	smul.u32 $0x50000, s5  }
0x7: {  	s9 =	smul.u32 $0x5000, s0;
	s5 =	ssub.s32 $0x2, s5;
	s1 =	sor.u32 s0, s1  }
0x8: {  	s31 =	sshll.u32 s0, $0x6;
	s30 =	sshrl.u32 s5, $0x1;
	s4 =	smul.u32 $0x500, s1  }
0x9: {  	s1 =	rddreg [dreg:$0x2];
	s11 =	sshrl.u32 s7, $0x3;
	s8 =	sadd.s32 s9, s8  }
0xa: {  	_ =	strace $0x80000047;
	s29 =	sadd.s32 s11, s6;
	s8 =	sshrl.u32 s8, $0x3  }
0xb: {  	s11 =	ssub.s32 s5, s30;
	s5 =	sadd.s32 s7, s2;
	s7 =	sor.u32 $0x1C02, s31  }
0xc: {  	s10 =	sadd.s32 s4, s6;
	s4 =	sadd.s32 $0xDC00, s6;
	s12 =	sadd.s32 s8, s6  }
0xd: {  	s6 =	sadd.s32 $0xDE00, s29;
	s8 =	sadd.s32 $0x3C00, s10;
	s9 =	sadd.s32 $0x12E00, s12  }
0xe: {  	s10 =	smax.u32 s11, $0x1;
	s11 =	sshrl.u32 s5, $0x3;
	s12 =	simm.s32 $0x2  }
.LBB2_1:
0xf: {  	[spmem:s11], [sflag:s7] =	dma.local [hbm:s6], $0x500  }
0x10: {  	_ =	swait.ge [sflag:s12], $0x500  }
0x11: {  	[sflag:s12] =	ssyncset.done $0x0  }
0x12: {  	[sflag:s12] =	ssyncadd.s32 $0xFFFFFB00  }
0x13: {  	[tilespmem:s13], [sflag:$0x2] =	stream.linear.gather [hbm4b:s8+s3], $0x2800, $0x38;
	[tilespmem:$0xD000] =	vst v63  }
0x14: {  	_ =	swait.ge [sflag:s12], $0x2800  }
0x15: {  	[sflag:s12] =	ssyncset.done $0x0  }
0x16: {  	[sflag:s12] =	ssyncadd.s32 $0xFFFFD800  }
0x17: {  	[tilespmem:s14], [sflag:$0x2] =	stream.linear.gather [hbm4b:s4+s3], $0x800, $0x38;
	[tilespmem:$0xD000] =	vst v63  }
0x18: {  	_ =	swait.ge [sflag:s12], $0x800  }
0x19: {  	[sflag:s12] =	ssyncset.done $0x0  }
0x1a: {  	[sflag:s12] =	ssyncadd.s32 $0xFFFFF800  }
0x1b: {  	s20 =	simm.s32 $0x0;
	[bflag:$0x0] =	sbarrier.arrive $0xFFFF  }
.LBB2_2:
0x1c: {  	p0 =	sne.s32 s20, $0x9E00  }
.Ltmp0:
0x1d: {  	_ = 	snop;
	(pc) =	sbr.rel @p0 .LBB2_2-.Ltmp0, $4  }
0x1e: {  	_ = 	snop  }
0x1f: {  	s21 =	sshra.s32 s20, $0x2  }
0x20: {  	s20 =	sadd.s32 $0x200, s20;
	s21 =	sadd.s32 $0x2800, s21  }
0x21: {  	[spmem:s2] =	stream.indirect.scatter.add.f32 [tilespmem:s14], [sflag:$0x1], $0x10, s21, s15, $0xb8;
	[tilespmem:$0xD000] =	vst v63  }
0x22: {  	_ =	swait.ge [sflag:s16], $0x800  }
0x23: {  	s20 =	simm.s32 $0x4F;
	[sflag:s16] =	ssyncset.done $0x0  }
.LBB2_4:
0x24: {  	p0 =	sne.s32 s20, $0x1;
	s20 =	sadd.s32 $0xFFFFFFFF, s20;
	[sflag:s16] =	ssyncadd.s32 $0xFFFFF800  }
.Ltmp1:
0x25: {  	(pc) =	sbr.rel @p0 .LBB2_4-.Ltmp1, $3  }
0x26: {  	_ =	sdelay $0x1  }
0x27: {  	_ =	swait.ge [sflag:s16], $0x800  }
0x28: {  	[sflag:s16] =	ssyncset.done $0x0  }
0x29: {  	[sflag:s16] =	ssyncadd.s32 $0xFFFFF800  }
0x2a: {  	[bflag:$0x0] =	sbarrier.arrive $0xFFFF  }
0x2b: {  	[tilespmem:s17], [sflag:$0x2] =	stream.linear.gather [spmem:s5], $0x2800, $0x38;
	[tilespmem:$0xD000] =	vst v63  }
0x2c: {  	_ =	swait.ge [sflag:s12], $0x2800  }
0x2d: {  	[sflag:s12] =	ssyncset.done $0x0  }
0x2e: {  	s20 =	simm.s32 $0x0;
	[sflag:s12] =	ssyncadd.s32 $0xFFFFD800  }
0x2f: {  	v0 =	vld [tilespmem:s20+$0x5800];
	_ =	sdelay $0x3  }
0x30: {  	s20 =	simm.s32 $0x8010  }
0x31: {  	[tilespmem:s20+$0xFFFFFFF0] =	vst v0  }
0x32: {  	s22 =	simm.s32 $0x10;
	s21 =	simm.s32 $0x80;
	[tilespmem:s20+$0x0] =	vst v0  }
.LBB2_6:
0x33: {  	p0 =	sne.s32 s21, $0x9FC0;
	v0 =	vld [tilespmem:s22+$0x5800];
	_ =	sdelay $0x1  }
.Ltmp2:
0x34: {  	(pc) =	sbr.rel @p0 .LBB2_6-.Ltmp2, $4  }
0x35: {  	_ = 	snop  }
0x36: {  	s20 =	sadd.s32 $0x20, s20  }
0x37: {  	[tilespmem:s20+$0xFFFFFFF0] =	vst v0  }
0x38: {  	s22 =	sshra.s32 s21, $0x2;
	s21 =	sadd.s32 $0x40, s21;
	[tilespmem:s20+$0x0] =	vst v0  }
0x39: {  	v0 =	vld [tilespmem:s22+$0x5800];
	_ =	sdelay $0x3  }
0x3a: {  	s20 =	sadd.s32 $0x20, s20;
	s19 =	sadd.s32 $0x1, s19  }
0x3b: {  	p0 =	sne.s32 s19, s10;
	[tilespmem:s20+$0xFFFFFFF0] =	vst v0  }
.Ltmp3:
0x3c: {  	[tilespmem:s20+$0x0] =	vst v0;
	(pc) =	sbr.rel @p0 .LBB2_1-.Ltmp3, $4  }
0x3d: {  	[hbm4b:s9+s3] =	stream.linear.scatter [tilespmem:s18], [sflag:$0x2], $0x5000, $0x38;
	[tilespmem:$0xD000] =	vst v63  }
0x3e: {  	_ =	swait.ge [sflag:s12], $0x5000  }
0x3f: {  	[sflag:s12] =	ssyncset.done $0x0  }
0x40: {  	[sflag:s12] =	ssyncadd.s32 $0xFFFFB000  }
0x41: {  	_ =	sfence.sel $0x180000  }
0x42: {  	[bflag:$0x0] =	sbarrier.arrive $0xFFFF  }
0x43: {  	p0 =	sne.s32 s0, $0x0;
	_ =	strace $0x90000047  }
0x44: {  	s0 =	sadd.s32 @!p0 $0x100000, s1;
	[bflag:$0x2] =	sbarrier.arrive $0xFFFF  }
0x45: {  	[sflag:s0] =	ssyncadd.tile.s32 @!p0 $0x1;
	_ =	shalt  }
.Lfunc_end2:
_tile_overlayer_lowered:
.L_overlay_start_2:
0x46: {  	(tag) =	ssettag $0x2  }
0x47: {  	s0 =	rddreg [dreg:$0x0];
	s2 =	stileid.u32  }
0x48: {  	s1 =	rddreg [dreg:$0x1];
	p0 =	sne.s32 s2, $0x0  }
0x49: {  	s3 =	rddreg [dreg:$0x2];
	[bflag:$0x3] =	sbarrier.arrive $0xFFFF;
	s2 =	simm.s32 @!p0 $0x1C02  }
0x4a: {  	[timem:s3], [sflag:s2] =	dma.local @!p0 [hbm:s0], s1  }
0x4b: {  	s0 =	simm.s32 @!p0 $0x2  }
0x4c: {  	_ =	swait.ge @!p0 [sflag:s0], s1  }
0x4d: {  	s1 =	ssub.s32 @!p0 $0x0, s1;
	[sflag:s0] =	ssyncset.done @!p0 $0x0  }
0x4e: {  	[sflag:s0] =	ssyncadd.s32 @!p0 s1  }
0x4f: {  	[bflag:$0x3] =	sbarrier.arrive $0xFFFF  }
0x50: {  	_ =	shalt  }

// kernel: kernel.14.cloned.1.call-start
scs
__scs_entry_jumppad:
0x0: {  	(pc) =	sbr.rel $0x88, $3  }
0x1: {  	(tag) =	ssettag $0x0;
	lr =	simm.s32 $0x1  }
0x2: {  	[smem:$0x3F94] =	sst lr;
	_ =	strace $0xD0000000  }
0x3: {  	_ = 	snop  }
0x4: {  	_ = 	snop  }
0x5: {  	_ = 	snop  }
0x6: {  	_ = 	snop  }
0x7: {  	_ = 	snop  }
__scs_overlays_trampoline_lowered:
0x8: {  	[smem:$0x3FA3] =	sst s0  }
0x9: {  	[smem:$0x3FA4] =	sst s1  }
0xa: {  	[smem:$0x3FA5] =	sst s2  }
0xb: {  	[smem:$0x3FA6] =	sst s3  }
0xc: {  	[smem:$0x3FA7] =	sst s4  }
0xd: {  	[smem:$0x3FA8] =	sst s5  }
0xe: {  	[smem:$0x3FA9] =	sst s6  }
0xf: {  	[smem:$0x3FAA] =	sst s7  }
0x10: {  	[smem:$0x3FAB] =	sst s8  }
0x11: {  	[smem:$0x3FAC] =	sst s9;
	s0 =	simm.s32 @!p0 $0x0  }
0x12: {  	s1 =	sld [smem:$0x3F92];
	s0 =	simm.s32 @p0 $0x1  }
0x13: {  	[smem:$0x3FAD] =	sst s0;
	s0 =	simm.s32 @!p1 $0x0  }
0x14: {  	s2 =	sld [smem:$0x3F91];
	s0 =	simm.s32 @p1 $0x1  }
0x15: {  	[smem:$0x3FAE] =	sst s0;
	s0 =	simm.s32 @!p2 $0x0  }
0x16: {  	s3 =	sld [smem:$0x3FDB];
	s0 =	simm.s32 @p2 $0x1  }
0x17: {  	s4 =	simm.s32 $0x1BF5;
	[smem:$0x3FB0] =	sst s0  }
0x18: {  	s0 =	sld [smem:$0x3F93];
	_ =	swait.ge [sflag:s4], $0x0  }
0x19: {  	s7 =	sld [smem:$0x3F94]  }
0x1a: {  	s8 =	sadd.s32 $0xFFFFE003, lr  }
0x1b: {  	s9 =	sadd.s32 $0xFFFFFEF7, lr;
	s5 =	simm.s32 $0xFFFFFFFF;
	p2 =	slt.u32 s8, $0xFFFFF086  }
0x1c: {  	p1 =	slt.u32 s9, $0xF7A;
	s5 =	simm.s32 @!p2 $0x0  }
0x1d: {  	s5 =	simm.s32 @p1 $0x1;
	p0 =	seq.s32 s7, s2  }
0x1e: {  	s7 =	smul.u32 @!p0 $0xF7A, s2;
	p2 =	seq.s32 @!p0 s5, $0x0  }
0x1f: {  	s9 =	smul.u32 $0xF7A, s1;
	s8 =	simm.s32 @!p0 $0x1BF5;
	p2 =	por !p2, p0  }
0x20: {  	[sflag:s8] =	ssyncset.s32 @!p0 $0xFFFFF086;
	s6 =	sadd.s32 @!p0 s3, s7;
	s7 =	simm.s32 @!p0 $0x108  }
0x21: {  	s3 =	sadd.s32 s3, s9;
	s6 =	sadd.s32 @!p0 $0x88, s6;
	s7 =	simm.s32 @p2 $0x1082  }
0x22: {  	[simem:s7], [sflag:s8] =	dma.local @!p0 [hbm:s6], $0xF7A  }
0x23: {  	s9 =	sor.u32 $0xD0000000, s2;
	s6 =	simm.s32 $0x108;
	_ =	swait.ge @!p0 [sflag:s8], $0x0  }
0x24: {  	s3 =	sadd.s32 $0x88, s3;
	s6 =	simm.s32 @!p1 $0x1082;
	[sflag:s4] =	ssyncset.s32 $0xFFFFF086  }
0x25: {  	[simem:s6], [sflag:s4] =	dma.local [hbm:s3], $0xF7A  }
0x26: {  	[smem:$0x3F94] =	sst s1;
	(tag) =	ssettag s2;
	_ =	strace s9  }
0x27: {  	s1 =	sld [smem:$0x3FA4]  }
0x28: {  	s2 =	sld [smem:$0x3FA5]  }
0x29: {  	s4 =	sld [smem:$0x3FA7]  }
0x2a: {  	p0 =	seq.s32 s5, $0x0;
	s5 =	sld [smem:$0x3FA8]  }
0x2b: {  	s6 =	sld [smem:$0x3FA9]  }
0x2c: {  	s7 =	sld [smem:$0x3FAA]  }
0x2d: {  	s3 =	simm.s32 $0x108;
	s8 =	sld [smem:$0x3FAB]  }
0x2e: {  	s3 =	simm.s32 @!p0 $0x1082;
	s9 =	sld [smem:$0x3FAC]  }
0x2f: {  	lr =	sadd.s32 s0, s3;
	s0 =	sld [smem:$0x3FA3]  }
0x30: {  	s3 =	sld [smem:$0x3FA6]  }
0x31: {  	[smem:$0x3FAF] =	sst s10  }
0x32: {  	s10 =	sld [smem:$0x3FAD];
	_ =	sdelay $0x3  }
0x33: {  	p0 =	seq.s32 s10, $0x1;
	s10 =	sld [smem:$0x3FAF];
	_ =	sdelay $0x3  }
0x34: {  	[smem:$0x3FAF] =	sst s10  }
0x35: {  	s10 =	sld [smem:$0x3FAE];
	_ =	sdelay $0x3  }
0x36: {  	p1 =	seq.s32 s10, $0x1;
	s10 =	sld [smem:$0x3FAF];
	_ =	sdelay $0x3  }
0x37: {  	[smem:$0x3FAF] =	sst s10  }
0x38: {  	s10 =	sld [smem:$0x3FB0]  }
0x39: {  	_ = 	snop;
	(pc) =	sbr.ind lr, $3  }
0x3a: {  	_ = 	snop  }
0x3b: {  	_ = 	snop  }
0x3c: {  	p2 =	seq.s32 s10, $0x1;
	s10 =	sld [smem:$0x3FAF]  }
0x3d: {  	_ =	shalt  }
0x3e: {  	_ =	shalt  }
0x3f: {  	_ =	shalt  }
0x40: {  	_ =	shalt  }
0x41: {  	_ =	shalt  }
0x42: {  	_ =	shalt  }
0x43: {  	_ =	shalt  }
0x44: {  	_ =	shalt  }
0x45: {  	_ =	shalt  }
0x46: {  	_ =	shalt  }
0x47: {  	_ =	shalt  }
0x48: {  	_ =	shalt  }
0x49: {  	_ =	shalt  }
0x4a: {  	_ =	shalt  }
0x4b: {  	_ =	shalt  }
0x4c: {  	_ =	shalt  }
0x4d: {  	_ =	shalt  }
0x4e: {  	_ =	shalt  }
0x4f: {  	_ =	shalt  }
0x50: {  	_ =	shalt  }
0x51: {  	_ =	shalt  }
0x52: {  	_ =	shalt  }
0x53: {  	_ =	shalt  }
0x54: {  	_ =	shalt  }
0x55: {  	_ =	shalt  }
0x56: {  	_ =	shalt  }
0x57: {  	_ =	shalt  }
0x58: {  	_ =	shalt  }
0x59: {  	_ =	shalt  }
0x5a: {  	_ =	shalt  }
0x5b: {  	_ =	shalt  }
0x5c: {  	_ =	shalt  }
0x5d: {  	_ =	shalt  }
0x5e: {  	_ =	shalt  }
0x5f: {  	_ =	shalt  }
0x60: {  	_ =	shalt  }
0x61: {  	_ =	shalt  }
0x62: {  	_ =	shalt  }
0x63: {  	_ =	shalt  }
0x64: {  	_ =	shalt  }
0x65: {  	_ =	shalt  }
0x66: {  	_ =	shalt  }
0x67: {  	_ =	shalt  }
0x68: {  	_ =	shalt  }
0x69: {  	_ =	shalt  }
0x6a: {  	_ =	shalt  }
0x6b: {  	_ =	shalt  }
0x6c: {  	_ =	shalt  }
0x6d: {  	_ =	shalt  }
0x6e: {  	_ =	shalt  }
0x6f: {  	_ =	shalt  }
0x70: {  	_ =	shalt  }
0x71: {  	_ =	shalt  }
0x72: {  	_ =	shalt  }
0x73: {  	_ =	shalt  }
0x74: {  	_ =	shalt  }
0x75: {  	_ =	shalt  }
0x76: {  	_ =	shalt  }
0x77: {  	_ =	shalt  }
0x78: {  	_ =	shalt  }
0x79: {  	_ =	shalt  }
0x7a: {  	_ =	shalt  }
0x7b: {  	_ =	shalt  }
0x7c: {  	_ =	shalt  }
0x7d: {  	_ =	shalt  }
0x7e: {  	_ =	shalt  }
0x7f: {  	_ =	shalt  }
0x80: {  	_ =	shalt  }
0x81: {  	_ =	shalt  }
0x82: {  	_ =	shalt  }
0x83: {  	_ =	shalt  }
0x84: {  	_ =	shalt  }
0x85: {  	_ =	shalt  }
0x86: {  	_ =	shalt  }
0x87: {  	_ =	shalt  }
.Lfunc_end0:
.L_simem_size_0:
called_computation.1_lowered:
.L_overlay_start_0:
0x88: {  	s2 =	sld [smem:$0x3FD9]  }
0x89: {  	s3 =	sld [smem:$0x3FFE];
	_ =	sdelay $0x1  }
0x8a: {  	s1 =	srdreg.scid  }
0x8b: {  	s0 =	sand.u32 $0x1, s1  }
0x8c: {  	s16 =	sshll.u32 s0, $0xA;
	s2 =	sadd.s32 s3, s2  }
0x8d: {  	s2 =	sadd.s32 s2, s16  }
0x8e: {  	[smem:$0x3FBB] =	sst s2  }
0x8f: {  	_ = 	snop  }
0x90: {  	(tm) =	ssettm $0x1  }
0x91: {  	s17 =	sld [smem:$0x3FFB];
	_ =	sdelay $0x3  }
0x92: {  	_ =	strace s17  }
0x93: {  	s2 =	sld [smem:$0x3FFC];
	_ =	sdelay $0x3  }
0x94: {  	_ =	strace s2  }
0x95: {  	s2 =	sld [smem:$0x3FFD];
	_ =	sdelay $0x3  }
0x96: {  	_ =	strace s2  }
0x97: {  	_ =	strace $0x8FFFFFFF  }
0x98: {  	s18 =	sld [smem:$0x3FDB];
	_ =	sdelay $0x1  }
0x99: {  	s19 =	simm.s32 $_scs_section_size  }
0x9a: {  	s4 =	simm.s32 $_size__tile_overlayer_lowered;
	s5 =	simm.s32 $_tile_overlayer_lowered  }
0x9b: {  	s22 =	simm.s32 $0x1BFF;
	s21 =	sshll.u32 s5, $0x1;
	s2 =	sadd.s32 s19, s18  }
0x9c: {  	s6 =	simm.s32 $0x0;
	s20 =	sshll.u32 s4, $0x1;
	s4 =	sadd.s32 s21, s2  }
0x9d: {  	[timem:s6], [sflag:s22] =	dma.local [hbm:s4], s20  }
0x9e: {  	_ =	swait.ge [sflag:s22], s20  }
0x9f: {  	s3 =	ssub.s32 $0x0, s20;
	[sflag:s22] =	ssyncset.done $0x0  }
0xa0: {  	[sflag:s22] =	ssyncadd.s32 s3;
	_ =	sdelay $0x1  }
0xa1: {  	s23 =	simm.s32 $0x1B8B  }
0xa2: {  	_ =	swait.ge [sflag:s23], $0x1  }
0xa3: {  	[sflag:s23] =	ssyncset.done $0x0  }
0xa4: {  	s25 =	simm.s32 $0x1B8E;
	s24 =	sld [smem:$0x3FFE];
	[sflag:s23] =	ssyncadd.s32 $0xFFFFFFFF  }
0xa5: {  	s26 =	simm.s32 $execute0_lowered;
	[smem:$0x3FD2] =	sst s25  }
0xa6: {  	s4 =	sshll.u32 s26, $0x1;
	_ =	strace $0x80000049;
	[dreg:$0x1] =	wrdreg $0xFFFFFFFF  }
0xa7: {  	s28 =	simm.s32 $_size_execute0_lowered;
	s2 =	sadd.s32 s2, s4;
	[dreg:$0x0] =	wrdreg $0x0  }
0xa8: {  	s4 =	sshll.u32 s28, $0x1;
	[dreg:$0x2] =	wrdreg s2  }
0xa9: {  	[dreg:$0x3] =	wrdreg s4  }
0xaa: {  	[dreg:$0x4] =	wrdreg $0xC0  }
0xab: {  	_ =	task [dreg:s6], $0x5FFFF  }
0xac: {  	[dreg:$0x1] =	wrdreg $0xFFFFFFFF  }
0xad: {  	[dreg:$0x0] =	wrdreg $0x60  }
0xae: {  	[dreg:$0x2] =	wrdreg s24  }
0xaf: {  	[dreg:$0x3] =	wrdreg $0x50000  }
0xb0: {  	[dreg:$0x4] =	wrdreg $0x0  }
0xb1: {  	[dreg:$0x5] =	wrdreg $0x9  }
0xb2: {  	_ =	task.clear_ibuf [dreg:s6], $0x6FFFF;
	_ =	strace $0x90000049  }
0xb3: {  	s29 =	simm.s32 $0x9;
	_ =	strace $0x8000004B  }
0xb4: {  	_ =	swait.ge [sflag:s29], $0x1  }
0xb5: {  	[sflag:s29] =	ssyncadd.s32 $0xFFFFFFFF  }
0xb6: {  	_ =	strace $0x9000004B  }
0xb7: {  	_ =	sfence  }
0xb8: {  	s30 =	sld [smem:$0x0];
	_ =	sdelay $0x2  }
0xb9: {  	s31 =	sshll.u32 s1, $0xD;
	s1 =	sshrl.u32 s1, $0x2  }
0xba: {  	s3 =	sand.u32 $0x4000, s31;
	s1 =	sadd.s32 s1, s30  }
0xbb: {  	s0 =	sor.u32 s3, s0;
	s1 =	sshll.u32 s1, $0x11  }
0xbc: {  	s0 =	sor.u32 s1, s0  }
0xbd: {  	s0 =	sadd.s32 $0x8F2B, s0  }
0xbe: {  	[sflag:s0] =	ssyncadd.remote.s32 $0x1  }
0xbf: {  	_ =	sfence.sel $0xFFFF  }
0xc0: {  	[dreg:$0x0] =	wrdreg $0xFFFFFFFF;
	(pc) =	sbr.abs _section_cstart, $3  }
0xc1: {  	[dreg:$0x1] =	wrdreg $0xFFFFFFFF  }
0xc2: {  	_ =	task.clear_ibuf [dreg:s6], $0x2FFFF;
	_ =	strace $0x9FFFFFFF  }
0xc3: {  	(tm) =	ssettm $0x7FFFFFFF  }
tec
execute0_lowered:
.L_overlay_start_1:
0x0: {  	(tag) =	ssettag $0x1  }
0x1: {  	s4 =	rddreg [dreg:$0x0]  }
0x2: {  	s0 =	srdreg.scid;
	s2 =	rddreg [dreg:$0x1]  }
0x3: {  	s9 =	stileid.u32;
	s3 =	rddreg [dreg:$0x2];
	s7 =	simm.s32 $0x0  }
0x4: {  	s17 =	simm.s32 $0x80;
	s18 =	simm.s32 $0xF000;
	s26 =	simm.s32 $0x14000  }
0x5: {  	s28 =	simm.s32 $0x2;
	s29 =	simm.s32 $0x15000;
	s30 =	simm.s32 $0x4  }
0x6: {  	s31 =	simm.s32 $0x16000;
	s16 =	simm.s32 $0x6;
	s0 =	sand.u32 $0x1, s0  }
0x7: {  	s5 =	smul.u32 $0x5000, s9;
	[smem:$0x7FF] =	sst s7;
	s21 =	sshll.u32 s9, $0x6  }
0x8: {  	s1 =	sshll.u32 s0, $0x4;
	s6 =	smul.u32 $0x50000, s0;
	_ =	strace $0x8000004A  }
0x9: {  	s0 =	ssub.s32 $0x2, s0;
	[dreg:$0x4] =	wrdreg s26;
	s26 =	simm.s32 $0x13000  }
0xa: {  	s1 =	sor.u32 s9, s1;
	s19 =	sshrl.u32 s5, $0x3;
	s20 =	sshrl.u32 s0, $0x1  }
0xb: {  	s8 =	sadd.s32 s5, s2;
	s1 =	smul.u32 $0x500, s1;
	s6 =	sadd.s32 s5, s6  }
0xc: {  	s7 =	sadd.s32 s19, s4;
	s0 =	ssub.s32 s0, s20;
	s5 =	sadd.s32 s5, s3  }
0xd: {  	s25 =	sshrl.u32 s8, $0x3;
	s8 =	simm.s32 $0x11;
	s20 =	simm.s32 $0x10000  }
0xe: {  	s19 =	simm.s32 $0xA;
	s22 =	sadd.s32 $0xDC00, s7;
	[dreg:$0xc] =	wrdreg s25  }
0xf: {  	s6 =	sshrl.u32 s6, $0x3;
	s7 =	sadd.s32 $0x17C00, s7;
	[dreg:$0x5] =	wrdreg s22  }
0x10: {  	s0 =	smax.u32 s0, $0x1;
	s9 =	sshrl.u32 s5, $0x3;
	[dreg:$0x7] =	wrdreg s7  }
0x11: {  	s25 =	simm.s32 $0x1;
	s1 =	sadd.s32 s1, s4;
	[dreg:$0xb] =	wrdreg s0  }
0x12: {  	s4 =	sadd.s32 s6, s4;
	s6 =	sor.u32 $0x1C11, s21;
	[dreg:$0xd] =	wrdreg s9  }
0x13: {  	s0 =	simm.s32 $0x9;
	s23 =	sadd.s32 $0x26E00, s1;
	[dreg:$0x6] =	wrdreg s6  }
0x14: {  	s21 =	simm.s32 $0x7;
	s1 =	sadd.s32 $0x3C00, s1;
	[dreg:$0x8] =	wrdreg s23  }
0x15: {  	s22 =	simm.s32 $0xB;
	s24 =	sadd.s32 $0x30E00, s4;
	[dreg:$0x9] =	wrdreg s1  }
0x16: {  	s7 =	simm.s32 $0x0;
	s4 =	simm.s32 $0xC;
	[dreg:$0xa] =	wrdreg s24  }
0x17: {  	s24 =	simm.s32 $0x12000;
	s1 =	simm.s32 $0x5;
	s23 =	simm.s32 $0x8  }
.LBB2_1:
0x18: {  	[dreg:$0xe] =	wrdreg s7  }
0x19: {  	s5 =	rddreg [dreg:$0x5]  }
0x1a: {  	s15 =	rddreg [dreg:$0xc]  }
0x1b: {  	[spmem:s15], [sflag:s6] =	dma.local [hbm:s5], $0xA00  }
0x1c: {  	_ =	swait.ge [sflag:s8], $0xA00  }
0x1d: {  	[sflag:s8] =	ssyncset.done $0x0  }
0x1e: {  	s10 =	rddreg [dreg:$0x7];
	[sflag:s8] =	ssyncadd.s32 $0xFFFFF600  }
0x1f: {  	[spmem:s9], [sflag:s6] =	dma.local [hbm:s10], $0xA00  }
0x20: {  	_ =	swait.ge [sflag:s8], $0xA00  }
0x21: {  	s11 =	simm.s32 $0x0;
	[sflag:s8] =	ssyncset.done $0x0  }
0x22: {  	s13 =	simm.s32 $0xA000;
	s12 =	rddreg [dreg:$0x8];
	[sflag:s8] =	ssyncadd.s32 $0xFFFFF600  }
0x23: {  	[tilespmem:s13], [sflag:$0x11] =	stream.linear.gather [hbm4b:s12+s11], $0x2800, $0x38;
	[tilespmem:$0x17000] =	vst v63  }
0x24: {  	_ =	swait.ge [sflag:s8], $0x2800  }
0x25: {  	[sflag:s8] =	ssyncset.done $0x0  }
0x26: {  	s15 =	simm.s32 $0xC800;
	s14 =	rddreg [dreg:$0x9];
	[sflag:s8] =	ssyncadd.s32 $0xFFFFD800  }
0x27: {  	[tilespmem:s15], [sflag:$0x11] =	stream.linear.gather [hbm4b:s14+s11], $0x2800, $0x38;
	[tilespmem:$0x17000] =	vst v63  }
0x28: {  	_ =	swait.ge [sflag:s8], $0x2800  }
0x29: {  	[sflag:s8] =	ssyncset.done $0x0  }
0x2a: {  	[sflag:s8] =	ssyncadd.s32 $0xFFFFD800  }
0x2b: {  	[bflag:$0x0] =	sbarrier.arrive $0xFFFF  }
0x2c: {  	[tilespmem:s18], [sflag:$0x1] =	stream.indirect.gather [spmem:s2], $0x20, s13, s17, $0xb8;
	[tilespmem:$0x17000] =	vst v63  }
0x2d: {  	s10 =	simm.s32 $0xA080  }
0x2e: {  	[tilespmem:s20], [sflag:$0x2] =	stream.indirect.gather [spmem:s2], $0x20, s10, s17, $0xb8;
	[tilespmem:$0x17000] =	vst v63  }
0x2f: {  	s12 =	simm.s32 $0x11000;
	s11 =	simm.s32 $0xA100  }
0x30: {  	[tilespmem:s12], [sflag:$0x3] =	stream.indirect.gather [spmem:s2], $0x20, s11, s17, $0xb8;
	[tilespmem:$0x17000] =	vst v63  }
0x31: {  	s13 =	simm.s32 $0xA180  }
0x32: {  	[tilespmem:s24], [sflag:$0x4] =	stream.indirect.gather [spmem:s2], $0x20, s13, s17, $0xb8;
	[tilespmem:$0x17000] =	vst v63  }
0x33: {  	_ =	swait.ge [sflag:s25], $0x1000  }
0x34: {  	p0 =	por $0x1, $0x1;
	[sflag:s25] =	ssyncset.done $0x0  }
0x35: {  	s7 =	simm.s32 @!p0 $0xD;
	s14 =	simm.s32 $0xC800;
	[sflag:s25] =	ssyncadd.s32 $0xFFFFF000  }
0x36: {  	[spmem:s3] =	stream.indirect.scatter.add.f32 [tilespmem:s18], [sflag:$0x9], $0x20, s14, s17, $0xb8;
	[tilespmem:$0x17000] =	vst v63  }
0x37: {  	_ =	swait.ge @!p0 [sflag:s7], $0x1000  }
0x38: {  	[sflag:s7] =	ssyncset.done @!p0 $0x0  }
0x39: {  	s15 =	simm.s32 $0xA200;
	[sflag:s7] =	ssyncadd.s32 @!p0 $0xFFFFF000  }
0x3a: {  	[tilespmem:s26], [sflag:$0x5] =	stream.indirect.gather [spmem:s2], $0x20, s15, s17, $0xb8;
	[tilespmem:$0x17000] =	vst v63  }
0x3b: {  	_ =	swait.ge [sflag:s28], $0x1000  }
0x3c: {  	[sflag:s28] =	ssyncset.done $0x0  }
0x3d: {  	s5 =	simm.s32 @p0 $0xA280;
	s6 =	simm.s32 $0xC880;
	[sflag:s28] =	ssyncadd.s32 $0xFFFFF000  }
0x3e: {  	[spmem:s3] =	stream.indirect.scatter.add.f32 [tilespmem:s20], [sflag:$0xA], $0x20, s6, s17, $0xb8;
	[tilespmem:$0x17000] =	vst v63  }
0x3f: {  	s8 =	simm.s32 @p0 $0x14000;
	s10 =	simm.s32 @p0 $0x3;
	s7 =	simm.s32 @p0 $0x80  }
0x40: {  	[tilespmem:s8], [sflag:$0x6] =	stream.indirect.gather @p0 [spmem:s2], $0x20, s5, s7, $0xb8;
	[tilespmem:$0x17000] =	vst v63  }
0x41: {  	_ =	swait.ge @p0 [sflag:s10], $0x1000  }
0x42: {  	s5 =	simm.s32 @p0 $0xC900;
	[sflag:s10] =	ssyncset.done @p0 $0x0  }
0x43: {  	s8 =	simm.s32 @p0 $0x11000;
	[sflag:s10] =	ssyncadd.s32 @p0 $0xFFFFF000;
	s10 =	simm.s32 @!p0 $0xE  }
0x44: {  	[spmem:s3] =	stream.indirect.scatter.add.f32 @p0 [tilespmem:s8], [sflag:$0xB], $0x20, s5, s7, $0xb8;
	[tilespmem:$0x17000] =	vst v63  }
0x45: {  	_ =	swait.ge @!p0 [sflag:s10], $0x1000  }
0x46: {  	s5 =	simm.s32 @!p0 $0xA280;
	s7 =	simm.s32 @!p0 $0x80;
	[sflag:s10] =	ssyncset.done @!p0 $0x0  }
0x47: {  	s8 =	simm.s32 @!p0 $0x14000;
	[sflag:s10] =	ssyncadd.s32 @!p0 $0xFFFFF000;
	s10 =	simm.s32 @!p0 $0x3  }
0x48: {  	[tilespmem:s8], [sflag:$0x6] =	stream.indirect.gather @!p0 [spmem:s2], $0x20, s5, s7, $0xb8;
	[tilespmem:$0x17000] =	vst v63  }
0x49: {  	_ =	swait.ge @!p0 [sflag:s10], $0x1000  }
0x4a: {  	s5 =	simm.s32 @!p0 $0xC900;
	[sflag:s10] =	ssyncset.done @!p0 $0x0  }
0x4b: {  	s8 =	simm.s32 @!p0 $0x11000;
	[sflag:s10] =	ssyncadd.s32 @!p0 $0xFFFFF000;
	s10 =	simm.s32 @!p0 $0xF  }
0x4c: {  	[spmem:s3] =	stream.indirect.scatter.add.f32 @!p0 [tilespmem:s8], [sflag:$0xB], $0x20, s5, s7, $0xb8;
	[tilespmem:$0x17000] =	vst v63  }
0x4d: {  	_ =	swait.ge @!p0 [sflag:s10], $0x1000  }
0x4e: {  	[sflag:s10] =	ssyncset.done @!p0 $0x0  }
0x4f: {  	s8 =	simm.s32 $0xA300;
	[sflag:s10] =	ssyncadd.s32 @!p0 $0xFFFFF000  }
0x50: {  	[tilespmem:s29], [sflag:$0x7] =	stream.indirect.gather [spmem:s2], $0x20, s8, s17, $0xb8;
	[tilespmem:$0x17000] =	vst v63  }
0x51: {  	_ =	swait.ge [sflag:s30], $0x1000  }
0x52: {  	[sflag:s30] =	ssyncset.done $0x0  }
0x53: {  	s9 =	simm.s32 $0xC980;
	s7 =	simm.s32 @!p0 $0x10;
	[sflag:s30] =	ssyncadd.s32 $0xFFFFF000  }
0x54: {  	[spmem:s3] =	stream.indirect.scatter.add.f32 [tilespmem:s24], [sflag:$0xC], $0x20, s9, s17, $0xb8;
	[tilespmem:$0x17000] =	vst v63  }
0x55: {  	_ =	swait.ge @!p0 [sflag:s7], $0x1000  }
0x56: {  	[sflag:s7] =	ssyncset.done @!p0 $0x0  }
0x57: {  	s10 =	simm.s32 $0xA380;
	[sflag:s7] =	ssyncadd.s32 @!p0 $0xFFFFF000  }
0x58: {  	[tilespmem:s31], [sflag:$0x8] =	stream.indirect.gather [spmem:s2], $0x20, s10, s17, $0xb8;
	[tilespmem:$0x17000] =	vst v63  }
0x59: {  	_ =	swait.ge [sflag:s1], $0x1000  }
0x5a: {  	[sflag:s1] =	ssyncset.done $0x0  }
0x5b: {  	s11 =	simm.s32 $0xCA00;
	[sflag:s1] =	ssyncadd.s32 $0xFFFFF000  }
0x5c: {  	[spmem:s3] =	stream.indirect.scatter.add.f32 [tilespmem:s26], [sflag:$0xD], $0x20, s11, s17, $0xb8;
	[tilespmem:$0x17000] =	vst v63  }
0x5d: {  	p0 =	por $0x0, $0x0;
	_ =	swait.ge [sflag:s0], $0x1000  }
0x5e: {  	s5 =	simm.s32 @!p0 $0xF000;
	[sflag:s0] =	ssyncset.done $0x0  }
0x5f: {  	s7 =	simm.s32 @!p0 $0xA400;
	s8 =	simm.s32 @!p0 $0x80;
	[sflag:s0] =	ssyncadd.s32 $0xFFFFF000  }
0x60: {  	[tilespmem:s5], [sflag:$0x1] =	stream.indirect.gather @!p0 [spmem:s2], $0x20, s7, s8, $0xb8;
	[tilespmem:$0x17000] =	vst v63  }
0x61: {  	_ =	swait.ge [sflag:s16], $0x1000  }
0x62: {  	[sflag:s16] =	ssyncset.done $0x0  }
0x63: {  	s13 =	simm.s32 $0xCA80;
	s12 =	rddreg [dreg:$0x4];
	[sflag:s16] =	ssyncadd.s32 $0xFFFFF000  }
0x64: {  	[spmem:s3] =	stream.indirect.scatter.add.f32 [tilespmem:s12], [sflag:$0xE], $0x20, s13, s17, $0xb8;
	[tilespmem:$0x17000] =	vst v63  }
0x65: {  	p0 =	por $0x0, $0x0;
	_ =	swait.ge [sflag:s19], $0x1000  }
0x66: {  	s5 =	simm.s32 @!p0 $0x10000;
	[sflag:s19] =	ssyncset.done $0x0  }
0x67: {  	s7 =	simm.s32 @!p0 $0xA480;
	s8 =	simm.s32 @!p0 $0x80;
	[sflag:s19] =	ssyncadd.s32 $0xFFFFF000  }
0x68: {  	[tilespmem:s5], [sflag:$0x2] =	stream.indirect.gather @!p0 [spmem:s2], $0x20, s7, s8, $0xb8;
	[tilespmem:$0x17000] =	vst v63  }
0x69: {  	_ =	swait.ge [sflag:s21], $0x1000  }
0x6a: {  	[sflag:s21] =	ssyncset.done $0x0  }
0x6b: {  	s14 =	simm.s32 $0xCB00;
	[sflag:s21] =	ssyncadd.s32 $0xFFFFF000  }
0x6c: {  	[spmem:s3] =	stream.indirect.scatter.add.f32 [tilespmem:s29], [sflag:$0xF], $0x20, s14, s17, $0xb8;
	[tilespmem:$0x17000] =	vst v63  }
0x6d: {  	p0 =	por $0x0, $0x0;
	_ =	swait.ge [sflag:s22], $0x1000  }
0x6e: {  	s5 =	simm.s32 @!p0 $0x11000;
	[sflag:s22] =	ssyncset.done $0x0  }
0x6f: {  	s7 =	simm.s32 @!p0 $0xA500;
	s8 =	simm.s32 @!p0 $0x80;
	[sflag:s22] =	ssyncadd.s32 $0xFFFFF000  }
0x70: {  	[tilespmem:s5], [sflag:$0x3] =	stream.indirect.gather @!p0 [spmem:s2], $0x20, s7, s8, $0xb8;
	[tilespmem:$0x17000] =	vst v63  }
0x71: {  	_ =	swait.ge [sflag:s23], $0x1000  }
0x72: {  	p1 =	por $0x0, $0x0;
	[sflag:s23] =	ssyncset.done $0x0  }
0x73: {  	s15 =	simm.s32 $0xCB80;
	s10 =	simm.s32 $0x1000;
	[sflag:s23] =	ssyncadd.s32 $0xFFFFF000  }
0x74: {  	[spmem:s3] =	stream.indirect.scatter.add.f32 [tilespmem:s31], [sflag:$0x10], $0x20, s15, s17, $0xb8;
	[tilespmem:$0x17000] =	vst v63  }
0x75: {  	s11 =	simm.s32 $0x7;
	s5 =	simm.s32 @!p1 $0x12000;
	_ =	swait.ge [sflag:s4], $0x1000  }
0x76: {  	s7 =	simm.s32 @!p1 $0xA580;
	s8 =	simm.s32 @!p1 $0x80;
	[sflag:s4] =	ssyncset.done $0x0  }
.LBB2_2:
0x77: {  	[sflag:s4] =	ssyncadd.s32 $0xFFFFF000  }
0x78: {  	[tilespmem:s5], [sflag:$0x4] =	stream.indirect.gather @!p1 [spmem:s2], $0x20, s7, s8, $0xb8;
	[tilespmem:$0x17000] =	vst v63  }
0x79: {  	s12 =	smov.u32 s10;
	_ =	swait.ge [sflag:s25], $0x1000  }
0x7a: {  	s5 =	sshra.s32 s12, $0x2;
	p1 =	seq.s32 s12, $0x0;
	[sflag:s25] =	ssyncset.done $0x0  }
0x7b: {  	s6 =	sadd.s32 $0xC800, s5;
	s8 =	simm.s32 @!p1 $0xD;
	[sflag:s25] =	ssyncadd.s32 $0xFFFFF000  }
0x7c: {  	[spmem:s3] =	stream.indirect.scatter.add.f32 [tilespmem:s18], [sflag:$0x9], $0x20, s6, s17, $0xb8;
	[tilespmem:$0x17000] =	vst v63  }
0x7d: {  	_ =	swait.ge @!p1 [sflag:s8], $0x1000  }
0x7e: {  	[sflag:s8] =	ssyncset.done @!p1 $0x0  }
0x7f: {  	s14 =	sadd.s32 $0xA200, s5;
	[sflag:s8] =	ssyncadd.s32 @!p1 $0xFFFFF000  }
0x80: {  	[tilespmem:s26], [sflag:$0x5] =	stream.indirect.gather [spmem:s2], $0x20, s14, s17, $0xb8;
	[tilespmem:$0x17000] =	vst v63  }
0x81: {  	_ =	swait.ge [sflag:s28], $0x1000  }
0x82: {  	s15 =	sshra.s32 @p1 s12, $0x2;
	[sflag:s28] =	ssyncset.done $0x0  }
0x83: {  	s13 =	simm.s32 @p1 $0x80;
	s14 =	sadd.s32 $0xC880, s5;
	[sflag:s28] =	ssyncadd.s32 $0xFFFFF000  }
0x84: {  	[spmem:s3] =	stream.indirect.scatter.add.f32 [tilespmem:s20], [sflag:$0xA], $0x20, s14, s17, $0xb8;
	[tilespmem:$0x17000] =	vst v63  }
0x85: {  	s9 =	simm.s32 @p1 $0x14000;
	s7 =	sadd.s32 @p1 $0xA280, s15;
	s14 =	simm.s32 @p1 $0x3  }
0x86: {  	[tilespmem:s9], [sflag:$0x6] =	stream.indirect.gather @p1 [spmem:s2], $0x20, s7, s13, $0xb8;
	[tilespmem:$0x17000] =	vst v63  }
0x87: {  	_ =	swait.ge @p1 [sflag:s14], $0x1000  }
0x88: {  	s15 =	sadd.s32 @p1 $0xC900, s15;
	[sflag:s14] =	ssyncset.done @p1 $0x0  }
0x89: {  	s7 =	simm.s32 @p1 $0x11000;
	s9 =	simm.s32 @!p1 $0xE;
	[sflag:s14] =	ssyncadd.s32 @p1 $0xFFFFF000  }
0x8a: {  	[spmem:s3] =	stream.indirect.scatter.add.f32 @p1 [tilespmem:s7], [sflag:$0xB], $0x20, s15, s13, $0xb8;
	[tilespmem:$0x17000] =	vst v63  }
0x8b: {  	s6 =	sshra.s32 @!p1 s12, $0x2;
	_ =	swait.ge @!p1 [sflag:s9], $0x1000  }
0x8c: {  	s8 =	sadd.s32 @!p1 $0xA280, s6;
	s7 =	simm.s32 @!p1 $0x80;
	[sflag:s9] =	ssyncset.done @!p1 $0x0  }
0x8d: {  	s13 =	simm.s32 @!p1 $0x14000;
	[sflag:s9] =	ssyncadd.s32 @!p1 $0xFFFFF000;
	s9 =	simm.s32 @!p1 $0x3  }
0x8e: {  	[tilespmem:s13], [sflag:$0x6] =	stream.indirect.gather @!p1 [spmem:s2], $0x20, s8, s7, $0xb8;
	[tilespmem:$0x17000] =	vst v63  }
0x8f: {  	_ =	swait.ge @!p1 [sflag:s9], $0x1000  }
0x90: {  	s6 =	sadd.s32 @!p1 $0xC900, s6;
	[sflag:s9] =	ssyncset.done @!p1 $0x0  }
0x91: {  	s8 =	simm.s32 @!p1 $0x11000;
	[sflag:s9] =	ssyncadd.s32 @!p1 $0xFFFFF000;
	s9 =	simm.s32 @!p1 $0xF  }
0x92: {  	[spmem:s3] =	stream.indirect.scatter.add.f32 @!p1 [tilespmem:s8], [sflag:$0xB], $0x20, s6, s7, $0xb8;
	[tilespmem:$0x17000] =	vst v63  }
0x93: {  	_ =	swait.ge @!p1 [sflag:s9], $0x1000  }
0x94: {  	[sflag:s9] =	ssyncset.done @!p1 $0x0  }
0x95: {  	s8 =	sadd.s32 $0xA300, s5;
	[sflag:s9] =	ssyncadd.s32 @!p1 $0xFFFFF000  }
0x96: {  	[tilespmem:s29], [sflag:$0x7] =	stream.indirect.gather [spmem:s2], $0x20, s8, s17, $0xb8;
	[tilespmem:$0x17000] =	vst v63  }
0x97: {  	_ =	swait.ge [sflag:s30], $0x1000  }
0x98: {  	[sflag:s30] =	ssyncset.done $0x0  }
0x99: {  	s7 =	simm.s32 @!p1 $0x10;
	s9 =	sadd.s32 $0xC980, s5;
	[sflag:s30] =	ssyncadd.s32 $0xFFFFF000  }
0x9a: {  	[spmem:s3] =	stream.indirect.scatter.add.f32 [tilespmem:s24], [sflag:$0xC], $0x20, s9, s17, $0xb8;
	[tilespmem:$0x17000] =	vst v63  }
0x9b: {  	_ =	swait.ge @!p1 [sflag:s7], $0x1000  }
0x9c: {  	[sflag:s7] =	ssyncset.done @!p1 $0x0  }
0x9d: {  	s13 =	sadd.s32 $0xA380, s5;
	[sflag:s7] =	ssyncadd.s32 @!p1 $0xFFFFF000  }
0x9e: {  	[tilespmem:s31], [sflag:$0x8] =	stream.indirect.gather [spmem:s2], $0x20, s13, s17, $0xb8;
	[tilespmem:$0x17000] =	vst v63  }
0x9f: {  	_ =	swait.ge [sflag:s1], $0x1000  }
0xa0: {  	s11 =	sadd.s32 $0x8, s11;
	[sflag:s1] =	ssyncset.done $0x0  }
0xa1: {  	s14 =	sadd.s32 $0xCA00, s5;
	s15 =	sadd.s32 $0xFFFFFFFD, s11;
	[sflag:s1] =	ssyncadd.s32 $0xFFFFF000  }
0xa2: {  	[spmem:s3] =	stream.indirect.scatter.add.f32 [tilespmem:s26], [sflag:$0xD], $0x20, s14, s17, $0xb8;
	[tilespmem:$0x17000] =	vst v63  }
0xa3: {  	p1 =	sgt.u32 s15, $0x4B;
	_ =	swait.ge [sflag:s0], $0x1000  }
0xa4: {  	s6 =	sshra.s32 @!p1 s12, $0x2;
	s7 =	simm.s32 @!p1 $0xF000;
	[sflag:s0] =	ssyncset.done $0x0  }
0xa5: {  	s8 =	simm.s32 @!p1 $0x80;
	s6 =	sadd.s32 @!p1 $0xA400, s6;
	[sflag:s0] =	ssyncadd.s32 $0xFFFFF000  }
0xa6: {  	[tilespmem:s7], [sflag:$0x1] =	stream.indirect.gather @!p1 [spmem:s2], $0x20, s6, s8, $0xb8;
	[tilespmem:$0x17000] =	vst v63  }
0xa7: {  	_ =	swait.ge [sflag:s16], $0x1000  }
0xa8: {  	s9 =	sadd.s32 $0xCA80, s5;
	[sflag:s16] =	ssyncset.done $0x0  }
0xa9: {  	s13 =	sadd.s32 $0xFFFFFFFE, s11;
	s8 =	rddreg [dreg:$0x4];
	[sflag:s16] =	ssyncadd.s32 $0xFFFFF000  }
0xaa: {  	[spmem:s3] =	stream.indirect.scatter.add.f32 [tilespmem:s8], [sflag:$0xE], $0x20, s9, s17, $0xb8;
	[tilespmem:$0x17000] =	vst v63  }
0xab: {  	p1 =	sgt.u32 s13, $0x4B;
	_ =	swait.ge [sflag:s19], $0x1000  }
0xac: {  	s6 =	sshra.s32 @!p1 s12, $0x2;
	s7 =	simm.s32 @!p1 $0x10000;
	[sflag:s19] =	ssyncset.done $0x0  }
0xad: {  	s6 =	sadd.s32 @!p1 $0xA480, s6;
	s8 =	simm.s32 @!p1 $0x80;
	[sflag:s19] =	ssyncadd.s32 $0xFFFFF000  }
0xae: {  	[tilespmem:s7], [sflag:$0x2] =	stream.indirect.gather @!p1 [spmem:s2], $0x20, s6, s8, $0xb8;
	[tilespmem:$0x17000] =	vst v63  }
0xaf: {  	_ =	swait.ge [sflag:s21], $0x1000  }
0xb0: {  	[sflag:s21] =	ssyncset.done $0x0  }
0xb1: {  	s15 =	sadd.s32 $0xFFFFFFFF, s11;
	s14 =	sadd.s32 $0xCB00, s5;
	[sflag:s21] =	ssyncadd.s32 $0xFFFFF000  }
0xb2: {  	[spmem:s3] =	stream.indirect.scatter.add.f32 [tilespmem:s29], [sflag:$0xF], $0x20, s14, s17, $0xb8;
	[tilespmem:$0x17000] =	vst v63  }
0xb3: {  	s10 =	sadd.s32 $0x1000, s10;
	p1 =	sgt.u32 s15, $0x4B;
	_ =	swait.ge [sflag:s22], $0x1000  }
0xb4: {  	s6 =	sshra.s32 @!p1 s12, $0x2;
	s7 =	simm.s32 @!p1 $0x11000;
	[sflag:s22] =	ssyncset.done $0x0  }
0xb5: {  	s8 =	simm.s32 @!p1 $0x80;
	s6 =	sadd.s32 @!p1 $0xA500, s6;
	[sflag:s22] =	ssyncadd.s32 $0xFFFFF000  }
0xb6: {  	[tilespmem:s7], [sflag:$0x3] =	stream.indirect.gather @!p1 [spmem:s2], $0x20, s6, s8, $0xb8;
	[tilespmem:$0x17000] =	vst v63  }
0xb7: {  	p0 =	sne.s32 s10, $0xA000;
	_ =	swait.ge [sflag:s23], $0x1000  }
.Ltmp0:
0xb8: {  	[sflag:s23] =	ssyncset.done $0x0;
	(pc) =	sbr.rel @p0 .LBB2_2-.Ltmp0, $4  }
0xb9: {  	s5 =	sadd.s32 $0xCB80, s5;
	p1 =	sgt.u32 s11, $0x4B;
	[sflag:s23] =	ssyncadd.s32 $0xFFFFF000  }
0xba: {  	[spmem:s3] =	stream.indirect.scatter.add.f32 [tilespmem:s31], [sflag:$0x10], $0x20, s5, s17, $0xb8;
	[tilespmem:$0x17000] =	vst v63  }
0xbb: {  	s6 =	sshra.s32 @!p1 s12, $0x2;
	s8 =	simm.s32 @!p1 $0x80;
	_ =	swait.ge [sflag:s4], $0x1000  }
0xbc: {  	s7 =	sadd.s32 @!p1 $0xA580, s6;
	s5 =	simm.s32 @!p1 $0x12000;
	[sflag:s4] =	ssyncset.done $0x0  }
0xbd: {  	[sflag:s4] =	ssyncadd.s32 $0xFFFFF000;
	s9 =	simm.s32 $0xD  }
0xbe: {  	[tilespmem:s5], [sflag:$0x4] =	stream.indirect.gather @!p1 [spmem:s2], $0x20, s7, s8, $0xb8;
	[tilespmem:$0x17000] =	vst v63  }
0xbf: {  	_ =	swait.ge [sflag:s9], $0x1000  }
0xc0: {  	[sflag:s9] =	ssyncset.done $0x0  }
0xc1: {  	s10 =	simm.s32 $0xE;
	[sflag:s9] =	ssyncadd.s32 $0xFFFFF000  }
0xc2: {  	_ =	swait.ge [sflag:s10], $0x1000  }
0xc3: {  	[sflag:s10] =	ssyncset.done $0x0  }
0xc4: {  	s11 =	simm.s32 $0xF;
	[sflag:s10] =	ssyncadd.s32 $0xFFFFF000  }
0xc5: {  	_ =	swait.ge [sflag:s11], $0x1000  }
0xc6: {  	[sflag:s11] =	ssyncset.done $0x0  }
0xc7: {  	s12 =	simm.s32 $0x10;
	[sflag:s11] =	ssyncadd.s32 $0xFFFFF000  }
0xc8: {  	_ =	swait.ge [sflag:s12], $0x1000  }
0xc9: {  	[sflag:s12] =	ssyncset.done $0x0  }
0xca: {  	[sflag:s12] =	ssyncadd.s32 $0xFFFFF000  }
0xcb: {  	[bflag:$0x0] =	sbarrier.arrive $0xFFFF  }
0xcc: {  	s6 =	rddreg [dreg:$0x6]  }
0xcd: {  	s13 =	rddreg [dreg:$0xa]  }
0xce: {  	s8 =	simm.s32 $0x11;
	s9 =	rddreg [dreg:$0xd]  }
0xcf: {  	[hbm:s13], [sflag:s6] =	dma.local [spmem:s9], $0xA00  }
0xd0: {  	_ =	swait.ge [sflag:s8], $0xA00  }
0xd1: {  	s14 =	rddreg [dreg:$0xe]  }
0xd2: {  	s15 =	rddreg [dreg:$0xb];
	s7 =	sadd.s32 $0x1, s14  }
0xd3: {  	p0 =	sne.s32 s7, s15  }
.Ltmp1:
0xd4: {  	_ = 	snop;
	(pc) =	sbr.rel @p0 .LBB2_1-.Ltmp1, $3  }
0xd5: {  	_ =	sdelay $0x1  }
0xd6: {  	[sflag:s8] =	ssyncset.done $0x0  }
0xd7: {  	[sflag:s8] =	ssyncadd.s32 $0xFFFFF600  }
0xd8: {  	_ =	sfence.sel $0x180000  }
0xd9: {  	[bflag:$0x0] =	sbarrier.arrive $0xFFFF  }
0xda: {  	_ =	strace $0x9000004A  }
0xdb: {  	s0 =	stileid.u32;
	[bflag:$0x2] =	sbarrier.arrive $0xFFFF  }
0xdc: {  	p0 =	sne.s32 s0, $0x0;
	s0 =	rddreg [dreg:$0x3]  }
0xdd: {  	s0 =	sadd.s32 @!p0 $0x100000, s0  }
0xde: {  	[sflag:s0] =	ssyncadd.tile.s32 @!p0 $0x1;
	_ =	shalt  }
.Lfunc_end2:
_tile_overlayer_lowered:
.L_overlay_start_2:
0xdf: {  	(tag) =	ssettag $0x2  }
0xe0: {  	s0 =	rddreg [dreg:$0x0];
	s2 =	stileid.u32  }
0xe1: {  	s1 =	rddreg [dreg:$0x1];
	p0 =	sne.s32 s2, $0x0  }
0xe2: {  	s3 =	rddreg [dreg:$0x2];
	[bflag:$0x3] =	sbarrier.arrive $0xFFFF;
	s2 =	simm.s32 @!p0 $0x1C11  }
0xe3: {  	[timem:s3], [sflag:s2] =	dma.local @!p0 [hbm:s0], s1  }
0xe4: {  	s0 =	simm.s32 @!p0 $0x11  }
0xe5: {  	_ =	swait.ge @!p0 [sflag:s0], s1  }
0xe6: {  	s1 =	ssub.s32 @!p0 $0x0, s1;
	[sflag:s0] =	ssyncset.done @!p0 $0x0  }
0xe7: {  	[sflag:s0] =	ssyncadd.s32 @!p0 s1  }
0xe8: {  	[bflag:$0x3] =	sbarrier.arrive $0xFFFF  }
0xe9: {  	_ =	shalt  }

// kernel: kernel.17.cloned.1.call-start
scs
__scs_entry_jumppad:
0x0: {  	(pc) =	sbr.rel $0x88, $3  }
0x1: {  	(tag) =	ssettag $0x0;
	lr =	simm.s32 $0x1  }
0x2: {  	[smem:$0x3F94] =	sst lr;
	_ =	strace $0xD0000000  }
0x3: {  	_ = 	snop  }
0x4: {  	_ = 	snop  }
0x5: {  	_ = 	snop  }
0x6: {  	_ = 	snop  }
0x7: {  	_ = 	snop  }
__scs_overlays_trampoline_lowered:
0x8: {  	[smem:$0x3FA3] =	sst s0  }
0x9: {  	[smem:$0x3FA4] =	sst s1  }
0xa: {  	[smem:$0x3FA5] =	sst s2  }
0xb: {  	[smem:$0x3FA6] =	sst s3  }
0xc: {  	[smem:$0x3FA7] =	sst s4  }
0xd: {  	[smem:$0x3FA8] =	sst s5  }
0xe: {  	[smem:$0x3FA9] =	sst s6  }
0xf: {  	[smem:$0x3FAA] =	sst s7  }
0x10: {  	[smem:$0x3FAB] =	sst s8  }
0x11: {  	[smem:$0x3FAC] =	sst s9;
	s0 =	simm.s32 @!p0 $0x0  }
0x12: {  	s1 =	sld [smem:$0x3F92];
	s0 =	simm.s32 @p0 $0x1  }
0x13: {  	[smem:$0x3FAD] =	sst s0;
	s0 =	simm.s32 @!p1 $0x0  }
0x14: {  	s2 =	sld [smem:$0x3F91];
	s0 =	simm.s32 @p1 $0x1  }
0x15: {  	[smem:$0x3FAE] =	sst s0;
	s0 =	simm.s32 @!p2 $0x0  }
0x16: {  	s3 =	sld [smem:$0x3FDB];
	s0 =	simm.s32 @p2 $0x1  }
0x17: {  	s4 =	simm.s32 $0x1BF5;
	[smem:$0x3FB0] =	sst s0  }
0x18: {  	s0 =	sld [smem:$0x3F93];
	_ =	swait.ge [sflag:s4], $0x0  }
0x19: {  	s7 =	sld [smem:$0x3F94]  }
0x1a: {  	s8 =	sadd.s32 $0xFFFFE003, lr  }
0x1b: {  	s9 =	sadd.s32 $0xFFFFFEF7, lr;
	s5 =	simm.s32 $0xFFFFFFFF;
	p2 =	slt.u32 s8, $0xFFFFF086  }
0x1c: {  	p1 =	slt.u32 s9, $0xF7A;
	s5 =	simm.s32 @!p2 $0x0  }
0x1d: {  	s5 =	simm.s32 @p1 $0x1;
	p0 =	seq.s32 s7, s2  }
0x1e: {  	s7 =	smul.u32 @!p0 $0xF7A, s2;
	p2 =	seq.s32 @!p0 s5, $0x0  }
0x1f: {  	s9 =	smul.u32 $0xF7A, s1;
	s8 =	simm.s32 @!p0 $0x1BF5;
	p2 =	por !p2, p0  }
0x20: {  	[sflag:s8] =	ssyncset.s32 @!p0 $0xFFFFF086;
	s6 =	sadd.s32 @!p0 s3, s7;
	s7 =	simm.s32 @!p0 $0x108  }
0x21: {  	s3 =	sadd.s32 s3, s9;
	s6 =	sadd.s32 @!p0 $0x88, s6;
	s7 =	simm.s32 @p2 $0x1082  }
0x22: {  	[simem:s7], [sflag:s8] =	dma.local @!p0 [hbm:s6], $0xF7A  }
0x23: {  	s9 =	sor.u32 $0xD0000000, s2;
	s6 =	simm.s32 $0x108;
	_ =	swait.ge @!p0 [sflag:s8], $0x0  }
0x24: {  	s3 =	sadd.s32 $0x88, s3;
	s6 =	simm.s32 @!p1 $0x1082;
	[sflag:s4] =	ssyncset.s32 $0xFFFFF086  }
0x25: {  	[simem:s6], [sflag:s4] =	dma.local [hbm:s3], $0xF7A  }
0x26: {  	[smem:$0x3F94] =	sst s1;
	(tag) =	ssettag s2;
	_ =	strace s9  }
0x27: {  	s1 =	sld [smem:$0x3FA4]  }
0x28: {  	s2 =	sld [smem:$0x3FA5]  }
0x29: {  	s4 =	sld [smem:$0x3FA7]  }
0x2a: {  	p0 =	seq.s32 s5, $0x0;
	s5 =	sld [smem:$0x3FA8]  }
0x2b: {  	s6 =	sld [smem:$0x3FA9]  }
0x2c: {  	s7 =	sld [smem:$0x3FAA]  }
0x2d: {  	s3 =	simm.s32 $0x108;
	s8 =	sld [smem:$0x3FAB]  }
0x2e: {  	s3 =	simm.s32 @!p0 $0x1082;
	s9 =	sld [smem:$0x3FAC]  }
0x2f: {  	lr =	sadd.s32 s0, s3;
	s0 =	sld [smem:$0x3FA3]  }
0x30: {  	s3 =	sld [smem:$0x3FA6]  }
0x31: {  	[smem:$0x3FAF] =	sst s10  }
0x32: {  	s10 =	sld [smem:$0x3FAD];
	_ =	sdelay $0x3  }
0x33: {  	p0 =	seq.s32 s10, $0x1;
	s10 =	sld [smem:$0x3FAF];
	_ =	sdelay $0x3  }
0x34: {  	[smem:$0x3FAF] =	sst s10  }
0x35: {  	s10 =	sld [smem:$0x3FAE];
	_ =	sdelay $0x3  }
0x36: {  	p1 =	seq.s32 s10, $0x1;
	s10 =	sld [smem:$0x3FAF];
	_ =	sdelay $0x3  }
0x37: {  	[smem:$0x3FAF] =	sst s10  }
0x38: {  	s10 =	sld [smem:$0x3FB0]  }
0x39: {  	_ = 	snop;
	(pc) =	sbr.ind lr, $3  }
0x3a: {  	_ = 	snop  }
0x3b: {  	_ = 	snop  }
0x3c: {  	p2 =	seq.s32 s10, $0x1;
	s10 =	sld [smem:$0x3FAF]  }
0x3d: {  	_ =	shalt  }
0x3e: {  	_ =	shalt  }
0x3f: {  	_ =	shalt  }
0x40: {  	_ =	shalt  }
0x41: {  	_ =	shalt  }
0x42: {  	_ =	shalt  }
0x43: {  	_ =	shalt  }
0x44: {  	_ =	shalt  }
0x45: {  	_ =	shalt  }
0x46: {  	_ =	shalt  }
0x47: {  	_ =	shalt  }
0x48: {  	_ =	shalt  }
0x49: {  	_ =	shalt  }
0x4a: {  	_ =	shalt  }
0x4b: {  	_ =	shalt  }
0x4c: {  	_ =	shalt  }
0x4d: {  	_ =	shalt  }
0x4e: {  	_ =	shalt  }
0x4f: {  	_ =	shalt  }
0x50: {  	_ =	shalt  }
0x51: {  	_ =	shalt  }
0x52: {  	_ =	shalt  }
0x53: {  	_ =	shalt  }
0x54: {  	_ =	shalt  }
0x55: {  	_ =	shalt  }
0x56: {  	_ =	shalt  }
0x57: {  	_ =	shalt  }
0x58: {  	_ =	shalt  }
0x59: {  	_ =	shalt  }
0x5a: {  	_ =	shalt  }
0x5b: {  	_ =	shalt  }
0x5c: {  	_ =	shalt  }
0x5d: {  	_ =	shalt  }
0x5e: {  	_ =	shalt  }
0x5f: {  	_ =	shalt  }
0x60: {  	_ =	shalt  }
0x61: {  	_ =	shalt  }
0x62: {  	_ =	shalt  }
0x63: {  	_ =	shalt  }
0x64: {  	_ =	shalt  }
0x65: {  	_ =	shalt  }
0x66: {  	_ =	shalt  }
0x67: {  	_ =	shalt  }
0x68: {  	_ =	shalt  }
0x69: {  	_ =	shalt  }
0x6a: {  	_ =	shalt  }
0x6b: {  	_ =	shalt  }
0x6c: {  	_ =	shalt  }
0x6d: {  	_ =	shalt  }
0x6e: {  	_ =	shalt  }
0x6f: {  	_ =	shalt  }
0x70: {  	_ =	shalt  }
0x71: {  	_ =	shalt  }
0x72: {  	_ =	shalt  }
0x73: {  	_ =	shalt  }
0x74: {  	_ =	shalt  }
0x75: {  	_ =	shalt  }
0x76: {  	_ =	shalt  }
0x77: {  	_ =	shalt  }
0x78: {  	_ =	shalt  }
0x79: {  	_ =	shalt  }
0x7a: {  	_ =	shalt  }
0x7b: {  	_ =	shalt  }
0x7c: {  	_ =	shalt  }
0x7d: {  	_ =	shalt  }
0x7e: {  	_ =	shalt  }
0x7f: {  	_ =	shalt  }
0x80: {  	_ =	shalt  }
0x81: {  	_ =	shalt  }
0x82: {  	_ =	shalt  }
0x83: {  	_ =	shalt  }
0x84: {  	_ =	shalt  }
0x85: {  	_ =	shalt  }
0x86: {  	_ =	shalt  }
0x87: {  	_ =	shalt  }
.Lfunc_end0:
.L_simem_size_0:
called_computation.2_lowered:
.L_overlay_start_0:
0x88: {  	s2 =	sld [smem:$0x3FD9]  }
0x89: {  	s3 =	sld [smem:$0x3FFE];
	_ =	sdelay $0x1  }
0x8a: {  	s1 =	srdreg.scid  }
0x8b: {  	s0 =	sand.u32 $0x1, s1  }
0x8c: {  	s16 =	sshll.u32 s0, $0xA;
	s2 =	sadd.s32 s3, s2  }
0x8d: {  	s2 =	sadd.s32 s2, s16  }
0x8e: {  	[smem:$0x3FBB] =	sst s2  }
0x8f: {  	_ = 	snop  }
0x90: {  	(tm) =	ssettm $0x1  }
0x91: {  	s17 =	sld [smem:$0x3FFB];
	_ =	sdelay $0x3  }
0x92: {  	_ =	strace s17  }
0x93: {  	s2 =	sld [smem:$0x3FFC];
	_ =	sdelay $0x3  }
0x94: {  	_ =	strace s2  }
0x95: {  	s2 =	sld [smem:$0x3FFD];
	_ =	sdelay $0x3  }
0x96: {  	_ =	strace s2  }
0x97: {  	_ =	strace $0x8FFFFFFF  }
0x98: {  	s18 =	sld [smem:$0x3FDB];
	_ =	sdelay $0x1  }
0x99: {  	s19 =	simm.s32 $_scs_section_size  }
0x9a: {  	s4 =	simm.s32 $_size__tile_overlayer_lowered;
	s5 =	simm.s32 $_tile_overlayer_lowered  }
0x9b: {  	s22 =	simm.s32 $0x1BFF;
	s21 =	sshll.u32 s5, $0x1;
	s2 =	sadd.s32 s19, s18  }
0x9c: {  	s6 =	simm.s32 $0x0;
	s20 =	sshll.u32 s4, $0x1;
	s4 =	sadd.s32 s21, s2  }
0x9d: {  	[timem:s6], [sflag:s22] =	dma.local [hbm:s4], s20  }
0x9e: {  	_ =	swait.ge [sflag:s22], s20  }
0x9f: {  	s3 =	ssub.s32 $0x0, s20;
	[sflag:s22] =	ssyncset.done $0x0  }
0xa0: {  	[sflag:s22] =	ssyncadd.s32 s3;
	_ =	sdelay $0x1  }
0xa1: {  	s23 =	simm.s32 $0x1B8B  }
0xa2: {  	_ =	swait.ge [sflag:s23], $0x1  }
0xa3: {  	[sflag:s23] =	ssyncset.done $0x0  }
0xa4: {  	s25 =	simm.s32 $0x1B8E;
	s24 =	sld [smem:$0x3FFE];
	[sflag:s23] =	ssyncadd.s32 $0xFFFFFFFF  }
0xa5: {  	s26 =	simm.s32 $execute0_lowered;
	[smem:$0x3FD2] =	sst s25  }
0xa6: {  	s4 =	sshll.u32 s26, $0x1;
	_ =	strace $0x8000004C;
	[dreg:$0x1] =	wrdreg $0xFFFFFFFF  }
0xa7: {  	s28 =	simm.s32 $_size_execute0_lowered;
	s2 =	sadd.s32 s2, s4;
	[dreg:$0x0] =	wrdreg $0x0  }
0xa8: {  	s4 =	sshll.u32 s28, $0x1;
	[dreg:$0x2] =	wrdreg s2  }
0xa9: {  	[dreg:$0x3] =	wrdreg s4  }
0xaa: {  	[dreg:$0x4] =	wrdreg $0xC0  }
0xab: {  	_ =	task [dreg:s6], $0x5FFFF  }
0xac: {  	[dreg:$0x1] =	wrdreg $0xFFFFFFFF  }
0xad: {  	[dreg:$0x0] =	wrdreg $0x60  }
0xae: {  	[dreg:$0x2] =	wrdreg s24  }
0xaf: {  	[dreg:$0x3] =	wrdreg $0x50000  }
0xb0: {  	[dreg:$0x4] =	wrdreg $0x0  }
0xb1: {  	[dreg:$0x5] =	wrdreg $0x9  }
0xb2: {  	_ =	task.clear_ibuf [dreg:s6], $0x6FFFF;
	_ =	strace $0x9000004C  }
0xb3: {  	s29 =	simm.s32 $0x9;
	_ =	strace $0x8000004E  }
0xb4: {  	_ =	swait.ge [sflag:s29], $0x1  }
0xb5: {  	[sflag:s29] =	ssyncadd.s32 $0xFFFFFFFF  }
0xb6: {  	_ =	strace $0x9000004E  }
0xb7: {  	_ =	sfence  }
0xb8: {  	s30 =	sld [smem:$0x0];
	_ =	sdelay $0x2  }
0xb9: {  	s31 =	sshll.u32 s1, $0xD;
	s1 =	sshrl.u32 s1, $0x2  }
0xba: {  	s3 =	sand.u32 $0x4000, s31;
	s1 =	sadd.s32 s1, s30  }
0xbb: {  	s0 =	sor.u32 s3, s0;
	s1 =	sshll.u32 s1, $0x11  }
0xbc: {  	s0 =	sor.u32 s1, s0  }
0xbd: {  	s0 =	sadd.s32 $0x8F2B, s0  }
0xbe: {  	[sflag:s0] =	ssyncadd.remote.s32 $0x1  }
0xbf: {  	_ =	sfence.sel $0xFFFF  }
0xc0: {  	[dreg:$0x0] =	wrdreg $0xFFFFFFFF;
	(pc) =	sbr.abs _section_cstart, $3  }
0xc1: {  	[dreg:$0x1] =	wrdreg $0xFFFFFFFF  }
0xc2: {  	_ =	task.clear_ibuf [dreg:s6], $0x2FFFF;
	_ =	strace $0x9FFFFFFF  }
0xc3: {  	(tm) =	ssettm $0x7FFFFFFF  }
tec
execute0_lowered:
.L_overlay_start_1:
0x0: {  	(tag) =	ssettag $0x1  }
0x1: {  	s4 =	rddreg [dreg:$0x0]  }
0x2: {  	s0 =	srdreg.scid;
	s2 =	rddreg [dreg:$0x1]  }
0x3: {  	s9 =	stileid.u32;
	s3 =	rddreg [dreg:$0x2];
	s7 =	simm.s32 $0x0  }
0x4: {  	s17 =	simm.s32 $0x80;
	s18 =	simm.s32 $0xF000;
	s26 =	simm.s32 $0x14000  }
0x5: {  	s28 =	simm.s32 $0x2;
	s29 =	simm.s32 $0x15000;
	s30 =	simm.s32 $0x4  }
0x6: {  	s31 =	simm.s32 $0x16000;
	s16 =	simm.s32 $0x6;
	s0 =	sand.u32 $0x1, s0  }
0x7: {  	s5 =	smul.u32 $0x5000, s9;
	[smem:$0x7FF] =	sst s7;
	s21 =	sshll.u32 s9, $0x6  }
0x8: {  	s1 =	sshll.u32 s0, $0x4;
	s6 =	smul.u32 $0x50000, s0;
	_ =	strace $0x8000004D  }
0x9: {  	s0 =	ssub.s32 $0x2, s0;
	[dreg:$0x4] =	wrdreg s26;
	s26 =	simm.s32 $0x13000  }
0xa: {  	s1 =	sor.u32 s9, s1;
	s19 =	sshrl.u32 s5, $0x3;
	s20 =	sshrl.u32 s0, $0x1  }
0xb: {  	s8 =	sadd.s32 s5, s2;
	s1 =	smul.u32 $0x500, s1;
	s6 =	sadd.s32 s5, s6  }
0xc: {  	s7 =	sadd.s32 s19, s4;
	s0 =	ssub.s32 s0, s20;
	s5 =	sadd.s32 s5, s3  }
0xd: {  	s25 =	sshrl.u32 s8, $0x3;
	s8 =	simm.s32 $0x11;
	s20 =	simm.s32 $0x10000  }
0xe: {  	s19 =	simm.s32 $0xA;
	s22 =	sadd.s32 $0xDC00, s7;
	[dreg:$0xc] =	wrdreg s25  }
0xf: {  	s6 =	sshrl.u32 s6, $0x3;
	s7 =	sadd.s32 $0x17C00, s7;
	[dreg:$0x5] =	wrdreg s22  }
0x10: {  	s0 =	smax.u32 s0, $0x1;
	s9 =	sshrl.u32 s5, $0x3;
	[dreg:$0x7] =	wrdreg s7  }
0x11: {  	s25 =	simm.s32 $0x1;
	s1 =	sadd.s32 s1, s4;
	[dreg:$0xb] =	wrdreg s0  }
0x12: {  	s4 =	sadd.s32 s6, s4;
	s6 =	sor.u32 $0x1C11, s21;
	[dreg:$0xd] =	wrdreg s9  }
0x13: {  	s0 =	simm.s32 $0x9;
	s23 =	sadd.s32 $0x26E00, s1;
	[dreg:$0x6] =	wrdreg s6  }
0x14: {  	s21 =	simm.s32 $0x7;
	s1 =	sadd.s32 $0x3C00, s1;
	[dreg:$0x8] =	wrdreg s23  }
0x15: {  	s22 =	simm.s32 $0xB;
	s24 =	sadd.s32 $0x30E00, s4;
	[dreg:$0x9] =	wrdreg s1  }
0x16: {  	s7 =	simm.s32 $0x0;
	s4 =	simm.s32 $0xC;
	[dreg:$0xa] =	wrdreg s24  }
0x17: {  	s24 =	simm.s32 $0x12000;
	s1 =	simm.s32 $0x5;
	s23 =	simm.s32 $0x8  }
.LBB2_1:
0x18: {  	[dreg:$0xe] =	wrdreg s7  }
0x19: {  	s5 =	rddreg [dreg:$0x5]  }
0x1a: {  	s15 =	rddreg [dreg:$0xc]  }
0x1b: {  	[spmem:s15], [sflag:s6] =	dma.local [hbm:s5], $0xA00  }
0x1c: {  	_ =	swait.ge [sflag:s8], $0xA00  }
0x1d: {  	[sflag:s8] =	ssyncset.done $0x0  }
0x1e: {  	s10 =	rddreg [dreg:$0x7];
	[sflag:s8] =	ssyncadd.s32 $0xFFFFF600  }
0x1f: {  	[spmem:s9], [sflag:s6] =	dma.local [hbm:s10], $0xA00  }
0x20: {  	_ =	swait.ge [sflag:s8], $0xA00  }
0x21: {  	s11 =	simm.s32 $0x0;
	[sflag:s8] =	ssyncset.done $0x0  }
0x22: {  	s13 =	simm.s32 $0xA000;
	s12 =	rddreg [dreg:$0x8];
	[sflag:s8] =	ssyncadd.s32 $0xFFFFF600  }
0x23: {  	[tilespmem:s13], [sflag:$0x11] =	stream.linear.gather [hbm4b:s12+s11], $0x2800, $0x38;
	[tilespmem:$0x17000] =	vst v63  }
0x24: {  	_ =	swait.ge [sflag:s8], $0x2800  }
0x25: {  	[sflag:s8] =	ssyncset.done $0x0  }
0x26: {  	s15 =	simm.s32 $0xC800;
	s14 =	rddreg [dreg:$0x9];
	[sflag:s8] =	ssyncadd.s32 $0xFFFFD800  }
0x27: {  	[tilespmem:s15], [sflag:$0x11] =	stream.linear.gather [hbm4b:s14+s11], $0x2800, $0x38;
	[tilespmem:$0x17000] =	vst v63  }
0x28: {  	_ =	swait.ge [sflag:s8], $0x2800  }
0x29: {  	[sflag:s8] =	ssyncset.done $0x0  }
0x2a: {  	[sflag:s8] =	ssyncadd.s32 $0xFFFFD800  }
0x2b: {  	[bflag:$0x0] =	sbarrier.arrive $0xFFFF  }
0x2c: {  	[tilespmem:s18], [sflag:$0x1] =	stream.indirect.gather [spmem:s2], $0x20, s13, s17, $0xb8;
	[tilespmem:$0x17000] =	vst v63  }
0x2d: {  	s10 =	simm.s32 $0xA080  }
0x2e: {  	[tilespmem:s20], [sflag:$0x2] =	stream.indirect.gather [spmem:s2], $0x20, s10, s17, $0xb8;
	[tilespmem:$0x17000] =	vst v63  }
0x2f: {  	s12 =	simm.s32 $0x11000;
	s11 =	simm.s32 $0xA100  }
0x30: {  	[tilespmem:s12], [sflag:$0x3] =	stream.indirect.gather [spmem:s2], $0x20, s11, s17, $0xb8;
	[tilespmem:$0x17000] =	vst v63  }
0x31: {  	s13 =	simm.s32 $0xA180  }
0x32: {  	[tilespmem:s24], [sflag:$0x4] =	stream.indirect.gather [spmem:s2], $0x20, s13, s17, $0xb8;
	[tilespmem:$0x17000] =	vst v63  }
0x33: {  	_ =	swait.ge [sflag:s25], $0x1000  }
0x34: {  	p0 =	por $0x1, $0x1;
	[sflag:s25] =	ssyncset.done $0x0  }
0x35: {  	s7 =	simm.s32 @!p0 $0xD;
	s14 =	simm.s32 $0xC800;
	[sflag:s25] =	ssyncadd.s32 $0xFFFFF000  }
0x36: {  	[spmem:s3] =	stream.indirect.scatter.add.f32 [tilespmem:s18], [sflag:$0x9], $0x20, s14, s17, $0xb8;
	[tilespmem:$0x17000] =	vst v63  }
0x37: {  	_ =	swait.ge @!p0 [sflag:s7], $0x1000  }
0x38: {  	[sflag:s7] =	ssyncset.done @!p0 $0x0  }
0x39: {  	s15 =	simm.s32 $0xA200;
	[sflag:s7] =	ssyncadd.s32 @!p0 $0xFFFFF000  }
0x3a: {  	[tilespmem:s26], [sflag:$0x5] =	stream.indirect.gather [spmem:s2], $0x20, s15, s17, $0xb8;
	[tilespmem:$0x17000] =	vst v63  }
0x3b: {  	_ =	swait.ge [sflag:s28], $0x1000  }
0x3c: {  	[sflag:s28] =	ssyncset.done $0x0  }
0x3d: {  	s5 =	simm.s32 @p0 $0xA280;
	s6 =	simm.s32 $0xC880;
	[sflag:s28] =	ssyncadd.s32 $0xFFFFF000  }
0x3e: {  	[spmem:s3] =	stream.indirect.scatter.add.f32 [tilespmem:s20], [sflag:$0xA], $0x20, s6, s17, $0xb8;
	[tilespmem:$0x17000] =	vst v63  }
0x3f: {  	s8 =	simm.s32 @p0 $0x14000;
	s10 =	simm.s32 @p0 $0x3;
	s7 =	simm.s32 @p0 $0x80  }
0x40: {  	[tilespmem:s8], [sflag:$0x6] =	stream.indirect.gather @p0 [spmem:s2], $0x20, s5, s7, $0xb8;
	[tilespmem:$0x17000] =	vst v63  }
0x41: {  	_ =	swait.ge @p0 [sflag:s10], $0x1000  }
0x42: {  	s5 =	simm.s32 @p0 $0xC900;
	[sflag:s10] =	ssyncset.done @p0 $0x0  }
0x43: {  	s8 =	simm.s32 @p0 $0x11000;
	[sflag:s10] =	ssyncadd.s32 @p0 $0xFFFFF000;
	s10 =	simm.s32 @!p0 $0xE  }
0x44: {  	[spmem:s3] =	stream.indirect.scatter.add.f32 @p0 [tilespmem:s8], [sflag:$0xB], $0x20, s5, s7, $0xb8;
	[tilespmem:$0x17000] =	vst v63  }
0x45: {  	_ =	swait.ge @!p0 [sflag:s10], $0x1000  }
0x46: {  	s5 =	simm.s32 @!p0 $0xA280;
	s7 =	simm.s32 @!p0 $0x80;
	[sflag:s10] =	ssyncset.done @!p0 $0x0  }
0x47: {  	s8 =	simm.s32 @!p0 $0x14000;
	[sflag:s10] =	ssyncadd.s32 @!p0 $0xFFFFF000;
	s10 =	simm.s32 @!p0 $0x3  }
0x48: {  	[tilespmem:s8], [sflag:$0x6] =	stream.indirect.gather @!p0 [spmem:s2], $0x20, s5, s7, $0xb8;
	[tilespmem:$0x17000] =	vst v63  }
0x49: {  	_ =	swait.ge @!p0 [sflag:s10], $0x1000  }
0x4a: {  	s5 =	simm.s32 @!p0 $0xC900;
	[sflag:s10] =	ssyncset.done @!p0 $0x0  }
0x4b: {  	s8 =	simm.s32 @!p0 $0x11000;
	[sflag:s10] =	ssyncadd.s32 @!p0 $0xFFFFF000;
	s10 =	simm.s32 @!p0 $0xF  }
0x4c: {  	[spmem:s3] =	stream.indirect.scatter.add.f32 @!p0 [tilespmem:s8], [sflag:$0xB], $0x20, s5, s7, $0xb8;
	[tilespmem:$0x17000] =	vst v63  }
0x4d: {  	_ =	swait.ge @!p0 [sflag:s10], $0x1000  }
0x4e: {  	[sflag:s10] =	ssyncset.done @!p0 $0x0  }
0x4f: {  	s8 =	simm.s32 $0xA300;
	[sflag:s10] =	ssyncadd.s32 @!p0 $0xFFFFF000  }
0x50: {  	[tilespmem:s29], [sflag:$0x7] =	stream.indirect.gather [spmem:s2], $0x20, s8, s17, $0xb8;
	[tilespmem:$0x17000] =	vst v63  }
0x51: {  	_ =	swait.ge [sflag:s30], $0x1000  }
0x52: {  	[sflag:s30] =	ssyncset.done $0x0  }
0x53: {  	s9 =	simm.s32 $0xC980;
	s7 =	simm.s32 @!p0 $0x10;
	[sflag:s30] =	ssyncadd.s32 $0xFFFFF000  }
0x54: {  	[spmem:s3] =	stream.indirect.scatter.add.f32 [tilespmem:s24], [sflag:$0xC], $0x20, s9, s17, $0xb8;
	[tilespmem:$0x17000] =	vst v63  }
0x55: {  	_ =	swait.ge @!p0 [sflag:s7], $0x1000  }
0x56: {  	[sflag:s7] =	ssyncset.done @!p0 $0x0  }
0x57: {  	s10 =	simm.s32 $0xA380;
	[sflag:s7] =	ssyncadd.s32 @!p0 $0xFFFFF000  }
0x58: {  	[tilespmem:s31], [sflag:$0x8] =	stream.indirect.gather [spmem:s2], $0x20, s10, s17, $0xb8;
	[tilespmem:$0x17000] =	vst v63  }
0x59: {  	_ =	swait.ge [sflag:s1], $0x1000  }
0x5a: {  	[sflag:s1] =	ssyncset.done $0x0  }
0x5b: {  	s11 =	simm.s32 $0xCA00;
	[sflag:s1] =	ssyncadd.s32 $0xFFFFF000  }
0x5c: {  	[spmem:s3] =	stream.indirect.scatter.add.f32 [tilespmem:s26], [sflag:$0xD], $0x20, s11, s17, $0xb8;
	[tilespmem:$0x17000] =	vst v63  }
0x5d: {  	p0 =	por $0x0, $0x0;
	_ =	swait.ge [sflag:s0], $0x1000  }
0x5e: {  	s5 =	simm.s32 @!p0 $0xF000;
	[sflag:s0] =	ssyncset.done $0x0  }
0x5f: {  	s7 =	simm.s32 @!p0 $0xA400;
	s8 =	simm.s32 @!p0 $0x80;
	[sflag:s0] =	ssyncadd.s32 $0xFFFFF000  }
0x60: {  	[tilespmem:s5], [sflag:$0x1] =	stream.indirect.gather @!p0 [spmem:s2], $0x20, s7, s8, $0xb8;
	[tilespmem:$0x17000] =	vst v63  }
0x61: {  	_ =	swait.ge [sflag:s16], $0x1000  }
0x62: {  	[sflag:s16] =	ssyncset.done $0x0  }
0x63: {  	s13 =	simm.s32 $0xCA80;
	s12 =	rddreg [dreg:$0x4];
	[sflag:s16] =	ssyncadd.s32 $0xFFFFF000  }
0x64: {  	[spmem:s3] =	stream.indirect.scatter.add.f32 [tilespmem:s12], [sflag:$0xE], $0x20, s13, s17, $0xb8;
	[tilespmem:$0x17000] =	vst v63  }
0x65: {  	p0 =	por $0x0, $0x0;
	_ =	swait.ge [sflag:s19], $0x1000  }
0x66: {  	s5 =	simm.s32 @!p0 $0x10000;
	[sflag:s19] =	ssyncset.done $0x0  }
0x67: {  	s7 =	simm.s32 @!p0 $0xA480;
	s8 =	simm.s32 @!p0 $0x80;
	[sflag:s19] =	ssyncadd.s32 $0xFFFFF000  }
0x68: {  	[tilespmem:s5], [sflag:$0x2] =	stream.indirect.gather @!p0 [spmem:s2], $0x20, s7, s8, $0xb8;
	[tilespmem:$0x17000] =	vst v63  }
0x69: {  	_ =	swait.ge [sflag:s21], $0x1000  }
0x6a: {  	[sflag:s21] =	ssyncset.done $0x0  }
0x6b: {  	s14 =	simm.s32 $0xCB00;
	[sflag:s21] =	ssyncadd.s32 $0xFFFFF000  }
0x6c: {  	[spmem:s3] =	stream.indirect.scatter.add.f32 [tilespmem:s29], [sflag:$0xF], $0x20, s14, s17, $0xb8;
	[tilespmem:$0x17000] =	vst v63  }
0x6d: {  	p0 =	por $0x0, $0x0;
	_ =	swait.ge [sflag:s22], $0x1000  }
0x6e: {  	s5 =	simm.s32 @!p0 $0x11000;
	[sflag:s22] =	ssyncset.done $0x0  }
0x6f: {  	s7 =	simm.s32 @!p0 $0xA500;
	s8 =	simm.s32 @!p0 $0x80;
	[sflag:s22] =	ssyncadd.s32 $0xFFFFF000  }
0x70: {  	[tilespmem:s5], [sflag:$0x3] =	stream.indirect.gather @!p0 [spmem:s2], $0x20, s7, s8, $0xb8;
	[tilespmem:$0x17000] =	vst v63  }
0x71: {  	_ =	swait.ge [sflag:s23], $0x1000  }
0x72: {  	p1 =	por $0x0, $0x0;
	[sflag:s23] =	ssyncset.done $0x0  }
0x73: {  	s15 =	simm.s32 $0xCB80;
	s10 =	simm.s32 $0x1000;
	[sflag:s23] =	ssyncadd.s32 $0xFFFFF000  }
0x74: {  	[spmem:s3] =	stream.indirect.scatter.add.f32 [tilespmem:s31], [sflag:$0x10], $0x20, s15, s17, $0xb8;
	[tilespmem:$0x17000] =	vst v63  }
0x75: {  	s11 =	simm.s32 $0x7;
	s5 =	simm.s32 @!p1 $0x12000;
	_ =	swait.ge [sflag:s4], $0x1000  }
0x76: {  	s7 =	simm.s32 @!p1 $0xA580;
	s8 =	simm.s32 @!p1 $0x80;
	[sflag:s4] =	ssyncset.done $0x0  }
.LBB2_2:
0x77: {  	[sflag:s4] =	ssyncadd.s32 $0xFFFFF000  }
0x78: {  	[tilespmem:s5], [sflag:$0x4] =	stream.indirect.gather @!p1 [spmem:s2], $0x20, s7, s8, $0xb8;
	[tilespmem:$0x17000] =	vst v63  }
0x79: {  	s12 =	smov.u32 s10;
	_ =	swait.ge [sflag:s25], $0x1000  }
0x7a: {  	s5 =	sshra.s32 s12, $0x2;
	p1 =	seq.s32 s12, $0x0;
	[sflag:s25] =	ssyncset.done $0x0  }
0x7b: {  	s6 =	sadd.s32 $0xC800, s5;
	s8 =	simm.s32 @!p1 $0xD;
	[sflag:s25] =	ssyncadd.s32 $0xFFFFF000  }
0x7c: {  	[spmem:s3] =	stream.indirect.scatter.add.f32 [tilespmem:s18], [sflag:$0x9], $0x20, s6, s17, $0xb8;
	[tilespmem:$0x17000] =	vst v63  }
0x7d: {  	_ =	swait.ge @!p1 [sflag:s8], $0x1000  }
0x7e: {  	[sflag:s8] =	ssyncset.done @!p1 $0x0  }
0x7f: {  	s14 =	sadd.s32 $0xA200, s5;
	[sflag:s8] =	ssyncadd.s32 @!p1 $0xFFFFF000  }
0x80: {  	[tilespmem:s26], [sflag:$0x5] =	stream.indirect.gather [spmem:s2], $0x20, s14, s17, $0xb8;
	[tilespmem:$0x17000] =	vst v63  }
0x81: {  	_ =	swait.ge [sflag:s28], $0x1000  }
0x82: {  	s15 =	sshra.s32 @p1 s12, $0x2;
	[sflag:s28] =	ssyncset.done $0x0  }
0x83: {  	s13 =	simm.s32 @p1 $0x80;
	s14 =	sadd.s32 $0xC880, s5;
	[sflag:s28] =	ssyncadd.s32 $0xFFFFF000  }
0x84: {  	[spmem:s3] =	stream.indirect.scatter.add.f32 [tilespmem:s20], [sflag:$0xA], $0x20, s14, s17, $0xb8;
	[tilespmem:$0x17000] =	vst v63  }
0x85: {  	s9 =	simm.s32 @p1 $0x14000;
	s7 =	sadd.s32 @p1 $0xA280, s15;
	s14 =	simm.s32 @p1 $0x3  }
0x86: {  	[tilespmem:s9], [sflag:$0x6] =	stream.indirect.gather @p1 [spmem:s2], $0x20, s7, s13, $0xb8;
	[tilespmem:$0x17000] =	vst v63  }
0x87: {  	_ =	swait.ge @p1 [sflag:s14], $0x1000  }
0x88: {  	s15 =	sadd.s32 @p1 $0xC900, s15;
	[sflag:s14] =	ssyncset.done @p1 $0x0  }
0x89: {  	s7 =	simm.s32 @p1 $0x11000;
	s9 =	simm.s32 @!p1 $0xE;
	[sflag:s14] =	ssyncadd.s32 @p1 $0xFFFFF000  }
0x8a: {  	[spmem:s3] =	stream.indirect.scatter.add.f32 @p1 [tilespmem:s7], [sflag:$0xB], $0x20, s15, s13, $0xb8;
	[tilespmem:$0x17000] =	vst v63  }
0x8b: {  	s6 =	sshra.s32 @!p1 s12, $0x2;
	_ =	swait.ge @!p1 [sflag:s9], $0x1000  }
0x8c: {  	s8 =	sadd.s32 @!p1 $0xA280, s6;
	s7 =	simm.s32 @!p1 $0x80;
	[sflag:s9] =	ssyncset.done @!p1 $0x0  }
0x8d: {  	s13 =	simm.s32 @!p1 $0x14000;
	[sflag:s9] =	ssyncadd.s32 @!p1 $0xFFFFF000;
	s9 =	simm.s32 @!p1 $0x3  }
0x8e: {  	[tilespmem:s13], [sflag:$0x6] =	stream.indirect.gather @!p1 [spmem:s2], $0x20, s8, s7, $0xb8;
	[tilespmem:$0x17000] =	vst v63  }
0x8f: {  	_ =	swait.ge @!p1 [sflag:s9], $0x1000  }
0x90: {  	s6 =	sadd.s32 @!p1 $0xC900, s6;
	[sflag:s9] =	ssyncset.done @!p1 $0x0  }
0x91: {  	s8 =	simm.s32 @!p1 $0x11000;
	[sflag:s9] =	ssyncadd.s32 @!p1 $0xFFFFF000;
	s9 =	simm.s32 @!p1 $0xF  }
0x92: {  	[spmem:s3] =	stream.indirect.scatter.add.f32 @!p1 [tilespmem:s8], [sflag:$0xB], $0x20, s6, s7, $0xb8;
	[tilespmem:$0x17000] =	vst v63  }
0x93: {  	_ =	swait.ge @!p1 [sflag:s9], $0x1000  }
0x94: {  	[sflag:s9] =	ssyncset.done @!p1 $0x0  }
0x95: {  	s8 =	sadd.s32 $0xA300, s5;
	[sflag:s9] =	ssyncadd.s32 @!p1 $0xFFFFF000  }
0x96: {  	[tilespmem:s29], [sflag:$0x7] =	stream.indirect.gather [spmem:s2], $0x20, s8, s17, $0xb8;
	[tilespmem:$0x17000] =	vst v63  }
0x97: {  	_ =	swait.ge [sflag:s30], $0x1000  }
0x98: {  	[sflag:s30] =	ssyncset.done $0x0  }
0x99: {  	s7 =	simm.s32 @!p1 $0x10;
	s9 =	sadd.s32 $0xC980, s5;
	[sflag:s30] =	ssyncadd.s32 $0xFFFFF000  }
0x9a: {  	[spmem:s3] =	stream.indirect.scatter.add.f32 [tilespmem:s24], [sflag:$0xC], $0x20, s9, s17, $0xb8;
	[tilespmem:$0x17000] =	vst v63  }
0x9b: {  	_ =	swait.ge @!p1 [sflag:s7], $0x1000  }
0x9c: {  	[sflag:s7] =	ssyncset.done @!p1 $0x0  }
0x9d: {  	s13 =	sadd.s32 $0xA380, s5;
	[sflag:s7] =	ssyncadd.s32 @!p1 $0xFFFFF000  }
0x9e: {  	[tilespmem:s31], [sflag:$0x8] =	stream.indirect.gather [spmem:s2], $0x20, s13, s17, $0xb8;
	[tilespmem:$0x17000] =	vst v63  }
0x9f: {  	_ =	swait.ge [sflag:s1], $0x1000  }
0xa0: {  	s11 =	sadd.s32 $0x8, s11;
	[sflag:s1] =	ssyncset.done $0x0  }
0xa1: {  	s14 =	sadd.s32 $0xCA00, s5;
	s15 =	sadd.s32 $0xFFFFFFFD, s11;
	[sflag:s1] =	ssyncadd.s32 $0xFFFFF000  }
0xa2: {  	[spmem:s3] =	stream.indirect.scatter.add.f32 [tilespmem:s26], [sflag:$0xD], $0x20, s14, s17, $0xb8;
	[tilespmem:$0x17000] =	vst v63  }
0xa3: {  	p1 =	sgt.u32 s15, $0x4B;
	_ =	swait.ge [sflag:s0], $0x1000  }
0xa4: {  	s6 =	sshra.s32 @!p1 s12, $0x2;
	s7 =	simm.s32 @!p1 $0xF000;
	[sflag:s0] =	ssyncset.done $0x0  }
0xa5: {  	s8 =	simm.s32 @!p1 $0x80;
	s6 =	sadd.s32 @!p1 $0xA400, s6;
	[sflag:s0] =	ssyncadd.s32 $0xFFFFF000  }
0xa6: {  	[tilespmem:s7], [sflag:$0x1] =	stream.indirect.gather @!p1 [spmem:s2], $0x20, s6, s8, $0xb8;
	[tilespmem:$0x17000] =	vst v63  }
0xa7: {  	_ =	swait.ge [sflag:s16], $0x1000  }
0xa8: {  	s9 =	sadd.s32 $0xCA80, s5;
	[sflag:s16] =	ssyncset.done $0x0  }
0xa9: {  	s13 =	sadd.s32 $0xFFFFFFFE, s11;
	s8 =	rddreg [dreg:$0x4];
	[sflag:s16] =	ssyncadd.s32 $0xFFFFF000  }
0xaa: {  	[spmem:s3] =	stream.indirect.scatter.add.f32 [tilespmem:s8], [sflag:$0xE], $0x20, s9, s17, $0xb8;
	[tilespmem:$0x17000] =	vst v63  }
0xab: {  	p1 =	sgt.u32 s13, $0x4B;
	_ =	swait.ge [sflag:s19], $0x1000  }
0xac: {  	s6 =	sshra.s32 @!p1 s12, $0x2;
	s7 =	simm.s32 @!p1 $0x10000;
	[sflag:s19] =	ssyncset.done $0x0  }
0xad: {  	s6 =	sadd.s32 @!p1 $0xA480, s6;
	s8 =	simm.s32 @!p1 $0x80;
	[sflag:s19] =	ssyncadd.s32 $0xFFFFF000  }
0xae: {  	[tilespmem:s7], [sflag:$0x2] =	stream.indirect.gather @!p1 [spmem:s2], $0x20, s6, s8, $0xb8;
	[tilespmem:$0x17000] =	vst v63  }
0xaf: {  	_ =	swait.ge [sflag:s21], $0x1000  }
0xb0: {  	[sflag:s21] =	ssyncset.done $0x0  }
0xb1: {  	s15 =	sadd.s32 $0xFFFFFFFF, s11;
	s14 =	sadd.s32 $0xCB00, s5;
	[sflag:s21] =	ssyncadd.s32 $0xFFFFF000  }
0xb2: {  	[spmem:s3] =	stream.indirect.scatter.add.f32 [tilespmem:s29], [sflag:$0xF], $0x20, s14, s17, $0xb8;
	[tilespmem:$0x17000] =	vst v63  }
0xb3: {  	s10 =	sadd.s32 $0x1000, s10;
	p1 =	sgt.u32 s15, $0x4B;
	_ =	swait.ge [sflag:s22], $0x1000  }
0xb4: {  	s6 =	sshra.s32 @!p1 s12, $0x2;
	s7 =	simm.s32 @!p1 $0x11000;
	[sflag:s22] =	ssyncset.done $0x0  }
0xb5: {  	s8 =	simm.s32 @!p1 $0x80;
	s6 =	sadd.s32 @!p1 $0xA500, s6;
	[sflag:s22] =	ssyncadd.s32 $0xFFFFF000  }
0xb6: {  	[tilespmem:s7], [sflag:$0x3] =	stream.indirect.gather @!p1 [spmem:s2], $0x20, s6, s8, $0xb8;
	[tilespmem:$0x17000] =	vst v63  }
0xb7: {  	p0 =	sne.s32 s10, $0xA000;
	_ =	swait.ge [sflag:s23], $0x1000  }
.Ltmp0:
0xb8: {  	[sflag:s23] =	ssyncset.done $0x0;
	(pc) =	sbr.rel @p0 .LBB2_2-.Ltmp0, $4  }
0xb9: {  	s5 =	sadd.s32 $0xCB80, s5;
	p1 =	sgt.u32 s11, $0x4B;
	[sflag:s23] =	ssyncadd.s32 $0xFFFFF000  }
0xba: {  	[spmem:s3] =	stream.indirect.scatter.add.f32 [tilespmem:s31], [sflag:$0x10], $0x20, s5, s17, $0xb8;
	[tilespmem:$0x17000] =	vst v63  }
0xbb: {  	s6 =	sshra.s32 @!p1 s12, $0x2;
	s8 =	simm.s32 @!p1 $0x80;
	_ =	swait.ge [sflag:s4], $0x1000  }
0xbc: {  	s7 =	sadd.s32 @!p1 $0xA580, s6;
	s5 =	simm.s32 @!p1 $0x12000;
	[sflag:s4] =	ssyncset.done $0x0  }
0xbd: {  	[sflag:s4] =	ssyncadd.s32 $0xFFFFF000;
	s9 =	simm.s32 $0xD  }
0xbe: {  	[tilespmem:s5], [sflag:$0x4] =	stream.indirect.gather @!p1 [spmem:s2], $0x20, s7, s8, $0xb8;
	[tilespmem:$0x17000] =	vst v63  }
0xbf: {  	_ =	swait.ge [sflag:s9], $0x1000  }
0xc0: {  	[sflag:s9] =	ssyncset.done $0x0  }
0xc1: {  	s10 =	simm.s32 $0xE;
	[sflag:s9] =	ssyncadd.s32 $0xFFFFF000  }
0xc2: {  	_ =	swait.ge [sflag:s10], $0x1000  }
0xc3: {  	[sflag:s10] =	ssyncset.done $0x0  }
0xc4: {  	s11 =	simm.s32 $0xF;
	[sflag:s10] =	ssyncadd.s32 $0xFFFFF000  }
0xc5: {  	_ =	swait.ge [sflag:s11], $0x1000  }
0xc6: {  	[sflag:s11] =	ssyncset.done $0x0  }
0xc7: {  	s12 =	simm.s32 $0x10;
	[sflag:s11] =	ssyncadd.s32 $0xFFFFF000  }
0xc8: {  	_ =	swait.ge [sflag:s12], $0x1000  }
0xc9: {  	[sflag:s12] =	ssyncset.done $0x0  }
0xca: {  	[sflag:s12] =	ssyncadd.s32 $0xFFFFF000  }
0xcb: {  	[bflag:$0x0] =	sbarrier.arrive $0xFFFF  }
0xcc: {  	s6 =	rddreg [dreg:$0x6]  }
0xcd: {  	s13 =	rddreg [dreg:$0xa]  }
0xce: {  	s8 =	simm.s32 $0x11;
	s9 =	rddreg [dreg:$0xd]  }
0xcf: {  	[hbm:s13], [sflag:s6] =	dma.local [spmem:s9], $0xA00  }
0xd0: {  	_ =	swait.ge [sflag:s8], $0xA00  }
0xd1: {  	s14 =	rddreg [dreg:$0xe]  }
0xd2: {  	s15 =	rddreg [dreg:$0xb];
	s7 =	sadd.s32 $0x1, s14  }
0xd3: {  	p0 =	sne.s32 s7, s15  }
.Ltmp1:
0xd4: {  	_ = 	snop;
	(pc) =	sbr.rel @p0 .LBB2_1-.Ltmp1, $3  }
0xd5: {  	_ =	sdelay $0x1  }
0xd6: {  	[sflag:s8] =	ssyncset.done $0x0  }
0xd7: {  	[sflag:s8] =	ssyncadd.s32 $0xFFFFF600  }
0xd8: {  	_ =	sfence.sel $0x180000  }
0xd9: {  	[bflag:$0x0] =	sbarrier.arrive $0xFFFF  }
0xda: {  	_ =	strace $0x9000004D  }
0xdb: {  	s0 =	stileid.u32;
	[bflag:$0x2] =	sbarrier.arrive $0xFFFF  }
0xdc: {  	p0 =	sne.s32 s0, $0x0;
	s0 =	rddreg [dreg:$0x3]  }
0xdd: {  	s0 =	sadd.s32 @!p0 $0x100000, s0  }
0xde: {  	[sflag:s0] =	ssyncadd.tile.s32 @!p0 $0x1;
	_ =	shalt  }
.Lfunc_end2:
_tile_overlayer_lowered:
.L_overlay_start_2:
0xdf: {  	(tag) =	ssettag $0x2  }
0xe0: {  	s0 =	rddreg [dreg:$0x0];
	s2 =	stileid.u32  }
0xe1: {  	s1 =	rddreg [dreg:$0x1];
	p0 =	sne.s32 s2, $0x0  }
0xe2: {  	s3 =	rddreg [dreg:$0x2];
	[bflag:$0x3] =	sbarrier.arrive $0xFFFF;
	s2 =	simm.s32 @!p0 $0x1C11  }
0xe3: {  	[timem:s3], [sflag:s2] =	dma.local @!p0 [hbm:s0], s1  }
0xe4: {  	s0 =	simm.s32 @!p0 $0x11  }
0xe5: {  	_ =	swait.ge @!p0 [sflag:s0], s1  }
0xe6: {  	s1 =	ssub.s32 @!p0 $0x0, s1;
	[sflag:s0] =	ssyncset.done @!p0 $0x0  }
0xe7: {  	[sflag:s0] =	ssyncadd.s32 @!p0 s1  }
0xe8: {  	[bflag:$0x3] =	sbarrier.arrive $0xFFFF  }
0xe9: {  	_ =	shalt  }

// kernel: kernel.20.cloned.1.call-start
scs
__scs_entry_jumppad:
0x0: {  	(pc) =	sbr.rel $0x88, $3  }
0x1: {  	(tag) =	ssettag $0x0;
	lr =	simm.s32 $0x1  }
0x2: {  	[smem:$0x3F94] =	sst lr;
	_ =	strace $0xD0000000  }
0x3: {  	_ = 	snop  }
0x4: {  	_ = 	snop  }
0x5: {  	_ = 	snop  }
0x6: {  	_ = 	snop  }
0x7: {  	_ = 	snop  }
__scs_overlays_trampoline_lowered:
0x8: {  	[smem:$0x3FA3] =	sst s0  }
0x9: {  	[smem:$0x3FA4] =	sst s1  }
0xa: {  	[smem:$0x3FA5] =	sst s2  }
0xb: {  	[smem:$0x3FA6] =	sst s3  }
0xc: {  	[smem:$0x3FA7] =	sst s4  }
0xd: {  	[smem:$0x3FA8] =	sst s5  }
0xe: {  	[smem:$0x3FA9] =	sst s6  }
0xf: {  	[smem:$0x3FAA] =	sst s7  }
0x10: {  	[smem:$0x3FAB] =	sst s8  }
0x11: {  	[smem:$0x3FAC] =	sst s9;
	s0 =	simm.s32 @!p0 $0x0  }
0x12: {  	s1 =	sld [smem:$0x3F92];
	s0 =	simm.s32 @p0 $0x1  }
0x13: {  	[smem:$0x3FAD] =	sst s0;
	s0 =	simm.s32 @!p1 $0x0  }
0x14: {  	s2 =	sld [smem:$0x3F91];
	s0 =	simm.s32 @p1 $0x1  }
0x15: {  	[smem:$0x3FAE] =	sst s0;
	s0 =	simm.s32 @!p2 $0x0  }
0x16: {  	s3 =	sld [smem:$0x3FDB];
	s0 =	simm.s32 @p2 $0x1  }
0x17: {  	s4 =	simm.s32 $0x1BF5;
	[smem:$0x3FB0] =	sst s0  }
0x18: {  	s0 =	sld [smem:$0x3F93];
	_ =	swait.ge [sflag:s4], $0x0  }
0x19: {  	s7 =	sld [smem:$0x3F94]  }
0x1a: {  	s8 =	sadd.s32 $0xFFFFE003, lr  }
0x1b: {  	s9 =	sadd.s32 $0xFFFFFEF7, lr;
	s5 =	simm.s32 $0xFFFFFFFF;
	p2 =	slt.u32 s8, $0xFFFFF086  }
0x1c: {  	p1 =	slt.u32 s9, $0xF7A;
	s5 =	simm.s32 @!p2 $0x0  }
0x1d: {  	s5 =	simm.s32 @p1 $0x1;
	p0 =	seq.s32 s7, s2  }
0x1e: {  	s7 =	smul.u32 @!p0 $0xF7A, s2;
	p2 =	seq.s32 @!p0 s5, $0x0  }
0x1f: {  	s9 =	smul.u32 $0xF7A, s1;
	s8 =	simm.s32 @!p0 $0x1BF5;
	p2 =	por !p2, p0  }
0x20: {  	[sflag:s8] =	ssyncset.s32 @!p0 $0xFFFFF086;
	s6 =	sadd.s32 @!p0 s3, s7;
	s7 =	simm.s32 @!p0 $0x108  }
0x21: {  	s3 =	sadd.s32 s3, s9;
	s6 =	sadd.s32 @!p0 $0x88, s6;
	s7 =	simm.s32 @p2 $0x1082  }
0x22: {  	[simem:s7], [sflag:s8] =	dma.local @!p0 [hbm:s6], $0xF7A  }
0x23: {  	s9 =	sor.u32 $0xD0000000, s2;
	s6 =	simm.s32 $0x108;
	_ =	swait.ge @!p0 [sflag:s8], $0x0  }
0x24: {  	s3 =	sadd.s32 $0x88, s3;
	s6 =	simm.s32 @!p1 $0x1082;
	[sflag:s4] =	ssyncset.s32 $0xFFFFF086  }
0x25: {  	[simem:s6], [sflag:s4] =	dma.local [hbm:s3], $0xF7A  }
0x26: {  	[smem:$0x3F94] =	sst s1;
	(tag) =	ssettag s2;
	_ =	strace s9  }
0x27: {  	s1 =	sld [smem:$0x3FA4]  }
0x28: {  	s2 =	sld [smem:$0x3FA5]  }
0x29: {  	s4 =	sld [smem:$0x3FA7]  }
0x2a: {  	p0 =	seq.s32 s5, $0x0;
	s5 =	sld [smem:$0x3FA8]  }
0x2b: {  	s6 =	sld [smem:$0x3FA9]  }
0x2c: {  	s7 =	sld [smem:$0x3FAA]  }
0x2d: {  	s3 =	simm.s32 $0x108;
	s8 =	sld [smem:$0x3FAB]  }
0x2e: {  	s3 =	simm.s32 @!p0 $0x1082;
	s9 =	sld [smem:$0x3FAC]  }
0x2f: {  	lr =	sadd.s32 s0, s3;
	s0 =	sld [smem:$0x3FA3]  }
0x30: {  	s3 =	sld [smem:$0x3FA6]  }
0x31: {  	[smem:$0x3FAF] =	sst s10  }
0x32: {  	s10 =	sld [smem:$0x3FAD];
	_ =	sdelay $0x3  }
0x33: {  	p0 =	seq.s32 s10, $0x1;
	s10 =	sld [smem:$0x3FAF];
	_ =	sdelay $0x3  }
0x34: {  	[smem:$0x3FAF] =	sst s10  }
0x35: {  	s10 =	sld [smem:$0x3FAE];
	_ =	sdelay $0x3  }
0x36: {  	p1 =	seq.s32 s10, $0x1;
	s10 =	sld [smem:$0x3FAF];
	_ =	sdelay $0x3  }
0x37: {  	[smem:$0x3FAF] =	sst s10  }
0x38: {  	s10 =	sld [smem:$0x3FB0]  }
0x39: {  	_ = 	snop;
	(pc) =	sbr.ind lr, $3  }
0x3a: {  	_ = 	snop  }
0x3b: {  	_ = 	snop  }
0x3c: {  	p2 =	seq.s32 s10, $0x1;
	s10 =	sld [smem:$0x3FAF]  }
0x3d: {  	_ =	shalt  }
0x3e: {  	_ =	shalt  }
0x3f: {  	_ =	shalt  }
0x40: {  	_ =	shalt  }
0x41: {  	_ =	shalt  }
0x42: {  	_ =	shalt  }
0x43: {  	_ =	shalt  }
0x44: {  	_ =	shalt  }
0x45: {  	_ =	shalt  }
0x46: {  	_ =	shalt  }
0x47: {  	_ =	shalt  }
0x48: {  	_ =	shalt  }
0x49: {  	_ =	shalt  }
0x4a: {  	_ =	shalt  }
0x4b: {  	_ =	shalt  }
0x4c: {  	_ =	shalt  }
0x4d: {  	_ =	shalt  }
0x4e: {  	_ =	shalt  }
0x4f: {  	_ =	shalt  }
0x50: {  	_ =	shalt  }
0x51: {  	_ =	shalt  }
0x52: {  	_ =	shalt  }
0x53: {  	_ =	shalt  }
0x54: {  	_ =	shalt  }
0x55: {  	_ =	shalt  }
0x56: {  	_ =	shalt  }
0x57: {  	_ =	shalt  }
0x58: {  	_ =	shalt  }
0x59: {  	_ =	shalt  }
0x5a: {  	_ =	shalt  }
0x5b: {  	_ =	shalt  }
0x5c: {  	_ =	shalt  }
0x5d: {  	_ =	shalt  }
0x5e: {  	_ =	shalt  }
0x5f: {  	_ =	shalt  }
0x60: {  	_ =	shalt  }
0x61: {  	_ =	shalt  }
0x62: {  	_ =	shalt  }
0x63: {  	_ =	shalt  }
0x64: {  	_ =	shalt  }
0x65: {  	_ =	shalt  }
0x66: {  	_ =	shalt  }
0x67: {  	_ =	shalt  }
0x68: {  	_ =	shalt  }
0x69: {  	_ =	shalt  }
0x6a: {  	_ =	shalt  }
0x6b: {  	_ =	shalt  }
0x6c: {  	_ =	shalt  }
0x6d: {  	_ =	shalt  }
0x6e: {  	_ =	shalt  }
0x6f: {  	_ =	shalt  }
0x70: {  	_ =	shalt  }
0x71: {  	_ =	shalt  }
0x72: {  	_ =	shalt  }
0x73: {  	_ =	shalt  }
0x74: {  	_ =	shalt  }
0x75: {  	_ =	shalt  }
0x76: {  	_ =	shalt  }
0x77: {  	_ =	shalt  }
0x78: {  	_ =	shalt  }
0x79: {  	_ =	shalt  }
0x7a: {  	_ =	shalt  }
0x7b: {  	_ =	shalt  }
0x7c: {  	_ =	shalt  }
0x7d: {  	_ =	shalt  }
0x7e: {  	_ =	shalt  }
0x7f: {  	_ =	shalt  }
0x80: {  	_ =	shalt  }
0x81: {  	_ =	shalt  }
0x82: {  	_ =	shalt  }
0x83: {  	_ =	shalt  }
0x84: {  	_ =	shalt  }
0x85: {  	_ =	shalt  }
0x86: {  	_ =	shalt  }
0x87: {  	_ =	shalt  }
.Lfunc_end0:
.L_simem_size_0:
called_computation.3_lowered:
.L_overlay_start_0:
0x88: {  	s2 =	sld [smem:$0x3FD9]  }
0x89: {  	s3 =	sld [smem:$0x3FFE];
	_ =	sdelay $0x1  }
0x8a: {  	s1 =	srdreg.scid  }
0x8b: {  	s0 =	sand.u32 $0x1, s1  }
0x8c: {  	s16 =	sshll.u32 s0, $0xA;
	s2 =	sadd.s32 s3, s2  }
0x8d: {  	s2 =	sadd.s32 s2, s16  }
0x8e: {  	[smem:$0x3FBB] =	sst s2  }
0x8f: {  	_ = 	snop  }
0x90: {  	(tm) =	ssettm $0x1  }
0x91: {  	s17 =	sld [smem:$0x3FFB];
	_ =	sdelay $0x3  }
0x92: {  	_ =	strace s17  }
0x93: {  	s2 =	sld [smem:$0x3FFC];
	_ =	sdelay $0x3  }
0x94: {  	_ =	strace s2  }
0x95: {  	s2 =	sld [smem:$0x3FFD];
	_ =	sdelay $0x3  }
0x96: {  	_ =	strace s2  }
0x97: {  	_ =	strace $0x8FFFFFFF  }
0x98: {  	s18 =	sld [smem:$0x3FDB];
	_ =	sdelay $0x1  }
0x99: {  	s19 =	simm.s32 $_scs_section_size  }
0x9a: {  	s4 =	simm.s32 $_size__tile_overlayer_lowered;
	s5 =	simm.s32 $_tile_overlayer_lowered  }
0x9b: {  	s22 =	simm.s32 $0x1BFF;
	s21 =	sshll.u32 s5, $0x1;
	s2 =	sadd.s32 s19, s18  }
0x9c: {  	s6 =	simm.s32 $0x0;
	s20 =	sshll.u32 s4, $0x1;
	s4 =	sadd.s32 s21, s2  }
0x9d: {  	[timem:s6], [sflag:s22] =	dma.local [hbm:s4], s20  }
0x9e: {  	_ =	swait.ge [sflag:s22], s20  }
0x9f: {  	s3 =	ssub.s32 $0x0, s20;
	[sflag:s22] =	ssyncset.done $0x0  }
0xa0: {  	[sflag:s22] =	ssyncadd.s32 s3;
	_ =	sdelay $0x1  }
0xa1: {  	s23 =	simm.s32 $0x1B8B  }
0xa2: {  	_ =	swait.ge [sflag:s23], $0x1  }
0xa3: {  	[sflag:s23] =	ssyncset.done $0x0  }
0xa4: {  	s25 =	simm.s32 $0x1B8E;
	s24 =	sld [smem:$0x3FFE];
	[sflag:s23] =	ssyncadd.s32 $0xFFFFFFFF  }
0xa5: {  	s26 =	simm.s32 $execute0_lowered;
	[smem:$0x3FD2] =	sst s25  }
0xa6: {  	s4 =	sshll.u32 s26, $0x1;
	_ =	strace $0x8000004F;
	[dreg:$0x1] =	wrdreg $0xFFFFFFFF  }
0xa7: {  	s28 =	simm.s32 $_size_execute0_lowered;
	s2 =	sadd.s32 s2, s4;
	[dreg:$0x0] =	wrdreg $0x0  }
0xa8: {  	s4 =	sshll.u32 s28, $0x1;
	[dreg:$0x2] =	wrdreg s2  }
0xa9: {  	[dreg:$0x3] =	wrdreg s4  }
0xaa: {  	[dreg:$0x4] =	wrdreg $0xC0  }
0xab: {  	_ =	task [dreg:s6], $0x5FFFF  }
0xac: {  	[dreg:$0x1] =	wrdreg $0xFFFFFFFF  }
0xad: {  	[dreg:$0x0] =	wrdreg $0x60  }
0xae: {  	[dreg:$0x2] =	wrdreg s24  }
0xaf: {  	[dreg:$0x3] =	wrdreg $0x50000  }
0xb0: {  	[dreg:$0x4] =	wrdreg $0x0  }
0xb1: {  	[dreg:$0x5] =	wrdreg $0x9  }
0xb2: {  	_ =	task.clear_ibuf [dreg:s6], $0x6FFFF;
	_ =	strace $0x9000004F  }
0xb3: {  	s29 =	simm.s32 $0x9;
	_ =	strace $0x80000051  }
0xb4: {  	_ =	swait.ge [sflag:s29], $0x1  }
0xb5: {  	[sflag:s29] =	ssyncadd.s32 $0xFFFFFFFF  }
0xb6: {  	_ =	strace $0x90000051  }
0xb7: {  	_ =	sfence  }
0xb8: {  	s30 =	sld [smem:$0x0];
	_ =	sdelay $0x2  }
0xb9: {  	s31 =	sshll.u32 s1, $0xD;
	s1 =	sshrl.u32 s1, $0x2  }
0xba: {  	s3 =	sand.u32 $0x4000, s31;
	s1 =	sadd.s32 s1, s30  }
0xbb: {  	s0 =	sor.u32 s3, s0;
	s1 =	sshll.u32 s1, $0x11  }
0xbc: {  	s0 =	sor.u32 s1, s0  }
0xbd: {  	s0 =	sadd.s32 $0x8F2B, s0  }
0xbe: {  	[sflag:s0] =	ssyncadd.remote.s32 $0x1  }
0xbf: {  	_ =	sfence.sel $0xFFFF  }
0xc0: {  	[dreg:$0x0] =	wrdreg $0xFFFFFFFF;
	(pc) =	sbr.abs _section_cstart, $3  }
0xc1: {  	[dreg:$0x1] =	wrdreg $0xFFFFFFFF  }
0xc2: {  	_ =	task.clear_ibuf [dreg:s6], $0x2FFFF;
	_ =	strace $0x9FFFFFFF  }
0xc3: {  	(tm) =	ssettm $0x7FFFFFFF  }
tec
execute0_lowered:
.L_overlay_start_1:
0x0: {  	(tag) =	ssettag $0x1  }
0x1: {  	s4 =	rddreg [dreg:$0x0]  }
0x2: {  	s0 =	srdreg.scid;
	s2 =	rddreg [dreg:$0x1]  }
0x3: {  	s9 =	stileid.u32;
	s3 =	rddreg [dreg:$0x2];
	s7 =	simm.s32 $0x0  }
0x4: {  	s17 =	simm.s32 $0x80;
	s18 =	simm.s32 $0xF000;
	s26 =	simm.s32 $0x14000  }
0x5: {  	s28 =	simm.s32 $0x2;
	s29 =	simm.s32 $0x15000;
	s30 =	simm.s32 $0x4  }
0x6: {  	s31 =	simm.s32 $0x16000;
	s16 =	simm.s32 $0x6;
	s0 =	sand.u32 $0x1, s0  }
0x7: {  	s5 =	smul.u32 $0x5000, s9;
	[smem:$0x7FF] =	sst s7;
	s21 =	sshll.u32 s9, $0x6  }
0x8: {  	s1 =	sshll.u32 s0, $0x4;
	s6 =	smul.u32 $0x50000, s0;
	_ =	strace $0x80000050  }
0x9: {  	s0 =	ssub.s32 $0x2, s0;
	[dreg:$0x4] =	wrdreg s26;
	s26 =	simm.s32 $0x13000  }
0xa: {  	s1 =	sor.u32 s9, s1;
	s19 =	sshrl.u32 s5, $0x3;
	s20 =	sshrl.u32 s0, $0x1  }
0xb: {  	s8 =	sadd.s32 s5, s2;
	s1 =	smul.u32 $0x500, s1;
	s6 =	sadd.s32 s5, s6  }
0xc: {  	s7 =	sadd.s32 s19, s4;
	s0 =	ssub.s32 s0, s20;
	s5 =	sadd.s32 s5, s3  }
0xd: {  	s25 =	sshrl.u32 s8, $0x3;
	s8 =	simm.s32 $0x11;
	s20 =	simm.s32 $0x10000  }
0xe: {  	s19 =	simm.s32 $0xA;
	s22 =	sadd.s32 $0xDC00, s7;
	[dreg:$0xc] =	wrdreg s25  }
0xf: {  	s6 =	sshrl.u32 s6, $0x3;
	s7 =	sadd.s32 $0x17C00, s7;
	[dreg:$0x5] =	wrdreg s22  }
0x10: {  	s0 =	smax.u32 s0, $0x1;
	s9 =	sshrl.u32 s5, $0x3;
	[dreg:$0x7] =	wrdreg s7  }
0x11: {  	s25 =	simm.s32 $0x1;
	s1 =	sadd.s32 s1, s4;
	[dreg:$0xb] =	wrdreg s0  }
0x12: {  	s4 =	sadd.s32 s6, s4;
	s6 =	sor.u32 $0x1C11, s21;
	[dreg:$0xd] =	wrdreg s9  }
0x13: {  	s0 =	simm.s32 $0x9;
	s23 =	sadd.s32 $0x26E00, s1;
	[dreg:$0x6] =	wrdreg s6  }
0x14: {  	s21 =	simm.s32 $0x7;
	s1 =	sadd.s32 $0x3C00, s1;
	[dreg:$0x8] =	wrdreg s23  }
0x15: {  	s22 =	simm.s32 $0xB;
	s24 =	sadd.s32 $0x30E00, s4;
	[dreg:$0x9] =	wrdreg s1  }
0x16: {  	s7 =	simm.s32 $0x0;
	s4 =	simm.s32 $0xC;
	[dreg:$0xa] =	wrdreg s24  }
0x17: {  	s24 =	simm.s32 $0x12000;
	s1 =	simm.s32 $0x5;
	s23 =	simm.s32 $0x8  }
.LBB2_1:
0x18: {  	[dreg:$0xe] =	wrdreg s7  }
0x19: {  	s5 =	rddreg [dreg:$0x5]  }
0x1a: {  	s15 =	rddreg [dreg:$0xc]  }
0x1b: {  	[spmem:s15], [sflag:s6] =	dma.local [hbm:s5], $0xA00  }
0x1c: {  	_ =	swait.ge [sflag:s8], $0xA00  }
0x1d: {  	[sflag:s8] =	ssyncset.done $0x0  }
0x1e: {  	s10 =	rddreg [dreg:$0x7];
	[sflag:s8] =	ssyncadd.s32 $0xFFFFF600  }
0x1f: {  	[spmem:s9], [sflag:s6] =	dma.local [hbm:s10], $0xA00  }
0x20: {  	_ =	swait.ge [sflag:s8], $0xA00  }
0x21: {  	s11 =	simm.s32 $0x0;
	[sflag:s8] =	ssyncset.done $0x0  }
0x22: {  	s13 =	simm.s32 $0xA000;
	s12 =	rddreg [dreg:$0x8];
	[sflag:s8] =	ssyncadd.s32 $0xFFFFF600  }
0x23: {  	[tilespmem:s13], [sflag:$0x11] =	stream.linear.gather [hbm4b:s12+s11], $0x2800, $0x38;
	[tilespmem:$0x17000] =	vst v63  }
0x24: {  	_ =	swait.ge [sflag:s8], $0x2800  }
0x25: {  	[sflag:s8] =	ssyncset.done $0x0  }
0x26: {  	s15 =	simm.s32 $0xC800;
	s14 =	rddreg [dreg:$0x9];
	[sflag:s8] =	ssyncadd.s32 $0xFFFFD800  }
0x27: {  	[tilespmem:s15], [sflag:$0x11] =	stream.linear.gather [hbm4b:s14+s11], $0x2800, $0x38;
	[tilespmem:$0x17000] =	vst v63  }
0x28: {  	_ =	swait.ge [sflag:s8], $0x2800  }
0x29: {  	[sflag:s8] =	ssyncset.done $0x0  }
0x2a: {  	[sflag:s8] =	ssyncadd.s32 $0xFFFFD800  }
0x2b: {  	[bflag:$0x0] =	sbarrier.arrive $0xFFFF  }
0x2c: {  	[tilespmem:s18], [sflag:$0x1] =	stream.indirect.gather [spmem:s2], $0x20, s13, s17, $0xb8;
	[tilespmem:$0x17000] =	vst v63  }
0x2d: {  	s10 =	simm.s32 $0xA080  }
0x2e: {  	[tilespmem:s20], [sflag:$0x2] =	stream.indirect.gather [spmem:s2], $0x20, s10, s17, $0xb8;
	[tilespmem:$0x17000] =	vst v63  }
0x2f: {  	s12 =	simm.s32 $0x11000;
	s11 =	simm.s32 $0xA100  }
0x30: {  	[tilespmem:s12], [sflag:$0x3] =	stream.indirect.gather [spmem:s2], $0x20, s11, s17, $0xb8;
	[tilespmem:$0x17000] =	vst v63  }
0x31: {  	s13 =	simm.s32 $0xA180  }
0x32: {  	[tilespmem:s24], [sflag:$0x4] =	stream.indirect.gather [spmem:s2], $0x20, s13, s17, $0xb8;
	[tilespmem:$0x17000] =	vst v63  }
0x33: {  	_ =	swait.ge [sflag:s25], $0x1000  }
0x34: {  	p0 =	por $0x1, $0x1;
	[sflag:s25] =	ssyncset.done $0x0  }
0x35: {  	s7 =	simm.s32 @!p0 $0xD;
	s14 =	simm.s32 $0xC800;
	[sflag:s25] =	ssyncadd.s32 $0xFFFFF000  }
0x36: {  	[spmem:s3] =	stream.indirect.scatter.add.f32 [tilespmem:s18], [sflag:$0x9], $0x20, s14, s17, $0xb8;
	[tilespmem:$0x17000] =	vst v63  }
0x37: {  	_ =	swait.ge @!p0 [sflag:s7], $0x1000  }
0x38: {  	[sflag:s7] =	ssyncset.done @!p0 $0x0  }
0x39: {  	s15 =	simm.s32 $0xA200;
	[sflag:s7] =	ssyncadd.s32 @!p0 $0xFFFFF000  }
0x3a: {  	[tilespmem:s26], [sflag:$0x5] =	stream.indirect.gather [spmem:s2], $0x20, s15, s17, $0xb8;
	[tilespmem:$0x17000] =	vst v63  }
0x3b: {  	_ =	swait.ge [sflag:s28], $0x1000  }
0x3c: {  	[sflag:s28] =	ssyncset.done $0x0  }
0x3d: {  	s5 =	simm.s32 @p0 $0xA280;
	s6 =	simm.s32 $0xC880;
	[sflag:s28] =	ssyncadd.s32 $0xFFFFF000  }
0x3e: {  	[spmem:s3] =	stream.indirect.scatter.add.f32 [tilespmem:s20], [sflag:$0xA], $0x20, s6, s17, $0xb8;
	[tilespmem:$0x17000] =	vst v63  }
0x3f: {  	s8 =	simm.s32 @p0 $0x14000;
	s10 =	simm.s32 @p0 $0x3;
	s7 =	simm.s32 @p0 $0x80  }
0x40: {  	[tilespmem:s8], [sflag:$0x6] =	stream.indirect.gather @p0 [spmem:s2], $0x20, s5, s7, $0xb8;
	[tilespmem:$0x17000] =	vst v63  }
0x41: {  	_ =	swait.ge @p0 [sflag:s10], $0x1000  }
0x42: {  	s5 =	simm.s32 @p0 $0xC900;
	[sflag:s10] =	ssyncset.done @p0 $0x0  }
0x43: {  	s8 =	simm.s32 @p0 $0x11000;
	[sflag:s10] =	ssyncadd.s32 @p0 $0xFFFFF000;
	s10 =	simm.s32 @!p0 $0xE  }
0x44: {  	[spmem:s3] =	stream.indirect.scatter.add.f32 @p0 [tilespmem:s8], [sflag:$0xB], $0x20, s5, s7, $0xb8;
	[tilespmem:$0x17000] =	vst v63  }
0x45: {  	_ =	swait.ge @!p0 [sflag:s10], $0x1000  }
0x46: {  	s5 =	simm.s32 @!p0 $0xA280;
	s7 =	simm.s32 @!p0 $0x80;
	[sflag:s10] =	ssyncset.done @!p0 $0x0  }
0x47: {  	s8 =	simm.s32 @!p0 $0x14000;
	[sflag:s10] =	ssyncadd.s32 @!p0 $0xFFFFF000;
	s10 =	simm.s32 @!p0 $0x3  }
0x48: {  	[tilespmem:s8], [sflag:$0x6] =	stream.indirect.gather @!p0 [spmem:s2], $0x20, s5, s7, $0xb8;
	[tilespmem:$0x17000] =	vst v63  }
0x49: {  	_ =	swait.ge @!p0 [sflag:s10], $0x1000  }
0x4a: {  	s5 =	simm.s32 @!p0 $0xC900;
	[sflag:s10] =	ssyncset.done @!p0 $0x0  }
0x4b: {  	s8 =	simm.s32 @!p0 $0x11000;
	[sflag:s10] =	ssyncadd.s32 @!p0 $0xFFFFF000;
	s10 =	simm.s32 @!p0 $0xF  }
0x4c: {  	[spmem:s3] =	stream.indirect.scatter.add.f32 @!p0 [tilespmem:s8], [sflag:$0xB], $0x20, s5, s7, $0xb8;
	[tilespmem:$0x17000] =	vst v63  }
0x4d: {  	_ =	swait.ge @!p0 [sflag:s10], $0x1000  }
0x4e: {  	[sflag:s10] =	ssyncset.done @!p0 $0x0  }
0x4f: {  	s8 =	simm.s32 $0xA300;
	[sflag:s10] =	ssyncadd.s32 @!p0 $0xFFFFF000  }
0x50: {  	[tilespmem:s29], [sflag:$0x7] =	stream.indirect.gather [spmem:s2], $0x20, s8, s17, $0xb8;
	[tilespmem:$0x17000] =	vst v63  }
0x51: {  	_ =	swait.ge [sflag:s30], $0x1000  }
0x52: {  	[sflag:s30] =	ssyncset.done $0x0  }
0x53: {  	s9 =	simm.s32 $0xC980;
	s7 =	simm.s32 @!p0 $0x10;
	[sflag:s30] =	ssyncadd.s32 $0xFFFFF000  }
0x54: {  	[spmem:s3] =	stream.indirect.scatter.add.f32 [tilespmem:s24], [sflag:$0xC], $0x20, s9, s17, $0xb8;
	[tilespmem:$0x17000] =	vst v63  }
0x55: {  	_ =	swait.ge @!p0 [sflag:s7], $0x1000  }
0x56: {  	[sflag:s7] =	ssyncset.done @!p0 $0x0  }
0x57: {  	s10 =	simm.s32 $0xA380;
	[sflag:s7] =	ssyncadd.s32 @!p0 $0xFFFFF000  }
0x58: {  	[tilespmem:s31], [sflag:$0x8] =	stream.indirect.gather [spmem:s2], $0x20, s10, s17, $0xb8;
	[tilespmem:$0x17000] =	vst v63  }
0x59: {  	_ =	swait.ge [sflag:s1], $0x1000  }
0x5a: {  	[sflag:s1] =	ssyncset.done $0x0  }
0x5b: {  	s11 =	simm.s32 $0xCA00;
	[sflag:s1] =	ssyncadd.s32 $0xFFFFF000  }
0x5c: {  	[spmem:s3] =	stream.indirect.scatter.add.f32 [tilespmem:s26], [sflag:$0xD], $0x20, s11, s17, $0xb8;
	[tilespmem:$0x17000] =	vst v63  }
0x5d: {  	p0 =	por $0x0, $0x0;
	_ =	swait.ge [sflag:s0], $0x1000  }
0x5e: {  	s5 =	simm.s32 @!p0 $0xF000;
	[sflag:s0] =	ssyncset.done $0x0  }
0x5f: {  	s7 =	simm.s32 @!p0 $0xA400;
	s8 =	simm.s32 @!p0 $0x80;
	[sflag:s0] =	ssyncadd.s32 $0xFFFFF000  }
0x60: {  	[tilespmem:s5], [sflag:$0x1] =	stream.indirect.gather @!p0 [spmem:s2], $0x20, s7, s8, $0xb8;
	[tilespmem:$0x17000] =	vst v63  }
0x61: {  	_ =	swait.ge [sflag:s16], $0x1000  }
0x62: {  	[sflag:s16] =	ssyncset.done $0x0  }
0x63: {  	s13 =	simm.s32 $0xCA80;
	s12 =	rddreg [dreg:$0x4];
	[sflag:s16] =	ssyncadd.s32 $0xFFFFF000  }
0x64: {  	[spmem:s3] =	stream.indirect.scatter.add.f32 [tilespmem:s12], [sflag:$0xE], $0x20, s13, s17, $0xb8;
	[tilespmem:$0x17000] =	vst v63  }
0x65: {  	p0 =	por $0x0, $0x0;
	_ =	swait.ge [sflag:s19], $0x1000  }
0x66: {  	s5 =	simm.s32 @!p0 $0x10000;
	[sflag:s19] =	ssyncset.done $0x0  }
0x67: {  	s7 =	simm.s32 @!p0 $0xA480;
	s8 =	simm.s32 @!p0 $0x80;
	[sflag:s19] =	ssyncadd.s32 $0xFFFFF000  }
0x68: {  	[tilespmem:s5], [sflag:$0x2] =	stream.indirect.gather @!p0 [spmem:s2], $0x20, s7, s8, $0xb8;
	[tilespmem:$0x17000] =	vst v63  }
0x69: {  	_ =	swait.ge [sflag:s21], $0x1000  }
0x6a: {  	[sflag:s21] =	ssyncset.done $0x0  }
0x6b: {  	s14 =	simm.s32 $0xCB00;
	[sflag:s21] =	ssyncadd.s32 $0xFFFFF000  }
0x6c: {  	[spmem:s3] =	stream.indirect.scatter.add.f32 [tilespmem:s29], [sflag:$0xF], $0x20, s14, s17, $0xb8;
	[tilespmem:$0x17000] =	vst v63  }
0x6d: {  	p0 =	por $0x0, $0x0;
	_ =	swait.ge [sflag:s22], $0x1000  }
0x6e: {  	s5 =	simm.s32 @!p0 $0x11000;
	[sflag:s22] =	ssyncset.done $0x0  }
0x6f: {  	s7 =	simm.s32 @!p0 $0xA500;
	s8 =	simm.s32 @!p0 $0x80;
	[sflag:s22] =	ssyncadd.s32 $0xFFFFF000  }
0x70: {  	[tilespmem:s5], [sflag:$0x3] =	stream.indirect.gather @!p0 [spmem:s2], $0x20, s7, s8, $0xb8;
	[tilespmem:$0x17000] =	vst v63  }
0x71: {  	_ =	swait.ge [sflag:s23], $0x1000  }
0x72: {  	p1 =	por $0x0, $0x0;
	[sflag:s23] =	ssyncset.done $0x0  }
0x73: {  	s15 =	simm.s32 $0xCB80;
	s10 =	simm.s32 $0x1000;
	[sflag:s23] =	ssyncadd.s32 $0xFFFFF000  }
0x74: {  	[spmem:s3] =	stream.indirect.scatter.add.f32 [tilespmem:s31], [sflag:$0x10], $0x20, s15, s17, $0xb8;
	[tilespmem:$0x17000] =	vst v63  }
0x75: {  	s11 =	simm.s32 $0x7;
	s5 =	simm.s32 @!p1 $0x12000;
	_ =	swait.ge [sflag:s4], $0x1000  }
0x76: {  	s7 =	simm.s32 @!p1 $0xA580;
	s8 =	simm.s32 @!p1 $0x80;
	[sflag:s4] =	ssyncset.done $0x0  }
.LBB2_2:
0x77: {  	[sflag:s4] =	ssyncadd.s32 $0xFFFFF000  }
0x78: {  	[tilespmem:s5], [sflag:$0x4] =	stream.indirect.gather @!p1 [spmem:s2], $0x20, s7, s8, $0xb8;
	[tilespmem:$0x17000] =	vst v63  }
0x79: {  	s12 =	smov.u32 s10;
	_ =	swait.ge [sflag:s25], $0x1000  }
0x7a: {  	s5 =	sshra.s32 s12, $0x2;
	p1 =	seq.s32 s12, $0x0;
	[sflag:s25] =	ssyncset.done $0x0  }
0x7b: {  	s6 =	sadd.s32 $0xC800, s5;
	s8 =	simm.s32 @!p1 $0xD;
	[sflag:s25] =	ssyncadd.s32 $0xFFFFF000  }
0x7c: {  	[spmem:s3] =	stream.indirect.scatter.add.f32 [tilespmem:s18], [sflag:$0x9], $0x20, s6, s17, $0xb8;
	[tilespmem:$0x17000] =	vst v63  }
0x7d: {  	_ =	swait.ge @!p1 [sflag:s8], $0x1000  }
0x7e: {  	[sflag:s8] =	ssyncset.done @!p1 $0x0  }
0x7f: {  	s14 =	sadd.s32 $0xA200, s5;
	[sflag:s8] =	ssyncadd.s32 @!p1 $0xFFFFF000  }
0x80: {  	[tilespmem:s26], [sflag:$0x5] =	stream.indirect.gather [spmem:s2], $0x20, s14, s17, $0xb8;
	[tilespmem:$0x17000] =	vst v63  }
0x81: {  	_ =	swait.ge [sflag:s28], $0x1000  }
0x82: {  	s15 =	sshra.s32 @p1 s12, $0x2;
	[sflag:s28] =	ssyncset.done $0x0  }
0x83: {  	s13 =	simm.s32 @p1 $0x80;
	s14 =	sadd.s32 $0xC880, s5;
	[sflag:s28] =	ssyncadd.s32 $0xFFFFF000  }
0x84: {  	[spmem:s3] =	stream.indirect.scatter.add.f32 [tilespmem:s20], [sflag:$0xA], $0x20, s14, s17, $0xb8;
	[tilespmem:$0x17000] =	vst v63  }
0x85: {  	s9 =	simm.s32 @p1 $0x14000;
	s7 =	sadd.s32 @p1 $0xA280, s15;
	s14 =	simm.s32 @p1 $0x3  }
0x86: {  	[tilespmem:s9], [sflag:$0x6] =	stream.indirect.gather @p1 [spmem:s2], $0x20, s7, s13, $0xb8;
	[tilespmem:$0x17000] =	vst v63  }
0x87: {  	_ =	swait.ge @p1 [sflag:s14], $0x1000  }
0x88: {  	s15 =	sadd.s32 @p1 $0xC900, s15;
	[sflag:s14] =	ssyncset.done @p1 $0x0  }
0x89: {  	s7 =	simm.s32 @p1 $0x11000;
	s9 =	simm.s32 @!p1 $0xE;
	[sflag:s14] =	ssyncadd.s32 @p1 $0xFFFFF000  }
0x8a: {  	[spmem:s3] =	stream.indirect.scatter.add.f32 @p1 [tilespmem:s7], [sflag:$0xB], $0x20, s15, s13, $0xb8;
	[tilespmem:$0x17000] =	vst v63  }
0x8b: {  	s6 =	sshra.s32 @!p1 s12, $0x2;
	_ =	swait.ge @!p1 [sflag:s9], $0x1000  }
0x8c: {  	s8 =	sadd.s32 @!p1 $0xA280, s6;
	s7 =	simm.s32 @!p1 $0x80;
	[sflag:s9] =	ssyncset.done @!p1 $0x0  }
0x8d: {  	s13 =	simm.s32 @!p1 $0x14000;
	[sflag:s9] =	ssyncadd.s32 @!p1 $0xFFFFF000;
	s9 =	simm.s32 @!p1 $0x3  }
0x8e: {  	[tilespmem:s13], [sflag:$0x6] =	stream.indirect.gather @!p1 [spmem:s2], $0x20, s8, s7, $0xb8;
	[tilespmem:$0x17000] =	vst v63  }
0x8f: {  	_ =	swait.ge @!p1 [sflag:s9], $0x1000  }
0x90: {  	s6 =	sadd.s32 @!p1 $0xC900, s6;
	[sflag:s9] =	ssyncset.done @!p1 $0x0  }
0x91: {  	s8 =	simm.s32 @!p1 $0x11000;
	[sflag:s9] =	ssyncadd.s32 @!p1 $0xFFFFF000;
	s9 =	simm.s32 @!p1 $0xF  }
0x92: {  	[spmem:s3] =	stream.indirect.scatter.add.f32 @!p1 [tilespmem:s8], [sflag:$0xB], $0x20, s6, s7, $0xb8;
	[tilespmem:$0x17000] =	vst v63  }
0x93: {  	_ =	swait.ge @!p1 [sflag:s9], $0x1000  }
0x94: {  	[sflag:s9] =	ssyncset.done @!p1 $0x0  }
0x95: {  	s8 =	sadd.s32 $0xA300, s5;
	[sflag:s9] =	ssyncadd.s32 @!p1 $0xFFFFF000  }
0x96: {  	[tilespmem:s29], [sflag:$0x7] =	stream.indirect.gather [spmem:s2], $0x20, s8, s17, $0xb8;
	[tilespmem:$0x17000] =	vst v63  }
0x97: {  	_ =	swait.ge [sflag:s30], $0x1000  }
0x98: {  	[sflag:s30] =	ssyncset.done $0x0  }
0x99: {  	s7 =	simm.s32 @!p1 $0x10;
	s9 =	sadd.s32 $0xC980, s5;
	[sflag:s30] =	ssyncadd.s32 $0xFFFFF000  }
0x9a: {  	[spmem:s3] =	stream.indirect.scatter.add.f32 [tilespmem:s24], [sflag:$0xC], $0x20, s9, s17, $0xb8;
	[tilespmem:$0x17000] =	vst v63  }
0x9b: {  	_ =	swait.ge @!p1 [sflag:s7], $0x1000  }
0x9c: {  	[sflag:s7] =	ssyncset.done @!p1 $0x0  }
0x9d: {  	s13 =	sadd.s32 $0xA380, s5;
	[sflag:s7] =	ssyncadd.s32 @!p1 $0xFFFFF000  }
0x9e: {  	[tilespmem:s31], [sflag:$0x8] =	stream.indirect.gather [spmem:s2], $0x20, s13, s17, $0xb8;
	[tilespmem:$0x17000] =	vst v63  }
0x9f: {  	_ =	swait.ge [sflag:s1], $0x1000  }
0xa0: {  	s11 =	sadd.s32 $0x8, s11;
	[sflag:s1] =	ssyncset.done $0x0  }
0xa1: {  	s14 =	sadd.s32 $0xCA00, s5;
	s15 =	sadd.s32 $0xFFFFFFFD, s11;
	[sflag:s1] =	ssyncadd.s32 $0xFFFFF000  }
0xa2: {  	[spmem:s3] =	stream.indirect.scatter.add.f32 [tilespmem:s26], [sflag:$0xD], $0x20, s14, s17, $0xb8;
	[tilespmem:$0x17000] =	vst v63  }
0xa3: {  	p1 =	sgt.u32 s15, $0x4B;
	_ =	swait.ge [sflag:s0], $0x1000  }
0xa4: {  	s6 =	sshra.s32 @!p1 s12, $0x2;
	s7 =	simm.s32 @!p1 $0xF000;
	[sflag:s0] =	ssyncset.done $0x0  }
0xa5: {  	s8 =	simm.s32 @!p1 $0x80;
	s6 =	sadd.s32 @!p1 $0xA400, s6;
	[sflag:s0] =	ssyncadd.s32 $0xFFFFF000  }
0xa6: {  	[tilespmem:s7], [sflag:$0x1] =	stream.indirect.gather @!p1 [spmem:s2], $0x20, s6, s8, $0xb8;
	[tilespmem:$0x17000] =	vst v63  }
0xa7: {  	_ =	swait.ge [sflag:s16], $0x1000  }
0xa8: {  	s9 =	sadd.s32 $0xCA80, s5;
	[sflag:s16] =	ssyncset.done $0x0  }
0xa9: {  	s13 =	sadd.s32 $0xFFFFFFFE, s11;
	s8 =	rddreg [dreg:$0x4];
	[sflag:s16] =	ssyncadd.s32 $0xFFFFF000  }
0xaa: {  	[spmem:s3] =	stream.indirect.scatter.add.f32 [tilespmem:s8], [sflag:$0xE], $0x20, s9, s17, $0xb8;
	[tilespmem:$0x17000] =	vst v63  }
0xab: {  	p1 =	sgt.u32 s13, $0x4B;
	_ =	swait.ge [sflag:s19], $0x1000  }
0xac: {  	s6 =	sshra.s32 @!p1 s12, $0x2;
	s7 =	simm.s32 @!p1 $0x10000;
	[sflag:s19] =	ssyncset.done $0x0  }
0xad: {  	s6 =	sadd.s32 @!p1 $0xA480, s6;
	s8 =	simm.s32 @!p1 $0x80;
	[sflag:s19] =	ssyncadd.s32 $0xFFFFF000  }
0xae: {  	[tilespmem:s7], [sflag:$0x2] =	stream.indirect.gather @!p1 [spmem:s2], $0x20, s6, s8, $0xb8;
	[tilespmem:$0x17000] =	vst v63  }
0xaf: {  	_ =	swait.ge [sflag:s21], $0x1000  }
0xb0: {  	[sflag:s21] =	ssyncset.done $0x0  }
0xb1: {  	s15 =	sadd.s32 $0xFFFFFFFF, s11;
	s14 =	sadd.s32 $0xCB00, s5;
	[sflag:s21] =	ssyncadd.s32 $0xFFFFF000  }
0xb2: {  	[spmem:s3] =	stream.indirect.scatter.add.f32 [tilespmem:s29], [sflag:$0xF], $0x20, s14, s17, $0xb8;
	[tilespmem:$0x17000] =	vst v63  }
0xb3: {  	s10 =	sadd.s32 $0x1000, s10;
	p1 =	sgt.u32 s15, $0x4B;
	_ =	swait.ge [sflag:s22], $0x1000  }
0xb4: {  	s6 =	sshra.s32 @!p1 s12, $0x2;
	s7 =	simm.s32 @!p1 $0x11000;
	[sflag:s22] =	ssyncset.done $0x0  }
0xb5: {  	s8 =	simm.s32 @!p1 $0x80;
	s6 =	sadd.s32 @!p1 $0xA500, s6;
	[sflag:s22] =	ssyncadd.s32 $0xFFFFF000  }
0xb6: {  	[tilespmem:s7], [sflag:$0x3] =	stream.indirect.gather @!p1 [spmem:s2], $0x20, s6, s8, $0xb8;
	[tilespmem:$0x17000] =	vst v63  }
0xb7: {  	p0 =	sne.s32 s10, $0xA000;
	_ =	swait.ge [sflag:s23], $0x1000  }
.Ltmp0:
0xb8: {  	[sflag:s23] =	ssyncset.done $0x0;
	(pc) =	sbr.rel @p0 .LBB2_2-.Ltmp0, $4  }
0xb9: {  	s5 =	sadd.s32 $0xCB80, s5;
	p1 =	sgt.u32 s11, $0x4B;
	[sflag:s23] =	ssyncadd.s32 $0xFFFFF000  }
0xba: {  	[spmem:s3] =	stream.indirect.scatter.add.f32 [tilespmem:s31], [sflag:$0x10], $0x20, s5, s17, $0xb8;
	[tilespmem:$0x17000] =	vst v63  }
0xbb: {  	s6 =	sshra.s32 @!p1 s12, $0x2;
	s8 =	simm.s32 @!p1 $0x80;
	_ =	swait.ge [sflag:s4], $0x1000  }
0xbc: {  	s7 =	sadd.s32 @!p1 $0xA580, s6;
	s5 =	simm.s32 @!p1 $0x12000;
	[sflag:s4] =	ssyncset.done $0x0  }
0xbd: {  	[sflag:s4] =	ssyncadd.s32 $0xFFFFF000;
	s9 =	simm.s32 $0xD  }
0xbe: {  	[tilespmem:s5], [sflag:$0x4] =	stream.indirect.gather @!p1 [spmem:s2], $0x20, s7, s8, $0xb8;
	[tilespmem:$0x17000] =	vst v63  }
0xbf: {  	_ =	swait.ge [sflag:s9], $0x1000  }
0xc0: {  	[sflag:s9] =	ssyncset.done $0x0  }
0xc1: {  	s10 =	simm.s32 $0xE;
	[sflag:s9] =	ssyncadd.s32 $0xFFFFF000  }
0xc2: {  	_ =	swait.ge [sflag:s10], $0x1000  }
0xc3: {  	[sflag:s10] =	ssyncset.done $0x0  }
0xc4: {  	s11 =	simm.s32 $0xF;
	[sflag:s10] =	ssyncadd.s32 $0xFFFFF000  }
0xc5: {  	_ =	swait.ge [sflag:s11], $0x1000  }
0xc6: {  	[sflag:s11] =	ssyncset.done $0x0  }
0xc7: {  	s12 =	simm.s32 $0x10;
	[sflag:s11] =	ssyncadd.s32 $0xFFFFF000  }
0xc8: {  	_ =	swait.ge [sflag:s12], $0x1000  }
0xc9: {  	[sflag:s12] =	ssyncset.done $0x0  }
0xca: {  	[sflag:s12] =	ssyncadd.s32 $0xFFFFF000  }
0xcb: {  	[bflag:$0x0] =	sbarrier.arrive $0xFFFF  }
0xcc: {  	s6 =	rddreg [dreg:$0x6]  }
0xcd: {  	s13 =	rddreg [dreg:$0xa]  }
0xce: {  	s8 =	simm.s32 $0x11;
	s9 =	rddreg [dreg:$0xd]  }
0xcf: {  	[hbm:s13], [sflag:s6] =	dma.local [spmem:s9], $0xA00  }
0xd0: {  	_ =	swait.ge [sflag:s8], $0xA00  }
0xd1: {  	s14 =	rddreg [dreg:$0xe]  }
0xd2: {  	s15 =	rddreg [dreg:$0xb];
	s7 =	sadd.s32 $0x1, s14  }
0xd3: {  	p0 =	sne.s32 s7, s15  }
.Ltmp1:
0xd4: {  	_ = 	snop;
	(pc) =	sbr.rel @p0 .LBB2_1-.Ltmp1, $3  }
0xd5: {  	_ =	sdelay $0x1  }
0xd6: {  	[sflag:s8] =	ssyncset.done $0x0  }
0xd7: {  	[sflag:s8] =	ssyncadd.s32 $0xFFFFF600  }
0xd8: {  	_ =	sfence.sel $0x180000  }
0xd9: {  	[bflag:$0x0] =	sbarrier.arrive $0xFFFF  }
0xda: {  	_ =	strace $0x90000050  }
0xdb: {  	s0 =	stileid.u32;
	[bflag:$0x2] =	sbarrier.arrive $0xFFFF  }
0xdc: {  	p0 =	sne.s32 s0, $0x0;
	s0 =	rddreg [dreg:$0x3]  }
0xdd: {  	s0 =	sadd.s32 @!p0 $0x100000, s0  }
0xde: {  	[sflag:s0] =	ssyncadd.tile.s32 @!p0 $0x1;
	_ =	shalt  }
.Lfunc_end2:
_tile_overlayer_lowered:
.L_overlay_start_2:
0xdf: {  	(tag) =	ssettag $0x2  }
0xe0: {  	s0 =	rddreg [dreg:$0x0];
	s2 =	stileid.u32  }
0xe1: {  	s1 =	rddreg [dreg:$0x1];
	p0 =	sne.s32 s2, $0x0  }
0xe2: {  	s3 =	rddreg [dreg:$0x2];
	[bflag:$0x3] =	sbarrier.arrive $0xFFFF;
	s2 =	simm.s32 @!p0 $0x1C11  }
0xe3: {  	[timem:s3], [sflag:s2] =	dma.local @!p0 [hbm:s0], s1  }
0xe4: {  	s0 =	simm.s32 @!p0 $0x11  }
0xe5: {  	_ =	swait.ge @!p0 [sflag:s0], s1  }
0xe6: {  	s1 =	ssub.s32 @!p0 $0x0, s1;
	[sflag:s0] =	ssyncset.done @!p0 $0x0  }
0xe7: {  	[sflag:s0] =	ssyncadd.s32 @!p0 s1  }
0xe8: {  	[bflag:$0x3] =	sbarrier.arrive $0xFFFF  }
0xe9: {  	_ =	shalt  }

</sc_bundles>
